<compile_context>
chip_gen: v7x
topology: tpu7x:2x2x1
jax: 0.10.2.dev20260603
libtpu: 0.0.44.dev20260713+nightly
codegen_flags: <defaults>
</compile_context>

<pallas_src>
import functools

import jax
import jax.numpy as jnp
from jax import lax
from jax.experimental import pallas as pl
from jax.experimental.pallas import tpu as pltpu
from jax.experimental.pallas import tpu_sc as plsc

N_MOL = 4096

_B = 5000
_NB = 64

_CORES = 2
_TILES = 16
_CHUNK = 128
_NROWS = 2500
_WROWS = 80
_LROWS = _NROWS - (_CORES * _TILES - 1) * _WROWS
_LCH = 16


_NBUF = 4


def _mv_body(w_ref, b_ref, x_hbm, o_ref, buf, sems):
    dn = (((1,), (1,)), ((), ()))
    b0 = b_ref[0, 0]
    for c in range(_NBUF):
        pltpu.make_async_copy(x_hbm.at[c], buf.at[c], sems.at[c]).start()
    for c in range(_NB):
        s = c % _NBUF
        pltpu.make_async_copy(x_hbm.at[c], buf.at[s], sems.at[s]).wait()
        r = lax.dot_general(
            w_ref[...], buf[s], dn, preferred_element_type=jnp.float32
        )
        o_ref[c, :] = r[0] + b0
        nxt = c + _NBUF
        if nxt < _NB:
            pltpu.make_async_copy(x_hbm.at[nxt], buf.at[s], sems.at[s]).start()


def _matvec(x, w0, b0):
    x3 = x.reshape(_NB, _B, 128)
    out = pl.pallas_call(
        _mv_body,
        in_specs=[
            pl.BlockSpec(memory_space=pltpu.VMEM),
            pl.BlockSpec(memory_space=pltpu.SMEM),
            pl.BlockSpec(memory_space=pl.ANY),
        ],
        out_specs=pl.BlockSpec(memory_space=pltpu.VMEM),
        out_shape=jax.ShapeDtypeStruct((_NB, _B), jnp.float32),
        scratch_shapes=[
            pltpu.VMEM((_NBUF, _B, 128), jnp.float32),
            pltpu.SemaphoreType.DMA((_NBUF,)),
        ],
    )(w0, b0, x3)
    return out.reshape(_NB * _B)


def _segsum(v_pad, idx_pad):
    mesh = plsc.VectorSubcoreMesh(
        core_axis_name="c", subcore_axis_name="s", num_cores=_CORES
    )

    @functools.partial(
        pl.kernel,
        out_type=jax.ShapeDtypeStruct((_CORES, N_MOL), jnp.float32),
        mesh=mesh,
        scratch_types=[
            pltpu.VMEM((_WROWS, _CHUNK), jnp.int32),
            pltpu.VMEM((_WROWS, _CHUNK), jnp.float32),
            pltpu.VMEM((N_MOL // _TILES,), jnp.float32),
            pltpu.VMEM_SHARED((N_MOL,), jnp.float32),
            pltpu.SemaphoreType.DMA,
            pltpu.SemaphoreType.DMA,
        ],
    )
    def seg(v_hbm, idx_hbm, out_hbm, idx_v, val_v, z_v, acc_sh, sem, lsem):
        cid = lax.axis_index("c")
        sid = lax.axis_index("s")
        wid = cid * _TILES + sid
        last = _CORES * _TILES - 1
        nrows = jnp.where(wid == last, _LROWS, _WROWS)
        piece = N_MOL // _TILES

        row0 = wid * _WROWS
        nch = _WROWS // _LCH

        @pl.when(wid != last)
        def _load_full():
            def ld(k, _):
                pltpu.async_copy(
                    idx_hbm.at[pl.ds(row0 + k * _LCH, _LCH)],
                    idx_v.at[pl.ds(k * _LCH, _LCH)],
                    lsem,
                )
                pltpu.async_copy(
                    v_hbm.at[pl.ds(row0 + k * _LCH, _LCH)],
                    val_v.at[pl.ds(k * _LCH, _LCH)],
                    lsem,
                )
                return 0

            lax.fori_loop(0, nch, ld, 0)

        @pl.when(wid == last)
        def _load_tail():
            pltpu.async_copy(
                idx_hbm.at[pl.ds(last * _WROWS, _LROWS)],
                idx_v.at[pl.ds(0, _LROWS)],
                lsem,
            )
            pltpu.async_copy(
                v_hbm.at[pl.ds(last * _WROWS, _LROWS)],
                val_v.at[pl.ds(0, _LROWS)],
                lsem,
            )

        def zero_body(i, _):
            z_v[pl.ds(i * 16, 16)] = jnp.zeros((16,), jnp.float32)
            return 0

        lax.fori_loop(0, piece // 16, zero_body, 0)
        pltpu.sync_copy(z_v, acc_sh.at[pl.ds(sid * piece, piece)])
        plsc.subcore_barrier()

        def fire_row(j, _):
            pltpu.async_copy(val_v.at[j], acc_sh.at[idx_v.at[j]], sem, add=True)
            return 0

        @pl.when(wid != last)
        def _scatter_full():
            def chunk_body(k, _):
                pltpu.make_async_copy(
                    idx_hbm.at[pl.ds(row0 + k * _LCH, _LCH)],
                    idx_v.at[pl.ds(k * _LCH, _LCH)],
                    lsem,
                ).wait()
                pltpu.make_async_copy(
                    v_hbm.at[pl.ds(row0 + k * _LCH, _LCH)],
                    val_v.at[pl.ds(k * _LCH, _LCH)],
                    lsem,
                ).wait()
                lax.fori_loop(k * _LCH, (k + 1) * _LCH, fire_row, 0)
                return 0

            lax.fori_loop(0, nch, chunk_body, 0)

        @pl.when(wid == last)
        def _scatter_tail():
            pltpu.make_async_copy(
                idx_hbm.at[pl.ds(last * _WROWS, _LROWS)],
                idx_v.at[pl.ds(0, _LROWS)],
                lsem,
            ).wait()
            pltpu.make_async_copy(
                v_hbm.at[pl.ds(last * _WROWS, _LROWS)],
                val_v.at[pl.ds(0, _LROWS)],
                lsem,
            ).wait()
            lax.fori_loop(0, _LROWS, fire_row, 0)

        def drain_body(j, _):
            pltpu.make_async_copy(val_v.at[j], acc_sh.at[idx_v.at[j]], sem).wait()
            return 0

        lax.fori_loop(0, nrows, drain_body, 0)
        plsc.subcore_barrier()

        pltpu.sync_copy(
            acc_sh.at[pl.ds(sid * piece, piece)],
            out_hbm.at[cid].at[pl.ds(sid * piece, piece)],
        )

    return seg(v_pad, idx_pad)


def _combine_body(p_ref, o_ref):
    o_ref[...] = p_ref[0] + p_ref[1]


def _combine(partials):
    return pl.pallas_call(
        _combine_body,
        out_shape=jax.ShapeDtypeStruct((N_MOL,), jnp.float32),
    )(partials)


def kernel(scalar_representation, idx_m, W, b):
    x = scalar_representation
    w0 = W[0:1, :]
    b0 = b[0].reshape(1, 1)

    v = _matvec(x, w0, b0)

    v2 = v.reshape(_NROWS, _CHUNK)
    idx2 = idx_m.astype(jnp.int32).reshape(_NROWS, _CHUNK)
    return _combine(_segsum(v2, idx2))

# --- scband reference (transcript-rebuilt; emitter-appended) ---
"""Pipeline reference for scband-atomwise-56736517980194 (READ-ONLY COPY).

The authoritative reference and input builder live on the scoring server;
editing this copy changes nothing except your own understanding.
"""

import jax, jax.numpy as jnp
import numpy as np

N = 320000
N_IN = 128
N_MOL = 4096


def setup_inputs(seed: int = 0) -> dict:
    key = jax.random.key(seed)
    k1, k2, k3 = jax.random.split(key, 3)
    scalar_representation = jax.random.normal(k1, (N, N_IN), dtype=jnp.float32)
    idx_m = jnp.sort(jax.random.randint(k2, (N,), 0, N_MOL)).astype(jnp.int64)
    # outnet: nn.Linear(n_in, 2). The torch code zero-inits the weight; we use small
    # random weights so the computation is numerically non-trivial.
    W = jax.random.normal(k3, (2, N_IN), dtype=jnp.float32) * 0.01
    b = jnp.zeros((2,), dtype=jnp.float32)
    return {"scalar_representation": scalar_representation, "idx_m": idx_m, "W": W, "b": b}


def physnet_energy(yi):
    # PhysNetEnergy: outnet emits (energy, charge) per atom; the energy head is the
    # first column, kept as [N, 1] so it matches n_out=1 for the index_add.
    return yi[:, 0:1]


def reference(scalar_representation, idx_m, W, b):
    # yi = self.outnet(inputs[self.outnet_input])
    yi = scalar_representation @ W.T + b  # [N, 2]
    # yi = self.physnet_energy(yi, inputs)
    yi = physnet_energy(yi)  # [N, 1]
    # aggregation_mode == 'sum' -> no division by n_atoms
    maxm = N_MOL
    # tmp.index_add(0, idx_m, yi) -> segment sum over molecules
    y = jax.ops.segment_sum(yi, idx_m, num_segments=maxm)  # [maxm, 1]
    return y.squeeze(-1)

if __name__ == "__main__":
    import jax
    _d = setup_inputs()
    print(jax.jit(kernel)(*tuple(_d.values())))

</pallas_src>

<mosaic_0001>
#map = affine_map<(d0, d1) -> (0, 0)>
module attributes {stable_mosaic.version = 14 : i64} {
  func.func @seg(%arg0: i32, %arg1: i32, %arg2: memref<2500x128xf32, #tpu.memory_space<hbm>>, %arg3: memref<2500x128xi32, #tpu.memory_space<hbm>>, %arg4: memref<2x4096xf32, #tpu.memory_space<hbm>>, %arg5: memref<80x128xi32, #tpu.memory_space<vmem>>, %arg6: memref<80x128xf32, #tpu.memory_space<vmem>>, %arg7: memref<256xf32, #tpu.memory_space<vmem>>, %arg8: memref<4096xf32, #tpu.memory_space<vmem_shared>>, %arg9: memref<!tpu.dma_semaphore, #tpu.memory_space<semaphore_mem>>, %arg10: memref<!tpu.dma_semaphore, #tpu.memory_space<semaphore_mem>>) attributes {dimension_semantics = [#tpu.dimension_semantics<core_parallel>, #tpu.dimension_semantics<subcore_parallel>], iteration_bounds = array<i64: 2, 16>, scalar_prefetch = 0 : i64, scratch_operands = 6 : i64, tpu.core_type = #tpu.core_type<sc_vector_subcore>, window_params = [{transform_indices = #map}, {transform_indices = #map}, {transform_indices = #map}]} {
    %mul3A = arith.constant 16 : i32
    %mul3A_0 = arith.muli %arg0, %mul3A : i32
    %add3A = arith.addi %mul3A_0, %arg1 : i32
    %eq3A = arith.constant 31 : i32
    %eq3A_1 = arith.cmpi eq, %add3A, %eq3A : i32
    %jit3A = arith.constant 20 : i32
    %jit3A_2 = arith.constant 80 : i32
    %select_n3A = arith.select %eq3A_1, %jit3A, %jit3A_2 : i32
    %mul3A_3 = arith.constant 80 : i32
    %mul3A_4 = arith.muli %add3A, %mul3A_3 : i32
    %ne3A = arith.constant 31 : i32
    %ne3A_5 = arith.cmpi ne, %add3A, %ne3A : i32
    %convert_element_type3A = arith.extui %ne3A_5 : i1 to i32
    %cond3A = arith.constant 0 : i32
    %cond3A_6 = arith.cmpi ne, %convert_element_type3A, %cond3A : i32
    scf.if %cond3A_6 {
      %scan3A_46 = arith.constant 0 : i32
      %scan3A_47 = arith.constant 0 : i32
      %scan3A_48 = arith.constant 5 : i32
      %scan3A_49 = arith.addi %scan3A_47, %scan3A_48 : i32
      %scan3A_50 = arith.constant 1 : i32
      %scan3A_51 = scf.for %scan3A_53 = %scan3A_47 to %scan3A_49 step %scan3A_50 iter_args(%scan3A_54 = %scan3A_46) -> (i32)  : i32 {
        %mul3A_55 = arith.constant 16 : i32
        %mul3A_56 = arith.muli %scan3A_53, %mul3A_55 : i32
        %add3A_57 = arith.addi %mul3A_4, %mul3A_56 : i32
        %mul3A_58 = arith.constant 16 : i32
        %mul3A_59 = arith.muli %scan3A_53, %mul3A_58 : i32
        %dma_start3A = arith.constant 0 : i32
        %dma_start3A_60 = tpu.memref_slice %arg5[%mul3A_59, %dma_start3A] : memref<80x128xi32, #tpu.memory_space<vmem>> -> memref<16x128xi32, #tpu.memory_space<vmem>>
        %dma_start3A_61 = arith.constant 0 : i32
        %dma_start3A_62 = tpu.memref_slice %arg3[%add3A_57, %dma_start3A_61] : memref<2500x128xi32, #tpu.memory_space<hbm>> -> memref<16x128xi32, #tpu.memory_space<hbm>>
        %dma_start3A_63 = arith.constant 0 : i32
        %dma_start3A_64 = tpu.memref_slice %arg5[%mul3A_59, %dma_start3A_63] : memref<80x128xi32, #tpu.memory_space<vmem>> -> memref<16x128xi32, #tpu.memory_space<vmem>>
        %dma_start3A_65 = arith.constant 0 : i32
        %dma_start3A_66 = tpu.memref_slice %arg3[%add3A_57, %dma_start3A_65] : memref<2500x128xi32, #tpu.memory_space<hbm>> -> memref<16x128xi32, #tpu.memory_space<hbm>>
        tpu.enqueue_dma source(%dma_start3A_66 : memref<16x128xi32, #tpu.memory_space<hbm>>) target(%dma_start3A_64 : memref<16x128xi32, #tpu.memory_space<vmem>>) target_semaphore(%arg10 : memref<!tpu.dma_semaphore, #tpu.memory_space<semaphore_mem>>)
        %mul3A_67 = arith.constant 16 : i32
        %mul3A_68 = arith.muli %scan3A_53, %mul3A_67 : i32
        %add3A_69 = arith.addi %mul3A_4, %mul3A_68 : i32
        %mul3A_70 = arith.constant 16 : i32
        %mul3A_71 = arith.muli %scan3A_53, %mul3A_70 : i32
        %dma_start3A_72 = arith.constant 0 : i32
        %dma_start3A_73 = tpu.memref_slice %arg6[%mul3A_71, %dma_start3A_72] : memref<80x128xf32, #tpu.memory_space<vmem>> -> memref<16x128xf32, #tpu.memory_space<vmem>>
        %dma_start3A_74 = arith.constant 0 : i32
        %dma_start3A_75 = tpu.memref_slice %arg2[%add3A_69, %dma_start3A_74] : memref<2500x128xf32, #tpu.memory_space<hbm>> -> memref<16x128xf32, #tpu.memory_space<hbm>>
        %dma_start3A_76 = arith.constant 0 : i32
        %dma_start3A_77 = tpu.memref_slice %arg6[%mul3A_71, %dma_start3A_76] : memref<80x128xf32, #tpu.memory_space<vmem>> -> memref<16x128xf32, #tpu.memory_space<vmem>>
        %dma_start3A_78 = arith.constant 0 : i32
        %dma_start3A_79 = tpu.memref_slice %arg2[%add3A_69, %dma_start3A_78] : memref<2500x128xf32, #tpu.memory_space<hbm>> -> memref<16x128xf32, #tpu.memory_space<hbm>>
        tpu.enqueue_dma source(%dma_start3A_79 : memref<16x128xf32, #tpu.memory_space<hbm>>) target(%dma_start3A_77 : memref<16x128xf32, #tpu.memory_space<vmem>>) target_semaphore(%arg10 : memref<!tpu.dma_semaphore, #tpu.memory_space<semaphore_mem>>)
        %scan3A_80 = arith.constant 0 : i32
        scf.yield %scan3A_80 : i32
      }
      %scan3A_52 = arith.constant 5 : i32
    } else {
    }
    %eq3A_7 = arith.constant 31 : i32
    %eq3A_8 = arith.cmpi eq, %add3A, %eq3A_7 : i32
    %convert_element_type3A_9 = arith.extui %eq3A_8 : i1 to i32
    %cond3A_10 = arith.constant 0 : i32
    %cond3A_11 = arith.cmpi ne, %convert_element_type3A_9, %cond3A_10 : i32
    scf.if %cond3A_11 {
      %dma_start3A = arith.constant 0 : i32
      %dma_start3A_46 = arith.constant 0 : i32
      %dma_start3A_47 = tpu.memref_slice %arg5[%dma_start3A, %dma_start3A_46] : memref<80x128xi32, #tpu.memory_space<vmem>> -> memref<20x128xi32, #tpu.memory_space<vmem>>
      %dma_start3A_48 = arith.constant 2480 : i32
      %dma_start3A_49 = arith.constant 0 : i32
      %dma_start3A_50 = tpu.memref_slice %arg3[%dma_start3A_48, %dma_start3A_49] : memref<2500x128xi32, #tpu.memory_space<hbm>> -> memref<20x128xi32, #tpu.memory_space<hbm>>
      %dma_start3A_51 = arith.constant 0 : i32
      %dma_start3A_52 = arith.constant 0 : i32
      %dma_start3A_53 = tpu.memref_slice %arg5[%dma_start3A_51, %dma_start3A_52] : memref<80x128xi32, #tpu.memory_space<vmem>> -> memref<20x128xi32, #tpu.memory_space<vmem>>
      %dma_start3A_54 = arith.constant 2480 : i32
      %dma_start3A_55 = arith.constant 0 : i32
      %dma_start3A_56 = tpu.memref_slice %arg3[%dma_start3A_54, %dma_start3A_55] : memref<2500x128xi32, #tpu.memory_space<hbm>> -> memref<20x128xi32, #tpu.memory_space<hbm>>
      tpu.enqueue_dma source(%dma_start3A_56 : memref<20x128xi32, #tpu.memory_space<hbm>>) target(%dma_start3A_53 : memref<20x128xi32, #tpu.memory_space<vmem>>) target_semaphore(%arg10 : memref<!tpu.dma_semaphore, #tpu.memory_space<semaphore_mem>>)
      %dma_start3A_57 = arith.constant 0 : i32
      %dma_start3A_58 = arith.constant 0 : i32
      %dma_start3A_59 = tpu.memref_slice %arg6[%dma_start3A_57, %dma_start3A_58] : memref<80x128xf32, #tpu.memory_space<vmem>> -> memref<20x128xf32, #tpu.memory_space<vmem>>
      %dma_start3A_60 = arith.constant 2480 : i32
      %dma_start3A_61 = arith.constant 0 : i32
      %dma_start3A_62 = tpu.memref_slice %arg2[%dma_start3A_60, %dma_start3A_61] : memref<2500x128xf32, #tpu.memory_space<hbm>> -> memref<20x128xf32, #tpu.memory_space<hbm>>
      %dma_start3A_63 = arith.constant 0 : i32
      %dma_start3A_64 = arith.constant 0 : i32
      %dma_start3A_65 = tpu.memref_slice %arg6[%dma_start3A_63, %dma_start3A_64] : memref<80x128xf32, #tpu.memory_space<vmem>> -> memref<20x128xf32, #tpu.memory_space<vmem>>
      %dma_start3A_66 = arith.constant 2480 : i32
      %dma_start3A_67 = arith.constant 0 : i32
      %dma_start3A_68 = tpu.memref_slice %arg2[%dma_start3A_66, %dma_start3A_67] : memref<2500x128xf32, #tpu.memory_space<hbm>> -> memref<20x128xf32, #tpu.memory_space<hbm>>
      tpu.enqueue_dma source(%dma_start3A_68 : memref<20x128xf32, #tpu.memory_space<hbm>>) target(%dma_start3A_65 : memref<20x128xf32, #tpu.memory_space<vmem>>) target_semaphore(%arg10 : memref<!tpu.dma_semaphore, #tpu.memory_space<semaphore_mem>>)
    } else {
    }
    %scan3A = arith.constant 0 : i32
    %scan3A_12 = arith.constant 0 : i32
    %scan3A_13 = arith.constant 16 : i32
    %scan3A_14 = arith.addi %scan3A_12, %scan3A_13 : i32
    %scan3A_15 = arith.constant 1 : i32
    %scan3A_16 = scf.for %scan3A_46 = %scan3A_12 to %scan3A_14 step %scan3A_15 iter_args(%scan3A_47 = %scan3A) -> (i32)  : i32 {
      %broadcast_in_dim3A = arith.constant 0.000000e+00 : f32
      %broadcast_in_dim3A_48 = vector.broadcast %broadcast_in_dim3A : f32 to vector<16xf32>
      %mul3A_49 = arith.constant 16 : i32
      %mul3A_50 = arith.muli %scan3A_46, %mul3A_49 : i32
      %swap3A = arith.index_cast %mul3A_50 : i32 to index
      %swap3A_51 = tpu.vector_load %arg7[%swap3A] {strides = array<i32>} : memref<256xf32, #tpu.memory_space<vmem>>, vector<16xf32>,
      %swap3A_52 = vector.shape_cast %swap3A_51 : vector<16xf32> to vector<16xf32>
      %swap3A_53 = vector.shape_cast %broadcast_in_dim3A_48 : vector<16xf32> to vector<16xf32>
      tpu.vector_store %arg7[%swap3A], %swap3A_53 {strides = array<i32>} : memref<256xf32, #tpu.memory_space<vmem>>, vector<16xf32>,
      %scan3A_54 = arith.constant 0 : i32
      scf.yield %scan3A_54 : i32
    }
    %scan3A_17 = arith.constant 16 : i32
    %mul3A_18 = arith.constant 256 : i32
    %mul3A_19 = arith.muli %arg1, %mul3A_18 : i32
    "tpu.region"() ({
      %run_scoped3A = tpu.sem_alloc : memref<!tpu.dma_semaphore, #tpu.memory_space<semaphore_mem>>
      %dma_start3A = tpu.memref_slice %arg8[%mul3A_19] : memref<4096xf32, #tpu.memory_space<vmem_shared>> -> memref<256xf32, #tpu.memory_space<vmem_shared>>
      %dma_start3A_46 = tpu.memref_slice %arg8[%mul3A_19] : memref<4096xf32, #tpu.memory_space<vmem_shared>> -> memref<256xf32, #tpu.memory_space<vmem_shared>>
      tpu.enqueue_dma source(%arg7 : memref<256xf32, #tpu.memory_space<vmem>>) target(%dma_start3A_46 : memref<256xf32, #tpu.memory_space<vmem_shared>>) target_semaphore(%run_scoped3A : memref<!tpu.dma_semaphore, #tpu.memory_space<semaphore_mem>>)
      %dma_wait3A = tpu.memref_slice %arg8[%mul3A_19] : memref<4096xf32, #tpu.memory_space<vmem_shared>> -> memref<256xf32, #tpu.memory_space<vmem_shared>>
      %dma_wait3A_47 = tpu.memref_slice %arg8[%mul3A_19] : memref<4096xf32, #tpu.memory_space<vmem_shared>> -> memref<256xf32, #tpu.memory_space<vmem_shared>>
      tpu.wait_dma2 semaphore(%run_scoped3A : memref<!tpu.dma_semaphore, #tpu.memory_space<semaphore_mem>>) src(%arg7 : memref<256xf32, #tpu.memory_space<vmem>>) dst(%dma_wait3A_47 : memref<256xf32, #tpu.memory_space<vmem_shared>>)
      tpu.yield
    }) : () -> ()
    %barrier3A = arith.constant 0 : index
    tpu.barrier barrier_id(%barrier3A)
    %ne3A_20 = arith.constant 31 : i32
    %ne3A_21 = arith.cmpi ne, %add3A, %ne3A_20 : i32
    %convert_element_type3A_22 = arith.extui %ne3A_21 : i1 to i32
    %cond3A_23 = arith.constant 0 : i32
    %cond3A_24 = arith.cmpi ne, %convert_element_type3A_22, %cond3A_23 : i32
    scf.if %cond3A_24 {
      %scan3A_46 = arith.constant 0 : i32
      %scan3A_47 = arith.constant 0 : i32
      %scan3A_48 = arith.constant 5 : i32
      %scan3A_49 = arith.addi %scan3A_47, %scan3A_48 : i32
      %scan3A_50 = arith.constant 1 : i32
      %scan3A_51 = scf.for %scan3A_53 = %scan3A_47 to %scan3A_49 step %scan3A_50 iter_args(%scan3A_54 = %scan3A_46) -> (i32)  : i32 {
        %mul3A_55 = arith.constant 16 : i32
        %mul3A_56 = arith.muli %scan3A_53, %mul3A_55 : i32
        %add3A_57 = arith.addi %mul3A_4, %mul3A_56 : i32
        %mul3A_58 = arith.constant 16 : i32
        %mul3A_59 = arith.muli %scan3A_53, %mul3A_58 : i32
        %dma_wait3A = arith.constant 0 : i32
        %dma_wait3A_60 = tpu.memref_slice %arg5[%mul3A_59, %dma_wait3A] : memref<80x128xi32, #tpu.memory_space<vmem>> -> memref<16x128xi32, #tpu.memory_space<vmem>>
        %dma_wait3A_61 = arith.constant 0 : i32
        %dma_wait3A_62 = tpu.memref_slice %arg3[%add3A_57, %dma_wait3A_61] : memref<2500x128xi32, #tpu.memory_space<hbm>> -> memref<16x128xi32, #tpu.memory_space<hbm>>
        %dma_wait3A_63 = arith.constant 0 : i32
        %dma_wait3A_64 = tpu.memref_slice %arg5[%mul3A_59, %dma_wait3A_63] : memref<80x128xi32, #tpu.memory_space<vmem>> -> memref<16x128xi32, #tpu.memory_space<vmem>>
        %dma_wait3A_65 = arith.constant 0 : i32
        %dma_wait3A_66 = tpu.memref_slice %arg3[%add3A_57, %dma_wait3A_65] : memref<2500x128xi32, #tpu.memory_space<hbm>> -> memref<16x128xi32, #tpu.memory_space<hbm>>
        tpu.wait_dma2 semaphore(%arg10 : memref<!tpu.dma_semaphore, #tpu.memory_space<semaphore_mem>>) src(%dma_wait3A_66 : memref<16x128xi32, #tpu.memory_space<hbm>>) dst(%dma_wait3A_64 : memref<16x128xi32, #tpu.memory_space<vmem>>)
        %mul3A_67 = arith.constant 16 : i32
        %mul3A_68 = arith.muli %scan3A_53, %mul3A_67 : i32
        %add3A_69 = arith.addi %mul3A_4, %mul3A_68 : i32
        %mul3A_70 = arith.constant 16 : i32
        %mul3A_71 = arith.muli %scan3A_53, %mul3A_70 : i32
        %dma_wait3A_72 = arith.constant 0 : i32
        %dma_wait3A_73 = tpu.memref_slice %arg6[%mul3A_71, %dma_wait3A_72] : memref<80x128xf32, #tpu.memory_space<vmem>> -> memref<16x128xf32, #tpu.memory_space<vmem>>
        %dma_wait3A_74 = arith.constant 0 : i32
        %dma_wait3A_75 = tpu.memref_slice %arg2[%add3A_69, %dma_wait3A_74] : memref<2500x128xf32, #tpu.memory_space<hbm>> -> memref<16x128xf32, #tpu.memory_space<hbm>>
        %dma_wait3A_76 = arith.constant 0 : i32
        %dma_wait3A_77 = tpu.memref_slice %arg6[%mul3A_71, %dma_wait3A_76] : memref<80x128xf32, #tpu.memory_space<vmem>> -> memref<16x128xf32, #tpu.memory_space<vmem>>
        %dma_wait3A_78 = arith.constant 0 : i32
        %dma_wait3A_79 = tpu.memref_slice %arg2[%add3A_69, %dma_wait3A_78] : memref<2500x128xf32, #tpu.memory_space<hbm>> -> memref<16x128xf32, #tpu.memory_space<hbm>>
        tpu.wait_dma2 semaphore(%arg10 : memref<!tpu.dma_semaphore, #tpu.memory_space<semaphore_mem>>) src(%dma_wait3A_79 : memref<16x128xf32, #tpu.memory_space<hbm>>) dst(%dma_wait3A_77 : memref<16x128xf32, #tpu.memory_space<vmem>>)
        %mul3A_80 = arith.constant 16 : i32
        %mul3A_81 = arith.muli %scan3A_53, %mul3A_80 : i32
        %add3A_82 = arith.constant 1 : i32
        %add3A_83 = arith.addi %scan3A_53, %add3A_82 : i32
        %mul3A_84 = arith.constant 16 : i32
        %mul3A_85 = arith.muli %add3A_83, %mul3A_84 : i32
        %while3A_86 = arith.constant 0 : i32
        %while3A_87 = arith.subi %mul3A_85, %mul3A_81 : i32
        %while3A_88 = arith.addi %mul3A_81, %while3A_87 : i32
        %while3A_89 = arith.constant 1 : i32
        %while3A_90 = arith.divsi %while3A_87, %while3A_89 : i32
        %while3A_91 = arith.muli %while3A_90, %while3A_89 : i32
        %while3A_92 = arith.addi %mul3A_81, %while3A_91 : i32
        %while3A_93 = arith.constant 1 : i32
        %while3A_94 = scf.for %while3A_98 = %mul3A_81 to %while3A_92 step %while3A_93 iter_args(%while3A_99 = %while3A_86) -> (i32)  : i32 {
          %dma_start3A = arith.constant 0 : i32
          %dma_start3A_100 = tpu.memref_slice %arg6[%while3A_98, %dma_start3A] : memref<80x128xf32, #tpu.memory_space<vmem>> -> memref<1x128xf32, #tpu.memory_space<vmem>>
          %dma_start3A_101 = tpu.memref_squeeze %dma_start3A_100 : memref<1x128xf32, #tpu.memory_space<vmem>> -> memref<128xf32, #tpu.memory_space<vmem>>
          %dma_start3A_102 = arith.constant 0 : i32
          %dma_start3A_103 = tpu.memref_slice %arg5[%while3A_98, %dma_start3A_102] : memref<80x128xi32, #tpu.memory_space<vmem>> -> memref<1x128xi32, #tpu.memory_space<vmem>>
          %dma_start3A_104 = tpu.memref_squeeze %dma_start3A_103 : memref<1x128xi32, #tpu.memory_space<vmem>> -> memref<128xi32, #tpu.memory_space<vmem>>
          %dma_start3A_105 = arith.constant 0 : i32
          %dma_start3A_106 = tpu.memref_slice %arg8[%dma_start3A_105] : memref<4096xf32, #tpu.memory_space<vmem_shared>> -> memref<4096xf32, #tpu.memory_space<vmem_shared>>
          tpu.enqueue_indirect_dma source(%dma_start3A_101 : memref<128xf32, #tpu.memory_space<vmem>>) target(%dma_start3A_106 : memref<4096xf32, #tpu.memory_space<vmem_shared>>) offsets(%dma_start3A_104 : memref<128xi32, #tpu.memory_space<vmem>>) semaphore(%arg9 : memref<!tpu.dma_semaphore, #tpu.memory_space<semaphore_mem>>) {add = true}
          %while3A_107 = arith.constant 0 : i32
          scf.yield %while3A_107 : i32
        }
        %while3A_95 = arith.constant 1 : i32
        %while3A_96 = scf.for %while3A_98 = %while3A_92 to %while3A_88 step %while3A_95 iter_args(%while3A_99 = %while3A_94) -> (i32)  : i32 {
          %dma_start3A = arith.constant 0 : i32
          %dma_start3A_100 = tpu.memref_slice %arg6[%while3A_98, %dma_start3A] : memref<80x128xf32, #tpu.memory_space<vmem>> -> memref<1x128xf32, #tpu.memory_space<vmem>>
          %dma_start3A_101 = tpu.memref_squeeze %dma_start3A_100 : memref<1x128xf32, #tpu.memory_space<vmem>> -> memref<128xf32, #tpu.memory_space<vmem>>
          %dma_start3A_102 = arith.constant 0 : i32
          %dma_start3A_103 = tpu.memref_slice %arg5[%while3A_98, %dma_start3A_102] : memref<80x128xi32, #tpu.memory_space<vmem>> -> memref<1x128xi32, #tpu.memory_space<vmem>>
          %dma_start3A_104 = tpu.memref_squeeze %dma_start3A_103 : memref<1x128xi32, #tpu.memory_space<vmem>> -> memref<128xi32, #tpu.memory_space<vmem>>
          %dma_start3A_105 = arith.constant 0 : i32
          %dma_start3A_106 = tpu.memref_slice %arg8[%dma_start3A_105] : memref<4096xf32, #tpu.memory_space<vmem_shared>> -> memref<4096xf32, #tpu.memory_space<vmem_shared>>
          tpu.enqueue_indirect_dma source(%dma_start3A_101 : memref<128xf32, #tpu.memory_space<vmem>>) target(%dma_start3A_106 : memref<4096xf32, #tpu.memory_space<vmem_shared>>) offsets(%dma_start3A_104 : memref<128xi32, #tpu.memory_space<vmem>>) semaphore(%arg9 : memref<!tpu.dma_semaphore, #tpu.memory_space<semaphore_mem>>) {add = true}
          %while3A_107 = arith.constant 0 : i32
          scf.yield %while3A_107 : i32
        }
        %scan3A_97 = arith.constant 0 : i32
        scf.yield %scan3A_97 : i32
      }
      %scan3A_52 = arith.constant 5 : i32
    } else {
    }
    %eq3A_25 = arith.constant 31 : i32
    %eq3A_26 = arith.cmpi eq, %add3A, %eq3A_25 : i32
    %convert_element_type3A_27 = arith.extui %eq3A_26 : i1 to i32
    %cond3A_28 = arith.constant 0 : i32
    %cond3A_29 = arith.cmpi ne, %convert_element_type3A_27, %cond3A_28 : i32
    scf.if %cond3A_29 {
      %dma_wait3A = arith.constant 0 : i32
      %dma_wait3A_46 = arith.constant 0 : i32
      %dma_wait3A_47 = tpu.memref_slice %arg5[%dma_wait3A, %dma_wait3A_46] : memref<80x128xi32, #tpu.memory_space<vmem>> -> memref<20x128xi32, #tpu.memory_space<vmem>>
      %dma_wait3A_48 = arith.constant 2480 : i32
      %dma_wait3A_49 = arith.constant 0 : i32
      %dma_wait3A_50 = tpu.memref_slice %arg3[%dma_wait3A_48, %dma_wait3A_49] : memref<2500x128xi32, #tpu.memory_space<hbm>> -> memref<20x128xi32, #tpu.memory_space<hbm>>
      %dma_wait3A_51 = arith.constant 0 : i32
      %dma_wait3A_52 = arith.constant 0 : i32
      %dma_wait3A_53 = tpu.memref_slice %arg5[%dma_wait3A_51, %dma_wait3A_52] : memref<80x128xi32, #tpu.memory_space<vmem>> -> memref<20x128xi32, #tpu.memory_space<vmem>>
      %dma_wait3A_54 = arith.constant 2480 : i32
      %dma_wait3A_55 = arith.constant 0 : i32
      %dma_wait3A_56 = tpu.memref_slice %arg3[%dma_wait3A_54, %dma_wait3A_55] : memref<2500x128xi32, #tpu.memory_space<hbm>> -> memref<20x128xi32, #tpu.memory_space<hbm>>
      tpu.wait_dma2 semaphore(%arg10 : memref<!tpu.dma_semaphore, #tpu.memory_space<semaphore_mem>>) src(%dma_wait3A_56 : memref<20x128xi32, #tpu.memory_space<hbm>>) dst(%dma_wait3A_53 : memref<20x128xi32, #tpu.memory_space<vmem>>)
      %dma_wait3A_57 = arith.constant 0 : i32
      %dma_wait3A_58 = arith.constant 0 : i32
      %dma_wait3A_59 = tpu.memref_slice %arg6[%dma_wait3A_57, %dma_wait3A_58] : memref<80x128xf32, #tpu.memory_space<vmem>> -> memref<20x128xf32, #tpu.memory_space<vmem>>
      %dma_wait3A_60 = arith.constant 2480 : i32
      %dma_wait3A_61 = arith.constant 0 : i32
      %dma_wait3A_62 = tpu.memref_slice %arg2[%dma_wait3A_60, %dma_wait3A_61] : memref<2500x128xf32, #tpu.memory_space<hbm>> -> memref<20x128xf32, #tpu.memory_space<hbm>>
      %dma_wait3A_63 = arith.constant 0 : i32
      %dma_wait3A_64 = arith.constant 0 : i32
      %dma_wait3A_65 = tpu.memref_slice %arg6[%dma_wait3A_63, %dma_wait3A_64] : memref<80x128xf32, #tpu.memory_space<vmem>> -> memref<20x128xf32, #tpu.memory_space<vmem>>
      %dma_wait3A_66 = arith.constant 2480 : i32
      %dma_wait3A_67 = arith.constant 0 : i32
      %dma_wait3A_68 = tpu.memref_slice %arg2[%dma_wait3A_66, %dma_wait3A_67] : memref<2500x128xf32, #tpu.memory_space<hbm>> -> memref<20x128xf32, #tpu.memory_space<hbm>>
      tpu.wait_dma2 semaphore(%arg10 : memref<!tpu.dma_semaphore, #tpu.memory_space<semaphore_mem>>) src(%dma_wait3A_68 : memref<20x128xf32, #tpu.memory_space<hbm>>) dst(%dma_wait3A_65 : memref<20x128xf32, #tpu.memory_space<vmem>>)
      %scan3A_69 = arith.constant 0 : i32
      %scan3A_70 = arith.constant 0 : i32
      %scan3A_71 = arith.constant 20 : i32
      %scan3A_72 = arith.addi %scan3A_70, %scan3A_71 : i32
      %scan3A_73 = arith.constant 1 : i32
      %scan3A_74 = scf.for %scan3A_76 = %scan3A_70 to %scan3A_72 step %scan3A_73 iter_args(%scan3A_77 = %scan3A_69) -> (i32)  : i32 {
        %dma_start3A = arith.constant 0 : i32
        %dma_start3A_78 = tpu.memref_slice %arg6[%scan3A_76, %dma_start3A] : memref<80x128xf32, #tpu.memory_space<vmem>> -> memref<1x128xf32, #tpu.memory_space<vmem>>
        %dma_start3A_79 = tpu.memref_squeeze %dma_start3A_78 : memref<1x128xf32, #tpu.memory_space<vmem>> -> memref<128xf32, #tpu.memory_space<vmem>>
        %dma_start3A_80 = arith.constant 0 : i32
        %dma_start3A_81 = tpu.memref_slice %arg5[%scan3A_76, %dma_start3A_80] : memref<80x128xi32, #tpu.memory_space<vmem>> -> memref<1x128xi32, #tpu.memory_space<vmem>>
        %dma_start3A_82 = tpu.memref_squeeze %dma_start3A_81 : memref<1x128xi32, #tpu.memory_space<vmem>> -> memref<128xi32, #tpu.memory_space<vmem>>
        %dma_start3A_83 = arith.constant 0 : i32
        %dma_start3A_84 = tpu.memref_slice %arg8[%dma_start3A_83] : memref<4096xf32, #tpu.memory_space<vmem_shared>> -> memref<4096xf32, #tpu.memory_space<vmem_shared>>
        tpu.enqueue_indirect_dma source(%dma_start3A_79 : memref<128xf32, #tpu.memory_space<vmem>>) target(%dma_start3A_84 : memref<4096xf32, #tpu.memory_space<vmem_shared>>) offsets(%dma_start3A_82 : memref<128xi32, #tpu.memory_space<vmem>>) semaphore(%arg9 : memref<!tpu.dma_semaphore, #tpu.memory_space<semaphore_mem>>) {add = true}
        %scan3A_85 = arith.constant 0 : i32
        scf.yield %scan3A_85 : i32
      }
      %scan3A_75 = arith.constant 20 : i32
    } else {
    }
    %while3A = arith.constant 0 : i32
    %while3A_30 = arith.constant 0 : i32
    %while3A_31 = arith.subi %select_n3A, %while3A : i32
    %while3A_32 = arith.addi %while3A, %while3A_31 : i32
    %while3A_33 = arith.constant 1 : i32
    %while3A_34 = arith.divsi %while3A_31, %while3A_33 : i32
    %while3A_35 = arith.muli %while3A_34, %while3A_33 : i32
    %while3A_36 = arith.addi %while3A, %while3A_35 : i32
    %while3A_37 = arith.constant 1 : i32
    %while3A_38 = scf.for %while3A_46 = %while3A to %while3A_36 step %while3A_37 iter_args(%while3A_47 = %while3A_30) -> (i32)  : i32 {
      %dma_wait3A = arith.constant 0 : i32
      %dma_wait3A_48 = tpu.memref_slice %arg6[%while3A_46, %dma_wait3A] : memref<80x128xf32, #tpu.memory_space<vmem>> -> memref<1x128xf32, #tpu.memory_space<vmem>>
      %dma_wait3A_49 = tpu.memref_squeeze %dma_wait3A_48 : memref<1x128xf32, #tpu.memory_space<vmem>> -> memref<128xf32, #tpu.memory_space<vmem>>
      %dma_wait3A_50 = arith.constant 0 : i32
      %dma_wait3A_51 = tpu.memref_slice %arg5[%while3A_46, %dma_wait3A_50] : memref<80x128xi32, #tpu.memory_space<vmem>> -> memref<1x128xi32, #tpu.memory_space<vmem>>
      %dma_wait3A_52 = tpu.memref_squeeze %dma_wait3A_51 : memref<1x128xi32, #tpu.memory_space<vmem>> -> memref<128xi32, #tpu.memory_space<vmem>>
      %dma_wait3A_53 = arith.constant 0 : i32
      %dma_wait3A_54 = tpu.memref_slice %arg8[%dma_wait3A_53] : memref<4096xf32, #tpu.memory_space<vmem_shared>> -> memref<4096xf32, #tpu.memory_space<vmem_shared>>
      tpu.wait_indirect_dma semaphore(%arg9 : memref<!tpu.dma_semaphore, #tpu.memory_space<semaphore_mem>>) src(%dma_wait3A_49 : memref<128xf32, #tpu.memory_space<vmem>>) dst(%dma_wait3A_54 : memref<4096xf32, #tpu.memory_space<vmem_shared>>)
      %while3A_55 = arith.constant 0 : i32
      scf.yield %while3A_55 : i32
    }
    %while3A_39 = arith.constant 1 : i32
    %while3A_40 = scf.for %while3A_46 = %while3A_36 to %while3A_32 step %while3A_39 iter_args(%while3A_47 = %while3A_38) -> (i32)  : i32 {
      %dma_wait3A = arith.constant 0 : i32
      %dma_wait3A_48 = tpu.memref_slice %arg6[%while3A_46, %dma_wait3A] : memref<80x128xf32, #tpu.memory_space<vmem>> -> memref<1x128xf32, #tpu.memory_space<vmem>>
      %dma_wait3A_49 = tpu.memref_squeeze %dma_wait3A_48 : memref<1x128xf32, #tpu.memory_space<vmem>> -> memref<128xf32, #tpu.memory_space<vmem>>
      %dma_wait3A_50 = arith.constant 0 : i32
      %dma_wait3A_51 = tpu.memref_slice %arg5[%while3A_46, %dma_wait3A_50] : memref<80x128xi32, #tpu.memory_space<vmem>> -> memref<1x128xi32, #tpu.memory_space<vmem>>
      %dma_wait3A_52 = tpu.memref_squeeze %dma_wait3A_51 : memref<1x128xi32, #tpu.memory_space<vmem>> -> memref<128xi32, #tpu.memory_space<vmem>>
      %dma_wait3A_53 = arith.constant 0 : i32
      %dma_wait3A_54 = tpu.memref_slice %arg8[%dma_wait3A_53] : memref<4096xf32, #tpu.memory_space<vmem_shared>> -> memref<4096xf32, #tpu.memory_space<vmem_shared>>
      tpu.wait_indirect_dma semaphore(%arg9 : memref<!tpu.dma_semaphore, #tpu.memory_space<semaphore_mem>>) src(%dma_wait3A_49 : memref<128xf32, #tpu.memory_space<vmem>>) dst(%dma_wait3A_54 : memref<4096xf32, #tpu.memory_space<vmem_shared>>)
      %while3A_55 = arith.constant 0 : i32
      scf.yield %while3A_55 : i32
    }
    %barrier3A_41 = arith.constant 0 : index
    tpu.barrier barrier_id(%barrier3A_41)
    %mul3A_42 = arith.constant 256 : i32
    %mul3A_43 = arith.muli %arg1, %mul3A_42 : i32
    %mul3A_44 = arith.constant 256 : i32
    %mul3A_45 = arith.muli %arg1, %mul3A_44 : i32
    "tpu.region"() ({
      %run_scoped3A = tpu.sem_alloc : memref<!tpu.dma_semaphore, #tpu.memory_space<semaphore_mem>>
      %dma_start3A = arith.constant 0 : i32
      %dma_start3A_46 = tpu.memref_slice %arg4[%arg0, %dma_start3A] : memref<2x4096xf32, #tpu.memory_space<hbm>> -> memref<1x4096xf32, #tpu.memory_space<hbm>>
      %dma_start3A_47 = tpu.memref_squeeze %dma_start3A_46 : memref<1x4096xf32, #tpu.memory_space<hbm>> -> memref<4096xf32, #tpu.memory_space<hbm>>
      %dma_start3A_48 = tpu.memref_slice %dma_start3A_47[%mul3A_45] : memref<4096xf32, #tpu.memory_space<hbm>> -> memref<256xf32, #tpu.memory_space<hbm>>
      %dma_start3A_49 = tpu.memref_slice %arg8[%mul3A_43] : memref<4096xf32, #tpu.memory_space<vmem_shared>> -> memref<256xf32, #tpu.memory_space<vmem_shared>>
      tpu.enqueue_dma source(%dma_start3A_49 : memref<256xf32, #tpu.memory_space<vmem_shared>>) target(%dma_start3A_48 : memref<256xf32, #tpu.memory_space<hbm>>) target_semaphore(%run_scoped3A : memref<!tpu.dma_semaphore, #tpu.memory_space<semaphore_mem>>)
      %dma_wait3A = arith.constant 0 : i32
      %dma_wait3A_50 = tpu.memref_slice %arg4[%arg0, %dma_wait3A] : memref<2x4096xf32, #tpu.memory_space<hbm>> -> memref<1x4096xf32, #tpu.memory_space<hbm>>
      %dma_wait3A_51 = tpu.memref_squeeze %dma_wait3A_50 : memref<1x4096xf32, #tpu.memory_space<hbm>> -> memref<4096xf32, #tpu.memory_space<hbm>>
      %dma_wait3A_52 = tpu.memref_slice %dma_wait3A_51[%mul3A_45] : memref<4096xf32, #tpu.memory_space<hbm>> -> memref<256xf32, #tpu.memory_space<hbm>>
      %dma_wait3A_53 = tpu.memref_slice %arg8[%mul3A_43] : memref<4096xf32, #tpu.memory_space<vmem_shared>> -> memref<256xf32, #tpu.memory_space<vmem_shared>>
      tpu.wait_dma2 semaphore(%run_scoped3A : memref<!tpu.dma_semaphore, #tpu.memory_space<semaphore_mem>>) src(%dma_wait3A_53 : memref<256xf32, #tpu.memory_space<vmem_shared>>) dst(%dma_wait3A_52 : memref<256xf32, #tpu.memory_space<hbm>>)
      tpu.yield
    }) : () -> ()
    return
  }
}

module attributes {stable_mosaic.version = 14 : i64} {
  func.func @_combine_body(%arg0: memref<2x4096xf32, #tpu.memory_space<vmem>>, %arg1: memref<4096xf32, #tpu.memory_space<vmem>>) attributes {dimension_semantics = [], scalar_prefetch = 0 : i64, scratch_operands = 0 : i64, tpu.core_type = #tpu.core_type<tc>} {
    %get3A = arith.constant 0 : index
    %get3A_0 = arith.constant 0 : index
    %get3A_1 = vector.load %arg0[%get3A, %get3A_0] : memref<2x4096xf32, #tpu.memory_space<vmem>>, vector<1x4096xf32>
    %get3A_2 = vector.shape_cast %get3A_1 : vector<1x4096xf32> to vector<4096xf32>
    %get3A_3 = arith.constant 1 : index
    %get3A_4 = arith.constant 0 : index
    %get3A_5 = vector.load %arg0[%get3A_3, %get3A_4] : memref<2x4096xf32, #tpu.memory_space<vmem>>, vector<1x4096xf32>
    %get3A_6 = vector.shape_cast %get3A_5 : vector<1x4096xf32> to vector<4096xf32>
    %add3A = arith.addf %get3A_2, %get3A_6 : vector<4096xf32>
    %swap3A = arith.constant 0 : index
    %swap3A_7 = vector.load %arg1[%swap3A] : memref<4096xf32, #tpu.memory_space<vmem>>, vector<4096xf32>
    tpu.vector_store %arg1[%swap3A], %add3A {strides = array<i32>} : memref<4096xf32, #tpu.memory_space<vmem>>, vector<4096xf32>,
    return
  }
}

module attributes {stable_mosaic.version = 14 : i64} {
  func.func @_mv_body(%arg0: memref<1x128xf32, #tpu.memory_space<vmem>>, %arg1: memref<1x1xf32, #tpu.memory_space<smem>>, %arg2: memref<64x5000x128xf32, #tpu.memory_space<any>>, %arg3: memref<64x5000xf32, #tpu.memory_space<vmem>>, %arg4: memref<4x5000x128xf32, #tpu.memory_space<vmem>>, %arg5: memref<4x!tpu.dma_semaphore, #tpu.memory_space<semaphore_mem>>) attributes {dimension_semantics = [], scalar_prefetch = 0 : i64, scratch_operands = 2 : i64, tpu.core_type = #tpu.core_type<tc>} {
    %get3A = arith.constant 0 : index
    %get3A_0 = arith.constant 0 : index
    %get3A_1 = memref.load %arg1[%get3A, %get3A_0] : memref<1x1xf32, #tpu.memory_space<smem>>
    %dma_start3A = arith.constant 0 : i32
    %dma_start3A_2 = arith.constant 0 : i32
    %dma_start3A_3 = arith.constant 0 : i32
    %dma_start3A_4 = tpu.memref_slice %arg5[%dma_start3A_3] : memref<4x!tpu.dma_semaphore, #tpu.memory_space<semaphore_mem>> -> memref<1x!tpu.dma_semaphore, #tpu.memory_space<semaphore_mem>>
    %dma_start3A_5 = tpu.memref_squeeze %dma_start3A_4 : memref<1x!tpu.dma_semaphore, #tpu.memory_space<semaphore_mem>> -> memref<!tpu.dma_semaphore, #tpu.memory_space<semaphore_mem>>
    %dma_start3A_6 = arith.constant 0 : i32
    %dma_start3A_7 = arith.constant 0 : i32
    %dma_start3A_8 = tpu.memref_slice %arg4[%dma_start3A_2, %dma_start3A_6, %dma_start3A_7] : memref<4x5000x128xf32, #tpu.memory_space<vmem>> -> memref<1x5000x128xf32, #tpu.memory_space<vmem>>
    %dma_start3A_9 = tpu.memref_squeeze %dma_start3A_8 : memref<1x5000x128xf32, #tpu.memory_space<vmem>> -> memref<5000x128xf32, #tpu.memory_space<vmem>>
    %dma_start3A_10 = arith.constant 0 : i32
    %dma_start3A_11 = arith.constant 0 : i32
    %dma_start3A_12 = tpu.memref_slice %arg2[%dma_start3A, %dma_start3A_10, %dma_start3A_11] : memref<64x5000x128xf32, #tpu.memory_space<any>> -> memref<1x5000x128xf32, #tpu.memory_space<any>>
    %dma_start3A_13 = tpu.memref_squeeze %dma_start3A_12 : memref<1x5000x128xf32, #tpu.memory_space<any>> -> memref<5000x128xf32, #tpu.memory_space<any>>
    tpu.enqueue_dma source(%dma_start3A_13 : memref<5000x128xf32, #tpu.memory_space<any>>) target(%dma_start3A_9 : memref<5000x128xf32, #tpu.memory_space<vmem>>) target_semaphore(%dma_start3A_5 : memref<!tpu.dma_semaphore, #tpu.memory_space<semaphore_mem>>)
    %dma_start3A_14 = arith.constant 1 : i32
    %dma_start3A_15 = arith.constant 1 : i32
    %dma_start3A_16 = arith.constant 1 : i32
    %dma_start3A_17 = tpu.memref_slice %arg5[%dma_start3A_16] : memref<4x!tpu.dma_semaphore, #tpu.memory_space<semaphore_mem>> -> memref<1x!tpu.dma_semaphore, #tpu.memory_space<semaphore_mem>>
    %dma_start3A_18 = tpu.memref_squeeze %dma_start3A_17 : memref<1x!tpu.dma_semaphore, #tpu.memory_space<semaphore_mem>> -> memref<!tpu.dma_semaphore, #tpu.memory_space<semaphore_mem>>
    %dma_start3A_19 = arith.constant 0 : i32
    %dma_start3A_20 = arith.constant 0 : i32
    %dma_start3A_21 = tpu.memref_slice %arg4[%dma_start3A_15, %dma_start3A_19, %dma_start3A_20] : memref<4x5000x128xf32, #tpu.memory_space<vmem>> -> memref<1x5000x128xf32, #tpu.memory_space<vmem>>
    %dma_start3A_22 = tpu.memref_squeeze %dma_start3A_21 : memref<1x5000x128xf32, #tpu.memory_space<vmem>> -> memref<5000x128xf32, #tpu.memory_space<vmem>>
    %dma_start3A_23 = arith.constant 0 : i32
    %dma_start3A_24 = arith.constant 0 : i32
    %dma_start3A_25 = tpu.memref_slice %arg2[%dma_start3A_14, %dma_start3A_23, %dma_start3A_24] : memref<64x5000x128xf32, #tpu.memory_space<any>> -> memref<1x5000x128xf32, #tpu.memory_space<any>>
    %dma_start3A_26 = tpu.memref_squeeze %dma_start3A_25 : memref<1x5000x128xf32, #tpu.memory_space<any>> -> memref<5000x128xf32, #tpu.memory_space<any>>
    tpu.enqueue_dma source(%dma_start3A_26 : memref<5000x128xf32, #tpu.memory_space<any>>) target(%dma_start3A_22 : memref<5000x128xf32, #tpu.memory_space<vmem>>) target_semaphore(%dma_start3A_18 : memref<!tpu.dma_semaphore, #tpu.memory_space<semaphore_mem>>)
    %dma_start3A_27 = arith.constant 2 : i32
    %dma_start3A_28 = arith.constant 2 : i32
    %dma_start3A_29 = arith.constant 2 : i32
    %dma_start3A_30 = tpu.memref_slice %arg5[%dma_start3A_29] : memref<4x!tpu.dma_semaphore, #tpu.memory_space<semaphore_mem>> -> memref<1x!tpu.dma_semaphore, #tpu.memory_space<semaphore_mem>>
    %dma_start3A_31 = tpu.memref_squeeze %dma_start3A_30 : memref<1x!tpu.dma_semaphore, #tpu.memory_space<semaphore_mem>> -> memref<!tpu.dma_semaphore, #tpu.memory_space<semaphore_mem>>
    %dma_start3A_32 = arith.constant 0 : i32
    %dma_start3A_33 = arith.constant 0 : i32
    %dma_start3A_34 = tpu.memref_slice %arg4[%dma_start3A_28, %dma_start3A_32, %dma_start3A_33] : memref<4x5000x128xf32, #tpu.memory_space<vmem>> -> memref<1x5000x128xf32, #tpu.memory_space<vmem>>
    %dma_start3A_35 = tpu.memref_squeeze %dma_start3A_34 : memref<1x5000x128xf32, #tpu.memory_space<vmem>> -> memref<5000x128xf32, #tpu.memory_space<vmem>>
    %dma_start3A_36 = arith.constant 0 : i32
    %dma_start3A_37 = arith.constant 0 : i32
    %dma_start3A_38 = tpu.memref_slice %arg2[%dma_start3A_27, %dma_start3A_36, %dma_start3A_37] : memref<64x5000x128xf32, #tpu.memory_space<any>> -> memref<1x5000x128xf32, #tpu.memory_space<any>>
    %dma_start3A_39 = tpu.memref_squeeze %dma_start3A_38 : memref<1x5000x128xf32, #tpu.memory_space<any>> -> memref<5000x128xf32, #tpu.memory_space<any>>
    tpu.enqueue_dma source(%dma_start3A_39 : memref<5000x128xf32, #tpu.memory_space<any>>) target(%dma_start3A_35 : memref<5000x128xf32, #tpu.memory_space<vmem>>) target_semaphore(%dma_start3A_31 : memref<!tpu.dma_semaphore, #tpu.memory_space<semaphore_mem>>)
    %dma_start3A_40 = arith.constant 3 : i32
    %dma_start3A_41 = arith.constant 3 : i32
    %dma_start3A_42 = arith.constant 3 : i32
    %dma_start3A_43 = tpu.memref_slice %arg5[%dma_start3A_42] : memref<4x!tpu.dma_semaphore, #tpu.memory_space<semaphore_mem>> -> memref<1x!tpu.dma_semaphore, #tpu.memory_space<semaphore_mem>>
    %dma_start3A_44 = tpu.memref_squeeze %dma_start3A_43 : memref<1x!tpu.dma_semaphore, #tpu.memory_space<semaphore_mem>> -> memref<!tpu.dma_semaphore, #tpu.memory_space<semaphore_mem>>
    %dma_start3A_45 = arith.constant 0 : i32
    %dma_start3A_46 = arith.constant 0 : i32
    %dma_start3A_47 = tpu.memref_slice %arg4[%dma_start3A_41, %dma_start3A_45, %dma_start3A_46] : memref<4x5000x128xf32, #tpu.memory_space<vmem>> -> memref<1x5000x128xf32, #tpu.memory_space<vmem>>
    %dma_start3A_48 = tpu.memref_squeeze %dma_start3A_47 : memref<1x5000x128xf32, #tpu.memory_space<vmem>> -> memref<5000x128xf32, #tpu.memory_space<vmem>>
    %dma_start3A_49 = arith.constant 0 : i32
    %dma_start3A_50 = arith.constant 0 : i32
    %dma_start3A_51 = tpu.memref_slice %arg2[%dma_start3A_40, %dma_start3A_49, %dma_start3A_50] : memref<64x5000x128xf32, #tpu.memory_space<any>> -> memref<1x5000x128xf32, #tpu.memory_space<any>>
    %dma_start3A_52 = tpu.memref_squeeze %dma_start3A_51 : memref<1x5000x128xf32, #tpu.memory_space<any>> -> memref<5000x128xf32, #tpu.memory_space<any>>
    tpu.enqueue_dma source(%dma_start3A_52 : memref<5000x128xf32, #tpu.memory_space<any>>) target(%dma_start3A_48 : memref<5000x128xf32, #tpu.memory_space<vmem>>) target_semaphore(%dma_start3A_44 : memref<!tpu.dma_semaphore, #tpu.memory_space<semaphore_mem>>)
    %dma_wait3A = arith.constant 0 : i32
    %dma_wait3A_53 = arith.constant 0 : i32
    %dma_wait3A_54 = arith.constant 0 : i32
    %dma_wait3A_55 = tpu.memref_slice %arg5[%dma_wait3A_54] : memref<4x!tpu.dma_semaphore, #tpu.memory_space<semaphore_mem>> -> memref<1x!tpu.dma_semaphore, #tpu.memory_space<semaphore_mem>>
    %dma_wait3A_56 = tpu.memref_squeeze %dma_wait3A_55 : memref<1x!tpu.dma_semaphore, #tpu.memory_space<semaphore_mem>> -> memref<!tpu.dma_semaphore, #tpu.memory_space<semaphore_mem>>
    %dma_wait3A_57 = arith.constant 0 : i32
    %dma_wait3A_58 = arith.constant 0 : i32
    %dma_wait3A_59 = tpu.memref_slice %arg4[%dma_wait3A_53, %dma_wait3A_57, %dma_wait3A_58] : memref<4x5000x128xf32, #tpu.memory_space<vmem>> -> memref<1x5000x128xf32, #tpu.memory_space<vmem>>
    %dma_wait3A_60 = tpu.memref_squeeze %dma_wait3A_59 : memref<1x5000x128xf32, #tpu.memory_space<vmem>> -> memref<5000x128xf32, #tpu.memory_space<vmem>>
    %dma_wait3A_61 = arith.constant 0 : i32
    %dma_wait3A_62 = arith.constant 0 : i32
    %dma_wait3A_63 = tpu.memref_slice %arg2[%dma_wait3A, %dma_wait3A_61, %dma_wait3A_62] : memref<64x5000x128xf32, #tpu.memory_space<any>> -> memref<1x5000x128xf32, #tpu.memory_space<any>>
    %dma_wait3A_64 = tpu.memref_squeeze %dma_wait3A_63 : memref<1x5000x128xf32, #tpu.memory_space<any>> -> memref<5000x128xf32, #tpu.memory_space<any>>
    tpu.wait_dma2 semaphore(%dma_wait3A_56 : memref<!tpu.dma_semaphore, #tpu.memory_space<semaphore_mem>>) src(%dma_wait3A_64 : memref<5000x128xf32, #tpu.memory_space<any>>) dst(%dma_wait3A_60 : memref<5000x128xf32, #tpu.memory_space<vmem>>)
    %get3A_65 = arith.constant 0 : index
    %get3A_66 = arith.constant 0 : index
    %get3A_67 = vector.load %arg0[%get3A_65, %get3A_66] : memref<1x128xf32, #tpu.memory_space<vmem>>, vector<1x128xf32>
    %get3A_68 = arith.constant 0 : index
    %get3A_69 = arith.constant 0 : index
    %get3A_70 = arith.constant 0 : index
    %get3A_71 = vector.load %arg4[%get3A_68, %get3A_69, %get3A_70] : memref<4x5000x128xf32, #tpu.memory_space<vmem>>, vector<1x5000x128xf32>
    %get3A_72 = vector.shape_cast %get3A_71 : vector<1x5000x128xf32> to vector<5000x128xf32>
    %dot_general3A = arith.constant dense<0.000000e+00> : vector<1x5000xf32>
    %dot_general3A_73 = tpu.matmul %get3A_67, %get3A_72, %dot_general3A {dimension_numbers = #tpu.dot_dimension_numbers<[1], [1], [0], [0], [0, 0, 1, 0], [], []>, transpose_lhs_hint = false} : vector<1x128xf32>, vector<5000x128xf32>, vector<1x5000xf32> -> vector<1x5000xf32>
    %squeeze3A = vector.shape_cast %dot_general3A_73 : vector<1x5000xf32> to vector<5000xf32>
    %add3A = vector.broadcast %get3A_1 : f32 to vector<5000xf32>
    %add3A_74 = arith.addf %squeeze3A, %add3A : vector<5000xf32>
    %swap3A = arith.constant 0 : index
    %swap3A_75 = arith.constant 0 : index
    %swap3A_76 = vector.load %arg3[%swap3A, %swap3A_75] : memref<64x5000xf32, #tpu.memory_space<vmem>>, vector<1x5000xf32>
    %swap3A_77 = vector.shape_cast %swap3A_76 : vector<1x5000xf32> to vector<5000xf32>
    %swap3A_78 = vector.shape_cast %add3A_74 : vector<5000xf32> to vector<1x5000xf32>
    tpu.vector_store %arg3[%swap3A, %swap3A_75], %swap3A_78 {strides = array<i32>} : memref<64x5000xf32, #tpu.memory_space<vmem>>, vector<1x5000xf32>,
    %dma_start3A_79 = arith.constant 4 : i32
    %dma_start3A_80 = arith.constant 0 : i32
    %dma_start3A_81 = arith.constant 0 : i32
    %dma_start3A_82 = tpu.memref_slice %arg5[%dma_start3A_81] : memref<4x!tpu.dma_semaphore, #tpu.memory_space<semaphore_mem>> -> memref<1x!tpu.dma_semaphore, #tpu.memory_space<semaphore_mem>>
    %dma_start3A_83 = tpu.memref_squeeze %dma_start3A_82 : memref<1x!tpu.dma_semaphore, #tpu.memory_space<semaphore_mem>> -> memref<!tpu.dma_semaphore, #tpu.memory_space<semaphore_mem>>
    %dma_start3A_84 = arith.constant 0 : i32
    %dma_start3A_85 = arith.constant 0 : i32
    %dma_start3A_86 = tpu.memref_slice %arg4[%dma_start3A_80, %dma_start3A_84, %dma_start3A_85] : memref<4x5000x128xf32, #tpu.memory_space<vmem>> -> memref<1x5000x128xf32, #tpu.memory_space<vmem>>
    %dma_start3A_87 = tpu.memref_squeeze %dma_start3A_86 : memref<1x5000x128xf32, #tpu.memory_space<vmem>> -> memref<5000x128xf32, #tpu.memory_space<vmem>>
    %dma_start3A_88 = arith.constant 0 : i32
    %dma_start3A_89 = arith.constant 0 : i32
    %dma_start3A_90 = tpu.memref_slice %arg2[%dma_start3A_79, %dma_start3A_88, %dma_start3A_89] : memref<64x5000x128xf32, #tpu.memory_space<any>> -> memref<1x5000x128xf32, #tpu.memory_space<any>>
    %dma_start3A_91 = tpu.memref_squeeze %dma_start3A_90 : memref<1x5000x128xf32, #tpu.memory_space<any>> -> memref<5000x128xf32, #tpu.memory_space<any>>
    tpu.enqueue_dma source(%dma_start3A_91 : memref<5000x128xf32, #tpu.memory_space<any>>) target(%dma_start3A_87 : memref<5000x128xf32, #tpu.memory_space<vmem>>) target_semaphore(%dma_start3A_83 : memref<!tpu.dma_semaphore, #tpu.memory_space<semaphore_mem>>)
    %dma_wait3A_92 = arith.constant 1 : i32
    %dma_wait3A_93 = arith.constant 1 : i32
    %dma_wait3A_94 = arith.constant 1 : i32
    %dma_wait3A_95 = tpu.memref_slice %arg5[%dma_wait3A_94] : memref<4x!tpu.dma_semaphore, #tpu.memory_space<semaphore_mem>> -> memref<1x!tpu.dma_semaphore, #tpu.memory_space<semaphore_mem>>
    %dma_wait3A_96 = tpu.memref_squeeze %dma_wait3A_95 : memref<1x!tpu.dma_semaphore, #tpu.memory_space<semaphore_mem>> -> memref<!tpu.dma_semaphore, #tpu.memory_space<semaphore_mem>>
    %dma_wait3A_97 = arith.constant 0 : i32
    %dma_wait3A_98 = arith.constant 0 : i32
    %dma_wait3A_99 = tpu.memref_slice %arg4[%dma_wait3A_93, %dma_wait3A_97, %dma_wait3A_98] : memref<4x5000x128xf32, #tpu.memory_space<vmem>> -> memref<1x5000x128xf32, #tpu.memory_space<vmem>>
    %dma_wait3A_100 = tpu.memref_squeeze %dma_wait3A_99 : memref<1x5000x128xf32, #tpu.memory_space<vmem>> -> memref<5000x128xf32, #tpu.memory_space<vmem>>
    %dma_wait3A_101 = arith.constant 0 : i32
    %dma_wait3A_102 = arith.constant 0 : i32
    %dma_wait3A_103 = tpu.memref_slice %arg2[%dma_wait3A_92, %dma_wait3A_101, %dma_wait3A_102] : memref<64x5000x128xf32, #tpu.memory_space<any>> -> memref<1x5000x128xf32, #tpu.memory_space<any>>
    %dma_wait3A_104 = tpu.memref_squeeze %dma_wait3A_103 : memref<1x5000x128xf32, #tpu.memory_space<any>> -> memref<5000x128xf32, #tpu.memory_space<any>>
    tpu.wait_dma2 semaphore(%dma_wait3A_96 : memref<!tpu.dma_semaphore, #tpu.memory_space<semaphore_mem>>) src(%dma_wait3A_104 : memref<5000x128xf32, #tpu.memory_space<any>>) dst(%dma_wait3A_100 : memref<5000x128xf32, #tpu.memory_space<vmem>>)
    %get3A_105 = arith.constant 0 : index
    %get3A_106 = arith.constant 0 : index
    %get3A_107 = vector.load %arg0[%get3A_105, %get3A_106] : memref<1x128xf32, #tpu.memory_space<vmem>>, vector<1x128xf32>
    %get3A_108 = arith.constant 1 : index
    %get3A_109 = arith.constant 0 : index
    %get3A_110 = arith.constant 0 : index
    %get3A_111 = vector.load %arg4[%get3A_108, %get3A_109, %get3A_110] : memref<4x5000x128xf32, #tpu.memory_space<vmem>>, vector<1x5000x128xf32>
    %get3A_112 = vector.shape_cast %get3A_111 : vector<1x5000x128xf32> to vector<5000x128xf32>
    %dot_general3A_113 = arith.constant dense<0.000000e+00> : vector<1x5000xf32>
    %dot_general3A_114 = tpu.matmul %get3A_107, %get3A_112, %dot_general3A_113 {dimension_numbers = #tpu.dot_dimension_numbers<[1], [1], [0], [0], [0, 0, 1, 0], [], []>, transpose_lhs_hint = false} : vector<1x128xf32>, vector<5000x128xf32>, vector<1x5000xf32> -> vector<1x5000xf32>
    %squeeze3A_115 = vector.shape_cast %dot_general3A_114 : vector<1x5000xf32> to vector<5000xf32>
    %add3A_116 = vector.broadcast %get3A_1 : f32 to vector<5000xf32>
    %add3A_117 = arith.addf %squeeze3A_115, %add3A_116 : vector<5000xf32>
    %swap3A_118 = arith.constant 1 : index
    %swap3A_119 = arith.constant 0 : index
    %swap3A_120 = vector.load %arg3[%swap3A_118, %swap3A_119] : memref<64x5000xf32, #tpu.memory_space<vmem>>, vector<1x5000xf32>
    %swap3A_121 = vector.shape_cast %swap3A_120 : vector<1x5000xf32> to vector<5000xf32>
    %swap3A_122 = vector.shape_cast %add3A_117 : vector<5000xf32> to vector<1x5000xf32>
    tpu.vector_store %arg3[%swap3A_118, %swap3A_119], %swap3A_122 {strides = array<i32>} : memref<64x5000xf32, #tpu.memory_space<vmem>>, vector<1x5000xf32>,
    %dma_start3A_123 = arith.constant 5 : i32
    %dma_start3A_124 = arith.constant 1 : i32
    %dma_start3A_125 = arith.constant 1 : i32
    %dma_start3A_126 = tpu.memref_slice %arg5[%dma_start3A_125] : memref<4x!tpu.dma_semaphore, #tpu.memory_space<semaphore_mem>> -> memref<1x!tpu.dma_semaphore, #tpu.memory_space<semaphore_mem>>
    %dma_start3A_127 = tpu.memref_squeeze %dma_start3A_126 : memref<1x!tpu.dma_semaphore, #tpu.memory_space<semaphore_mem>> -> memref<!tpu.dma_semaphore, #tpu.memory_space<semaphore_mem>>
    %dma_start3A_128 = arith.constant 0 : i32
    %dma_start3A_129 = arith.constant 0 : i32
    %dma_start3A_130 = tpu.memref_slice %arg4[%dma_start3A_124, %dma_start3A_128, %dma_start3A_129] : memref<4x5000x128xf32, #tpu.memory_space<vmem>> -> memref<1x5000x128xf32, #tpu.memory_space<vmem>>
    %dma_start3A_131 = tpu.memref_squeeze %dma_start3A_130 : memref<1x5000x128xf32, #tpu.memory_space<vmem>> -> memref<5000x128xf32, #tpu.memory_space<vmem>>
    %dma_start3A_132 = arith.constant 0 : i32
    %dma_start3A_133 = arith.constant 0 : i32
    %dma_start3A_134 = tpu.memref_slice %arg2[%dma_start3A_123, %dma_start3A_132, %dma_start3A_133] : memref<64x5000x128xf32, #tpu.memory_space<any>> -> memref<1x5000x128xf32, #tpu.memory_space<any>>
    %dma_start3A_135 = tpu.memref_squeeze %dma_start3A_134 : memref<1x5000x128xf32, #tpu.memory_space<any>> -> memref<5000x128xf32, #tpu.memory_space<any>>
    tpu.enqueue_dma source(%dma_start3A_135 : memref<5000x128xf32, #tpu.memory_space<any>>) target(%dma_start3A_131 : memref<5000x128xf32, #tpu.memory_space<vmem>>) target_semaphore(%dma_start3A_127 : memref<!tpu.dma_semaphore, #tpu.memory_space<semaphore_mem>>)
    %dma_wait3A_136 = arith.constant 2 : i32
    %dma_wait3A_137 = arith.constant 2 : i32
    %dma_wait3A_138 = arith.constant 2 : i32
    %dma_wait3A_139 = tpu.memref_slice %arg5[%dma_wait3A_138] : memref<4x!tpu.dma_semaphore, #tpu.memory_space<semaphore_mem>> -> memref<1x!tpu.dma_semaphore, #tpu.memory_space<semaphore_mem>>
    %dma_wait3A_140 = tpu.memref_squeeze %dma_wait3A_139 : memref<1x!tpu.dma_semaphore, #tpu.memory_space<semaphore_mem>> -> memref<!tpu.dma_semaphore, #tpu.memory_space<semaphore_mem>>
    %dma_wait3A_141 = arith.constant 0 : i32
    %dma_wait3A_142 = arith.constant 0 : i32
    %dma_wait3A_143 = tpu.memref_slice %arg4[%dma_wait3A_137, %dma_wait3A_141, %dma_wait3A_142] : memref<4x5000x128xf32, #tpu.memory_space<vmem>> -> memref<1x5000x128xf32, #tpu.memory_space<vmem>>
    %dma_wait3A_144 = tpu.memref_squeeze %dma_wait3A_143 : memref<1x5000x128xf32, #tpu.memory_space<vmem>> -> memref<5000x128xf32, #tpu.memory_space<vmem>>
    %dma_wait3A_145 = arith.constant 0 : i32
    %dma_wait3A_146 = arith.constant 0 : i32
    %dma_wait3A_147 = tpu.memref_slice %arg2[%dma_wait3A_136, %dma_wait3A_145, %dma_wait3A_146] : memref<64x5000x128xf32, #tpu.memory_space<any>> -> memref<1x5000x128xf32, #tpu.memory_space<any>>
    %dma_wait3A_148 = tpu.memref_squeeze %dma_wait3A_147 : memref<1x5000x128xf32, #tpu.memory_space<any>> -> memref<5000x128xf32, #tpu.memory_space<any>>
    tpu.wait_dma2 semaphore(%dma_wait3A_140 : memref<!tpu.dma_semaphore, #tpu.memory_space<semaphore_mem>>) src(%dma_wait3A_148 : memref<5000x128xf32, #tpu.memory_space<any>>) dst(%dma_wait3A_144 : memref<5000x128xf32, #tpu.memory_space<vmem>>)
    %get3A_149 = arith.constant 0 : index
    %get3A_150 = arith.constant 0 : index
    %get3A_151 = vector.load %arg0[%get3A_149, %get3A_150] : memref<1x128xf32, #tpu.memory_space<vmem>>, vector<1x128xf32>
    %get3A_152 = arith.constant 2 : index
    %get3A_153 = arith.constant 0 : index
    %get3A_154 = arith.constant 0 : index
    %get3A_155 = vector.load %arg4[%get3A_152, %get3A_153, %get3A_154] : memref<4x5000x128xf32, #tpu.memory_space<vmem>>, vector<1x5000x128xf32>
    %get3A_156 = vector.shape_cast %get3A_155 : vector<1x5000x128xf32> to vector<5000x128xf32>
    %dot_general3A_157 = arith.constant dense<0.000000e+00> : vector<1x5000xf32>
    %dot_general3A_158 = tpu.matmul %get3A_151, %get3A_156, %dot_general3A_157 {dimension_numbers = #tpu.dot_dimension_numbers<[1], [1], [0], [0], [0, 0, 1, 0], [], []>, transpose_lhs_hint = false} : vector<1x128xf32>, vector<5000x128xf32>, vector<1x5000xf32> -> vector<1x5000xf32>
    %squeeze3A_159 = vector.shape_cast %dot_general3A_158 : vector<1x5000xf32> to vector<5000xf32>
    %add3A_160 = vector.broadcast %get3A_1 : f32 to vector<5000xf32>
    %add3A_161 = arith.addf %squeeze3A_159, %add3A_160 : vector<5000xf32>
    %swap3A_162 = arith.constant 2 : index
    %swap3A_163 = arith.constant 0 : index
    %swap3A_164 = vector.load %arg3[%swap3A_162, %swap3A_163] : memref<64x5000xf32, #tpu.memory_space<vmem>>, vector<1x5000xf32>
    %swap3A_165 = vector.shape_cast %swap3A_164 : vector<1x5000xf32> to vector<5000xf32>
    %swap3A_166 = vector.shape_cast %add3A_161 : vector<5000xf32> to vector<1x5000xf32>
    tpu.vector_store %arg3[%swap3A_162, %swap3A_163], %swap3A_166 {strides = array<i32>} : memref<64x5000xf32, #tpu.memory_space<vmem>>, vector<1x5000xf32>,
    %dma_start3A_167 = arith.constant 6 : i32
    %dma_start3A_168 = arith.constant 2 : i32
    %dma_start3A_169 = arith.constant 2 : i32
    %dma_start3A_170 = tpu.memref_slice %arg5[%dma_start3A_169] : memref<4x!tpu.dma_semaphore, #tpu.memory_space<semaphore_mem>> -> memref<1x!tpu.dma_semaphore, #tpu.memory_space<semaphore_mem>>
    %dma_start3A_171 = tpu.memref_squeeze %dma_start3A_170 : memref<1x!tpu.dma_semaphore, #tpu.memory_space<semaphore_mem>> -> memref<!tpu.dma_semaphore, #tpu.memory_space<semaphore_mem>>
    %dma_start3A_172 = arith.constant 0 : i32
    %dma_start3A_173 = arith.constant 0 : i32
    %dma_start3A_174 = tpu.memref_slice %arg4[%dma_start3A_168, %dma_start3A_172, %dma_start3A_173] : memref<4x5000x128xf32, #tpu.memory_space<vmem>> -> memref<1x5000x128xf32, #tpu.memory_space<vmem>>
    %dma_start3A_175 = tpu.memref_squeeze %dma_start3A_174 : memref<1x5000x128xf32, #tpu.memory_space<vmem>> -> memref<5000x128xf32, #tpu.memory_space<vmem>>
    %dma_start3A_176 = arith.constant 0 : i32
    %dma_start3A_177 = arith.constant 0 : i32
    %dma_start3A_178 = tpu.memref_slice %arg2[%dma_start3A_167, %dma_start3A_176, %dma_start3A_177] : memref<64x5000x128xf32, #tpu.memory_space<any>> -> memref<1x5000x128xf32, #tpu.memory_space<any>>
    %dma_start3A_179 = tpu.memref_squeeze %dma_start3A_178 : memref<1x5000x128xf32, #tpu.memory_space<any>> -> memref<5000x128xf32, #tpu.memory_space<any>>
    tpu.enqueue_dma source(%dma_start3A_179 : memref<5000x128xf32, #tpu.memory_space<any>>) target(%dma_start3A_175 : memref<5000x128xf32, #tpu.memory_space<vmem>>) target_semaphore(%dma_start3A_171 : memref<!tpu.dma_semaphore, #tpu.memory_space<semaphore_mem>>)
    %dma_wait3A_180 = arith.constant 3 : i32
    %dma_wait3A_181 = arith.constant 3 : i32
    %dma_wait3A_182 = arith.constant 3 : i32
    %dma_wait3A_183 = tpu.memref_slice %arg5[%dma_wait3A_182] : memref<4x!tpu.dma_semaphore, #tpu.memory_space<semaphore_mem>> -> memref<1x!tpu.dma_semaphore, #tpu.memory_space<semaphore_mem>>
    %dma_wait3A_184 = tpu.memref_squeeze %dma_wait3A_183 : memref<1x!tpu.dma_semaphore, #tpu.memory_space<semaphore_mem>> -> memref<!tpu.dma_semaphore, #tpu.memory_space<semaphore_mem>>
    %dma_wait3A_185 = arith.constant 0 : i32
    %dma_wait3A_186 = arith.constant 0 : i32
    %dma_wait3A_187 = tpu.memref_slice %arg4[%dma_wait3A_181, %dma_wait3A_185, %dma_wait3A_186] : memref<4x5000x128xf32, #tpu.memory_space<vmem>> -> memref<1x5000x128xf32, #tpu.memory_space<vmem>>
    %dma_wait3A_188 = tpu.memref_squeeze %dma_wait3A_187 : memref<1x5000x128xf32, #tpu.memory_space<vmem>> -> memref<5000x128xf32, #tpu.memory_space<vmem>>
    %dma_wait3A_189 = arith.constant 0 : i32
    %dma_wait3A_190 = arith.constant 0 : i32
    %dma_wait3A_191 = tpu.memref_slice %arg2[%dma_wait3A_180, %dma_wait3A_189, %dma_wait3A_190] : memref<64x5000x128xf32, #tpu.memory_space<any>> -> memref<1x5000x128xf32, #tpu.memory_space<any>>
    %dma_wait3A_192 = tpu.memref_squeeze %dma_wait3A_191 : memref<1x5000x128xf32, #tpu.memory_space<any>> -> memref<5000x128xf32, #tpu.memory_space<any>>
    tpu.wait_dma2 semaphore(%dma_wait3A_184 : memref<!tpu.dma_semaphore, #tpu.memory_space<semaphore_mem>>) src(%dma_wait3A_192 : memref<5000x128xf32, #tpu.memory_space<any>>) dst(%dma_wait3A_188 : memref<5000x128xf32, #tpu.memory_space<vmem>>)
    %get3A_193 = arith.constant 0 : index
    %get3A_194 = arith.constant 0 : index
    %get3A_195 = vector.load %arg0[%get3A_193, %get3A_194] : memref<1x128xf32, #tpu.memory_space<vmem>>, vector<1x128xf32>
    %get3A_196 = arith.constant 3 : index
    %get3A_197 = arith.constant 0 : index
    %get3A_198 = arith.constant 0 : index
    %get3A_199 = vector.load %arg4[%get3A_196, %get3A_197, %get3A_198] : memref<4x5000x128xf32, #tpu.memory_space<vmem>>, vector<1x5000x128xf32>
    %get3A_200 = vector.shape_cast %get3A_199 : vector<1x5000x128xf32> to vector<5000x128xf32>
    %dot_general3A_201 = arith.constant dense<0.000000e+00> : vector<1x5000xf32>
    %dot_general3A_202 = tpu.matmul %get3A_195, %get3A_200, %dot_general3A_201 {dimension_numbers = #tpu.dot_dimension_numbers<[1], [1], [0], [0], [0, 0, 1, 0], [], []>, transpose_lhs_hint = false} : vector<1x128xf32>, vector<5000x128xf32>, vector<1x5000xf32> -> vector<1x5000xf32>
    %squeeze3A_203 = vector.shape_cast %dot_general3A_202 : vector<1x5000xf32> to vector<5000xf32>
    %add3A_204 = vector.broadcast %get3A_1 : f32 to vector<5000xf32>
    %add3A_205 = arith.addf %squeeze3A_203, %add3A_204 : vector<5000xf32>
    %swap3A_206 = arith.constant 3 : index
    %swap3A_207 = arith.constant 0 : index
    %swap3A_208 = vector.load %arg3[%swap3A_206, %swap3A_207] : memref<64x5000xf32, #tpu.memory_space<vmem>>, vector<1x5000xf32>
    %swap3A_209 = vector.shape_cast %swap3A_208 : vector<1x5000xf32> to vector<5000xf32>
    %swap3A_210 = vector.shape_cast %add3A_205 : vector<5000xf32> to vector<1x5000xf32>
    tpu.vector_store %arg3[%swap3A_206, %swap3A_207], %swap3A_210 {strides = array<i32>} : memref<64x5000xf32, #tpu.memory_space<vmem>>, vector<1x5000xf32>,
    %dma_start3A_211 = arith.constant 7 : i32
    %dma_start3A_212 = arith.constant 3 : i32
    %dma_start3A_213 = arith.constant 3 : i32
    %dma_start3A_214 = tpu.memref_slice %arg5[%dma_start3A_213] : memref<4x!tpu.dma_semaphore, #tpu.memory_space<semaphore_mem>> -> memref<1x!tpu.dma_semaphore, #tpu.memory_space<semaphore_mem>>
    %dma_start3A_215 = tpu.memref_squeeze %dma_start3A_214 : memref<1x!tpu.dma_semaphore, #tpu.memory_space<semaphore_mem>> -> memref<!tpu.dma_semaphore, #tpu.memory_space<semaphore_mem>>
    %dma_start3A_216 = arith.constant 0 : i32
    %dma_start3A_217 = arith.constant 0 : i32
    %dma_start3A_218 = tpu.memref_slice %arg4[%dma_start3A_212, %dma_start3A_216, %dma_start3A_217] : memref<4x5000x128xf32, #tpu.memory_space<vmem>> -> memref<1x5000x128xf32, #tpu.memory_space<vmem>>
    %dma_start3A_219 = tpu.memref_squeeze %dma_start3A_218 : memref<1x5000x128xf32, #tpu.memory_space<vmem>> -> memref<5000x128xf32, #tpu.memory_space<vmem>>
    %dma_start3A_220 = arith.constant 0 : i32
    %dma_start3A_221 = arith.constant 0 : i32
    %dma_start3A_222 = tpu.memref_slice %arg2[%dma_start3A_211, %dma_start3A_220, %dma_start3A_221] : memref<64x5000x128xf32, #tpu.memory_space<any>> -> memref<1x5000x128xf32, #tpu.memory_space<any>>
    %dma_start3A_223 = tpu.memref_squeeze %dma_start3A_222 : memref<1x5000x128xf32, #tpu.memory_space<any>> -> memref<5000x128xf32, #tpu.memory_space<any>>
    tpu.enqueue_dma source(%dma_start3A_223 : memref<5000x128xf32, #tpu.memory_space<any>>) target(%dma_start3A_219 : memref<5000x128xf32, #tpu.memory_space<vmem>>) target_semaphore(%dma_start3A_215 : memref<!tpu.dma_semaphore, #tpu.memory_space<semaphore_mem>>)
    %dma_wait3A_224 = arith.constant 4 : i32
    %dma_wait3A_225 = arith.constant 0 : i32
    %dma_wait3A_226 = arith.constant 0 : i32
    %dma_wait3A_227 = tpu.memref_slice %arg5[%dma_wait3A_226] : memref<4x!tpu.dma_semaphore, #tpu.memory_space<semaphore_mem>> -> memref<1x!tpu.dma_semaphore, #tpu.memory_space<semaphore_mem>>
    %dma_wait3A_228 = tpu.memref_squeeze %dma_wait3A_227 : memref<1x!tpu.dma_semaphore, #tpu.memory_space<semaphore_mem>> -> memref<!tpu.dma_semaphore, #tpu.memory_space<semaphore_mem>>
    %dma_wait3A_229 = arith.constant 0 : i32
    %dma_wait3A_230 = arith.constant 0 : i32
    %dma_wait3A_231 = tpu.memref_slice %arg4[%dma_wait3A_225, %dma_wait3A_229, %dma_wait3A_230] : memref<4x5000x128xf32, #tpu.memory_space<vmem>> -> memref<1x5000x128xf32, #tpu.memory_space<vmem>>
    %dma_wait3A_232 = tpu.memref_squeeze %dma_wait3A_231 : memref<1x5000x128xf32, #tpu.memory_space<vmem>> -> memref<5000x128xf32, #tpu.memory_space<vmem>>
    %dma_wait3A_233 = arith.constant 0 : i32
    %dma_wait3A_234 = arith.constant 0 : i32
    %dma_wait3A_235 = tpu.memref_slice %arg2[%dma_wait3A_224, %dma_wait3A_233, %dma_wait3A_234] : memref<64x5000x128xf32, #tpu.memory_space<any>> -> memref<1x5000x128xf32, #tpu.memory_space<any>>
    %dma_wait3A_236 = tpu.memref_squeeze %dma_wait3A_235 : memref<1x5000x128xf32, #tpu.memory_space<any>> -> memref<5000x128xf32, #tpu.memory_space<any>>
    tpu.wait_dma2 semaphore(%dma_wait3A_228 : memref<!tpu.dma_semaphore, #tpu.memory_space<semaphore_mem>>) src(%dma_wait3A_236 : memref<5000x128xf32, #tpu.memory_space<any>>) dst(%dma_wait3A_232 : memref<5000x128xf32, #tpu.memory_space<vmem>>)
    %get3A_237 = arith.constant 0 : index
    %get3A_238 = arith.constant 0 : index
    %get3A_239 = vector.load %arg0[%get3A_237, %get3A_238] : memref<1x128xf32, #tpu.memory_space<vmem>>, vector<1x128xf32>
    %get3A_240 = arith.constant 0 : index
    %get3A_241 = arith.constant 0 : index
    %get3A_242 = arith.constant 0 : index
    %get3A_243 = vector.load %arg4[%get3A_240, %get3A_241, %get3A_242] : memref<4x5000x128xf32, #tpu.memory_space<vmem>>, vector<1x5000x128xf32>
    %get3A_244 = vector.shape_cast %get3A_243 : vector<1x5000x128xf32> to vector<5000x128xf32>
    %dot_general3A_245 = arith.constant dense<0.000000e+00> : vector<1x5000xf32>
    %dot_general3A_246 = tpu.matmul %get3A_239, %get3A_244, %dot_general3A_245 {dimension_numbers = #tpu.dot_dimension_numbers<[1], [1], [0], [0], [0, 0, 1, 0], [], []>, transpose_lhs_hint = false} : vector<1x128xf32>, vector<5000x128xf32>, vector<1x5000xf32> -> vector<1x5000xf32>
    %squeeze3A_247 = vector.shape_cast %dot_general3A_246 : vector<1x5000xf32> to vector<5000xf32>
    %add3A_248 = vector.broadcast %get3A_1 : f32 to vector<5000xf32>
    %add3A_249 = arith.addf %squeeze3A_247, %add3A_248 : vector<5000xf32>
    %swap3A_250 = arith.constant 4 : index
    %swap3A_251 = arith.constant 0 : index
    %swap3A_252 = vector.load %arg3[%swap3A_250, %swap3A_251] : memref<64x5000xf32, #tpu.memory_space<vmem>>, vector<1x5000xf32>
    %swap3A_253 = vector.shape_cast %swap3A_252 : vector<1x5000xf32> to vector<5000xf32>
    %swap3A_254 = vector.shape_cast %add3A_249 : vector<5000xf32> to vector<1x5000xf32>
    tpu.vector_store %arg3[%swap3A_250, %swap3A_251], %swap3A_254 {strides = array<i32>} : memref<64x5000xf32, #tpu.memory_space<vmem>>, vector<1x5000xf32>,
    %dma_start3A_255 = arith.constant 8 : i32
    %dma_start3A_256 = arith.constant 0 : i32
    %dma_start3A_257 = arith.constant 0 : i32
    %dma_start3A_258 = tpu.memref_slice %arg5[%dma_start3A_257] : memref<4x!tpu.dma_semaphore, #tpu.memory_space<semaphore_mem>> -> memref<1x!tpu.dma_semaphore, #tpu.memory_space<semaphore_mem>>
    %dma_start3A_259 = tpu.memref_squeeze %dma_start3A_258 : memref<1x!tpu.dma_semaphore, #tpu.memory_space<semaphore_mem>> -> memref<!tpu.dma_semaphore, #tpu.memory_space<semaphore_mem>>
    %dma_start3A_260 = arith.constant 0 : i32
    %dma_start3A_261 = arith.constant 0 : i32
    %dma_start3A_262 = tpu.memref_slice %arg4[%dma_start3A_256, %dma_start3A_260, %dma_start3A_261] : memref<4x5000x128xf32, #tpu.memory_space<vmem>> -> memref<1x5000x128xf32, #tpu.memory_space<vmem>>
    %dma_start3A_263 = tpu.memref_squeeze %dma_start3A_262 : memref<1x5000x128xf32, #tpu.memory_space<vmem>> -> memref<5000x128xf32, #tpu.memory_space<vmem>>
    %dma_start3A_264 = arith.constant 0 : i32
    %dma_start3A_265 = arith.constant 0 : i32
    %dma_start3A_266 = tpu.memref_slice %arg2[%dma_start3A_255, %dma_start3A_264, %dma_start3A_265] : memref<64x5000x128xf32, #tpu.memory_space<any>> -> memref<1x5000x128xf32, #tpu.memory_space<any>>
    %dma_start3A_267 = tpu.memref_squeeze %dma_start3A_266 : memref<1x5000x128xf32, #tpu.memory_space<any>> -> memref<5000x128xf32, #tpu.memory_space<any>>
    tpu.enqueue_dma source(%dma_start3A_267 : memref<5000x128xf32, #tpu.memory_space<any>>) target(%dma_start3A_263 : memref<5000x128xf32, #tpu.memory_space<vmem>>) target_semaphore(%dma_start3A_259 : memref<!tpu.dma_semaphore, #tpu.memory_space<semaphore_mem>>)
    %dma_wait3A_268 = arith.constant 5 : i32
    %dma_wait3A_269 = arith.constant 1 : i32
    %dma_wait3A_270 = arith.constant 1 : i32
    %dma_wait3A_271 = tpu.memref_slice %arg5[%dma_wait3A_270] : memref<4x!tpu.dma_semaphore, #tpu.memory_space<semaphore_mem>> -> memref<1x!tpu.dma_semaphore, #tpu.memory_space<semaphore_mem>>
    %dma_wait3A_272 = tpu.memref_squeeze %dma_wait3A_271 : memref<1x!tpu.dma_semaphore, #tpu.memory_space<semaphore_mem>> -> memref<!tpu.dma_semaphore, #tpu.memory_space<semaphore_mem>>
    %dma_wait3A_273 = arith.constant 0 : i32
    %dma_wait3A_274 = arith.constant 0 : i32
    %dma_wait3A_275 = tpu.memref_slice %arg4[%dma_wait3A_269, %dma_wait3A_273, %dma_wait3A_274] : memref<4x5000x128xf32, #tpu.memory_space<vmem>> -> memref<1x5000x128xf32, #tpu.memory_space<vmem>>
    %dma_wait3A_276 = tpu.memref_squeeze %dma_wait3A_275 : memref<1x5000x128xf32, #tpu.memory_space<vmem>> -> memref<5000x128xf32, #tpu.memory_space<vmem>>
    %dma_wait3A_277 = arith.constant 0 : i32
    %dma_wait3A_278 = arith.constant 0 : i32
    %dma_wait3A_279 = tpu.memref_slice %arg2[%dma_wait3A_268, %dma_wait3A_277, %dma_wait3A_278] : memref<64x5000x128xf32, #tpu.memory_space<any>> -> memref<1x5000x128xf32, #tpu.memory_space<any>>
    %dma_wait3A_280 = tpu.memref_squeeze %dma_wait3A_279 : memref<1x5000x128xf32, #tpu.memory_space<any>> -> memref<5000x128xf32, #tpu.memory_space<any>>
    tpu.wait_dma2 semaphore(%dma_wait3A_272 : memref<!tpu.dma_semaphore, #tpu.memory_space<semaphore_mem>>) src(%dma_wait3A_280 : memref<5000x128xf32, #tpu.memory_space<any>>) dst(%dma_wait3A_276 : memref<5000x128xf32, #tpu.memory_space<vmem>>)
    %get3A_281 = arith.constant 0 : index
    %get3A_282 = arith.constant 0 : index
    %get3A_283 = vector.load %arg0[%get3A_281, %get3A_282] : memref<1x128xf32, #tpu.memory_space<vmem>>, vector<1x128xf32>
    %get3A_284 = arith.constant 1 : index
    %get3A_285 = arith.constant 0 : index
    %get3A_286 = arith.constant 0 : index
    %get3A_287 = vector.load %arg4[%get3A_284, %get3A_285, %get3A_286] : memref<4x5000x128xf32, #tpu.memory_space<vmem>>, vector<1x5000x128xf32>
    %get3A_288 = vector.shape_cast %get3A_287 : vector<1x5000x128xf32> to vector<5000x128xf32>
    %dot_general3A_289 = arith.constant dense<0.000000e+00> : vector<1x5000xf32>
    %dot_general3A_290 = tpu.matmul %get3A_283, %get3A_288, %dot_general3A_289 {dimension_numbers = #tpu.dot_dimension_numbers<[1], [1], [0], [0], [0, 0, 1, 0], [], []>, transpose_lhs_hint = false} : vector<1x128xf32>, vector<5000x128xf32>, vector<1x5000xf32> -> vector<1x5000xf32>
    %squeeze3A_291 = vector.shape_cast %dot_general3A_290 : vector<1x5000xf32> to vector<5000xf32>
    %add3A_292 = vector.broadcast %get3A_1 : f32 to vector<5000xf32>
    %add3A_293 = arith.addf %squeeze3A_291, %add3A_292 : vector<5000xf32>
    %swap3A_294 = arith.constant 5 : index
    %swap3A_295 = arith.constant 0 : index
    %swap3A_296 = vector.load %arg3[%swap3A_294, %swap3A_295] : memref<64x5000xf32, #tpu.memory_space<vmem>>, vector<1x5000xf32>
    %swap3A_297 = vector.shape_cast %swap3A_296 : vector<1x5000xf32> to vector<5000xf32>
    %swap3A_298 = vector.shape_cast %add3A_293 : vector<5000xf32> to vector<1x5000xf32>
    tpu.vector_store %arg3[%swap3A_294, %swap3A_295], %swap3A_298 {strides = array<i32>} : memref<64x5000xf32, #tpu.memory_space<vmem>>, vector<1x5000xf32>,
    %dma_start3A_299 = arith.constant 9 : i32
    %dma_start3A_300 = arith.constant 1 : i32
    %dma_start3A_301 = arith.constant 1 : i32
    %dma_start3A_302 = tpu.memref_slice %arg5[%dma_start3A_301] : memref<4x!tpu.dma_semaphore, #tpu.memory_space<semaphore_mem>> -> memref<1x!tpu.dma_semaphore, #tpu.memory_space<semaphore_mem>>
    %dma_start3A_303 = tpu.memref_squeeze %dma_start3A_302 : memref<1x!tpu.dma_semaphore, #tpu.memory_space<semaphore_mem>> -> memref<!tpu.dma_semaphore, #tpu.memory_space<semaphore_mem>>
    %dma_start3A_304 = arith.constant 0 : i32
    %dma_start3A_305 = arith.constant 0 : i32
    %dma_start3A_306 = tpu.memref_slice %arg4[%dma_start3A_300, %dma_start3A_304, %dma_start3A_305] : memref<4x5000x128xf32, #tpu.memory_space<vmem>> -> memref<1x5000x128xf32, #tpu.memory_space<vmem>>
    %dma_start3A_307 = tpu.memref_squeeze %dma_start3A_306 : memref<1x5000x128xf32, #tpu.memory_space<vmem>> -> memref<5000x128xf32, #tpu.memory_space<vmem>>
    %dma_start3A_308 = arith.constant 0 : i32
    %dma_start3A_309 = arith.constant 0 : i32
    %dma_start3A_310 = tpu.memref_slice %arg2[%dma_start3A_299, %dma_start3A_308, %dma_start3A_309] : memref<64x5000x128xf32, #tpu.memory_space<any>> -> memref<1x5000x128xf32, #tpu.memory_space<any>>
    %dma_start3A_311 = tpu.memref_squeeze %dma_start3A_310 : memref<1x5000x128xf32, #tpu.memory_space<any>> -> memref<5000x128xf32, #tpu.memory_space<any>>
    tpu.enqueue_dma source(%dma_start3A_311 : memref<5000x128xf32, #tpu.memory_space<any>>) target(%dma_start3A_307 : memref<5000x128xf32, #tpu.memory_space<vmem>>) target_semaphore(%dma_start3A_303 : memref<!tpu.dma_semaphore, #tpu.memory_space<semaphore_mem>>)
    %dma_wait3A_312 = arith.constant 6 : i32
    %dma_wait3A_313 = arith.constant 2 : i32
    %dma_wait3A_314 = arith.constant 2 : i32
    %dma_wait3A_315 = tpu.memref_slice %arg5[%dma_wait3A_314] : memref<4x!tpu.dma_semaphore, #tpu.memory_space<semaphore_mem>> -> memref<1x!tpu.dma_semaphore, #tpu.memory_space<semaphore_mem>>
    %dma_wait3A_316 = tpu.memref_squeeze %dma_wait3A_315 : memref<1x!tpu.dma_semaphore, #tpu.memory_space<semaphore_mem>> -> memref<!tpu.dma_semaphore, #tpu.memory_space<semaphore_mem>>
    %dma_wait3A_317 = arith.constant 0 : i32
    %dma_wait3A_318 = arith.constant 0 : i32
    %dma_wait3A_319 = tpu.memref_slice %arg4[%dma_wait3A_313, %dma_wait3A_317, %dma_wait3A_318] : memref<4x5000x128xf32, #tpu.memory_space<vmem>> -> memref<1x5000x128xf32, #tpu.memory_space<vmem>>
    %dma_wait3A_320 = tpu.memref_squeeze %dma_wait3A_319 : memref<1x5000x128xf32, #tpu.memory_space<vmem>> -> memref<5000x128xf32, #tpu.memory_space<vmem>>
    %dma_wait3A_321 = arith.constant 0 : i32
    %dma_wait3A_322 = arith.constant 0 : i32
    %dma_wait3A_323 = tpu.memref_slice %arg2[%dma_wait3A_312, %dma_wait3A_321, %dma_wait3A_322] : memref<64x5000x128xf32, #tpu.memory_space<any>> -> memref<1x5000x128xf32, #tpu.memory_space<any>>
    %dma_wait3A_324 = tpu.memref_squeeze %dma_wait3A_323 : memref<1x5000x128xf32, #tpu.memory_space<any>> -> memref<5000x128xf32, #tpu.memory_space<any>>
    tpu.wait_dma2 semaphore(%dma_wait3A_316 : memref<!tpu.dma_semaphore, #tpu.memory_space<semaphore_mem>>) src(%dma_wait3A_324 : memref<5000x128xf32, #tpu.memory_space<any>>) dst(%dma_wait3A_320 : memref<5000x128xf32, #tpu.memory_space<vmem>>)
    %get3A_325 = arith.constant 0 : index
    %get3A_326 = arith.constant 0 : index
    %get3A_327 = vector.load %arg0[%get3A_325, %get3A_326] : memref<1x128xf32, #tpu.memory_space<vmem>>, vector<1x128xf32>
    %get3A_328 = arith.constant 2 : index
    %get3A_329 = arith.constant 0 : index
    %get3A_330 = arith.constant 0 : index
    %get3A_331 = vector.load %arg4[%get3A_328, %get3A_329, %get3A_330] : memref<4x5000x128xf32, #tpu.memory_space<vmem>>, vector<1x5000x128xf32>
    %get3A_332 = vector.shape_cast %get3A_331 : vector<1x5000x128xf32> to vector<5000x128xf32>
    %dot_general3A_333 = arith.constant dense<0.000000e+00> : vector<1x5000xf32>
    %dot_general3A_334 = tpu.matmul %get3A_327, %get3A_332, %dot_general3A_333 {dimension_numbers = #tpu.dot_dimension_numbers<[1], [1], [0], [0], [0, 0, 1, 0], [], []>, transpose_lhs_hint = false} : vector<1x128xf32>, vector<5000x128xf32>, vector<1x5000xf32> -> vector<1x5000xf32>
    %squeeze3A_335 = vector.shape_cast %dot_general3A_334 : vector<1x5000xf32> to vector<5000xf32>
    %add3A_336 = vector.broadcast %get3A_1 : f32 to vector<5000xf32>
    %add3A_337 = arith.addf %squeeze3A_335, %add3A_336 : vector<5000xf32>
    %swap3A_338 = arith.constant 6 : index
    %swap3A_339 = arith.constant 0 : index
    %swap3A_340 = vector.load %arg3[%swap3A_338, %swap3A_339] : memref<64x5000xf32, #tpu.memory_space<vmem>>, vector<1x5000xf32>
    %swap3A_341 = vector.shape_cast %swap3A_340 : vector<1x5000xf32> to vector<5000xf32>
    %swap3A_342 = vector.shape_cast %add3A_337 : vector<5000xf32> to vector<1x5000xf32>
    tpu.vector_store %arg3[%swap3A_338, %swap3A_339], %swap3A_342 {strides = array<i32>} : memref<64x5000xf32, #tpu.memory_space<vmem>>, vector<1x5000xf32>,
    %dma_start3A_343 = arith.constant 10 : i32
    %dma_start3A_344 = arith.constant 2 : i32
    %dma_start3A_345 = arith.constant 2 : i32
    %dma_start3A_346 = tpu.memref_slice %arg5[%dma_start3A_345] : memref<4x!tpu.dma_semaphore, #tpu.memory_space<semaphore_mem>> -> memref<1x!tpu.dma_semaphore, #tpu.memory_space<semaphore_mem>>
    %dma_start3A_347 = tpu.memref_squeeze %dma_start3A_346 : memref<1x!tpu.dma_semaphore, #tpu.memory_space<semaphore_mem>> -> memref<!tpu.dma_semaphore, #tpu.memory_space<semaphore_mem>>
    %dma_start3A_348 = arith.constant 0 : i32
    %dma_start3A_349 = arith.constant 0 : i32
    %dma_start3A_350 = tpu.memref_slice %arg4[%dma_start3A_344, %dma_start3A_348, %dma_start3A_349] : memref<4x5000x128xf32, #tpu.memory_space<vmem>> -> memref<1x5000x128xf32, #tpu.memory_space<vmem>>
    %dma_start3A_351 = tpu.memref_squeeze %dma_start3A_350 : memref<1x5000x128xf32, #tpu.memory_space<vmem>> -> memref<5000x128xf32, #tpu.memory_space<vmem>>
    %dma_start3A_352 = arith.constant 0 : i32
    %dma_start3A_353 = arith.constant 0 : i32
    %dma_start3A_354 = tpu.memref_slice %arg2[%dma_start3A_343, %dma_start3A_352, %dma_start3A_353] : memref<64x5000x128xf32, #tpu.memory_space<any>> -> memref<1x5000x128xf32, #tpu.memory_space<any>>
    %dma_start3A_355 = tpu.memref_squeeze %dma_start3A_354 : memref<1x5000x128xf32, #tpu.memory_space<any>> -> memref<5000x128xf32, #tpu.memory_space<any>>
    tpu.enqueue_dma source(%dma_start3A_355 : memref<5000x128xf32, #tpu.memory_space<any>>) target(%dma_start3A_351 : memref<5000x128xf32, #tpu.memory_space<vmem>>) target_semaphore(%dma_start3A_347 : memref<!tpu.dma_semaphore, #tpu.memory_space<semaphore_mem>>)
    %dma_wait3A_356 = arith.constant 7 : i32
    %dma_wait3A_357 = arith.constant 3 : i32
    %dma_wait3A_358 = arith.constant 3 : i32
    %dma_wait3A_359 = tpu.memref_slice %arg5[%dma_wait3A_358] : memref<4x!tpu.dma_semaphore, #tpu.memory_space<semaphore_mem>> -> memref<1x!tpu.dma_semaphore, #tpu.memory_space<semaphore_mem>>
    %dma_wait3A_360 = tpu.memref_squeeze %dma_wait3A_359 : memref<1x!tpu.dma_semaphore, #tpu.memory_space<semaphore_mem>> -> memref<!tpu.dma_semaphore, #tpu.memory_space<semaphore_mem>>
    %dma_wait3A_361 = arith.constant 0 : i32
    %dma_wait3A_362 = arith.constant 0 : i32
    %dma_wait3A_363 = tpu.memref_slice %arg4[%dma_wait3A_357, %dma_wait3A_361, %dma_wait3A_362] : memref<4x5000x128xf32, #tpu.memory_space<vmem>> -> memref<1x5000x128xf32, #tpu.memory_space<vmem>>
    %dma_wait3A_364 = tpu.memref_squeeze %dma_wait3A_363 : memref<1x5000x128xf32, #tpu.memory_space<vmem>> -> memref<5000x128xf32, #tpu.memory_space<vmem>>
    %dma_wait3A_365 = arith.constant 0 : i32
    %dma_wait3A_366 = arith.constant 0 : i32
    %dma_wait3A_367 = tpu.memref_slice %arg2[%dma_wait3A_356, %dma_wait3A_365, %dma_wait3A_366] : memref<64x5000x128xf32, #tpu.memory_space<any>> -> memref<1x5000x128xf32, #tpu.memory_space<any>>
    %dma_wait3A_368 = tpu.memref_squeeze %dma_wait3A_367 : memref<1x5000x128xf32, #tpu.memory_space<any>> -> memref<5000x128xf32, #tpu.memory_space<any>>
    tpu.wait_dma2 semaphore(%dma_wait3A_360 : memref<!tpu.dma_semaphore, #tpu.memory_space<semaphore_mem>>) src(%dma_wait3A_368 : memref<5000x128xf32, #tpu.memory_space<any>>) dst(%dma_wait3A_364 : memref<5000x128xf32, #tpu.memory_space<vmem>>)
    %get3A_369 = arith.constant 0 : index
    %get3A_370 = arith.constant 0 : index
    %get3A_371 = vector.load %arg0[%get3A_369, %get3A_370] : memref<1x128xf32, #tpu.memory_space<vmem>>, vector<1x128xf32>
    %get3A_372 = arith.constant 3 : index
    %get3A_373 = arith.constant 0 : index
    %get3A_374 = arith.constant 0 : index
    %get3A_375 = vector.load %arg4[%get3A_372, %get3A_373, %get3A_374] : memref<4x5000x128xf32, #tpu.memory_space<vmem>>, vector<1x5000x128xf32>
    %get3A_376 = vector.shape_cast %get3A_375 : vector<1x5000x128xf32> to vector<5000x128xf32>
    %dot_general3A_377 = arith.constant dense<0.000000e+00> : vector<1x5000xf32>
    %dot_general3A_378 = tpu.matmul %get3A_371, %get3A_376, %dot_general3A_377 {dimension_numbers = #tpu.dot_dimension_numbers<[1], [1], [0], [0], [0, 0, 1, 0], [], []>, transpose_lhs_hint = false} : vector<1x128xf32>, vector<5000x128xf32>, vector<1x5000xf32> -> vector<1x5000xf32>
    %squeeze3A_379 = vector.shape_cast %dot_general3A_378 : vector<1x5000xf32> to vector<5000xf32>
    %add3A_380 = vector.broadcast %get3A_1 : f32 to vector<5000xf32>
    %add3A_381 = arith.addf %squeeze3A_379, %add3A_380 : vector<5000xf32>
    %swap3A_382 = arith.constant 7 : index
    %swap3A_383 = arith.constant 0 : index
    %swap3A_384 = vector.load %arg3[%swap3A_382, %swap3A_383] : memref<64x5000xf32, #tpu.memory_space<vmem>>, vector<1x5000xf32>
    %swap3A_385 = vector.shape_cast %swap3A_384 : vector<1x5000xf32> to vector<5000xf32>
    %swap3A_386 = vector.shape_cast %add3A_381 : vector<5000xf32> to vector<1x5000xf32>
    tpu.vector_store %arg3[%swap3A_382, %swap3A_383], %swap3A_386 {strides = array<i32>} : memref<64x5000xf32, #tpu.memory_space<vmem>>, vector<1x5000xf32>,
    %dma_start3A_387 = arith.constant 11 : i32
    %dma_start3A_388 = arith.constant 3 : i32
    %dma_start3A_389 = arith.constant 3 : i32
    %dma_start3A_390 = tpu.memref_slice %arg5[%dma_start3A_389] : memref<4x!tpu.dma_semaphore, #tpu.memory_space<semaphore_mem>> -> memref<1x!tpu.dma_semaphore, #tpu.memory_space<semaphore_mem>>
    %dma_start3A_391 = tpu.memref_squeeze %dma_start3A_390 : memref<1x!tpu.dma_semaphore, #tpu.memory_space<semaphore_mem>> -> memref<!tpu.dma_semaphore, #tpu.memory_space<semaphore_mem>>
    %dma_start3A_392 = arith.constant 0 : i32
    %dma_start3A_393 = arith.constant 0 : i32
    %dma_start3A_394 = tpu.memref_slice %arg4[%dma_start3A_388, %dma_start3A_392, %dma_start3A_393] : memref<4x5000x128xf32, #tpu.memory_space<vmem>> -> memref<1x5000x128xf32, #tpu.memory_space<vmem>>
    %dma_start3A_395 = tpu.memref_squeeze %dma_start3A_394 : memref<1x5000x128xf32, #tpu.memory_space<vmem>> -> memref<5000x128xf32, #tpu.memory_space<vmem>>
    %dma_start3A_396 = arith.constant 0 : i32
    %dma_start3A_397 = arith.constant 0 : i32
    %dma_start3A_398 = tpu.memref_slice %arg2[%dma_start3A_387, %dma_start3A_396, %dma_start3A_397] : memref<64x5000x128xf32, #tpu.memory_space<any>> -> memref<1x5000x128xf32, #tpu.memory_space<any>>
    %dma_start3A_399 = tpu.memref_squeeze %dma_start3A_398 : memref<1x5000x128xf32, #tpu.memory_space<any>> -> memref<5000x128xf32, #tpu.memory_space<any>>
    tpu.enqueue_dma source(%dma_start3A_399 : memref<5000x128xf32, #tpu.memory_space<any>>) target(%dma_start3A_395 : memref<5000x128xf32, #tpu.memory_space<vmem>>) target_semaphore(%dma_start3A_391 : memref<!tpu.dma_semaphore, #tpu.memory_space<semaphore_mem>>)
    %dma_wait3A_400 = arith.constant 8 : i32
    %dma_wait3A_401 = arith.constant 0 : i32
    %dma_wait3A_402 = arith.constant 0 : i32
    %dma_wait3A_403 = tpu.memref_slice %arg5[%dma_wait3A_402] : memref<4x!tpu.dma_semaphore, #tpu.memory_space<semaphore_mem>> -> memref<1x!tpu.dma_semaphore, #tpu.memory_space<semaphore_mem>>
    %dma_wait3A_404 = tpu.memref_squeeze %dma_wait3A_403 : memref<1x!tpu.dma_semaphore, #tpu.memory_space<semaphore_mem>> -> memref<!tpu.dma_semaphore, #tpu.memory_space<semaphore_mem>>
    %dma_wait3A_405 = arith.constant 0 : i32
    %dma_wait3A_406 = arith.constant 0 : i32
    %dma_wait3A_407 = tpu.memref_slice %arg4[%dma_wait3A_401, %dma_wait3A_405, %dma_wait3A_406] : memref<4x5000x128xf32, #tpu.memory_space<vmem>> -> memref<1x5000x128xf32, #tpu.memory_space<vmem>>
    %dma_wait3A_408 = tpu.memref_squeeze %dma_wait3A_407 : memref<1x5000x128xf32, #tpu.memory_space<vmem>> -> memref<5000x128xf32, #tpu.memory_space<vmem>>
    %dma_wait3A_409 = arith.constant 0 : i32
    %dma_wait3A_410 = arith.constant 0 : i32
    %dma_wait3A_411 = tpu.memref_slice %arg2[%dma_wait3A_400, %dma_wait3A_409, %dma_wait3A_410] : memref<64x5000x128xf32, #tpu.memory_space<any>> -> memref<1x5000x128xf32, #tpu.memory_space<any>>
    %dma_wait3A_412 = tpu.memref_squeeze %dma_wait3A_411 : memref<1x5000x128xf32, #tpu.memory_space<any>> -> memref<5000x128xf32, #tpu.memory_space<any>>
    tpu.wait_dma2 semaphore(%dma_wait3A_404 : memref<!tpu.dma_semaphore, #tpu.memory_space<semaphore_mem>>) src(%dma_wait3A_412 : memref<5000x128xf32, #tpu.memory_space<any>>) dst(%dma_wait3A_408 : memref<5000x128xf32, #tpu.memory_space<vmem>>)
    %get3A_413 = arith.constant 0 : index
    %get3A_414 = arith.constant 0 : index
    %get3A_415 = vector.load %arg0[%get3A_413, %get3A_414] : memref<1x128xf32, #tpu.memory_space<vmem>>, vector<1x128xf32>
    %get3A_416 = arith.constant 0 : index
    %get3A_417 = arith.constant 0 : index
    %get3A_418 = arith.constant 0 : index
    %get3A_419 = vector.load %arg4[%get3A_416, %get3A_417, %get3A_418] : memref<4x5000x128xf32, #tpu.memory_space<vmem>>, vector<1x5000x128xf32>
    %get3A_420 = vector.shape_cast %get3A_419 : vector<1x5000x128xf32> to vector<5000x128xf32>
    %dot_general3A_421 = arith.constant dense<0.000000e+00> : vector<1x5000xf32>
    %dot_general3A_422 = tpu.matmul %get3A_415, %get3A_420, %dot_general3A_421 {dimension_numbers = #tpu.dot_dimension_numbers<[1], [1], [0], [0], [0, 0, 1, 0], [], []>, transpose_lhs_hint = false} : vector<1x128xf32>, vector<5000x128xf32>, vector<1x5000xf32> -> vector<1x5000xf32>
    %squeeze3A_423 = vector.shape_cast %dot_general3A_422 : vector<1x5000xf32> to vector<5000xf32>
    %add3A_424 = vector.broadcast %get3A_1 : f32 to vector<5000xf32>
    %add3A_425 = arith.addf %squeeze3A_423, %add3A_424 : vector<5000xf32>
    %swap3A_426 = arith.constant 8 : index
    %swap3A_427 = arith.constant 0 : index
    %swap3A_428 = vector.load %arg3[%swap3A_426, %swap3A_427] : memref<64x5000xf32, #tpu.memory_space<vmem>>, vector<1x5000xf32>
    %swap3A_429 = vector.shape_cast %swap3A_428 : vector<1x5000xf32> to vector<5000xf32>
    %swap3A_430 = vector.shape_cast %add3A_425 : vector<5000xf32> to vector<1x5000xf32>
    tpu.vector_store %arg3[%swap3A_426, %swap3A_427], %swap3A_430 {strides = array<i32>} : memref<64x5000xf32, #tpu.memory_space<vmem>>, vector<1x5000xf32>,
    %dma_start3A_431 = arith.constant 12 : i32
    %dma_start3A_432 = arith.constant 0 : i32
    %dma_start3A_433 = arith.constant 0 : i32
    %dma_start3A_434 = tpu.memref_slice %arg5[%dma_start3A_433] : memref<4x!tpu.dma_semaphore, #tpu.memory_space<semaphore_mem>> -> memref<1x!tpu.dma_semaphore, #tpu.memory_space<semaphore_mem>>
    %dma_start3A_435 = tpu.memref_squeeze %dma_start3A_434 : memref<1x!tpu.dma_semaphore, #tpu.memory_space<semaphore_mem>> -> memref<!tpu.dma_semaphore, #tpu.memory_space<semaphore_mem>>
    %dma_start3A_436 = arith.constant 0 : i32
    %dma_start3A_437 = arith.constant 0 : i32
    %dma_start3A_438 = tpu.memref_slice %arg4[%dma_start3A_432, %dma_start3A_436, %dma_start3A_437] : memref<4x5000x128xf32, #tpu.memory_space<vmem>> -> memref<1x5000x128xf32, #tpu.memory_space<vmem>>
    %dma_start3A_439 = tpu.memref_squeeze %dma_start3A_438 : memref<1x5000x128xf32, #tpu.memory_space<vmem>> -> memref<5000x128xf32, #tpu.memory_space<vmem>>
    %dma_start3A_440 = arith.constant 0 : i32
    %dma_start3A_441 = arith.constant 0 : i32
    %dma_start3A_442 = tpu.memref_slice %arg2[%dma_start3A_431, %dma_start3A_440, %dma_start3A_441] : memref<64x5000x128xf32, #tpu.memory_space<any>> -> memref<1x5000x128xf32, #tpu.memory_space<any>>
    %dma_start3A_443 = tpu.memref_squeeze %dma_start3A_442 : memref<1x5000x128xf32, #tpu.memory_space<any>> -> memref<5000x128xf32, #tpu.memory_space<any>>
    tpu.enqueue_dma source(%dma_start3A_443 : memref<5000x128xf32, #tpu.memory_space<any>>) target(%dma_start3A_439 : memref<5000x128xf32, #tpu.memory_space<vmem>>) target_semaphore(%dma_start3A_435 : memref<!tpu.dma_semaphore, #tpu.memory_space<semaphore_mem>>)
    %dma_wait3A_444 = arith.constant 9 : i32
    %dma_wait3A_445 = arith.constant 1 : i32
    %dma_wait3A_446 = arith.constant 1 : i32
    %dma_wait3A_447 = tpu.memref_slice %arg5[%dma_wait3A_446] : memref<4x!tpu.dma_semaphore, #tpu.memory_space<semaphore_mem>> -> memref<1x!tpu.dma_semaphore, #tpu.memory_space<semaphore_mem>>
    %dma_wait3A_448 = tpu.memref_squeeze %dma_wait3A_447 : memref<1x!tpu.dma_semaphore, #tpu.memory_space<semaphore_mem>> -> memref<!tpu.dma_semaphore, #tpu.memory_space<semaphore_mem>>
    %dma_wait3A_449 = arith.constant 0 : i32
    %dma_wait3A_450 = arith.constant 0 : i32
    %dma_wait3A_451 = tpu.memref_slice %arg4[%dma_wait3A_445, %dma_wait3A_449, %dma_wait3A_450] : memref<4x5000x128xf32, #tpu.memory_space<vmem>> -> memref<1x5000x128xf32, #tpu.memory_space<vmem>>
    %dma_wait3A_452 = tpu.memref_squeeze %dma_wait3A_451 : memref<1x5000x128xf32, #tpu.memory_space<vmem>> -> memref<5000x128xf32, #tpu.memory_space<vmem>>
    %dma_wait3A_453 = arith.constant 0 : i32
    %dma_wait3A_454 = arith.constant 0 : i32
    %dma_wait3A_455 = tpu.memref_slice %arg2[%dma_wait3A_444, %dma_wait3A_453, %dma_wait3A_454] : memref<64x5000x128xf32, #tpu.memory_space<any>> -> memref<1x5000x128xf32, #tpu.memory_space<any>>
    %dma_wait3A_456 = tpu.memref_squeeze %dma_wait3A_455 : memref<1x5000x128xf32, #tpu.memory_space<any>> -> memref<5000x128xf32, #tpu.memory_space<any>>
    tpu.wait_dma2 semaphore(%dma_wait3A_448 : memref<!tpu.dma_semaphore, #tpu.memory_space<semaphore_mem>>) src(%dma_wait3A_456 : memref<5000x128xf32, #tpu.memory_space<any>>) dst(%dma_wait3A_452 : memref<5000x128xf32, #tpu.memory_space<vmem>>)
    %get3A_457 = arith.constant 0 : index
    %get3A_458 = arith.constant 0 : index
    %get3A_459 = vector.load %arg0[%get3A_457, %get3A_458] : memref<1x128xf32, #tpu.memory_space<vmem>>, vector<1x128xf32>
    %get3A_460 = arith.constant 1 : index
    %get3A_461 = arith.constant 0 : index
    %get3A_462 = arith.constant 0 : index
    %get3A_463 = vector.load %arg4[%get3A_460, %get3A_461, %get3A_462] : memref<4x5000x128xf32, #tpu.memory_space<vmem>>, vector<1x5000x128xf32>
    %get3A_464 = vector.shape_cast %get3A_463 : vector<1x5000x128xf32> to vector<5000x128xf32>
    %dot_general3A_465 = arith.constant dense<0.000000e+00> : vector<1x5000xf32>
    %dot_general3A_466 = tpu.matmul %get3A_459, %get3A_464, %dot_general3A_465 {dimension_numbers = #tpu.dot_dimension_numbers<[1], [1], [0], [0], [0, 0, 1, 0], [], []>, transpose_lhs_hint = false} : vector<1x128xf32>, vector<5000x128xf32>, vector<1x5000xf32> -> vector<1x5000xf32>
    %squeeze3A_467 = vector.shape_cast %dot_general3A_466 : vector<1x5000xf32> to vector<5000xf32>
    %add3A_468 = vector.broadcast %get3A_1 : f32 to vector<5000xf32>
    %add3A_469 = arith.addf %squeeze3A_467, %add3A_468 : vector<5000xf32>
    %swap3A_470 = arith.constant 9 : index
    %swap3A_471 = arith.constant 0 : index
    %swap3A_472 = vector.load %arg3[%swap3A_470, %swap3A_471] : memref<64x5000xf32, #tpu.memory_space<vmem>>, vector<1x5000xf32>
    %swap3A_473 = vector.shape_cast %swap3A_472 : vector<1x5000xf32> to vector<5000xf32>
    %swap3A_474 = vector.shape_cast %add3A_469 : vector<5000xf32> to vector<1x5000xf32>
    tpu.vector_store %arg3[%swap3A_470, %swap3A_471], %swap3A_474 {strides = array<i32>} : memref<64x5000xf32, #tpu.memory_space<vmem>>, vector<1x5000xf32>,
    %dma_start3A_475 = arith.constant 13 : i32
    %dma_start3A_476 = arith.constant 1 : i32
    %dma_start3A_477 = arith.constant 1 : i32
    %dma_start3A_478 = tpu.memref_slice %arg5[%dma_start3A_477] : memref<4x!tpu.dma_semaphore, #tpu.memory_space<semaphore_mem>> -> memref<1x!tpu.dma_semaphore, #tpu.memory_space<semaphore_mem>>
    %dma_start3A_479 = tpu.memref_squeeze %dma_start3A_478 : memref<1x!tpu.dma_semaphore, #tpu.memory_space<semaphore_mem>> -> memref<!tpu.dma_semaphore, #tpu.memory_space<semaphore_mem>>
    %dma_start3A_480 = arith.constant 0 : i32
    %dma_start3A_481 = arith.constant 0 : i32
    %dma_start3A_482 = tpu.memref_slice %arg4[%dma_start3A_476, %dma_start3A_480, %dma_start3A_481] : memref<4x5000x128xf32, #tpu.memory_space<vmem>> -> memref<1x5000x128xf32, #tpu.memory_space<vmem>>
    %dma_start3A_483 = tpu.memref_squeeze %dma_start3A_482 : memref<1x5000x128xf32, #tpu.memory_space<vmem>> -> memref<5000x128xf32, #tpu.memory_space<vmem>>
    %dma_start3A_484 = arith.constant 0 : i32
    %dma_start3A_485 = arith.constant 0 : i32
    %dma_start3A_486 = tpu.memref_slice %arg2[%dma_start3A_475, %dma_start3A_484, %dma_start3A_485] : memref<64x5000x128xf32, #tpu.memory_space<any>> -> memref<1x5000x128xf32, #tpu.memory_space<any>>
    %dma_start3A_487 = tpu.memref_squeeze %dma_start3A_486 : memref<1x5000x128xf32, #tpu.memory_space<any>> -> memref<5000x128xf32, #tpu.memory_space<any>>
    tpu.enqueue_dma source(%dma_start3A_487 : memref<5000x128xf32, #tpu.memory_space<any>>) target(%dma_start3A_483 : memref<5000x128xf32, #tpu.memory_space<vmem>>) target_semaphore(%dma_start3A_479 : memref<!tpu.dma_semaphore, #tpu.memory_space<semaphore_mem>>)
    %dma_wait3A_488 = arith.constant 10 : i32
    %dma_wait3A_489 = arith.constant 2 : i32
    %dma_wait3A_490 = arith.constant 2 : i32
    %dma_wait3A_491 = tpu.memref_slice %arg5[%dma_wait3A_490] : memref<4x!tpu.dma_semaphore, #tpu.memory_space<semaphore_mem>> -> memref<1x!tpu.dma_semaphore, #tpu.memory_space<semaphore_mem>>
    %dma_wait3A_492 = tpu.memref_squeeze %dma_wait3A_491 : memref<1x!tpu.dma_semaphore, #tpu.memory_space<semaphore_mem>> -> memref<!tpu.dma_semaphore, #tpu.memory_space<semaphore_mem>>
    %dma_wait3A_493 = arith.constant 0 : i32
    %dma_wait3A_494 = arith.constant 0 : i32
    %dma_wait3A_495 = tpu.memref_slice %arg4[%dma_wait3A_489, %dma_wait3A_493, %dma_wait3A_494] : memref<4x5000x128xf32, #tpu.memory_space<vmem>> -> memref<1x5000x128xf32, #tpu.memory_space<vmem>>
    %dma_wait3A_496 = tpu.memref_squeeze %dma_wait3A_495 : memref<1x5000x128xf32, #tpu.memory_space<vmem>> -> memref<5000x128xf32, #tpu.memory_space<vmem>>
    %dma_wait3A_497 = arith.constant 0 : i32
    %dma_wait3A_498 = arith.constant 0 : i32
    %dma_wait3A_499 = tpu.memref_slice %arg2[%dma_wait3A_488, %dma_wait3A_497, %dma_wait3A_498] : memref<64x5000x128xf32, #tpu.memory_space<any>> -> memref<1x5000x128xf32, #tpu.memory_space<any>>
    %dma_wait3A_500 = tpu.memref_squeeze %dma_wait3A_499 : memref<1x5000x128xf32, #tpu.memory_space<any>> -> memref<5000x128xf32, #tpu.memory_space<any>>
    tpu.wait_dma2 semaphore(%dma_wait3A_492 : memref<!tpu.dma_semaphore, #tpu.memory_space<semaphore_mem>>) src(%dma_wait3A_500 : memref<5000x128xf32, #tpu.memory_space<any>>) dst(%dma_wait3A_496 : memref<5000x128xf32, #tpu.memory_space<vmem>>)
    %get3A_501 = arith.constant 0 : index
    %get3A_502 = arith.constant 0 : index
    %get3A_503 = vector.load %arg0[%get3A_501, %get3A_502] : memref<1x128xf32, #tpu.memory_space<vmem>>, vector<1x128xf32>
    %get3A_504 = arith.constant 2 : index
    %get3A_505 = arith.constant 0 : index
    %get3A_506 = arith.constant 0 : index
    %get3A_507 = vector.load %arg4[%get3A_504, %get3A_505, %get3A_506] : memref<4x5000x128xf32, #tpu.memory_space<vmem>>, vector<1x5000x128xf32>
    %get3A_508 = vector.shape_cast %get3A_507 : vector<1x5000x128xf32> to vector<5000x128xf32>
    %dot_general3A_509 = arith.constant dense<0.000000e+00> : vector<1x5000xf32>
    %dot_general3A_510 = tpu.matmul %get3A_503, %get3A_508, %dot_general3A_509 {dimension_numbers = #tpu.dot_dimension_numbers<[1], [1], [0], [0], [0, 0, 1, 0], [], []>, transpose_lhs_hint = false} : vector<1x128xf32>, vector<5000x128xf32>, vector<1x5000xf32> -> vector<1x5000xf32>
    %squeeze3A_511 = vector.shape_cast %dot_general3A_510 : vector<1x5000xf32> to vector<5000xf32>
    %add3A_512 = vector.broadcast %get3A_1 : f32 to vector<5000xf32>
    %add3A_513 = arith.addf %squeeze3A_511, %add3A_512 : vector<5000xf32>
    %swap3A_514 = arith.constant 10 : index
    %swap3A_515 = arith.constant 0 : index
    %swap3A_516 = vector.load %arg3[%swap3A_514, %swap3A_515] : memref<64x5000xf32, #tpu.memory_space<vmem>>, vector<1x5000xf32>
    %swap3A_517 = vector.shape_cast %swap3A_516 : vector<1x5000xf32> to vector<5000xf32>
    %swap3A_518 = vector.shape_cast %add3A_513 : vector<5000xf32> to vector<1x5000xf32>
    tpu.vector_store %arg3[%swap3A_514, %swap3A_515], %swap3A_518 {strides = array<i32>} : memref<64x5000xf32, #tpu.memory_space<vmem>>, vector<1x5000xf32>,
    %dma_start3A_519 = arith.constant 14 : i32
    %dma_start3A_520 = arith.constant 2 : i32
    %dma_start3A_521 = arith.constant 2 : i32
    %dma_start3A_522 = tpu.memref_slice %arg5[%dma_start3A_521] : memref<4x!tpu.dma_semaphore, #tpu.memory_space<semaphore_mem>> -> memref<1x!tpu.dma_semaphore, #tpu.memory_space<semaphore_mem>>
    %dma_start3A_523 = tpu.memref_squeeze %dma_start3A_522 : memref<1x!tpu.dma_semaphore, #tpu.memory_space<semaphore_mem>> -> memref<!tpu.dma_semaphore, #tpu.memory_space<semaphore_mem>>
    %dma_start3A_524 = arith.constant 0 : i32
    %dma_start3A_525 = arith.constant 0 : i32
    %dma_start3A_526 = tpu.memref_slice %arg4[%dma_start3A_520, %dma_start3A_524, %dma_start3A_525] : memref<4x5000x128xf32, #tpu.memory_space<vmem>> -> memref<1x5000x128xf32, #tpu.memory_space<vmem>>
    %dma_start3A_527 = tpu.memref_squeeze %dma_start3A_526 : memref<1x5000x128xf32, #tpu.memory_space<vmem>> -> memref<5000x128xf32, #tpu.memory_space<vmem>>
    %dma_start3A_528 = arith.constant 0 : i32
    %dma_start3A_529 = arith.constant 0 : i32
    %dma_start3A_530 = tpu.memref_slice %arg2[%dma_start3A_519, %dma_start3A_528, %dma_start3A_529] : memref<64x5000x128xf32, #tpu.memory_space<any>> -> memref<1x5000x128xf32, #tpu.memory_space<any>>
    %dma_start3A_531 = tpu.memref_squeeze %dma_start3A_530 : memref<1x5000x128xf32, #tpu.memory_space<any>> -> memref<5000x128xf32, #tpu.memory_space<any>>
    tpu.enqueue_dma source(%dma_start3A_531 : memref<5000x128xf32, #tpu.memory_space<any>>) target(%dma_start3A_527 : memref<5000x128xf32, #tpu.memory_space<vmem>>) target_semaphore(%dma_start3A_523 : memref<!tpu.dma_semaphore, #tpu.memory_space<semaphore_mem>>)
    %dma_wait3A_532 = arith.constant 11 : i32
    %dma_wait3A_533 = arith.constant 3 : i32
    %dma_wait3A_534 = arith.constant 3 : i32
    %dma_wait3A_535 = tpu.memref_slice %arg5[%dma_wait3A_534] : memref<4x!tpu.dma_semaphore, #tpu.memory_space<semaphore_mem>> -> memref<1x!tpu.dma_semaphore, #tpu.memory_space<semaphore_mem>>
    %dma_wait3A_536 = tpu.memref_squeeze %dma_wait3A_535 : memref<1x!tpu.dma_semaphore, #tpu.memory_space<semaphore_mem>> -> memref<!tpu.dma_semaphore, #tpu.memory_space<semaphore_mem>>
    %dma_wait3A_537 = arith.constant 0 : i32
    %dma_wait3A_538 = arith.constant 0 : i32
    %dma_wait3A_539 = tpu.memref_slice %arg4[%dma_wait3A_533, %dma_wait3A_537, %dma_wait3A_538] : memref<4x5000x128xf32, #tpu.memory_space<vmem>> -> memref<1x5000x128xf32, #tpu.memory_space<vmem>>
    %dma_wait3A_540 = tpu.memref_squeeze %dma_wait3A_539 : memref<1x5000x128xf32, #tpu.memory_space<vmem>> -> memref<5000x128xf32, #tpu.memory_space<vmem>>
    %dma_wait3A_541 = arith.constant 0 : i32
    %dma_wait3A_542 = arith.constant 0 : i32
    %dma_wait3A_543 = tpu.memref_slice %arg2[%dma_wait3A_532, %dma_wait3A_541, %dma_wait3A_542] : memref<64x5000x128xf32, #tpu.memory_space<any>> -> memref<1x5000x128xf32, #tpu.memory_space<any>>
    %dma_wait3A_544 = tpu.memref_squeeze %dma_wait3A_543 : memref<1x5000x128xf32, #tpu.memory_space<any>> -> memref<5000x128xf32, #tpu.memory_space<any>>
    tpu.wait_dma2 semaphore(%dma_wait3A_536 : memref<!tpu.dma_semaphore, #tpu.memory_space<semaphore_mem>>) src(%dma_wait3A_544 : memref<5000x128xf32, #tpu.memory_space<any>>) dst(%dma_wait3A_540 : memref<5000x128xf32, #tpu.memory_space<vmem>>)
    %get3A_545 = arith.constant 0 : index
    %get3A_546 = arith.constant 0 : index
    %get3A_547 = vector.load %arg0[%get3A_545, %get3A_546] : memref<1x128xf32, #tpu.memory_space<vmem>>, vector<1x128xf32>
    %get3A_548 = arith.constant 3 : index
    %get3A_549 = arith.constant 0 : index
    %get3A_550 = arith.constant 0 : index
    %get3A_551 = vector.load %arg4[%get3A_548, %get3A_549, %get3A_550] : memref<4x5000x128xf32, #tpu.memory_space<vmem>>, vector<1x5000x128xf32>
    %get3A_552 = vector.shape_cast %get3A_551 : vector<1x5000x128xf32> to vector<5000x128xf32>
    %dot_general3A_553 = arith.constant dense<0.000000e+00> : vector<1x5000xf32>
    %dot_general3A_554 = tpu.matmul %get3A_547, %get3A_552, %dot_general3A_553 {dimension_numbers = #tpu.dot_dimension_numbers<[1], [1], [0], [0], [0, 0, 1, 0], [], []>, transpose_lhs_hint = false} : vector<1x128xf32>, vector<5000x128xf32>, vector<1x5000xf32> -> vector<1x5000xf32>
    %squeeze3A_555 = vector.shape_cast %dot_general3A_554 : vector<1x5000xf32> to vector<5000xf32>
    %add3A_556 = vector.broadcast %get3A_1 : f32 to vector<5000xf32>
    %add3A_557 = arith.addf %squeeze3A_555, %add3A_556 : vector<5000xf32>
    %swap3A_558 = arith.constant 11 : index
    %swap3A_559 = arith.constant 0 : index
    %swap3A_560 = vector.load %arg3[%swap3A_558, %swap3A_559] : memref<64x5000xf32, #tpu.memory_space<vmem>>, vector<1x5000xf32>
    %swap3A_561 = vector.shape_cast %swap3A_560 : vector<1x5000xf32> to vector<5000xf32>
    %swap3A_562 = vector.shape_cast %add3A_557 : vector<5000xf32> to vector<1x5000xf32>
    tpu.vector_store %arg3[%swap3A_558, %swap3A_559], %swap3A_562 {strides = array<i32>} : memref<64x5000xf32, #tpu.memory_space<vmem>>, vector<1x5000xf32>,
    %dma_start3A_563 = arith.constant 15 : i32
    %dma_start3A_564 = arith.constant 3 : i32
    %dma_start3A_565 = arith.constant 3 : i32
    %dma_start3A_566 = tpu.memref_slice %arg5[%dma_start3A_565] : memref<4x!tpu.dma_semaphore, #tpu.memory_space<semaphore_mem>> -> memref<1x!tpu.dma_semaphore, #tpu.memory_space<semaphore_mem>>
    %dma_start3A_567 = tpu.memref_squeeze %dma_start3A_566 : memref<1x!tpu.dma_semaphore, #tpu.memory_space<semaphore_mem>> -> memref<!tpu.dma_semaphore, #tpu.memory_space<semaphore_mem>>
    %dma_start3A_568 = arith.constant 0 : i32
    %dma_start3A_569 = arith.constant 0 : i32
    %dma_start3A_570 = tpu.memref_slice %arg4[%dma_start3A_564, %dma_start3A_568, %dma_start3A_569] : memref<4x5000x128xf32, #tpu.memory_space<vmem>> -> memref<1x5000x128xf32, #tpu.memory_space<vmem>>
    %dma_start3A_571 = tpu.memref_squeeze %dma_start3A_570 : memref<1x5000x128xf32, #tpu.memory_space<vmem>> -> memref<5000x128xf32, #tpu.memory_space<vmem>>
    %dma_start3A_572 = arith.constant 0 : i32
    %dma_start3A_573 = arith.constant 0 : i32
    %dma_start3A_574 = tpu.memref_slice %arg2[%dma_start3A_563, %dma_start3A_572, %dma_start3A_573] : memref<64x5000x128xf32, #tpu.memory_space<any>> -> memref<1x5000x128xf32, #tpu.memory_space<any>>
    %dma_start3A_575 = tpu.memref_squeeze %dma_start3A_574 : memref<1x5000x128xf32, #tpu.memory_space<any>> -> memref<5000x128xf32, #tpu.memory_space<any>>
    tpu.enqueue_dma source(%dma_start3A_575 : memref<5000x128xf32, #tpu.memory_space<any>>) target(%dma_start3A_571 : memref<5000x128xf32, #tpu.memory_space<vmem>>) target_semaphore(%dma_start3A_567 : memref<!tpu.dma_semaphore, #tpu.memory_space<semaphore_mem>>)
    %dma_wait3A_576 = arith.constant 12 : i32
    %dma_wait3A_577 = arith.constant 0 : i32
    %dma_wait3A_578 = arith.constant 0 : i32
    %dma_wait3A_579 = tpu.memref_slice %arg5[%dma_wait3A_578] : memref<4x!tpu.dma_semaphore, #tpu.memory_space<semaphore_mem>> -> memref<1x!tpu.dma_semaphore, #tpu.memory_space<semaphore_mem>>
    %dma_wait3A_580 = tpu.memref_squeeze %dma_wait3A_579 : memref<1x!tpu.dma_semaphore, #tpu.memory_space<semaphore_mem>> -> memref<!tpu.dma_semaphore, #tpu.memory_space<semaphore_mem>>
    %dma_wait3A_581 = arith.constant 0 : i32
    %dma_wait3A_582 = arith.constant 0 : i32
    %dma_wait3A_583 = tpu.memref_slice %arg4[%dma_wait3A_577, %dma_wait3A_581, %dma_wait3A_582] : memref<4x5000x128xf32, #tpu.memory_space<vmem>> -> memref<1x5000x128xf32, #tpu.memory_space<vmem>>
    %dma_wait3A_584 = tpu.memref_squeeze %dma_wait3A_583 : memref<1x5000x128xf32, #tpu.memory_space<vmem>> -> memref<5000x128xf32, #tpu.memory_space<vmem>>
    %dma_wait3A_585 = arith.constant 0 : i32
    %dma_wait3A_586 = arith.constant 0 : i32
    %dma_wait3A_587 = tpu.memref_slice %arg2[%dma_wait3A_576, %dma_wait3A_585, %dma_wait3A_586] : memref<64x5000x128xf32, #tpu.memory_space<any>> -> memref<1x5000x128xf32, #tpu.memory_space<any>>
    %dma_wait3A_588 = tpu.memref_squeeze %dma_wait3A_587 : memref<1x5000x128xf32, #tpu.memory_space<any>> -> memref<5000x128xf32, #tpu.memory_space<any>>
    tpu.wait_dma2 semaphore(%dma_wait3A_580 : memref<!tpu.dma_semaphore, #tpu.memory_space<semaphore_mem>>) src(%dma_wait3A_588 : memref<5000x128xf32, #tpu.memory_space<any>>) dst(%dma_wait3A_584 : memref<5000x128xf32, #tpu.memory_space<vmem>>)
    %get3A_589 = arith.constant 0 : index
    %get3A_590 = arith.constant 0 : index
    %get3A_591 = vector.load %arg0[%get3A_589, %get3A_590] : memref<1x128xf32, #tpu.memory_space<vmem>>, vector<1x128xf32>
    %get3A_592 = arith.constant 0 : index
    %get3A_593 = arith.constant 0 : index
    %get3A_594 = arith.constant 0 : index
    %get3A_595 = vector.load %arg4[%get3A_592, %get3A_593, %get3A_594] : memref<4x5000x128xf32, #tpu.memory_space<vmem>>, vector<1x5000x128xf32>
    %get3A_596 = vector.shape_cast %get3A_595 : vector<1x5000x128xf32> to vector<5000x128xf32>
    %dot_general3A_597 = arith.constant dense<0.000000e+00> : vector<1x5000xf32>
    %dot_general3A_598 = tpu.matmul %get3A_591, %get3A_596, %dot_general3A_597 {dimension_numbers = #tpu.dot_dimension_numbers<[1], [1], [0], [0], [0, 0, 1, 0], [], []>, transpose_lhs_hint = false} : vector<1x128xf32>, vector<5000x128xf32>, vector<1x5000xf32> -> vector<1x5000xf32>
    %squeeze3A_599 = vector.shape_cast %dot_general3A_598 : vector<1x5000xf32> to vector<5000xf32>
    %add3A_600 = vector.broadcast %get3A_1 : f32 to vector<5000xf32>
    %add3A_601 = arith.addf %squeeze3A_599, %add3A_600 : vector<5000xf32>
    %swap3A_602 = arith.constant 12 : index
    %swap3A_603 = arith.constant 0 : index
    %swap3A_604 = vector.load %arg3[%swap3A_602, %swap3A_603] : memref<64x5000xf32, #tpu.memory_space<vmem>>, vector<1x5000xf32>
    %swap3A_605 = vector.shape_cast %swap3A_604 : vector<1x5000xf32> to vector<5000xf32>
    %swap3A_606 = vector.shape_cast %add3A_601 : vector<5000xf32> to vector<1x5000xf32>
    tpu.vector_store %arg3[%swap3A_602, %swap3A_603], %swap3A_606 {strides = array<i32>} : memref<64x5000xf32, #tpu.memory_space<vmem>>, vector<1x5000xf32>,
    %dma_start3A_607 = arith.constant 16 : i32
    %dma_start3A_608 = arith.constant 0 : i32
    %dma_start3A_609 = arith.constant 0 : i32
    %dma_start3A_610 = tpu.memref_slice %arg5[%dma_start3A_609] : memref<4x!tpu.dma_semaphore, #tpu.memory_space<semaphore_mem>> -> memref<1x!tpu.dma_semaphore, #tpu.memory_space<semaphore_mem>>
    %dma_start3A_611 = tpu.memref_squeeze %dma_start3A_610 : memref<1x!tpu.dma_semaphore, #tpu.memory_space<semaphore_mem>> -> memref<!tpu.dma_semaphore, #tpu.memory_space<semaphore_mem>>
    %dma_start3A_612 = arith.constant 0 : i32
    %dma_start3A_613 = arith.constant 0 : i32
    %dma_start3A_614 = tpu.memref_slice %arg4[%dma_start3A_608, %dma_start3A_612, %dma_start3A_613] : memref<4x5000x128xf32, #tpu.memory_space<vmem>> -> memref<1x5000x128xf32, #tpu.memory_space<vmem>>
    %dma_start3A_615 = tpu.memref_squeeze %dma_start3A_614 : memref<1x5000x128xf32, #tpu.memory_space<vmem>> -> memref<5000x128xf32, #tpu.memory_space<vmem>>
    %dma_start3A_616 = arith.constant 0 : i32
    %dma_start3A_617 = arith.constant 0 : i32
    %dma_start3A_618 = tpu.memref_slice %arg2[%dma_start3A_607, %dma_start3A_616, %dma_start3A_617] : memref<64x5000x128xf32, #tpu.memory_space<any>> -> memref<1x5000x128xf32, #tpu.memory_space<any>>
    %dma_start3A_619 = tpu.memref_squeeze %dma_start3A_618 : memref<1x5000x128xf32, #tpu.memory_space<any>> -> memref<5000x128xf32, #tpu.memory_space<any>>
    tpu.enqueue_dma source(%dma_start3A_619 : memref<5000x128xf32, #tpu.memory_space<any>>) target(%dma_start3A_615 : memref<5000x128xf32, #tpu.memory_space<vmem>>) target_semaphore(%dma_start3A_611 : memref<!tpu.dma_semaphore, #tpu.memory_space<semaphore_mem>>)
    %dma_wait3A_620 = arith.constant 13 : i32
    %dma_wait3A_621 = arith.constant 1 : i32
    %dma_wait3A_622 = arith.constant 1 : i32
    %dma_wait3A_623 = tpu.memref_slice %arg5[%dma_wait3A_622] : memref<4x!tpu.dma_semaphore, #tpu.memory_space<semaphore_mem>> -> memref<1x!tpu.dma_semaphore, #tpu.memory_space<semaphore_mem>>
    %dma_wait3A_624 = tpu.memref_squeeze %dma_wait3A_623 : memref<1x!tpu.dma_semaphore, #tpu.memory_space<semaphore_mem>> -> memref<!tpu.dma_semaphore, #tpu.memory_space<semaphore_mem>>
    %dma_wait3A_625 = arith.constant 0 : i32
    %dma_wait3A_626 = arith.constant 0 : i32
    %dma_wait3A_627 = tpu.memref_slice %arg4[%dma_wait3A_621, %dma_wait3A_625, %dma_wait3A_626] : memref<4x5000x128xf32, #tpu.memory_space<vmem>> -> memref<1x5000x128xf32, #tpu.memory_space<vmem>>
    %dma_wait3A_628 = tpu.memref_squeeze %dma_wait3A_627 : memref<1x5000x128xf32, #tpu.memory_space<vmem>> -> memref<5000x128xf32, #tpu.memory_space<vmem>>
    %dma_wait3A_629 = arith.constant 0 : i32
    %dma_wait3A_630 = arith.constant 0 : i32
    %dma_wait3A_631 = tpu.memref_slice %arg2[%dma_wait3A_620, %dma_wait3A_629, %dma_wait3A_630] : memref<64x5000x128xf32, #tpu.memory_space<any>> -> memref<1x5000x128xf32, #tpu.memory_space<any>>
    %dma_wait3A_632 = tpu.memref_squeeze %dma_wait3A_631 : memref<1x5000x128xf32, #tpu.memory_space<any>> -> memref<5000x128xf32, #tpu.memory_space<any>>
    tpu.wait_dma2 semaphore(%dma_wait3A_624 : memref<!tpu.dma_semaphore, #tpu.memory_space<semaphore_mem>>) src(%dma_wait3A_632 : memref<5000x128xf32, #tpu.memory_space<any>>) dst(%dma_wait3A_628 : memref<5000x128xf32, #tpu.memory_space<vmem>>)
    %get3A_633 = arith.constant 0 : index
    %get3A_634 = arith.constant 0 : index
    %get3A_635 = vector.load %arg0[%get3A_633, %get3A_634] : memref<1x128xf32, #tpu.memory_space<vmem>>, vector<1x128xf32>
    %get3A_636 = arith.constant 1 : index
    %get3A_637 = arith.constant 0 : index
    %get3A_638 = arith.constant 0 : index
    %get3A_639 = vector.load %arg4[%get3A_636, %get3A_637, %get3A_638] : memref<4x5000x128xf32, #tpu.memory_space<vmem>>, vector<1x5000x128xf32>
    %get3A_640 = vector.shape_cast %get3A_639 : vector<1x5000x128xf32> to vector<5000x128xf32>
    %dot_general3A_641 = arith.constant dense<0.000000e+00> : vector<1x5000xf32>
    %dot_general3A_642 = tpu.matmul %get3A_635, %get3A_640, %dot_general3A_641 {dimension_numbers = #tpu.dot_dimension_numbers<[1], [1], [0], [0], [0, 0, 1, 0], [], []>, transpose_lhs_hint = false} : vector<1x128xf32>, vector<5000x128xf32>, vector<1x5000xf32> -> vector<1x5000xf32>
    %squeeze3A_643 = vector.shape_cast %dot_general3A_642 : vector<1x5000xf32> to vector<5000xf32>
    %add3A_644 = vector.broadcast %get3A_1 : f32 to vector<5000xf32>
    %add3A_645 = arith.addf %squeeze3A_643, %add3A_644 : vector<5000xf32>
    %swap3A_646 = arith.constant 13 : index
    %swap3A_647 = arith.constant 0 : index
    %swap3A_648 = vector.load %arg3[%swap3A_646, %swap3A_647] : memref<64x5000xf32, #tpu.memory_space<vmem>>, vector<1x5000xf32>
    %swap3A_649 = vector.shape_cast %swap3A_648 : vector<1x5000xf32> to vector<5000xf32>
    %swap3A_650 = vector.shape_cast %add3A_645 : vector<5000xf32> to vector<1x5000xf32>
    tpu.vector_store %arg3[%swap3A_646, %swap3A_647], %swap3A_650 {strides = array<i32>} : memref<64x5000xf32, #tpu.memory_space<vmem>>, vector<1x5000xf32>,
    %dma_start3A_651 = arith.constant 17 : i32
    %dma_start3A_652 = arith.constant 1 : i32
    %dma_start3A_653 = arith.constant 1 : i32
    %dma_start3A_654 = tpu.memref_slice %arg5[%dma_start3A_653] : memref<4x!tpu.dma_semaphore, #tpu.memory_space<semaphore_mem>> -> memref<1x!tpu.dma_semaphore, #tpu.memory_space<semaphore_mem>>
    %dma_start3A_655 = tpu.memref_squeeze %dma_start3A_654 : memref<1x!tpu.dma_semaphore, #tpu.memory_space<semaphore_mem>> -> memref<!tpu.dma_semaphore, #tpu.memory_space<semaphore_mem>>
    %dma_start3A_656 = arith.constant 0 : i32
    %dma_start3A_657 = arith.constant 0 : i32
    %dma_start3A_658 = tpu.memref_slice %arg4[%dma_start3A_652, %dma_start3A_656, %dma_start3A_657] : memref<4x5000x128xf32, #tpu.memory_space<vmem>> -> memref<1x5000x128xf32, #tpu.memory_space<vmem>>
    %dma_start3A_659 = tpu.memref_squeeze %dma_start3A_658 : memref<1x5000x128xf32, #tpu.memory_space<vmem>> -> memref<5000x128xf32, #tpu.memory_space<vmem>>
    %dma_start3A_660 = arith.constant 0 : i32
    %dma_start3A_661 = arith.constant 0 : i32
    %dma_start3A_662 = tpu.memref_slice %arg2[%dma_start3A_651, %dma_start3A_660, %dma_start3A_661] : memref<64x5000x128xf32, #tpu.memory_space<any>> -> memref<1x5000x128xf32, #tpu.memory_space<any>>
    %dma_start3A_663 = tpu.memref_squeeze %dma_start3A_662 : memref<1x5000x128xf32, #tpu.memory_space<any>> -> memref<5000x128xf32, #tpu.memory_space<any>>
    tpu.enqueue_dma source(%dma_start3A_663 : memref<5000x128xf32, #tpu.memory_space<any>>) target(%dma_start3A_659 : memref<5000x128xf32, #tpu.memory_space<vmem>>) target_semaphore(%dma_start3A_655 : memref<!tpu.dma_semaphore, #tpu.memory_space<semaphore_mem>>)
    %dma_wait3A_664 = arith.constant 14 : i32
    %dma_wait3A_665 = arith.constant 2 : i32
    %dma_wait3A_666 = arith.constant 2 : i32
    %dma_wait3A_667 = tpu.memref_slice %arg5[%dma_wait3A_666] : memref<4x!tpu.dma_semaphore, #tpu.memory_space<semaphore_mem>> -> memref<1x!tpu.dma_semaphore, #tpu.memory_space<semaphore_mem>>
    %dma_wait3A_668 = tpu.memref_squeeze %dma_wait3A_667 : memref<1x!tpu.dma_semaphore, #tpu.memory_space<semaphore_mem>> -> memref<!tpu.dma_semaphore, #tpu.memory_space<semaphore_mem>>
    %dma_wait3A_669 = arith.constant 0 : i32
    %dma_wait3A_670 = arith.constant 0 : i32
    %dma_wait3A_671 = tpu.memref_slice %arg4[%dma_wait3A_665, %dma_wait3A_669, %dma_wait3A_670] : memref<4x5000x128xf32, #tpu.memory_space<vmem>> -> memref<1x5000x128xf32, #tpu.memory_space<vmem>>
    %dma_wait3A_672 = tpu.memref_squeeze %dma_wait3A_671 : memref<1x5000x128xf32, #tpu.memory_space<vmem>> -> memref<5000x128xf32, #tpu.memory_space<vmem>>
    %dma_wait3A_673 = arith.constant 0 : i32
    %dma_wait3A_674 = arith.constant 0 : i32
    %dma_wait3A_675 = tpu.memref_slice %arg2[%dma_wait3A_664, %dma_wait3A_673, %dma_wait3A_674] : memref<64x5000x128xf32, #tpu.memory_space<any>> -> memref<1x5000x128xf32, #tpu.memory_space<any>>
    %dma_wait3A_676 = tpu.memref_squeeze %dma_wait3A_675 : memref<1x5000x128xf32, #tpu.memory_space<any>> -> memref<5000x128xf32, #tpu.memory_space<any>>
    tpu.wait_dma2 semaphore(%dma_wait3A_668 : memref<!tpu.dma_semaphore, #tpu.memory_space<semaphore_mem>>) src(%dma_wait3A_676 : memref<5000x128xf32, #tpu.memory_space<any>>) dst(%dma_wait3A_672 : memref<5000x128xf32, #tpu.memory_space<vmem>>)
    %get3A_677 = arith.constant 0 : index
    %get3A_678 = arith.constant 0 : index
    %get3A_679 = vector.load %arg0[%get3A_677, %get3A_678] : memref<1x128xf32, #tpu.memory_space<vmem>>, vector<1x128xf32>
    %get3A_680 = arith.constant 2 : index
    %get3A_681 = arith.constant 0 : index
    %get3A_682 = arith.constant 0 : index
    %get3A_683 = vector.load %arg4[%get3A_680, %get3A_681, %get3A_682] : memref<4x5000x128xf32, #tpu.memory_space<vmem>>, vector<1x5000x128xf32>
    %get3A_684 = vector.shape_cast %get3A_683 : vector<1x5000x128xf32> to vector<5000x128xf32>
    %dot_general3A_685 = arith.constant dense<0.000000e+00> : vector<1x5000xf32>
    %dot_general3A_686 = tpu.matmul %get3A_679, %get3A_684, %dot_general3A_685 {dimension_numbers = #tpu.dot_dimension_numbers<[1], [1], [0], [0], [0, 0, 1, 0], [], []>, transpose_lhs_hint = false} : vector<1x128xf32>, vector<5000x128xf32>, vector<1x5000xf32> -> vector<1x5000xf32>
    %squeeze3A_687 = vector.shape_cast %dot_general3A_686 : vector<1x5000xf32> to vector<5000xf32>
    %add3A_688 = vector.broadcast %get3A_1 : f32 to vector<5000xf32>
    %add3A_689 = arith.addf %squeeze3A_687, %add3A_688 : vector<5000xf32>
    %swap3A_690 = arith.constant 14 : index
    %swap3A_691 = arith.constant 0 : index
    %swap3A_692 = vector.load %arg3[%swap3A_690, %swap3A_691] : memref<64x5000xf32, #tpu.memory_space<vmem>>, vector<1x5000xf32>
    %swap3A_693 = vector.shape_cast %swap3A_692 : vector<1x5000xf32> to vector<5000xf32>
    %swap3A_694 = vector.shape_cast %add3A_689 : vector<5000xf32> to vector<1x5000xf32>
    tpu.vector_store %arg3[%swap3A_690, %swap3A_691], %swap3A_694 {strides = array<i32>} : memref<64x5000xf32, #tpu.memory_space<vmem>>, vector<1x5000xf32>,
    %dma_start3A_695 = arith.constant 18 : i32
    %dma_start3A_696 = arith.constant 2 : i32
    %dma_start3A_697 = arith.constant 2 : i32
    %dma_start3A_698 = tpu.memref_slice %arg5[%dma_start3A_697] : memref<4x!tpu.dma_semaphore, #tpu.memory_space<semaphore_mem>> -> memref<1x!tpu.dma_semaphore, #tpu.memory_space<semaphore_mem>>
    %dma_start3A_699 = tpu.memref_squeeze %dma_start3A_698 : memref<1x!tpu.dma_semaphore, #tpu.memory_space<semaphore_mem>> -> memref<!tpu.dma_semaphore, #tpu.memory_space<semaphore_mem>>
    %dma_start3A_700 = arith.constant 0 : i32
    %dma_start3A_701 = arith.constant 0 : i32
    %dma_start3A_702 = tpu.memref_slice %arg4[%dma_start3A_696, %dma_start3A_700, %dma_start3A_701] : memref<4x5000x128xf32, #tpu.memory_space<vmem>> -> memref<1x5000x128xf32, #tpu.memory_space<vmem>>
    %dma_start3A_703 = tpu.memref_squeeze %dma_start3A_702 : memref<1x5000x128xf32, #tpu.memory_space<vmem>> -> memref<5000x128xf32, #tpu.memory_space<vmem>>
    %dma_start3A_704 = arith.constant 0 : i32
    %dma_start3A_705 = arith.constant 0 : i32
    %dma_start3A_706 = tpu.memref_slice %arg2[%dma_start3A_695, %dma_start3A_704, %dma_start3A_705] : memref<64x5000x128xf32, #tpu.memory_space<any>> -> memref<1x5000x128xf32, #tpu.memory_space<any>>
    %dma_start3A_707 = tpu.memref_squeeze %dma_start3A_706 : memref<1x5000x128xf32, #tpu.memory_space<any>> -> memref<5000x128xf32, #tpu.memory_space<any>>
    tpu.enqueue_dma source(%dma_start3A_707 : memref<5000x128xf32, #tpu.memory_space<any>>) target(%dma_start3A_703 : memref<5000x128xf32, #tpu.memory_space<vmem>>) target_semaphore(%dma_start3A_699 : memref<!tpu.dma_semaphore, #tpu.memory_space<semaphore_mem>>)
    %dma_wait3A_708 = arith.constant 15 : i32
    %dma_wait3A_709 = arith.constant 3 : i32
    %dma_wait3A_710 = arith.constant 3 : i32
    %dma_wait3A_711 = tpu.memref_slice %arg5[%dma_wait3A_710] : memref<4x!tpu.dma_semaphore, #tpu.memory_space<semaphore_mem>> -> memref<1x!tpu.dma_semaphore, #tpu.memory_space<semaphore_mem>>
    %dma_wait3A_712 = tpu.memref_squeeze %dma_wait3A_711 : memref<1x!tpu.dma_semaphore, #tpu.memory_space<semaphore_mem>> -> memref<!tpu.dma_semaphore, #tpu.memory_space<semaphore_mem>>
    %dma_wait3A_713 = arith.constant 0 : i32
    %dma_wait3A_714 = arith.constant 0 : i32
    %dma_wait3A_715 = tpu.memref_slice %arg4[%dma_wait3A_709, %dma_wait3A_713, %dma_wait3A_714] : memref<4x5000x128xf32, #tpu.memory_space<vmem>> -> memref<1x5000x128xf32, #tpu.memory_space<vmem>>
    %dma_wait3A_716 = tpu.memref_squeeze %dma_wait3A_715 : memref<1x5000x128xf32, #tpu.memory_space<vmem>> -> memref<5000x128xf32, #tpu.memory_space<vmem>>
    %dma_wait3A_717 = arith.constant 0 : i32
    %dma_wait3A_718 = arith.constant 0 : i32
    %dma_wait3A_719 = tpu.memref_slice %arg2[%dma_wait3A_708, %dma_wait3A_717, %dma_wait3A_718] : memref<64x5000x128xf32, #tpu.memory_space<any>> -> memref<1x5000x128xf32, #tpu.memory_space<any>>
    %dma_wait3A_720 = tpu.memref_squeeze %dma_wait3A_719 : memref<1x5000x128xf32, #tpu.memory_space<any>> -> memref<5000x128xf32, #tpu.memory_space<any>>
    tpu.wait_dma2 semaphore(%dma_wait3A_712 : memref<!tpu.dma_semaphore, #tpu.memory_space<semaphore_mem>>) src(%dma_wait3A_720 : memref<5000x128xf32, #tpu.memory_space<any>>) dst(%dma_wait3A_716 : memref<5000x128xf32, #tpu.memory_space<vmem>>)
    %get3A_721 = arith.constant 0 : index
    %get3A_722 = arith.constant 0 : index
    %get3A_723 = vector.load %arg0[%get3A_721, %get3A_722] : memref<1x128xf32, #tpu.memory_space<vmem>>, vector<1x128xf32>
    %get3A_724 = arith.constant 3 : index
    %get3A_725 = arith.constant 0 : index
    %get3A_726 = arith.constant 0 : index
    %get3A_727 = vector.load %arg4[%get3A_724, %get3A_725, %get3A_726] : memref<4x5000x128xf32, #tpu.memory_space<vmem>>, vector<1x5000x128xf32>
    %get3A_728 = vector.shape_cast %get3A_727 : vector<1x5000x128xf32> to vector<5000x128xf32>
    %dot_general3A_729 = arith.constant dense<0.000000e+00> : vector<1x5000xf32>
    %dot_general3A_730 = tpu.matmul %get3A_723, %get3A_728, %dot_general3A_729 {dimension_numbers = #tpu.dot_dimension_numbers<[1], [1], [0], [0], [0, 0, 1, 0], [], []>, transpose_lhs_hint = false} : vector<1x128xf32>, vector<5000x128xf32>, vector<1x5000xf32> -> vector<1x5000xf32>
    %squeeze3A_731 = vector.shape_cast %dot_general3A_730 : vector<1x5000xf32> to vector<5000xf32>
    %add3A_732 = vector.broadcast %get3A_1 : f32 to vector<5000xf32>
    %add3A_733 = arith.addf %squeeze3A_731, %add3A_732 : vector<5000xf32>
    %swap3A_734 = arith.constant 15 : index
    %swap3A_735 = arith.constant 0 : index
    %swap3A_736 = vector.load %arg3[%swap3A_734, %swap3A_735] : memref<64x5000xf32, #tpu.memory_space<vmem>>, vector<1x5000xf32>
    %swap3A_737 = vector.shape_cast %swap3A_736 : vector<1x5000xf32> to vector<5000xf32>
    %swap3A_738 = vector.shape_cast %add3A_733 : vector<5000xf32> to vector<1x5000xf32>
    tpu.vector_store %arg3[%swap3A_734, %swap3A_735], %swap3A_738 {strides = array<i32>} : memref<64x5000xf32, #tpu.memory_space<vmem>>, vector<1x5000xf32>,
    %dma_start3A_739 = arith.constant 19 : i32
    %dma_start3A_740 = arith.constant 3 : i32
    %dma_start3A_741 = arith.constant 3 : i32
    %dma_start3A_742 = tpu.memref_slice %arg5[%dma_start3A_741] : memref<4x!tpu.dma_semaphore, #tpu.memory_space<semaphore_mem>> -> memref<1x!tpu.dma_semaphore, #tpu.memory_space<semaphore_mem>>
    %dma_start3A_743 = tpu.memref_squeeze %dma_start3A_742 : memref<1x!tpu.dma_semaphore, #tpu.memory_space<semaphore_mem>> -> memref<!tpu.dma_semaphore, #tpu.memory_space<semaphore_mem>>
    %dma_start3A_744 = arith.constant 0 : i32
    %dma_start3A_745 = arith.constant 0 : i32
    %dma_start3A_746 = tpu.memref_slice %arg4[%dma_start3A_740, %dma_start3A_744, %dma_start3A_745] : memref<4x5000x128xf32, #tpu.memory_space<vmem>> -> memref<1x5000x128xf32, #tpu.memory_space<vmem>>
    %dma_start3A_747 = tpu.memref_squeeze %dma_start3A_746 : memref<1x5000x128xf32, #tpu.memory_space<vmem>> -> memref<5000x128xf32, #tpu.memory_space<vmem>>
    %dma_start3A_748 = arith.constant 0 : i32
    %dma_start3A_749 = arith.constant 0 : i32
    %dma_start3A_750 = tpu.memref_slice %arg2[%dma_start3A_739, %dma_start3A_748, %dma_start3A_749] : memref<64x5000x128xf32, #tpu.memory_space<any>> -> memref<1x5000x128xf32, #tpu.memory_space<any>>
    %dma_start3A_751 = tpu.memref_squeeze %dma_start3A_750 : memref<1x5000x128xf32, #tpu.memory_space<any>> -> memref<5000x128xf32, #tpu.memory_space<any>>
    tpu.enqueue_dma source(%dma_start3A_751 : memref<5000x128xf32, #tpu.memory_space<any>>) target(%dma_start3A_747 : memref<5000x128xf32, #tpu.memory_space<vmem>>) target_semaphore(%dma_start3A_743 : memref<!tpu.dma_semaphore, #tpu.memory_space<semaphore_mem>>)
    %dma_wait3A_752 = arith.constant 16 : i32
    %dma_wait3A_753 = arith.constant 0 : i32
    %dma_wait3A_754 = arith.constant 0 : i32
    %dma_wait3A_755 = tpu.memref_slice %arg5[%dma_wait3A_754] : memref<4x!tpu.dma_semaphore, #tpu.memory_space<semaphore_mem>> -> memref<1x!tpu.dma_semaphore, #tpu.memory_space<semaphore_mem>>
    %dma_wait3A_756 = tpu.memref_squeeze %dma_wait3A_755 : memref<1x!tpu.dma_semaphore, #tpu.memory_space<semaphore_mem>> -> memref<!tpu.dma_semaphore, #tpu.memory_space<semaphore_mem>>
    %dma_wait3A_757 = arith.constant 0 : i32
    %dma_wait3A_758 = arith.constant 0 : i32
    %dma_wait3A_759 = tpu.memref_slice %arg4[%dma_wait3A_753, %dma_wait3A_757, %dma_wait3A_758] : memref<4x5000x128xf32, #tpu.memory_space<vmem>> -> memref<1x5000x128xf32, #tpu.memory_space<vmem>>
    %dma_wait3A_760 = tpu.memref_squeeze %dma_wait3A_759 : memref<1x5000x128xf32, #tpu.memory_space<vmem>> -> memref<5000x128xf32, #tpu.memory_space<vmem>>
    %dma_wait3A_761 = arith.constant 0 : i32
    %dma_wait3A_762 = arith.constant 0 : i32
    %dma_wait3A_763 = tpu.memref_slice %arg2[%dma_wait3A_752, %dma_wait3A_761, %dma_wait3A_762] : memref<64x5000x128xf32, #tpu.memory_space<any>> -> memref<1x5000x128xf32, #tpu.memory_space<any>>
    %dma_wait3A_764 = tpu.memref_squeeze %dma_wait3A_763 : memref<1x5000x128xf32, #tpu.memory_space<any>> -> memref<5000x128xf32, #tpu.memory_space<any>>
    tpu.wait_dma2 semaphore(%dma_wait3A_756 : memref<!tpu.dma_semaphore, #tpu.memory_space<semaphore_mem>>) src(%dma_wait3A_764 : memref<5000x128xf32, #tpu.memory_space<any>>) dst(%dma_wait3A_760 : memref<5000x128xf32, #tpu.memory_space<vmem>>)
    %get3A_765 = arith.constant 0 : index
    %get3A_766 = arith.constant 0 : index
    %get3A_767 = vector.load %arg0[%get3A_765, %get3A_766] : memref<1x128xf32, #tpu.memory_space<vmem>>, vector<1x128xf32>
    %get3A_768 = arith.constant 0 : index
    %get3A_769 = arith.constant 0 : index
    %get3A_770 = arith.constant 0 : index
    %get3A_771 = vector.load %arg4[%get3A_768, %get3A_769, %get3A_770] : memref<4x5000x128xf32, #tpu.memory_space<vmem>>, vector<1x5000x128xf32>
    %get3A_772 = vector.shape_cast %get3A_771 : vector<1x5000x128xf32> to vector<5000x128xf32>
    %dot_general3A_773 = arith.constant dense<0.000000e+00> : vector<1x5000xf32>
    %dot_general3A_774 = tpu.matmul %get3A_767, %get3A_772, %dot_general3A_773 {dimension_numbers = #tpu.dot_dimension_numbers<[1], [1], [0], [0], [0, 0, 1, 0], [], []>, transpose_lhs_hint = false} : vector<1x128xf32>, vector<5000x128xf32>, vector<1x5000xf32> -> vector<1x5000xf32>
    %squeeze3A_775 = vector.shape_cast %dot_general3A_774 : vector<1x5000xf32> to vector<5000xf32>
    %add3A_776 = vector.broadcast %get3A_1 : f32 to vector<5000xf32>
    %add3A_777 = arith.addf %squeeze3A_775, %add3A_776 : vector<5000xf32>
    %swap3A_778 = arith.constant 16 : index
    %swap3A_779 = arith.constant 0 : index
    %swap3A_780 = vector.load %arg3[%swap3A_778, %swap3A_779] : memref<64x5000xf32, #tpu.memory_space<vmem>>, vector<1x5000xf32>
    %swap3A_781 = vector.shape_cast %swap3A_780 : vector<1x5000xf32> to vector<5000xf32>
    %swap3A_782 = vector.shape_cast %add3A_777 : vector<5000xf32> to vector<1x5000xf32>
    tpu.vector_store %arg3[%swap3A_778, %swap3A_779], %swap3A_782 {strides = array<i32>} : memref<64x5000xf32, #tpu.memory_space<vmem>>, vector<1x5000xf32>,
    %dma_start3A_783 = arith.constant 20 : i32
    %dma_start3A_784 = arith.constant 0 : i32
    %dma_start3A_785 = arith.constant 0 : i32
    %dma_start3A_786 = tpu.memref_slice %arg5[%dma_start3A_785] : memref<4x!tpu.dma_semaphore, #tpu.memory_space<semaphore_mem>> -> memref<1x!tpu.dma_semaphore, #tpu.memory_space<semaphore_mem>>
    %dma_start3A_787 = tpu.memref_squeeze %dma_start3A_786 : memref<1x!tpu.dma_semaphore, #tpu.memory_space<semaphore_mem>> -> memref<!tpu.dma_semaphore, #tpu.memory_space<semaphore_mem>>
    %dma_start3A_788 = arith.constant 0 : i32
    %dma_start3A_789 = arith.constant 0 : i32
    %dma_start3A_790 = tpu.memref_slice %arg4[%dma_start3A_784, %dma_start3A_788, %dma_start3A_789] : memref<4x5000x128xf32, #tpu.memory_space<vmem>> -> memref<1x5000x128xf32, #tpu.memory_space<vmem>>
    %dma_start3A_791 = tpu.memref_squeeze %dma_start3A_790 : memref<1x5000x128xf32, #tpu.memory_space<vmem>> -> memref<5000x128xf32, #tpu.memory_space<vmem>>
    %dma_start3A_792 = arith.constant 0 : i32
    %dma_start3A_793 = arith.constant 0 : i32
    %dma_start3A_794 = tpu.memref_slice %arg2[%dma_start3A_783, %dma_start3A_792, %dma_start3A_793] : memref<64x5000x128xf32, #tpu.memory_space<any>> -> memref<1x5000x128xf32, #tpu.memory_space<any>>
    %dma_start3A_795 = tpu.memref_squeeze %dma_start3A_794 : memref<1x5000x128xf32, #tpu.memory_space<any>> -> memref<5000x128xf32, #tpu.memory_space<any>>
    tpu.enqueue_dma source(%dma_start3A_795 : memref<5000x128xf32, #tpu.memory_space<any>>) target(%dma_start3A_791 : memref<5000x128xf32, #tpu.memory_space<vmem>>) target_semaphore(%dma_start3A_787 : memref<!tpu.dma_semaphore, #tpu.memory_space<semaphore_mem>>)
    %dma_wait3A_796 = arith.constant 17 : i32
    %dma_wait3A_797 = arith.constant 1 : i32
    %dma_wait3A_798 = arith.constant 1 : i32
    %dma_wait3A_799 = tpu.memref_slice %arg5[%dma_wait3A_798] : memref<4x!tpu.dma_semaphore, #tpu.memory_space<semaphore_mem>> -> memref<1x!tpu.dma_semaphore, #tpu.memory_space<semaphore_mem>>
    %dma_wait3A_800 = tpu.memref_squeeze %dma_wait3A_799 : memref<1x!tpu.dma_semaphore, #tpu.memory_space<semaphore_mem>> -> memref<!tpu.dma_semaphore, #tpu.memory_space<semaphore_mem>>
    %dma_wait3A_801 = arith.constant 0 : i32
    %dma_wait3A_802 = arith.constant 0 : i32
    %dma_wait3A_803 = tpu.memref_slice %arg4[%dma_wait3A_797, %dma_wait3A_801, %dma_wait3A_802] : memref<4x5000x128xf32, #tpu.memory_space<vmem>> -> memref<1x5000x128xf32, #tpu.memory_space<vmem>>
    %dma_wait3A_804 = tpu.memref_squeeze %dma_wait3A_803 : memref<1x5000x128xf32, #tpu.memory_space<vmem>> -> memref<5000x128xf32, #tpu.memory_space<vmem>>
    %dma_wait3A_805 = arith.constant 0 : i32
    %dma_wait3A_806 = arith.constant 0 : i32
    %dma_wait3A_807 = tpu.memref_slice %arg2[%dma_wait3A_796, %dma_wait3A_805, %dma_wait3A_806] : memref<64x5000x128xf32, #tpu.memory_space<any>> -> memref<1x5000x128xf32, #tpu.memory_space<any>>
    %dma_wait3A_808 = tpu.memref_squeeze %dma_wait3A_807 : memref<1x5000x128xf32, #tpu.memory_space<any>> -> memref<5000x128xf32, #tpu.memory_space<any>>
    tpu.wait_dma2 semaphore(%dma_wait3A_800 : memref<!tpu.dma_semaphore, #tpu.memory_space<semaphore_mem>>) src(%dma_wait3A_808 : memref<5000x128xf32, #tpu.memory_space<any>>) dst(%dma_wait3A_804 : memref<5000x128xf32, #tpu.memory_space<vmem>>)
    %get3A_809 = arith.constant 0 : index
    %get3A_810 = arith.constant 0 : index
    %get3A_811 = vector.load %arg0[%get3A_809, %get3A_810] : memref<1x128xf32, #tpu.memory_space<vmem>>, vector<1x128xf32>
    %get3A_812 = arith.constant 1 : index
    %get3A_813 = arith.constant 0 : index
    %get3A_814 = arith.constant 0 : index
    %get3A_815 = vector.load %arg4[%get3A_812, %get3A_813, %get3A_814] : memref<4x5000x128xf32, #tpu.memory_space<vmem>>, vector<1x5000x128xf32>
    %get3A_816 = vector.shape_cast %get3A_815 : vector<1x5000x128xf32> to vector<5000x128xf32>
    %dot_general3A_817 = arith.constant dense<0.000000e+00> : vector<1x5000xf32>
    %dot_general3A_818 = tpu.matmul %get3A_811, %get3A_816, %dot_general3A_817 {dimension_numbers = #tpu.dot_dimension_numbers<[1], [1], [0], [0], [0, 0, 1, 0], [], []>, transpose_lhs_hint = false} : vector<1x128xf32>, vector<5000x128xf32>, vector<1x5000xf32> -> vector<1x5000xf32>
    %squeeze3A_819 = vector.shape_cast %dot_general3A_818 : vector<1x5000xf32> to vector<5000xf32>
    %add3A_820 = vector.broadcast %get3A_1 : f32 to vector<5000xf32>
    %add3A_821 = arith.addf %squeeze3A_819, %add3A_820 : vector<5000xf32>
    %swap3A_822 = arith.constant 17 : index
    %swap3A_823 = arith.constant 0 : index
    %swap3A_824 = vector.load %arg3[%swap3A_822, %swap3A_823] : memref<64x5000xf32, #tpu.memory_space<vmem>>, vector<1x5000xf32>
    %swap3A_825 = vector.shape_cast %swap3A_824 : vector<1x5000xf32> to vector<5000xf32>
    %swap3A_826 = vector.shape_cast %add3A_821 : vector<5000xf32> to vector<1x5000xf32>
    tpu.vector_store %arg3[%swap3A_822, %swap3A_823], %swap3A_826 {strides = array<i32>} : memref<64x5000xf32, #tpu.memory_space<vmem>>, vector<1x5000xf32>,
    %dma_start3A_827 = arith.constant 21 : i32
    %dma_start3A_828 = arith.constant 1 : i32
    %dma_start3A_829 = arith.constant 1 : i32
    %dma_start3A_830 = tpu.memref_slice %arg5[%dma_start3A_829] : memref<4x!tpu.dma_semaphore, #tpu.memory_space<semaphore_mem>> -> memref<1x!tpu.dma_semaphore, #tpu.memory_space<semaphore_mem>>
    %dma_start3A_831 = tpu.memref_squeeze %dma_start3A_830 : memref<1x!tpu.dma_semaphore, #tpu.memory_space<semaphore_mem>> -> memref<!tpu.dma_semaphore, #tpu.memory_space<semaphore_mem>>
    %dma_start3A_832 = arith.constant 0 : i32
    %dma_start3A_833 = arith.constant 0 : i32
    %dma_start3A_834 = tpu.memref_slice %arg4[%dma_start3A_828, %dma_start3A_832, %dma_start3A_833] : memref<4x5000x128xf32, #tpu.memory_space<vmem>> -> memref<1x5000x128xf32, #tpu.memory_space<vmem>>
    %dma_start3A_835 = tpu.memref_squeeze %dma_start3A_834 : memref<1x5000x128xf32, #tpu.memory_space<vmem>> -> memref<5000x128xf32, #tpu.memory_space<vmem>>
    %dma_start3A_836 = arith.constant 0 : i32
    %dma_start3A_837 = arith.constant 0 : i32
    %dma_start3A_838 = tpu.memref_slice %arg2[%dma_start3A_827, %dma_start3A_836, %dma_start3A_837] : memref<64x5000x128xf32, #tpu.memory_space<any>> -> memref<1x5000x128xf32, #tpu.memory_space<any>>
    %dma_start3A_839 = tpu.memref_squeeze %dma_start3A_838 : memref<1x5000x128xf32, #tpu.memory_space<any>> -> memref<5000x128xf32, #tpu.memory_space<any>>
    tpu.enqueue_dma source(%dma_start3A_839 : memref<5000x128xf32, #tpu.memory_space<any>>) target(%dma_start3A_835 : memref<5000x128xf32, #tpu.memory_space<vmem>>) target_semaphore(%dma_start3A_831 : memref<!tpu.dma_semaphore, #tpu.memory_space<semaphore_mem>>)
    %dma_wait3A_840 = arith.constant 18 : i32
    %dma_wait3A_841 = arith.constant 2 : i32
    %dma_wait3A_842 = arith.constant 2 : i32
    %dma_wait3A_843 = tpu.memref_slice %arg5[%dma_wait3A_842] : memref<4x!tpu.dma_semaphore, #tpu.memory_space<semaphore_mem>> -> memref<1x!tpu.dma_semaphore, #tpu.memory_space<semaphore_mem>>
    %dma_wait3A_844 = tpu.memref_squeeze %dma_wait3A_843 : memref<1x!tpu.dma_semaphore, #tpu.memory_space<semaphore_mem>> -> memref<!tpu.dma_semaphore, #tpu.memory_space<semaphore_mem>>
    %dma_wait3A_845 = arith.constant 0 : i32
    %dma_wait3A_846 = arith.constant 0 : i32
    %dma_wait3A_847 = tpu.memref_slice %arg4[%dma_wait3A_841, %dma_wait3A_845, %dma_wait3A_846] : memref<4x5000x128xf32, #tpu.memory_space<vmem>> -> memref<1x5000x128xf32, #tpu.memory_space<vmem>>
    %dma_wait3A_848 = tpu.memref_squeeze %dma_wait3A_847 : memref<1x5000x128xf32, #tpu.memory_space<vmem>> -> memref<5000x128xf32, #tpu.memory_space<vmem>>
    %dma_wait3A_849 = arith.constant 0 : i32
    %dma_wait3A_850 = arith.constant 0 : i32
    %dma_wait3A_851 = tpu.memref_slice %arg2[%dma_wait3A_840, %dma_wait3A_849, %dma_wait3A_850] : memref<64x5000x128xf32, #tpu.memory_space<any>> -> memref<1x5000x128xf32, #tpu.memory_space<any>>
    %dma_wait3A_852 = tpu.memref_squeeze %dma_wait3A_851 : memref<1x5000x128xf32, #tpu.memory_space<any>> -> memref<5000x128xf32, #tpu.memory_space<any>>
    tpu.wait_dma2 semaphore(%dma_wait3A_844 : memref<!tpu.dma_semaphore, #tpu.memory_space<semaphore_mem>>) src(%dma_wait3A_852 : memref<5000x128xf32, #tpu.memory_space<any>>) dst(%dma_wait3A_848 : memref<5000x128xf32, #tpu.memory_space<vmem>>)
    %get3A_853 = arith.constant 0 : index
    %get3A_854 = arith.constant 0 : index
    %get3A_855 = vector.load %arg0[%get3A_853, %get3A_854] : memref<1x128xf32, #tpu.memory_space<vmem>>, vector<1x128xf32>
    %get3A_856 = arith.constant 2 : index
    %get3A_857 = arith.constant 0 : index
    %get3A_858 = arith.constant 0 : index
    %get3A_859 = vector.load %arg4[%get3A_856, %get3A_857, %get3A_858] : memref<4x5000x128xf32, #tpu.memory_space<vmem>>, vector<1x5000x128xf32>
    %get3A_860 = vector.shape_cast %get3A_859 : vector<1x5000x128xf32> to vector<5000x128xf32>
    %dot_general3A_861 = arith.constant dense<0.000000e+00> : vector<1x5000xf32>
    %dot_general3A_862 = tpu.matmul %get3A_855, %get3A_860, %dot_general3A_861 {dimension_numbers = #tpu.dot_dimension_numbers<[1], [1], [0], [0], [0, 0, 1, 0], [], []>, transpose_lhs_hint = false} : vector<1x128xf32>, vector<5000x128xf32>, vector<1x5000xf32> -> vector<1x5000xf32>
    %squeeze3A_863 = vector.shape_cast %dot_general3A_862 : vector<1x5000xf32> to vector<5000xf32>
    %add3A_864 = vector.broadcast %get3A_1 : f32 to vector<5000xf32>
    %add3A_865 = arith.addf %squeeze3A_863, %add3A_864 : vector<5000xf32>
    %swap3A_866 = arith.constant 18 : index
    %swap3A_867 = arith.constant 0 : index
    %swap3A_868 = vector.load %arg3[%swap3A_866, %swap3A_867] : memref<64x5000xf32, #tpu.memory_space<vmem>>, vector<1x5000xf32>
    %swap3A_869 = vector.shape_cast %swap3A_868 : vector<1x5000xf32> to vector<5000xf32>
    %swap3A_870 = vector.shape_cast %add3A_865 : vector<5000xf32> to vector<1x5000xf32>
    tpu.vector_store %arg3[%swap3A_866, %swap3A_867], %swap3A_870 {strides = array<i32>} : memref<64x5000xf32, #tpu.memory_space<vmem>>, vector<1x5000xf32>,
    %dma_start3A_871 = arith.constant 22 : i32
    %dma_start3A_872 = arith.constant 2 : i32
    %dma_start3A_873 = arith.constant 2 : i32
    %dma_start3A_874 = tpu.memref_slice %arg5[%dma_start3A_873] : memref<4x!tpu.dma_semaphore, #tpu.memory_space<semaphore_mem>> -> memref<1x!tpu.dma_semaphore, #tpu.memory_space<semaphore_mem>>
    %dma_start3A_875 = tpu.memref_squeeze %dma_start3A_874 : memref<1x!tpu.dma_semaphore, #tpu.memory_space<semaphore_mem>> -> memref<!tpu.dma_semaphore, #tpu.memory_space<semaphore_mem>>
    %dma_start3A_876 = arith.constant 0 : i32
    %dma_start3A_877 = arith.constant 0 : i32
    %dma_start3A_878 = tpu.memref_slice %arg4[%dma_start3A_872, %dma_start3A_876, %dma_start3A_877] : memref<4x5000x128xf32, #tpu.memory_space<vmem>> -> memref<1x5000x128xf32, #tpu.memory_space<vmem>>
    %dma_start3A_879 = tpu.memref_squeeze %dma_start3A_878 : memref<1x5000x128xf32, #tpu.memory_space<vmem>> -> memref<5000x128xf32, #tpu.memory_space<vmem>>
    %dma_start3A_880 = arith.constant 0 : i32
    %dma_start3A_881 = arith.constant 0 : i32
    %dma_start3A_882 = tpu.memref_slice %arg2[%dma_start3A_871, %dma_start3A_880, %dma_start3A_881] : memref<64x5000x128xf32, #tpu.memory_space<any>> -> memref<1x5000x128xf32, #tpu.memory_space<any>>
    %dma_start3A_883 = tpu.memref_squeeze %dma_start3A_882 : memref<1x5000x128xf32, #tpu.memory_space<any>> -> memref<5000x128xf32, #tpu.memory_space<any>>
    tpu.enqueue_dma source(%dma_start3A_883 : memref<5000x128xf32, #tpu.memory_space<any>>) target(%dma_start3A_879 : memref<5000x128xf32, #tpu.memory_space<vmem>>) target_semaphore(%dma_start3A_875 : memref<!tpu.dma_semaphore, #tpu.memory_space<semaphore_mem>>)
    %dma_wait3A_884 = arith.constant 19 : i32
    %dma_wait3A_885 = arith.constant 3 : i32
    %dma_wait3A_886 = arith.constant 3 : i32
    %dma_wait3A_887 = tpu.memref_slice %arg5[%dma_wait3A_886] : memref<4x!tpu.dma_semaphore, #tpu.memory_space<semaphore_mem>> -> memref<1x!tpu.dma_semaphore, #tpu.memory_space<semaphore_mem>>
    %dma_wait3A_888 = tpu.memref_squeeze %dma_wait3A_887 : memref<1x!tpu.dma_semaphore, #tpu.memory_space<semaphore_mem>> -> memref<!tpu.dma_semaphore, #tpu.memory_space<semaphore_mem>>
    %dma_wait3A_889 = arith.constant 0 : i32
    %dma_wait3A_890 = arith.constant 0 : i32
    %dma_wait3A_891 = tpu.memref_slice %arg4[%dma_wait3A_885, %dma_wait3A_889, %dma_wait3A_890] : memref<4x5000x128xf32, #tpu.memory_space<vmem>> -> memref<1x5000x128xf32, #tpu.memory_space<vmem>>
    %dma_wait3A_892 = tpu.memref_squeeze %dma_wait3A_891 : memref<1x5000x128xf32, #tpu.memory_space<vmem>> -> memref<5000x128xf32, #tpu.memory_space<vmem>>
    %dma_wait3A_893 = arith.constant 0 : i32
    %dma_wait3A_894 = arith.constant 0 : i32
    %dma_wait3A_895 = tpu.memref_slice %arg2[%dma_wait3A_884, %dma_wait3A_893, %dma_wait3A_894] : memref<64x5000x128xf32, #tpu.memory_space<any>> -> memref<1x5000x128xf32, #tpu.memory_space<any>>
    %dma_wait3A_896 = tpu.memref_squeeze %dma_wait3A_895 : memref<1x5000x128xf32, #tpu.memory_space<any>> -> memref<5000x128xf32, #tpu.memory_space<any>>
    tpu.wait_dma2 semaphore(%dma_wait3A_888 : memref<!tpu.dma_semaphore, #tpu.memory_space<semaphore_mem>>) src(%dma_wait3A_896 : memref<5000x128xf32, #tpu.memory_space<any>>) dst(%dma_wait3A_892 : memref<5000x128xf32, #tpu.memory_space<vmem>>)
    %get3A_897 = arith.constant 0 : index
    %get3A_898 = arith.constant 0 : index
    %get3A_899 = vector.load %arg0[%get3A_897, %get3A_898] : memref<1x128xf32, #tpu.memory_space<vmem>>, vector<1x128xf32>
    %get3A_900 = arith.constant 3 : index
    %get3A_901 = arith.constant 0 : index
    %get3A_902 = arith.constant 0 : index
    %get3A_903 = vector.load %arg4[%get3A_900, %get3A_901, %get3A_902] : memref<4x5000x128xf32, #tpu.memory_space<vmem>>, vector<1x5000x128xf32>
    %get3A_904 = vector.shape_cast %get3A_903 : vector<1x5000x128xf32> to vector<5000x128xf32>
    %dot_general3A_905 = arith.constant dense<0.000000e+00> : vector<1x5000xf32>
    %dot_general3A_906 = tpu.matmul %get3A_899, %get3A_904, %dot_general3A_905 {dimension_numbers = #tpu.dot_dimension_numbers<[1], [1], [0], [0], [0, 0, 1, 0], [], []>, transpose_lhs_hint = false} : vector<1x128xf32>, vector<5000x128xf32>, vector<1x5000xf32> -> vector<1x5000xf32>
    %squeeze3A_907 = vector.shape_cast %dot_general3A_906 : vector<1x5000xf32> to vector<5000xf32>
    %add3A_908 = vector.broadcast %get3A_1 : f32 to vector<5000xf32>
    %add3A_909 = arith.addf %squeeze3A_907, %add3A_908 : vector<5000xf32>
    %swap3A_910 = arith.constant 19 : index
    %swap3A_911 = arith.constant 0 : index
    %swap3A_912 = vector.load %arg3[%swap3A_910, %swap3A_911] : memref<64x5000xf32, #tpu.memory_space<vmem>>, vector<1x5000xf32>
    %swap3A_913 = vector.shape_cast %swap3A_912 : vector<1x5000xf32> to vector<5000xf32>
    %swap3A_914 = vector.shape_cast %add3A_909 : vector<5000xf32> to vector<1x5000xf32>
    tpu.vector_store %arg3[%swap3A_910, %swap3A_911], %swap3A_914 {strides = array<i32>} : memref<64x5000xf32, #tpu.memory_space<vmem>>, vector<1x5000xf32>,
    %dma_start3A_915 = arith.constant 23 : i32
    %dma_start3A_916 = arith.constant 3 : i32
    %dma_start3A_917 = arith.constant 3 : i32
    %dma_start3A_918 = tpu.memref_slice %arg5[%dma_start3A_917] : memref<4x!tpu.dma_semaphore, #tpu.memory_space<semaphore_mem>> -> memref<1x!tpu.dma_semaphore, #tpu.memory_space<semaphore_mem>>
    %dma_start3A_919 = tpu.memref_squeeze %dma_start3A_918 : memref<1x!tpu.dma_semaphore, #tpu.memory_space<semaphore_mem>> -> memref<!tpu.dma_semaphore, #tpu.memory_space<semaphore_mem>>
    %dma_start3A_920 = arith.constant 0 : i32
    %dma_start3A_921 = arith.constant 0 : i32
    %dma_start3A_922 = tpu.memref_slice %arg4[%dma_start3A_916, %dma_start3A_920, %dma_start3A_921] : memref<4x5000x128xf32, #tpu.memory_space<vmem>> -> memref<1x5000x128xf32, #tpu.memory_space<vmem>>
    %dma_start3A_923 = tpu.memref_squeeze %dma_start3A_922 : memref<1x5000x128xf32, #tpu.memory_space<vmem>> -> memref<5000x128xf32, #tpu.memory_space<vmem>>
    %dma_start3A_924 = arith.constant 0 : i32
    %dma_start3A_925 = arith.constant 0 : i32
    %dma_start3A_926 = tpu.memref_slice %arg2[%dma_start3A_915, %dma_start3A_924, %dma_start3A_925] : memref<64x5000x128xf32, #tpu.memory_space<any>> -> memref<1x5000x128xf32, #tpu.memory_space<any>>
    %dma_start3A_927 = tpu.memref_squeeze %dma_start3A_926 : memref<1x5000x128xf32, #tpu.memory_space<any>> -> memref<5000x128xf32, #tpu.memory_space<any>>
    tpu.enqueue_dma source(%dma_start3A_927 : memref<5000x128xf32, #tpu.memory_space<any>>) target(%dma_start3A_923 : memref<5000x128xf32, #tpu.memory_space<vmem>>) target_semaphore(%dma_start3A_919 : memref<!tpu.dma_semaphore, #tpu.memory_space<semaphore_mem>>)
    %dma_wait3A_928 = arith.constant 20 : i32
    %dma_wait3A_929 = arith.constant 0 : i32
    %dma_wait3A_930 = arith.constant 0 : i32
    %dma_wait3A_931 = tpu.memref_slice %arg5[%dma_wait3A_930] : memref<4x!tpu.dma_semaphore, #tpu.memory_space<semaphore_mem>> -> memref<1x!tpu.dma_semaphore, #tpu.memory_space<semaphore_mem>>
    %dma_wait3A_932 = tpu.memref_squeeze %dma_wait3A_931 : memref<1x!tpu.dma_semaphore, #tpu.memory_space<semaphore_mem>> -> memref<!tpu.dma_semaphore, #tpu.memory_space<semaphore_mem>>
    %dma_wait3A_933 = arith.constant 0 : i32
    %dma_wait3A_934 = arith.constant 0 : i32
    %dma_wait3A_935 = tpu.memref_slice %arg4[%dma_wait3A_929, %dma_wait3A_933, %dma_wait3A_934] : memref<4x5000x128xf32, #tpu.memory_space<vmem>> -> memref<1x5000x128xf32, #tpu.memory_space<vmem>>
    %dma_wait3A_936 = tpu.memref_squeeze %dma_wait3A_935 : memref<1x5000x128xf32, #tpu.memory_space<vmem>> -> memref<5000x128xf32, #tpu.memory_space<vmem>>
    %dma_wait3A_937 = arith.constant 0 : i32
    %dma_wait3A_938 = arith.constant 0 : i32
    %dma_wait3A_939 = tpu.memref_slice %arg2[%dma_wait3A_928, %dma_wait3A_937, %dma_wait3A_938] : memref<64x5000x128xf32, #tpu.memory_space<any>> -> memref<1x5000x128xf32, #tpu.memory_space<any>>
    %dma_wait3A_940 = tpu.memref_squeeze %dma_wait3A_939 : memref<1x5000x128xf32, #tpu.memory_space<any>> -> memref<5000x128xf32, #tpu.memory_space<any>>
    tpu.wait_dma2 semaphore(%dma_wait3A_932 : memref<!tpu.dma_semaphore, #tpu.memory_space<semaphore_mem>>) src(%dma_wait3A_940 : memref<5000x128xf32, #tpu.memory_space<any>>) dst(%dma_wait3A_936 : memref<5000x128xf32, #tpu.memory_space<vmem>>)
    %get3A_941 = arith.constant 0 : index
    %get3A_942 = arith.constant 0 : index
    %get3A_943 = vector.load %arg0[%get3A_941, %get3A_942] : memref<1x128xf32, #tpu.memory_space<vmem>>, vector<1x128xf32>
    %get3A_944 = arith.constant 0 : index
    %get3A_945 = arith.constant 0 : index
    %get3A_946 = arith.constant 0 : index
    %get3A_947 = vector.load %arg4[%get3A_944, %get3A_945, %get3A_946] : memref<4x5000x128xf32, #tpu.memory_space<vmem>>, vector<1x5000x128xf32>
    %get3A_948 = vector.shape_cast %get3A_947 : vector<1x5000x128xf32> to vector<5000x128xf32>
    %dot_general3A_949 = arith.constant dense<0.000000e+00> : vector<1x5000xf32>
    %dot_general3A_950 = tpu.matmul %get3A_943, %get3A_948, %dot_general3A_949 {dimension_numbers = #tpu.dot_dimension_numbers<[1], [1], [0], [0], [0, 0, 1, 0], [], []>, transpose_lhs_hint = false} : vector<1x128xf32>, vector<5000x128xf32>, vector<1x5000xf32> -> vector<1x5000xf32>
    %squeeze3A_951 = vector.shape_cast %dot_general3A_950 : vector<1x5000xf32> to vector<5000xf32>
    %add3A_952 = vector.broadcast %get3A_1 : f32 to vector<5000xf32>
    %add3A_953 = arith.addf %squeeze3A_951, %add3A_952 : vector<5000xf32>
    %swap3A_954 = arith.constant 20 : index
    %swap3A_955 = arith.constant 0 : index
    %swap3A_956 = vector.load %arg3[%swap3A_954, %swap3A_955] : memref<64x5000xf32, #tpu.memory_space<vmem>>, vector<1x5000xf32>
    %swap3A_957 = vector.shape_cast %swap3A_956 : vector<1x5000xf32> to vector<5000xf32>
    %swap3A_958 = vector.shape_cast %add3A_953 : vector<5000xf32> to vector<1x5000xf32>
    tpu.vector_store %arg3[%swap3A_954, %swap3A_955], %swap3A_958 {strides = array<i32>} : memref<64x5000xf32, #tpu.memory_space<vmem>>, vector<1x5000xf32>,
    %dma_start3A_959 = arith.constant 24 : i32
    %dma_start3A_960 = arith.constant 0 : i32
    %dma_start3A_961 = arith.constant 0 : i32
    %dma_start3A_962 = tpu.memref_slice %arg5[%dma_start3A_961] : memref<4x!tpu.dma_semaphore, #tpu.memory_space<semaphore_mem>> -> memref<1x!tpu.dma_semaphore, #tpu.memory_space<semaphore_mem>>
    %dma_start3A_963 = tpu.memref_squeeze %dma_start3A_962 : memref<1x!tpu.dma_semaphore, #tpu.memory_space<semaphore_mem>> -> memref<!tpu.dma_semaphore, #tpu.memory_space<semaphore_mem>>
    %dma_start3A_964 = arith.constant 0 : i32
    %dma_start3A_965 = arith.constant 0 : i32
    %dma_start3A_966 = tpu.memref_slice %arg4[%dma_start3A_960, %dma_start3A_964, %dma_start3A_965] : memref<4x5000x128xf32, #tpu.memory_space<vmem>> -> memref<1x5000x128xf32, #tpu.memory_space<vmem>>
    %dma_start3A_967 = tpu.memref_squeeze %dma_start3A_966 : memref<1x5000x128xf32, #tpu.memory_space<vmem>> -> memref<5000x128xf32, #tpu.memory_space<vmem>>
    %dma_start3A_968 = arith.constant 0 : i32
    %dma_start3A_969 = arith.constant 0 : i32
    %dma_start3A_970 = tpu.memref_slice %arg2[%dma_start3A_959, %dma_start3A_968, %dma_start3A_969] : memref<64x5000x128xf32, #tpu.memory_space<any>> -> memref<1x5000x128xf32, #tpu.memory_space<any>>
    %dma_start3A_971 = tpu.memref_squeeze %dma_start3A_970 : memref<1x5000x128xf32, #tpu.memory_space<any>> -> memref<5000x128xf32, #tpu.memory_space<any>>
    tpu.enqueue_dma source(%dma_start3A_971 : memref<5000x128xf32, #tpu.memory_space<any>>) target(%dma_start3A_967 : memref<5000x128xf32, #tpu.memory_space<vmem>>) target_semaphore(%dma_start3A_963 : memref<!tpu.dma_semaphore, #tpu.memory_space<semaphore_mem>>)
    %dma_wait3A_972 = arith.constant 21 : i32
    %dma_wait3A_973 = arith.constant 1 : i32
    %dma_wait3A_974 = arith.constant 1 : i32
    %dma_wait3A_975 = tpu.memref_slice %arg5[%dma_wait3A_974] : memref<4x!tpu.dma_semaphore, #tpu.memory_space<semaphore_mem>> -> memref<1x!tpu.dma_semaphore, #tpu.memory_space<semaphore_mem>>
    %dma_wait3A_976 = tpu.memref_squeeze %dma_wait3A_975 : memref<1x!tpu.dma_semaphore, #tpu.memory_space<semaphore_mem>> -> memref<!tpu.dma_semaphore, #tpu.memory_space<semaphore_mem>>
    %dma_wait3A_977 = arith.constant 0 : i32
    %dma_wait3A_978 = arith.constant 0 : i32
    %dma_wait3A_979 = tpu.memref_slice %arg4[%dma_wait3A_973, %dma_wait3A_977, %dma_wait3A_978] : memref<4x5000x128xf32, #tpu.memory_space<vmem>> -> memref<1x5000x128xf32, #tpu.memory_space<vmem>>
    %dma_wait3A_980 = tpu.memref_squeeze %dma_wait3A_979 : memref<1x5000x128xf32, #tpu.memory_space<vmem>> -> memref<5000x128xf32, #tpu.memory_space<vmem>>
    %dma_wait3A_981 = arith.constant 0 : i32
    %dma_wait3A_982 = arith.constant 0 : i32
    %dma_wait3A_983 = tpu.memref_slice %arg2[%dma_wait3A_972, %dma_wait3A_981, %dma_wait3A_982] : memref<64x5000x128xf32, #tpu.memory_space<any>> -> memref<1x5000x128xf32, #tpu.memory_space<any>>
    %dma_wait3A_984 = tpu.memref_squeeze %dma_wait3A_983 : memref<1x5000x128xf32, #tpu.memory_space<any>> -> memref<5000x128xf32, #tpu.memory_space<any>>
    tpu.wait_dma2 semaphore(%dma_wait3A_976 : memref<!tpu.dma_semaphore, #tpu.memory_space<semaphore_mem>>) src(%dma_wait3A_984 : memref<5000x128xf32, #tpu.memory_space<any>>) dst(%dma_wait3A_980 : memref<5000x128xf32, #tpu.memory_space<vmem>>)
    %get3A_985 = arith.constant 0 : index
    %get3A_986 = arith.constant 0 : index
    %get3A_987 = vector.load %arg0[%get3A_985, %get3A_986] : memref<1x128xf32, #tpu.memory_space<vmem>>, vector<1x128xf32>
    %get3A_988 = arith.constant 1 : index
    %get3A_989 = arith.constant 0 : index
    %get3A_990 = arith.constant 0 : index
    %get3A_991 = vector.load %arg4[%get3A_988, %get3A_989, %get3A_990] : memref<4x5000x128xf32, #tpu.memory_space<vmem>>, vector<1x5000x128xf32>
    %get3A_992 = vector.shape_cast %get3A_991 : vector<1x5000x128xf32> to vector<5000x128xf32>
    %dot_general3A_993 = arith.constant dense<0.000000e+00> : vector<1x5000xf32>
    %dot_general3A_994 = tpu.matmul %get3A_987, %get3A_992, %dot_general3A_993 {dimension_numbers = #tpu.dot_dimension_numbers<[1], [1], [0], [0], [0, 0, 1, 0], [], []>, transpose_lhs_hint = false} : vector<1x128xf32>, vector<5000x128xf32>, vector<1x5000xf32> -> vector<1x5000xf32>
    %squeeze3A_995 = vector.shape_cast %dot_general3A_994 : vector<1x5000xf32> to vector<5000xf32>
    %add3A_996 = vector.broadcast %get3A_1 : f32 to vector<5000xf32>
    %add3A_997 = arith.addf %squeeze3A_995, %add3A_996 : vector<5000xf32>
    %swap3A_998 = arith.constant 21 : index
    %swap3A_999 = arith.constant 0 : index
    %swap3A_1000 = vector.load %arg3[%swap3A_998, %swap3A_999] : memref<64x5000xf32, #tpu.memory_space<vmem>>, vector<1x5000xf32>
    %swap3A_1001 = vector.shape_cast %swap3A_1000 : vector<1x5000xf32> to vector<5000xf32>
    %swap3A_1002 = vector.shape_cast %add3A_997 : vector<5000xf32> to vector<1x5000xf32>
    tpu.vector_store %arg3[%swap3A_998, %swap3A_999], %swap3A_1002 {strides = array<i32>} : memref<64x5000xf32, #tpu.memory_space<vmem>>, vector<1x5000xf32>,
    %dma_start3A_1003 = arith.constant 25 : i32
    %dma_start3A_1004 = arith.constant 1 : i32
    %dma_start3A_1005 = arith.constant 1 : i32
    %dma_start3A_1006 = tpu.memref_slice %arg5[%dma_start3A_1005] : memref<4x!tpu.dma_semaphore, #tpu.memory_space<semaphore_mem>> -> memref<1x!tpu.dma_semaphore, #tpu.memory_space<semaphore_mem>>
    %dma_start3A_1007 = tpu.memref_squeeze %dma_start3A_1006 : memref<1x!tpu.dma_semaphore, #tpu.memory_space<semaphore_mem>> -> memref<!tpu.dma_semaphore, #tpu.memory_space<semaphore_mem>>
    %dma_start3A_1008 = arith.constant 0 : i32
    %dma_start3A_1009 = arith.constant 0 : i32
    %dma_start3A_1010 = tpu.memref_slice %arg4[%dma_start3A_1004, %dma_start3A_1008, %dma_start3A_1009] : memref<4x5000x128xf32, #tpu.memory_space<vmem>> -> memref<1x5000x128xf32, #tpu.memory_space<vmem>>
    %dma_start3A_1011 = tpu.memref_squeeze %dma_start3A_1010 : memref<1x5000x128xf32, #tpu.memory_space<vmem>> -> memref<5000x128xf32, #tpu.memory_space<vmem>>
    %dma_start3A_1012 = arith.constant 0 : i32
    %dma_start3A_1013 = arith.constant 0 : i32
    %dma_start3A_1014 = tpu.memref_slice %arg2[%dma_start3A_1003, %dma_start3A_1012, %dma_start3A_1013] : memref<64x5000x128xf32, #tpu.memory_space<any>> -> memref<1x5000x128xf32, #tpu.memory_space<any>>
    %dma_start3A_1015 = tpu.memref_squeeze %dma_start3A_1014 : memref<1x5000x128xf32, #tpu.memory_space<any>> -> memref<5000x128xf32, #tpu.memory_space<any>>
    tpu.enqueue_dma source(%dma_start3A_1015 : memref<5000x128xf32, #tpu.memory_space<any>>) target(%dma_start3A_1011 : memref<5000x128xf32, #tpu.memory_space<vmem>>) target_semaphore(%dma_start3A_1007 : memref<!tpu.dma_semaphore, #tpu.memory_space<semaphore_mem>>)
    %dma_wait3A_1016 = arith.constant 22 : i32
    %dma_wait3A_1017 = arith.constant 2 : i32
    %dma_wait3A_1018 = arith.constant 2 : i32
    %dma_wait3A_1019 = tpu.memref_slice %arg5[%dma_wait3A_1018] : memref<4x!tpu.dma_semaphore, #tpu.memory_space<semaphore_mem>> -> memref<1x!tpu.dma_semaphore, #tpu.memory_space<semaphore_mem>>
    %dma_wait3A_1020 = tpu.memref_squeeze %dma_wait3A_1019 : memref<1x!tpu.dma_semaphore, #tpu.memory_space<semaphore_mem>> -> memref<!tpu.dma_semaphore, #tpu.memory_space<semaphore_mem>>
    %dma_wait3A_1021 = arith.constant 0 : i32
    %dma_wait3A_1022 = arith.constant 0 : i32
    %dma_wait3A_1023 = tpu.memref_slice %arg4[%dma_wait3A_1017, %dma_wait3A_1021, %dma_wait3A_1022] : memref<4x5000x128xf32, #tpu.memory_space<vmem>> -> memref<1x5000x128xf32, #tpu.memory_space<vmem>>
    %dma_wait3A_1024 = tpu.memref_squeeze %dma_wait3A_1023 : memref<1x5000x128xf32, #tpu.memory_space<vmem>> -> memref<5000x128xf32, #tpu.memory_space<vmem>>
    %dma_wait3A_1025 = arith.constant 0 : i32
    %dma_wait3A_1026 = arith.constant 0 : i32
    %dma_wait3A_1027 = tpu.memref_slice %arg2[%dma_wait3A_1016, %dma_wait3A_1025, %dma_wait3A_1026] : memref<64x5000x128xf32, #tpu.memory_space<any>> -> memref<1x5000x128xf32, #tpu.memory_space<any>>
    %dma_wait3A_1028 = tpu.memref_squeeze %dma_wait3A_1027 : memref<1x5000x128xf32, #tpu.memory_space<any>> -> memref<5000x128xf32, #tpu.memory_space<any>>
    tpu.wait_dma2 semaphore(%dma_wait3A_1020 : memref<!tpu.dma_semaphore, #tpu.memory_space<semaphore_mem>>) src(%dma_wait3A_1028 : memref<5000x128xf32, #tpu.memory_space<any>>) dst(%dma_wait3A_1024 : memref<5000x128xf32, #tpu.memory_space<vmem>>)
    %get3A_1029 = arith.constant 0 : index
    %get3A_1030 = arith.constant 0 : index
    %get3A_1031 = vector.load %arg0[%get3A_1029, %get3A_1030] : memref<1x128xf32, #tpu.memory_space<vmem>>, vector<1x128xf32>
    %get3A_1032 = arith.constant 2 : index
    %get3A_1033 = arith.constant 0 : index
    %get3A_1034 = arith.constant 0 : index
    %get3A_1035 = vector.load %arg4[%get3A_1032, %get3A_1033, %get3A_1034] : memref<4x5000x128xf32, #tpu.memory_space<vmem>>, vector<1x5000x128xf32>
    %get3A_1036 = vector.shape_cast %get3A_1035 : vector<1x5000x128xf32> to vector<5000x128xf32>
    %dot_general3A_1037 = arith.constant dense<0.000000e+00> : vector<1x5000xf32>
    %dot_general3A_1038 = tpu.matmul %get3A_1031, %get3A_1036, %dot_general3A_1037 {dimension_numbers = #tpu.dot_dimension_numbers<[1], [1], [0], [0], [0, 0, 1, 0], [], []>, transpose_lhs_hint = false} : vector<1x128xf32>, vector<5000x128xf32>, vector<1x5000xf32> -> vector<1x5000xf32>
    %squeeze3A_1039 = vector.shape_cast %dot_general3A_1038 : vector<1x5000xf32> to vector<5000xf32>
    %add3A_1040 = vector.broadcast %get3A_1 : f32 to vector<5000xf32>
    %add3A_1041 = arith.addf %squeeze3A_1039, %add3A_1040 : vector<5000xf32>
    %swap3A_1042 = arith.constant 22 : index
    %swap3A_1043 = arith.constant 0 : index
    %swap3A_1044 = vector.load %arg3[%swap3A_1042, %swap3A_1043] : memref<64x5000xf32, #tpu.memory_space<vmem>>, vector<1x5000xf32>
    %swap3A_1045 = vector.shape_cast %swap3A_1044 : vector<1x5000xf32> to vector<5000xf32>
    %swap3A_1046 = vector.shape_cast %add3A_1041 : vector<5000xf32> to vector<1x5000xf32>
    tpu.vector_store %arg3[%swap3A_1042, %swap3A_1043], %swap3A_1046 {strides = array<i32>} : memref<64x5000xf32, #tpu.memory_space<vmem>>, vector<1x5000xf32>,
    %dma_start3A_1047 = arith.constant 26 : i32
    %dma_start3A_1048 = arith.constant 2 : i32
    %dma_start3A_1049 = arith.constant 2 : i32
    %dma_start3A_1050 = tpu.memref_slice %arg5[%dma_start3A_1049] : memref<4x!tpu.dma_semaphore, #tpu.memory_space<semaphore_mem>> -> memref<1x!tpu.dma_semaphore, #tpu.memory_space<semaphore_mem>>
    %dma_start3A_1051 = tpu.memref_squeeze %dma_start3A_1050 : memref<1x!tpu.dma_semaphore, #tpu.memory_space<semaphore_mem>> -> memref<!tpu.dma_semaphore, #tpu.memory_space<semaphore_mem>>
    %dma_start3A_1052 = arith.constant 0 : i32
    %dma_start3A_1053 = arith.constant 0 : i32
    %dma_start3A_1054 = tpu.memref_slice %arg4[%dma_start3A_1048, %dma_start3A_1052, %dma_start3A_1053] : memref<4x5000x128xf32, #tpu.memory_space<vmem>> -> memref<1x5000x128xf32, #tpu.memory_space<vmem>>
    %dma_start3A_1055 = tpu.memref_squeeze %dma_start3A_1054 : memref<1x5000x128xf32, #tpu.memory_space<vmem>> -> memref<5000x128xf32, #tpu.memory_space<vmem>>
    %dma_start3A_1056 = arith.constant 0 : i32
    %dma_start3A_1057 = arith.constant 0 : i32
    %dma_start3A_1058 = tpu.memref_slice %arg2[%dma_start3A_1047, %dma_start3A_1056, %dma_start3A_1057] : memref<64x5000x128xf32, #tpu.memory_space<any>> -> memref<1x5000x128xf32, #tpu.memory_space<any>>
    %dma_start3A_1059 = tpu.memref_squeeze %dma_start3A_1058 : memref<1x5000x128xf32, #tpu.memory_space<any>> -> memref<5000x128xf32, #tpu.memory_space<any>>
    tpu.enqueue_dma source(%dma_start3A_1059 : memref<5000x128xf32, #tpu.memory_space<any>>) target(%dma_start3A_1055 : memref<5000x128xf32, #tpu.memory_space<vmem>>) target_semaphore(%dma_start3A_1051 : memref<!tpu.dma_semaphore, #tpu.memory_space<semaphore_mem>>)
    %dma_wait3A_1060 = arith.constant 23 : i32
    %dma_wait3A_1061 = arith.constant 3 : i32
    %dma_wait3A_1062 = arith.constant 3 : i32
    %dma_wait3A_1063 = tpu.memref_slice %arg5[%dma_wait3A_1062] : memref<4x!tpu.dma_semaphore, #tpu.memory_space<semaphore_mem>> -> memref<1x!tpu.dma_semaphore, #tpu.memory_space<semaphore_mem>>
    %dma_wait3A_1064 = tpu.memref_squeeze %dma_wait3A_1063 : memref<1x!tpu.dma_semaphore, #tpu.memory_space<semaphore_mem>> -> memref<!tpu.dma_semaphore, #tpu.memory_space<semaphore_mem>>
    %dma_wait3A_1065 = arith.constant 0 : i32
    %dma_wait3A_1066 = arith.constant 0 : i32
    %dma_wait3A_1067 = tpu.memref_slice %arg4[%dma_wait3A_1061, %dma_wait3A_1065, %dma_wait3A_1066] : memref<4x5000x128xf32, #tpu.memory_space<vmem>> -> memref<1x5000x128xf32, #tpu.memory_space<vmem>>
    %dma_wait3A_1068 = tpu.memref_squeeze %dma_wait3A_1067 : memref<1x5000x128xf32, #tpu.memory_space<vmem>> -> memref<5000x128xf32, #tpu.memory_space<vmem>>
    %dma_wait3A_1069 = arith.constant 0 : i32
    %dma_wait3A_1070 = arith.constant 0 : i32
    %dma_wait3A_1071 = tpu.memref_slice %arg2[%dma_wait3A_1060, %dma_wait3A_1069, %dma_wait3A_1070] : memref<64x5000x128xf32, #tpu.memory_space<any>> -> memref<1x5000x128xf32, #tpu.memory_space<any>>
    %dma_wait3A_1072 = tpu.memref_squeeze %dma_wait3A_1071 : memref<1x5000x128xf32, #tpu.memory_space<any>> -> memref<5000x128xf32, #tpu.memory_space<any>>
    tpu.wait_dma2 semaphore(%dma_wait3A_1064 : memref<!tpu.dma_semaphore, #tpu.memory_space<semaphore_mem>>) src(%dma_wait3A_1072 : memref<5000x128xf32, #tpu.memory_space<any>>) dst(%dma_wait3A_1068 : memref<5000x128xf32, #tpu.memory_space<vmem>>)
    %get3A_1073 = arith.constant 0 : index
    %get3A_1074 = arith.constant 0 : index
    %get3A_1075 = vector.load %arg0[%get3A_1073, %get3A_1074] : memref<1x128xf32, #tpu.memory_space<vmem>>, vector<1x128xf32>
    %get3A_1076 = arith.constant 3 : index
    %get3A_1077 = arith.constant 0 : index
    %get3A_1078 = arith.constant 0 : index
    %get3A_1079 = vector.load %arg4[%get3A_1076, %get3A_1077, %get3A_1078] : memref<4x5000x128xf32, #tpu.memory_space<vmem>>, vector<1x5000x128xf32>
    %get3A_1080 = vector.shape_cast %get3A_1079 : vector<1x5000x128xf32> to vector<5000x128xf32>
    %dot_general3A_1081 = arith.constant dense<0.000000e+00> : vector<1x5000xf32>
    %dot_general3A_1082 = tpu.matmul %get3A_1075, %get3A_1080, %dot_general3A_1081 {dimension_numbers = #tpu.dot_dimension_numbers<[1], [1], [0], [0], [0, 0, 1, 0], [], []>, transpose_lhs_hint = false} : vector<1x128xf32>, vector<5000x128xf32>, vector<1x5000xf32> -> vector<1x5000xf32>
    %squeeze3A_1083 = vector.shape_cast %dot_general3A_1082 : vector<1x5000xf32> to vector<5000xf32>
    %add3A_1084 = vector.broadcast %get3A_1 : f32 to vector<5000xf32>
    %add3A_1085 = arith.addf %squeeze3A_1083, %add3A_1084 : vector<5000xf32>
    %swap3A_1086 = arith.constant 23 : index
    %swap3A_1087 = arith.constant 0 : index
    %swap3A_1088 = vector.load %arg3[%swap3A_1086, %swap3A_1087] : memref<64x5000xf32, #tpu.memory_space<vmem>>, vector<1x5000xf32>
    %swap3A_1089 = vector.shape_cast %swap3A_1088 : vector<1x5000xf32> to vector<5000xf32>
    %swap3A_1090 = vector.shape_cast %add3A_1085 : vector<5000xf32> to vector<1x5000xf32>
    tpu.vector_store %arg3[%swap3A_1086, %swap3A_1087], %swap3A_1090 {strides = array<i32>} : memref<64x5000xf32, #tpu.memory_space<vmem>>, vector<1x5000xf32>,
    %dma_start3A_1091 = arith.constant 27 : i32
    %dma_start3A_1092 = arith.constant 3 : i32
    %dma_start3A_1093 = arith.constant 3 : i32
    %dma_start3A_1094 = tpu.memref_slice %arg5[%dma_start3A_1093] : memref<4x!tpu.dma_semaphore, #tpu.memory_space<semaphore_mem>> -> memref<1x!tpu.dma_semaphore, #tpu.memory_space<semaphore_mem>>
    %dma_start3A_1095 = tpu.memref_squeeze %dma_start3A_1094 : memref<1x!tpu.dma_semaphore, #tpu.memory_space<semaphore_mem>> -> memref<!tpu.dma_semaphore, #tpu.memory_space<semaphore_mem>>
    %dma_start3A_1096 = arith.constant 0 : i32
    %dma_start3A_1097 = arith.constant 0 : i32
    %dma_start3A_1098 = tpu.memref_slice %arg4[%dma_start3A_1092, %dma_start3A_1096, %dma_start3A_1097] : memref<4x5000x128xf32, #tpu.memory_space<vmem>> -> memref<1x5000x128xf32, #tpu.memory_space<vmem>>
    %dma_start3A_1099 = tpu.memref_squeeze %dma_start3A_1098 : memref<1x5000x128xf32, #tpu.memory_space<vmem>> -> memref<5000x128xf32, #tpu.memory_space<vmem>>
    %dma_start3A_1100 = arith.constant 0 : i32
    %dma_start3A_1101 = arith.constant 0 : i32
    %dma_start3A_1102 = tpu.memref_slice %arg2[%dma_start3A_1091, %dma_start3A_1100, %dma_start3A_1101] : memref<64x5000x128xf32, #tpu.memory_space<any>> -> memref<1x5000x128xf32, #tpu.memory_space<any>>
    %dma_start3A_1103 = tpu.memref_squeeze %dma_start3A_1102 : memref<1x5000x128xf32, #tpu.memory_space<any>> -> memref<5000x128xf32, #tpu.memory_space<any>>
    tpu.enqueue_dma source(%dma_start3A_1103 : memref<5000x128xf32, #tpu.memory_space<any>>) target(%dma_start3A_1099 : memref<5000x128xf32, #tpu.memory_space<vmem>>) target_semaphore(%dma_start3A_1095 : memref<!tpu.dma_semaphore, #tpu.memory_space<semaphore_mem>>)
    %dma_wait3A_1104 = arith.constant 24 : i32
    %dma_wait3A_1105 = arith.constant 0 : i32
    %dma_wait3A_1106 = arith.constant 0 : i32
    %dma_wait3A_1107 = tpu.memref_slice %arg5[%dma_wait3A_1106] : memref<4x!tpu.dma_semaphore, #tpu.memory_space<semaphore_mem>> -> memref<1x!tpu.dma_semaphore, #tpu.memory_space<semaphore_mem>>
    %dma_wait3A_1108 = tpu.memref_squeeze %dma_wait3A_1107 : memref<1x!tpu.dma_semaphore, #tpu.memory_space<semaphore_mem>> -> memref<!tpu.dma_semaphore, #tpu.memory_space<semaphore_mem>>
    %dma_wait3A_1109 = arith.constant 0 : i32
    %dma_wait3A_1110 = arith.constant 0 : i32
    %dma_wait3A_1111 = tpu.memref_slice %arg4[%dma_wait3A_1105, %dma_wait3A_1109, %dma_wait3A_1110] : memref<4x5000x128xf32, #tpu.memory_space<vmem>> -> memref<1x5000x128xf32, #tpu.memory_space<vmem>>
    %dma_wait3A_1112 = tpu.memref_squeeze %dma_wait3A_1111 : memref<1x5000x128xf32, #tpu.memory_space<vmem>> -> memref<5000x128xf32, #tpu.memory_space<vmem>>
    %dma_wait3A_1113 = arith.constant 0 : i32
    %dma_wait3A_1114 = arith.constant 0 : i32
    %dma_wait3A_1115 = tpu.memref_slice %arg2[%dma_wait3A_1104, %dma_wait3A_1113, %dma_wait3A_1114] : memref<64x5000x128xf32, #tpu.memory_space<any>> -> memref<1x5000x128xf32, #tpu.memory_space<any>>
    %dma_wait3A_1116 = tpu.memref_squeeze %dma_wait3A_1115 : memref<1x5000x128xf32, #tpu.memory_space<any>> -> memref<5000x128xf32, #tpu.memory_space<any>>
    tpu.wait_dma2 semaphore(%dma_wait3A_1108 : memref<!tpu.dma_semaphore, #tpu.memory_space<semaphore_mem>>) src(%dma_wait3A_1116 : memref<5000x128xf32, #tpu.memory_space<any>>) dst(%dma_wait3A_1112 : memref<5000x128xf32, #tpu.memory_space<vmem>>)
    %get3A_1117 = arith.constant 0 : index
    %get3A_1118 = arith.constant 0 : index
    %get3A_1119 = vector.load %arg0[%get3A_1117, %get3A_1118] : memref<1x128xf32, #tpu.memory_space<vmem>>, vector<1x128xf32>
    %get3A_1120 = arith.constant 0 : index
    %get3A_1121 = arith.constant 0 : index
    %get3A_1122 = arith.constant 0 : index
    %get3A_1123 = vector.load %arg4[%get3A_1120, %get3A_1121, %get3A_1122] : memref<4x5000x128xf32, #tpu.memory_space<vmem>>, vector<1x5000x128xf32>
    %get3A_1124 = vector.shape_cast %get3A_1123 : vector<1x5000x128xf32> to vector<5000x128xf32>
    %dot_general3A_1125 = arith.constant dense<0.000000e+00> : vector<1x5000xf32>
    %dot_general3A_1126 = tpu.matmul %get3A_1119, %get3A_1124, %dot_general3A_1125 {dimension_numbers = #tpu.dot_dimension_numbers<[1], [1], [0], [0], [0, 0, 1, 0], [], []>, transpose_lhs_hint = false} : vector<1x128xf32>, vector<5000x128xf32>, vector<1x5000xf32> -> vector<1x5000xf32>
    %squeeze3A_1127 = vector.shape_cast %dot_general3A_1126 : vector<1x5000xf32> to vector<5000xf32>
    %add3A_1128 = vector.broadcast %get3A_1 : f32 to vector<5000xf32>
    %add3A_1129 = arith.addf %squeeze3A_1127, %add3A_1128 : vector<5000xf32>
    %swap3A_1130 = arith.constant 24 : index
    %swap3A_1131 = arith.constant 0 : index
    %swap3A_1132 = vector.load %arg3[%swap3A_1130, %swap3A_1131] : memref<64x5000xf32, #tpu.memory_space<vmem>>, vector<1x5000xf32>
    %swap3A_1133 = vector.shape_cast %swap3A_1132 : vector<1x5000xf32> to vector<5000xf32>
    %swap3A_1134 = vector.shape_cast %add3A_1129 : vector<5000xf32> to vector<1x5000xf32>
    tpu.vector_store %arg3[%swap3A_1130, %swap3A_1131], %swap3A_1134 {strides = array<i32>} : memref<64x5000xf32, #tpu.memory_space<vmem>>, vector<1x5000xf32>,
    %dma_start3A_1135 = arith.constant 28 : i32
    %dma_start3A_1136 = arith.constant 0 : i32
    %dma_start3A_1137 = arith.constant 0 : i32
    %dma_start3A_1138 = tpu.memref_slice %arg5[%dma_start3A_1137] : memref<4x!tpu.dma_semaphore, #tpu.memory_space<semaphore_mem>> -> memref<1x!tpu.dma_semaphore, #tpu.memory_space<semaphore_mem>>
    %dma_start3A_1139 = tpu.memref_squeeze %dma_start3A_1138 : memref<1x!tpu.dma_semaphore, #tpu.memory_space<semaphore_mem>> -> memref<!tpu.dma_semaphore, #tpu.memory_space<semaphore_mem>>
    %dma_start3A_1140 = arith.constant 0 : i32
    %dma_start3A_1141 = arith.constant 0 : i32
    %dma_start3A_1142 = tpu.memref_slice %arg4[%dma_start3A_1136, %dma_start3A_1140, %dma_start3A_1141] : memref<4x5000x128xf32, #tpu.memory_space<vmem>> -> memref<1x5000x128xf32, #tpu.memory_space<vmem>>
    %dma_start3A_1143 = tpu.memref_squeeze %dma_start3A_1142 : memref<1x5000x128xf32, #tpu.memory_space<vmem>> -> memref<5000x128xf32, #tpu.memory_space<vmem>>
    %dma_start3A_1144 = arith.constant 0 : i32
    %dma_start3A_1145 = arith.constant 0 : i32
    %dma_start3A_1146 = tpu.memref_slice %arg2[%dma_start3A_1135, %dma_start3A_1144, %dma_start3A_1145] : memref<64x5000x128xf32, #tpu.memory_space<any>> -> memref<1x5000x128xf32, #tpu.memory_space<any>>
    %dma_start3A_1147 = tpu.memref_squeeze %dma_start3A_1146 : memref<1x5000x128xf32, #tpu.memory_space<any>> -> memref<5000x128xf32, #tpu.memory_space<any>>
    tpu.enqueue_dma source(%dma_start3A_1147 : memref<5000x128xf32, #tpu.memory_space<any>>) target(%dma_start3A_1143 : memref<5000x128xf32, #tpu.memory_space<vmem>>) target_semaphore(%dma_start3A_1139 : memref<!tpu.dma_semaphore, #tpu.memory_space<semaphore_mem>>)
    %dma_wait3A_1148 = arith.constant 25 : i32
    %dma_wait3A_1149 = arith.constant 1 : i32
    %dma_wait3A_1150 = arith.constant 1 : i32
    %dma_wait3A_1151 = tpu.memref_slice %arg5[%dma_wait3A_1150] : memref<4x!tpu.dma_semaphore, #tpu.memory_space<semaphore_mem>> -> memref<1x!tpu.dma_semaphore, #tpu.memory_space<semaphore_mem>>
    %dma_wait3A_1152 = tpu.memref_squeeze %dma_wait3A_1151 : memref<1x!tpu.dma_semaphore, #tpu.memory_space<semaphore_mem>> -> memref<!tpu.dma_semaphore, #tpu.memory_space<semaphore_mem>>
    %dma_wait3A_1153 = arith.constant 0 : i32
    %dma_wait3A_1154 = arith.constant 0 : i32
    %dma_wait3A_1155 = tpu.memref_slice %arg4[%dma_wait3A_1149, %dma_wait3A_1153, %dma_wait3A_1154] : memref<4x5000x128xf32, #tpu.memory_space<vmem>> -> memref<1x5000x128xf32, #tpu.memory_space<vmem>>
    %dma_wait3A_1156 = tpu.memref_squeeze %dma_wait3A_1155 : memref<1x5000x128xf32, #tpu.memory_space<vmem>> -> memref<5000x128xf32, #tpu.memory_space<vmem>>
    %dma_wait3A_1157 = arith.constant 0 : i32
    %dma_wait3A_1158 = arith.constant 0 : i32
    %dma_wait3A_1159 = tpu.memref_slice %arg2[%dma_wait3A_1148, %dma_wait3A_1157, %dma_wait3A_1158] : memref<64x5000x128xf32, #tpu.memory_space<any>> -> memref<1x5000x128xf32, #tpu.memory_space<any>>
    %dma_wait3A_1160 = tpu.memref_squeeze %dma_wait3A_1159 : memref<1x5000x128xf32, #tpu.memory_space<any>> -> memref<5000x128xf32, #tpu.memory_space<any>>
    tpu.wait_dma2 semaphore(%dma_wait3A_1152 : memref<!tpu.dma_semaphore, #tpu.memory_space<semaphore_mem>>) src(%dma_wait3A_1160 : memref<5000x128xf32, #tpu.memory_space<any>>) dst(%dma_wait3A_1156 : memref<5000x128xf32, #tpu.memory_space<vmem>>)
    %get3A_1161 = arith.constant 0 : index
    %get3A_1162 = arith.constant 0 : index
    %get3A_1163 = vector.load %arg0[%get3A_1161, %get3A_1162] : memref<1x128xf32, #tpu.memory_space<vmem>>, vector<1x128xf32>
    %get3A_1164 = arith.constant 1 : index
    %get3A_1165 = arith.constant 0 : index
    %get3A_1166 = arith.constant 0 : index
    %get3A_1167 = vector.load %arg4[%get3A_1164, %get3A_1165, %get3A_1166] : memref<4x5000x128xf32, #tpu.memory_space<vmem>>, vector<1x5000x128xf32>
    %get3A_1168 = vector.shape_cast %get3A_1167 : vector<1x5000x128xf32> to vector<5000x128xf32>
    %dot_general3A_1169 = arith.constant dense<0.000000e+00> : vector<1x5000xf32>
    %dot_general3A_1170 = tpu.matmul %get3A_1163, %get3A_1168, %dot_general3A_1169 {dimension_numbers = #tpu.dot_dimension_numbers<[1], [1], [0], [0], [0, 0, 1, 0], [], []>, transpose_lhs_hint = false} : vector<1x128xf32>, vector<5000x128xf32>, vector<1x5000xf32> -> vector<1x5000xf32>
    %squeeze3A_1171 = vector.shape_cast %dot_general3A_1170 : vector<1x5000xf32> to vector<5000xf32>
    %add3A_1172 = vector.broadcast %get3A_1 : f32 to vector<5000xf32>
    %add3A_1173 = arith.addf %squeeze3A_1171, %add3A_1172 : vector<5000xf32>
    %swap3A_1174 = arith.constant 25 : index
    %swap3A_1175 = arith.constant 0 : index
    %swap3A_1176 = vector.load %arg3[%swap3A_1174, %swap3A_1175] : memref<64x5000xf32, #tpu.memory_space<vmem>>, vector<1x5000xf32>
    %swap3A_1177 = vector.shape_cast %swap3A_1176 : vector<1x5000xf32> to vector<5000xf32>
    %swap3A_1178 = vector.shape_cast %add3A_1173 : vector<5000xf32> to vector<1x5000xf32>
    tpu.vector_store %arg3[%swap3A_1174, %swap3A_1175], %swap3A_1178 {strides = array<i32>} : memref<64x5000xf32, #tpu.memory_space<vmem>>, vector<1x5000xf32>,
    %dma_start3A_1179 = arith.constant 29 : i32
    %dma_start3A_1180 = arith.constant 1 : i32
    %dma_start3A_1181 = arith.constant 1 : i32
    %dma_start3A_1182 = tpu.memref_slice %arg5[%dma_start3A_1181] : memref<4x!tpu.dma_semaphore, #tpu.memory_space<semaphore_mem>> -> memref<1x!tpu.dma_semaphore, #tpu.memory_space<semaphore_mem>>
    %dma_start3A_1183 = tpu.memref_squeeze %dma_start3A_1182 : memref<1x!tpu.dma_semaphore, #tpu.memory_space<semaphore_mem>> -> memref<!tpu.dma_semaphore, #tpu.memory_space<semaphore_mem>>
    %dma_start3A_1184 = arith.constant 0 : i32
    %dma_start3A_1185 = arith.constant 0 : i32
    %dma_start3A_1186 = tpu.memref_slice %arg4[%dma_start3A_1180, %dma_start3A_1184, %dma_start3A_1185] : memref<4x5000x128xf32, #tpu.memory_space<vmem>> -> memref<1x5000x128xf32, #tpu.memory_space<vmem>>
    %dma_start3A_1187 = tpu.memref_squeeze %dma_start3A_1186 : memref<1x5000x128xf32, #tpu.memory_space<vmem>> -> memref<5000x128xf32, #tpu.memory_space<vmem>>
    %dma_start3A_1188 = arith.constant 0 : i32
    %dma_start3A_1189 = arith.constant 0 : i32
    %dma_start3A_1190 = tpu.memref_slice %arg2[%dma_start3A_1179, %dma_start3A_1188, %dma_start3A_1189] : memref<64x5000x128xf32, #tpu.memory_space<any>> -> memref<1x5000x128xf32, #tpu.memory_space<any>>
    %dma_start3A_1191 = tpu.memref_squeeze %dma_start3A_1190 : memref<1x5000x128xf32, #tpu.memory_space<any>> -> memref<5000x128xf32, #tpu.memory_space<any>>
    tpu.enqueue_dma source(%dma_start3A_1191 : memref<5000x128xf32, #tpu.memory_space<any>>) target(%dma_start3A_1187 : memref<5000x128xf32, #tpu.memory_space<vmem>>) target_semaphore(%dma_start3A_1183 : memref<!tpu.dma_semaphore, #tpu.memory_space<semaphore_mem>>)
    %dma_wait3A_1192 = arith.constant 26 : i32
    %dma_wait3A_1193 = arith.constant 2 : i32
    %dma_wait3A_1194 = arith.constant 2 : i32
    %dma_wait3A_1195 = tpu.memref_slice %arg5[%dma_wait3A_1194] : memref<4x!tpu.dma_semaphore, #tpu.memory_space<semaphore_mem>> -> memref<1x!tpu.dma_semaphore, #tpu.memory_space<semaphore_mem>>
    %dma_wait3A_1196 = tpu.memref_squeeze %dma_wait3A_1195 : memref<1x!tpu.dma_semaphore, #tpu.memory_space<semaphore_mem>> -> memref<!tpu.dma_semaphore, #tpu.memory_space<semaphore_mem>>
    %dma_wait3A_1197 = arith.constant 0 : i32
    %dma_wait3A_1198 = arith.constant 0 : i32
    %dma_wait3A_1199 = tpu.memref_slice %arg4[%dma_wait3A_1193, %dma_wait3A_1197, %dma_wait3A_1198] : memref<4x5000x128xf32, #tpu.memory_space<vmem>> -> memref<1x5000x128xf32, #tpu.memory_space<vmem>>
    %dma_wait3A_1200 = tpu.memref_squeeze %dma_wait3A_1199 : memref<1x5000x128xf32, #tpu.memory_space<vmem>> -> memref<5000x128xf32, #tpu.memory_space<vmem>>
    %dma_wait3A_1201 = arith.constant 0 : i32
    %dma_wait3A_1202 = arith.constant 0 : i32
    %dma_wait3A_1203 = tpu.memref_slice %arg2[%dma_wait3A_1192, %dma_wait3A_1201, %dma_wait3A_1202] : memref<64x5000x128xf32, #tpu.memory_space<any>> -> memref<1x5000x128xf32, #tpu.memory_space<any>>
    %dma_wait3A_1204 = tpu.memref_squeeze %dma_wait3A_1203 : memref<1x5000x128xf32, #tpu.memory_space<any>> -> memref<5000x128xf32, #tpu.memory_space<any>>
    tpu.wait_dma2 semaphore(%dma_wait3A_1196 : memref<!tpu.dma_semaphore, #tpu.memory_space<semaphore_mem>>) src(%dma_wait3A_1204 : memref<5000x128xf32, #tpu.memory_space<any>>) dst(%dma_wait3A_1200 : memref<5000x128xf32, #tpu.memory_space<vmem>>)
    %get3A_1205 = arith.constant 0 : index
    %get3A_1206 = arith.constant 0 : index
    %get3A_1207 = vector.load %arg0[%get3A_1205, %get3A_1206] : memref<1x128xf32, #tpu.memory_space<vmem>>, vector<1x128xf32>
    %get3A_1208 = arith.constant 2 : index
    %get3A_1209 = arith.constant 0 : index
    %get3A_1210 = arith.constant 0 : index
    %get3A_1211 = vector.load %arg4[%get3A_1208, %get3A_1209, %get3A_1210] : memref<4x5000x128xf32, #tpu.memory_space<vmem>>, vector<1x5000x128xf32>
    %get3A_1212 = vector.shape_cast %get3A_1211 : vector<1x5000x128xf32> to vector<5000x128xf32>
    %dot_general3A_1213 = arith.constant dense<0.000000e+00> : vector<1x5000xf32>
    %dot_general3A_1214 = tpu.matmul %get3A_1207, %get3A_1212, %dot_general3A_1213 {dimension_numbers = #tpu.dot_dimension_numbers<[1], [1], [0], [0], [0, 0, 1, 0], [], []>, transpose_lhs_hint = false} : vector<1x128xf32>, vector<5000x128xf32>, vector<1x5000xf32> -> vector<1x5000xf32>
    %squeeze3A_1215 = vector.shape_cast %dot_general3A_1214 : vector<1x5000xf32> to vector<5000xf32>
    %add3A_1216 = vector.broadcast %get3A_1 : f32 to vector<5000xf32>
    %add3A_1217 = arith.addf %squeeze3A_1215, %add3A_1216 : vector<5000xf32>
    %swap3A_1218 = arith.constant 26 : index
    %swap3A_1219 = arith.constant 0 : index
    %swap3A_1220 = vector.load %arg3[%swap3A_1218, %swap3A_1219] : memref<64x5000xf32, #tpu.memory_space<vmem>>, vector<1x5000xf32>
    %swap3A_1221 = vector.shape_cast %swap3A_1220 : vector<1x5000xf32> to vector<5000xf32>
    %swap3A_1222 = vector.shape_cast %add3A_1217 : vector<5000xf32> to vector<1x5000xf32>
    tpu.vector_store %arg3[%swap3A_1218, %swap3A_1219], %swap3A_1222 {strides = array<i32>} : memref<64x5000xf32, #tpu.memory_space<vmem>>, vector<1x5000xf32>,
    %dma_start3A_1223 = arith.constant 30 : i32
    %dma_start3A_1224 = arith.constant 2 : i32
    %dma_start3A_1225 = arith.constant 2 : i32
    %dma_start3A_1226 = tpu.memref_slice %arg5[%dma_start3A_1225] : memref<4x!tpu.dma_semaphore, #tpu.memory_space<semaphore_mem>> -> memref<1x!tpu.dma_semaphore, #tpu.memory_space<semaphore_mem>>
    %dma_start3A_1227 = tpu.memref_squeeze %dma_start3A_1226 : memref<1x!tpu.dma_semaphore, #tpu.memory_space<semaphore_mem>> -> memref<!tpu.dma_semaphore, #tpu.memory_space<semaphore_mem>>
    %dma_start3A_1228 = arith.constant 0 : i32
    %dma_start3A_1229 = arith.constant 0 : i32
    %dma_start3A_1230 = tpu.memref_slice %arg4[%dma_start3A_1224, %dma_start3A_1228, %dma_start3A_1229] : memref<4x5000x128xf32, #tpu.memory_space<vmem>> -> memref<1x5000x128xf32, #tpu.memory_space<vmem>>
    %dma_start3A_1231 = tpu.memref_squeeze %dma_start3A_1230 : memref<1x5000x128xf32, #tpu.memory_space<vmem>> -> memref<5000x128xf32, #tpu.memory_space<vmem>>
    %dma_start3A_1232 = arith.constant 0 : i32
    %dma_start3A_1233 = arith.constant 0 : i32
    %dma_start3A_1234 = tpu.memref_slice %arg2[%dma_start3A_1223, %dma_start3A_1232, %dma_start3A_1233] : memref<64x5000x128xf32, #tpu.memory_space<any>> -> memref<1x5000x128xf32, #tpu.memory_space<any>>
    %dma_start3A_1235 = tpu.memref_squeeze %dma_start3A_1234 : memref<1x5000x128xf32, #tpu.memory_space<any>> -> memref<5000x128xf32, #tpu.memory_space<any>>
    tpu.enqueue_dma source(%dma_start3A_1235 : memref<5000x128xf32, #tpu.memory_space<any>>) target(%dma_start3A_1231 : memref<5000x128xf32, #tpu.memory_space<vmem>>) target_semaphore(%dma_start3A_1227 : memref<!tpu.dma_semaphore, #tpu.memory_space<semaphore_mem>>)
    %dma_wait3A_1236 = arith.constant 27 : i32
    %dma_wait3A_1237 = arith.constant 3 : i32
    %dma_wait3A_1238 = arith.constant 3 : i32
    %dma_wait3A_1239 = tpu.memref_slice %arg5[%dma_wait3A_1238] : memref<4x!tpu.dma_semaphore, #tpu.memory_space<semaphore_mem>> -> memref<1x!tpu.dma_semaphore, #tpu.memory_space<semaphore_mem>>
    %dma_wait3A_1240 = tpu.memref_squeeze %dma_wait3A_1239 : memref<1x!tpu.dma_semaphore, #tpu.memory_space<semaphore_mem>> -> memref<!tpu.dma_semaphore, #tpu.memory_space<semaphore_mem>>
    %dma_wait3A_1241 = arith.constant 0 : i32
    %dma_wait3A_1242 = arith.constant 0 : i32
    %dma_wait3A_1243 = tpu.memref_slice %arg4[%dma_wait3A_1237, %dma_wait3A_1241, %dma_wait3A_1242] : memref<4x5000x128xf32, #tpu.memory_space<vmem>> -> memref<1x5000x128xf32, #tpu.memory_space<vmem>>
    %dma_wait3A_1244 = tpu.memref_squeeze %dma_wait3A_1243 : memref<1x5000x128xf32, #tpu.memory_space<vmem>> -> memref<5000x128xf32, #tpu.memory_space<vmem>>
    %dma_wait3A_1245 = arith.constant 0 : i32
    %dma_wait3A_1246 = arith.constant 0 : i32
    %dma_wait3A_1247 = tpu.memref_slice %arg2[%dma_wait3A_1236, %dma_wait3A_1245, %dma_wait3A_1246] : memref<64x5000x128xf32, #tpu.memory_space<any>> -> memref<1x5000x128xf32, #tpu.memory_space<any>>
    %dma_wait3A_1248 = tpu.memref_squeeze %dma_wait3A_1247 : memref<1x5000x128xf32, #tpu.memory_space<any>> -> memref<5000x128xf32, #tpu.memory_space<any>>
    tpu.wait_dma2 semaphore(%dma_wait3A_1240 : memref<!tpu.dma_semaphore, #tpu.memory_space<semaphore_mem>>) src(%dma_wait3A_1248 : memref<5000x128xf32, #tpu.memory_space<any>>) dst(%dma_wait3A_1244 : memref<5000x128xf32, #tpu.memory_space<vmem>>)
    %get3A_1249 = arith.constant 0 : index
    %get3A_1250 = arith.constant 0 : index
    %get3A_1251 = vector.load %arg0[%get3A_1249, %get3A_1250] : memref<1x128xf32, #tpu.memory_space<vmem>>, vector<1x128xf32>
    %get3A_1252 = arith.constant 3 : index
    %get3A_1253 = arith.constant 0 : index
    %get3A_1254 = arith.constant 0 : index
    %get3A_1255 = vector.load %arg4[%get3A_1252, %get3A_1253, %get3A_1254] : memref<4x5000x128xf32, #tpu.memory_space<vmem>>, vector<1x5000x128xf32>
    %get3A_1256 = vector.shape_cast %get3A_1255 : vector<1x5000x128xf32> to vector<5000x128xf32>
    %dot_general3A_1257 = arith.constant dense<0.000000e+00> : vector<1x5000xf32>
    %dot_general3A_1258 = tpu.matmul %get3A_1251, %get3A_1256, %dot_general3A_1257 {dimension_numbers = #tpu.dot_dimension_numbers<[1], [1], [0], [0], [0, 0, 1, 0], [], []>, transpose_lhs_hint = false} : vector<1x128xf32>, vector<5000x128xf32>, vector<1x5000xf32> -> vector<1x5000xf32>
    %squeeze3A_1259 = vector.shape_cast %dot_general3A_1258 : vector<1x5000xf32> to vector<5000xf32>
    %add3A_1260 = vector.broadcast %get3A_1 : f32 to vector<5000xf32>
    %add3A_1261 = arith.addf %squeeze3A_1259, %add3A_1260 : vector<5000xf32>
    %swap3A_1262 = arith.constant 27 : index
    %swap3A_1263 = arith.constant 0 : index
    %swap3A_1264 = vector.load %arg3[%swap3A_1262, %swap3A_1263] : memref<64x5000xf32, #tpu.memory_space<vmem>>, vector<1x5000xf32>
    %swap3A_1265 = vector.shape_cast %swap3A_1264 : vector<1x5000xf32> to vector<5000xf32>
    %swap3A_1266 = vector.shape_cast %add3A_1261 : vector<5000xf32> to vector<1x5000xf32>
    tpu.vector_store %arg3[%swap3A_1262, %swap3A_1263], %swap3A_1266 {strides = array<i32>} : memref<64x5000xf32, #tpu.memory_space<vmem>>, vector<1x5000xf32>,
    %dma_start3A_1267 = arith.constant 31 : i32
    %dma_start3A_1268 = arith.constant 3 : i32
    %dma_start3A_1269 = arith.constant 3 : i32
    %dma_start3A_1270 = tpu.memref_slice %arg5[%dma_start3A_1269] : memref<4x!tpu.dma_semaphore, #tpu.memory_space<semaphore_mem>> -> memref<1x!tpu.dma_semaphore, #tpu.memory_space<semaphore_mem>>
    %dma_start3A_1271 = tpu.memref_squeeze %dma_start3A_1270 : memref<1x!tpu.dma_semaphore, #tpu.memory_space<semaphore_mem>> -> memref<!tpu.dma_semaphore, #tpu.memory_space<semaphore_mem>>
    %dma_start3A_1272 = arith.constant 0 : i32
    %dma_start3A_1273 = arith.constant 0 : i32
    %dma_start3A_1274 = tpu.memref_slice %arg4[%dma_start3A_1268, %dma_start3A_1272, %dma_start3A_1273] : memref<4x5000x128xf32, #tpu.memory_space<vmem>> -> memref<1x5000x128xf32, #tpu.memory_space<vmem>>
    %dma_start3A_1275 = tpu.memref_squeeze %dma_start3A_1274 : memref<1x5000x128xf32, #tpu.memory_space<vmem>> -> memref<5000x128xf32, #tpu.memory_space<vmem>>
    %dma_start3A_1276 = arith.constant 0 : i32
    %dma_start3A_1277 = arith.constant 0 : i32
    %dma_start3A_1278 = tpu.memref_slice %arg2[%dma_start3A_1267, %dma_start3A_1276, %dma_start3A_1277] : memref<64x5000x128xf32, #tpu.memory_space<any>> -> memref<1x5000x128xf32, #tpu.memory_space<any>>
    %dma_start3A_1279 = tpu.memref_squeeze %dma_start3A_1278 : memref<1x5000x128xf32, #tpu.memory_space<any>> -> memref<5000x128xf32, #tpu.memory_space<any>>
    tpu.enqueue_dma source(%dma_start3A_1279 : memref<5000x128xf32, #tpu.memory_space<any>>) target(%dma_start3A_1275 : memref<5000x128xf32, #tpu.memory_space<vmem>>) target_semaphore(%dma_start3A_1271 : memref<!tpu.dma_semaphore, #tpu.memory_space<semaphore_mem>>)
    %dma_wait3A_1280 = arith.constant 28 : i32
    %dma_wait3A_1281 = arith.constant 0 : i32
    %dma_wait3A_1282 = arith.constant 0 : i32
    %dma_wait3A_1283 = tpu.memref_slice %arg5[%dma_wait3A_1282] : memref<4x!tpu.dma_semaphore, #tpu.memory_space<semaphore_mem>> -> memref<1x!tpu.dma_semaphore, #tpu.memory_space<semaphore_mem>>
    %dma_wait3A_1284 = tpu.memref_squeeze %dma_wait3A_1283 : memref<1x!tpu.dma_semaphore, #tpu.memory_space<semaphore_mem>> -> memref<!tpu.dma_semaphore, #tpu.memory_space<semaphore_mem>>
    %dma_wait3A_1285 = arith.constant 0 : i32
    %dma_wait3A_1286 = arith.constant 0 : i32
    %dma_wait3A_1287 = tpu.memref_slice %arg4[%dma_wait3A_1281, %dma_wait3A_1285, %dma_wait3A_1286] : memref<4x5000x128xf32, #tpu.memory_space<vmem>> -> memref<1x5000x128xf32, #tpu.memory_space<vmem>>
    %dma_wait3A_1288 = tpu.memref_squeeze %dma_wait3A_1287 : memref<1x5000x128xf32, #tpu.memory_space<vmem>> -> memref<5000x128xf32, #tpu.memory_space<vmem>>
    %dma_wait3A_1289 = arith.constant 0 : i32
    %dma_wait3A_1290 = arith.constant 0 : i32
    %dma_wait3A_1291 = tpu.memref_slice %arg2[%dma_wait3A_1280, %dma_wait3A_1289, %dma_wait3A_1290] : memref<64x5000x128xf32, #tpu.memory_space<any>> -> memref<1x5000x128xf32, #tpu.memory_space<any>>
    %dma_wait3A_1292 = tpu.memref_squeeze %dma_wait3A_1291 : memref<1x5000x128xf32, #tpu.memory_space<any>> -> memref<5000x128xf32, #tpu.memory_space<any>>
    tpu.wait_dma2 semaphore(%dma_wait3A_1284 : memref<!tpu.dma_semaphore, #tpu.memory_space<semaphore_mem>>) src(%dma_wait3A_1292 : memref<5000x128xf32, #tpu.memory_space<any>>) dst(%dma_wait3A_1288 : memref<5000x128xf32, #tpu.memory_space<vmem>>)
    %get3A_1293 = arith.constant 0 : index
    %get3A_1294 = arith.constant 0 : index
    %get3A_1295 = vector.load %arg0[%get3A_1293, %get3A_1294] : memref<1x128xf32, #tpu.memory_space<vmem>>, vector<1x128xf32>
    %get3A_1296 = arith.constant 0 : index
    %get3A_1297 = arith.constant 0 : index
    %get3A_1298 = arith.constant 0 : index
    %get3A_1299 = vector.load %arg4[%get3A_1296, %get3A_1297, %get3A_1298] : memref<4x5000x128xf32, #tpu.memory_space<vmem>>, vector<1x5000x128xf32>
    %get3A_1300 = vector.shape_cast %get3A_1299 : vector<1x5000x128xf32> to vector<5000x128xf32>
    %dot_general3A_1301 = arith.constant dense<0.000000e+00> : vector<1x5000xf32>
    %dot_general3A_1302 = tpu.matmul %get3A_1295, %get3A_1300, %dot_general3A_1301 {dimension_numbers = #tpu.dot_dimension_numbers<[1], [1], [0], [0], [0, 0, 1, 0], [], []>, transpose_lhs_hint = false} : vector<1x128xf32>, vector<5000x128xf32>, vector<1x5000xf32> -> vector<1x5000xf32>
    %squeeze3A_1303 = vector.shape_cast %dot_general3A_1302 : vector<1x5000xf32> to vector<5000xf32>
    %add3A_1304 = vector.broadcast %get3A_1 : f32 to vector<5000xf32>
    %add3A_1305 = arith.addf %squeeze3A_1303, %add3A_1304 : vector<5000xf32>
    %swap3A_1306 = arith.constant 28 : index
    %swap3A_1307 = arith.constant 0 : index
    %swap3A_1308 = vector.load %arg3[%swap3A_1306, %swap3A_1307] : memref<64x5000xf32, #tpu.memory_space<vmem>>, vector<1x5000xf32>
    %swap3A_1309 = vector.shape_cast %swap3A_1308 : vector<1x5000xf32> to vector<5000xf32>
    %swap3A_1310 = vector.shape_cast %add3A_1305 : vector<5000xf32> to vector<1x5000xf32>
    tpu.vector_store %arg3[%swap3A_1306, %swap3A_1307], %swap3A_1310 {strides = array<i32>} : memref<64x5000xf32, #tpu.memory_space<vmem>>, vector<1x5000xf32>,
    %dma_start3A_1311 = arith.constant 32 : i32
    %dma_start3A_1312 = arith.constant 0 : i32
    %dma_start3A_1313 = arith.constant 0 : i32
    %dma_start3A_1314 = tpu.memref_slice %arg5[%dma_start3A_1313] : memref<4x!tpu.dma_semaphore, #tpu.memory_space<semaphore_mem>> -> memref<1x!tpu.dma_semaphore, #tpu.memory_space<semaphore_mem>>
    %dma_start3A_1315 = tpu.memref_squeeze %dma_start3A_1314 : memref<1x!tpu.dma_semaphore, #tpu.memory_space<semaphore_mem>> -> memref<!tpu.dma_semaphore, #tpu.memory_space<semaphore_mem>>
    %dma_start3A_1316 = arith.constant 0 : i32
    %dma_start3A_1317 = arith.constant 0 : i32
    %dma_start3A_1318 = tpu.memref_slice %arg4[%dma_start3A_1312, %dma_start3A_1316, %dma_start3A_1317] : memref<4x5000x128xf32, #tpu.memory_space<vmem>> -> memref<1x5000x128xf32, #tpu.memory_space<vmem>>
    %dma_start3A_1319 = tpu.memref_squeeze %dma_start3A_1318 : memref<1x5000x128xf32, #tpu.memory_space<vmem>> -> memref<5000x128xf32, #tpu.memory_space<vmem>>
    %dma_start3A_1320 = arith.constant 0 : i32
    %dma_start3A_1321 = arith.constant 0 : i32
    %dma_start3A_1322 = tpu.memref_slice %arg2[%dma_start3A_1311, %dma_start3A_1320, %dma_start3A_1321] : memref<64x5000x128xf32, #tpu.memory_space<any>> -> memref<1x5000x128xf32, #tpu.memory_space<any>>
    %dma_start3A_1323 = tpu.memref_squeeze %dma_start3A_1322 : memref<1x5000x128xf32, #tpu.memory_space<any>> -> memref<5000x128xf32, #tpu.memory_space<any>>
    tpu.enqueue_dma source(%dma_start3A_1323 : memref<5000x128xf32, #tpu.memory_space<any>>) target(%dma_start3A_1319 : memref<5000x128xf32, #tpu.memory_space<vmem>>) target_semaphore(%dma_start3A_1315 : memref<!tpu.dma_semaphore, #tpu.memory_space<semaphore_mem>>)
    %dma_wait3A_1324 = arith.constant 29 : i32
    %dma_wait3A_1325 = arith.constant 1 : i32
    %dma_wait3A_1326 = arith.constant 1 : i32
    %dma_wait3A_1327 = tpu.memref_slice %arg5[%dma_wait3A_1326] : memref<4x!tpu.dma_semaphore, #tpu.memory_space<semaphore_mem>> -> memref<1x!tpu.dma_semaphore, #tpu.memory_space<semaphore_mem>>
    %dma_wait3A_1328 = tpu.memref_squeeze %dma_wait3A_1327 : memref<1x!tpu.dma_semaphore, #tpu.memory_space<semaphore_mem>> -> memref<!tpu.dma_semaphore, #tpu.memory_space<semaphore_mem>>
    %dma_wait3A_1329 = arith.constant 0 : i32
    %dma_wait3A_1330 = arith.constant 0 : i32
    %dma_wait3A_1331 = tpu.memref_slice %arg4[%dma_wait3A_1325, %dma_wait3A_1329, %dma_wait3A_1330] : memref<4x5000x128xf32, #tpu.memory_space<vmem>> -> memref<1x5000x128xf32, #tpu.memory_space<vmem>>
    %dma_wait3A_1332 = tpu.memref_squeeze %dma_wait3A_1331 : memref<1x5000x128xf32, #tpu.memory_space<vmem>> -> memref<5000x128xf32, #tpu.memory_space<vmem>>
    %dma_wait3A_1333 = arith.constant 0 : i32
    %dma_wait3A_1334 = arith.constant 0 : i32
    %dma_wait3A_1335 = tpu.memref_slice %arg2[%dma_wait3A_1324, %dma_wait3A_1333, %dma_wait3A_1334] : memref<64x5000x128xf32, #tpu.memory_space<any>> -> memref<1x5000x128xf32, #tpu.memory_space<any>>
    %dma_wait3A_1336 = tpu.memref_squeeze %dma_wait3A_1335 : memref<1x5000x128xf32, #tpu.memory_space<any>> -> memref<5000x128xf32, #tpu.memory_space<any>>
    tpu.wait_dma2 semaphore(%dma_wait3A_1328 : memref<!tpu.dma_semaphore, #tpu.memory_space<semaphore_mem>>) src(%dma_wait3A_1336 : memref<5000x128xf32, #tpu.memory_space<any>>) dst(%dma_wait3A_1332 : memref<5000x128xf32, #tpu.memory_space<vmem>>)
    %get3A_1337 = arith.constant 0 : index
    %get3A_1338 = arith.constant 0 : index
    %get3A_1339 = vector.load %arg0[%get3A_1337, %get3A_1338] : memref<1x128xf32, #tpu.memory_space<vmem>>, vector<1x128xf32>
    %get3A_1340 = arith.constant 1 : index
    %get3A_1341 = arith.constant 0 : index
    %get3A_1342 = arith.constant 0 : index
    %get3A_1343 = vector.load %arg4[%get3A_1340, %get3A_1341, %get3A_1342] : memref<4x5000x128xf32, #tpu.memory_space<vmem>>, vector<1x5000x128xf32>
    %get3A_1344 = vector.shape_cast %get3A_1343 : vector<1x5000x128xf32> to vector<5000x128xf32>
    %dot_general3A_1345 = arith.constant dense<0.000000e+00> : vector<1x5000xf32>
    %dot_general3A_1346 = tpu.matmul %get3A_1339, %get3A_1344, %dot_general3A_1345 {dimension_numbers = #tpu.dot_dimension_numbers<[1], [1], [0], [0], [0, 0, 1, 0], [], []>, transpose_lhs_hint = false} : vector<1x128xf32>, vector<5000x128xf32>, vector<1x5000xf32> -> vector<1x5000xf32>
    %squeeze3A_1347 = vector.shape_cast %dot_general3A_1346 : vector<1x5000xf32> to vector<5000xf32>
    %add3A_1348 = vector.broadcast %get3A_1 : f32 to vector<5000xf32>
    %add3A_1349 = arith.addf %squeeze3A_1347, %add3A_1348 : vector<5000xf32>
    %swap3A_1350 = arith.constant 29 : index
    %swap3A_1351 = arith.constant 0 : index
    %swap3A_1352 = vector.load %arg3[%swap3A_1350, %swap3A_1351] : memref<64x5000xf32, #tpu.memory_space<vmem>>, vector<1x5000xf32>
    %swap3A_1353 = vector.shape_cast %swap3A_1352 : vector<1x5000xf32> to vector<5000xf32>
    %swap3A_1354 = vector.shape_cast %add3A_1349 : vector<5000xf32> to vector<1x5000xf32>
    tpu.vector_store %arg3[%swap3A_1350, %swap3A_1351], %swap3A_1354 {strides = array<i32>} : memref<64x5000xf32, #tpu.memory_space<vmem>>, vector<1x5000xf32>,
    %dma_start3A_1355 = arith.constant 33 : i32
    %dma_start3A_1356 = arith.constant 1 : i32
    %dma_start3A_1357 = arith.constant 1 : i32
    %dma_start3A_1358 = tpu.memref_slice %arg5[%dma_start3A_1357] : memref<4x!tpu.dma_semaphore, #tpu.memory_space<semaphore_mem>> -> memref<1x!tpu.dma_semaphore, #tpu.memory_space<semaphore_mem>>
    %dma_start3A_1359 = tpu.memref_squeeze %dma_start3A_1358 : memref<1x!tpu.dma_semaphore, #tpu.memory_space<semaphore_mem>> -> memref<!tpu.dma_semaphore, #tpu.memory_space<semaphore_mem>>
    %dma_start3A_1360 = arith.constant 0 : i32
    %dma_start3A_1361 = arith.constant 0 : i32
    %dma_start3A_1362 = tpu.memref_slice %arg4[%dma_start3A_1356, %dma_start3A_1360, %dma_start3A_1361] : memref<4x5000x128xf32, #tpu.memory_space<vmem>> -> memref<1x5000x128xf32, #tpu.memory_space<vmem>>
    %dma_start3A_1363 = tpu.memref_squeeze %dma_start3A_1362 : memref<1x5000x128xf32, #tpu.memory_space<vmem>> -> memref<5000x128xf32, #tpu.memory_space<vmem>>
    %dma_start3A_1364 = arith.constant 0 : i32
    %dma_start3A_1365 = arith.constant 0 : i32
    %dma_start3A_1366 = tpu.memref_slice %arg2[%dma_start3A_1355, %dma_start3A_1364, %dma_start3A_1365] : memref<64x5000x128xf32, #tpu.memory_space<any>> -> memref<1x5000x128xf32, #tpu.memory_space<any>>
    %dma_start3A_1367 = tpu.memref_squeeze %dma_start3A_1366 : memref<1x5000x128xf32, #tpu.memory_space<any>> -> memref<5000x128xf32, #tpu.memory_space<any>>
    tpu.enqueue_dma source(%dma_start3A_1367 : memref<5000x128xf32, #tpu.memory_space<any>>) target(%dma_start3A_1363 : memref<5000x128xf32, #tpu.memory_space<vmem>>) target_semaphore(%dma_start3A_1359 : memref<!tpu.dma_semaphore, #tpu.memory_space<semaphore_mem>>)
    %dma_wait3A_1368 = arith.constant 30 : i32
    %dma_wait3A_1369 = arith.constant 2 : i32
    %dma_wait3A_1370 = arith.constant 2 : i32
    %dma_wait3A_1371 = tpu.memref_slice %arg5[%dma_wait3A_1370] : memref<4x!tpu.dma_semaphore, #tpu.memory_space<semaphore_mem>> -> memref<1x!tpu.dma_semaphore, #tpu.memory_space<semaphore_mem>>
    %dma_wait3A_1372 = tpu.memref_squeeze %dma_wait3A_1371 : memref<1x!tpu.dma_semaphore, #tpu.memory_space<semaphore_mem>> -> memref<!tpu.dma_semaphore, #tpu.memory_space<semaphore_mem>>
    %dma_wait3A_1373 = arith.constant 0 : i32
    %dma_wait3A_1374 = arith.constant 0 : i32
    %dma_wait3A_1375 = tpu.memref_slice %arg4[%dma_wait3A_1369, %dma_wait3A_1373, %dma_wait3A_1374] : memref<4x5000x128xf32, #tpu.memory_space<vmem>> -> memref<1x5000x128xf32, #tpu.memory_space<vmem>>
    %dma_wait3A_1376 = tpu.memref_squeeze %dma_wait3A_1375 : memref<1x5000x128xf32, #tpu.memory_space<vmem>> -> memref<5000x128xf32, #tpu.memory_space<vmem>>
    %dma_wait3A_1377 = arith.constant 0 : i32
    %dma_wait3A_1378 = arith.constant 0 : i32
    %dma_wait3A_1379 = tpu.memref_slice %arg2[%dma_wait3A_1368, %dma_wait3A_1377, %dma_wait3A_1378] : memref<64x5000x128xf32, #tpu.memory_space<any>> -> memref<1x5000x128xf32, #tpu.memory_space<any>>
    %dma_wait3A_1380 = tpu.memref_squeeze %dma_wait3A_1379 : memref<1x5000x128xf32, #tpu.memory_space<any>> -> memref<5000x128xf32, #tpu.memory_space<any>>
    tpu.wait_dma2 semaphore(%dma_wait3A_1372 : memref<!tpu.dma_semaphore, #tpu.memory_space<semaphore_mem>>) src(%dma_wait3A_1380 : memref<5000x128xf32, #tpu.memory_space<any>>) dst(%dma_wait3A_1376 : memref<5000x128xf32, #tpu.memory_space<vmem>>)
    %get3A_1381 = arith.constant 0 : index
    %get3A_1382 = arith.constant 0 : index
    %get3A_1383 = vector.load %arg0[%get3A_1381, %get3A_1382] : memref<1x128xf32, #tpu.memory_space<vmem>>, vector<1x128xf32>
    %get3A_1384 = arith.constant 2 : index
    %get3A_1385 = arith.constant 0 : index
    %get3A_1386 = arith.constant 0 : index
    %get3A_1387 = vector.load %arg4[%get3A_1384, %get3A_1385, %get3A_1386] : memref<4x5000x128xf32, #tpu.memory_space<vmem>>, vector<1x5000x128xf32>
    %get3A_1388 = vector.shape_cast %get3A_1387 : vector<1x5000x128xf32> to vector<5000x128xf32>
    %dot_general3A_1389 = arith.constant dense<0.000000e+00> : vector<1x5000xf32>
    %dot_general3A_1390 = tpu.matmul %get3A_1383, %get3A_1388, %dot_general3A_1389 {dimension_numbers = #tpu.dot_dimension_numbers<[1], [1], [0], [0], [0, 0, 1, 0], [], []>, transpose_lhs_hint = false} : vector<1x128xf32>, vector<5000x128xf32>, vector<1x5000xf32> -> vector<1x5000xf32>
    %squeeze3A_1391 = vector.shape_cast %dot_general3A_1390 : vector<1x5000xf32> to vector<5000xf32>
    %add3A_1392 = vector.broadcast %get3A_1 : f32 to vector<5000xf32>
    %add3A_1393 = arith.addf %squeeze3A_1391, %add3A_1392 : vector<5000xf32>
    %swap3A_1394 = arith.constant 30 : index
    %swap3A_1395 = arith.constant 0 : index
    %swap3A_1396 = vector.load %arg3[%swap3A_1394, %swap3A_1395] : memref<64x5000xf32, #tpu.memory_space<vmem>>, vector<1x5000xf32>
    %swap3A_1397 = vector.shape_cast %swap3A_1396 : vector<1x5000xf32> to vector<5000xf32>
    %swap3A_1398 = vector.shape_cast %add3A_1393 : vector<5000xf32> to vector<1x5000xf32>
    tpu.vector_store %arg3[%swap3A_1394, %swap3A_1395], %swap3A_1398 {strides = array<i32>} : memref<64x5000xf32, #tpu.memory_space<vmem>>, vector<1x5000xf32>,
    %dma_start3A_1399 = arith.constant 34 : i32
    %dma_start3A_1400 = arith.constant 2 : i32
    %dma_start3A_1401 = arith.constant 2 : i32
    %dma_start3A_1402 = tpu.memref_slice %arg5[%dma_start3A_1401] : memref<4x!tpu.dma_semaphore, #tpu.memory_space<semaphore_mem>> -> memref<1x!tpu.dma_semaphore, #tpu.memory_space<semaphore_mem>>
    %dma_start3A_1403 = tpu.memref_squeeze %dma_start3A_1402 : memref<1x!tpu.dma_semaphore, #tpu.memory_space<semaphore_mem>> -> memref<!tpu.dma_semaphore, #tpu.memory_space<semaphore_mem>>
    %dma_start3A_1404 = arith.constant 0 : i32
    %dma_start3A_1405 = arith.constant 0 : i32
    %dma_start3A_1406 = tpu.memref_slice %arg4[%dma_start3A_1400, %dma_start3A_1404, %dma_start3A_1405] : memref<4x5000x128xf32, #tpu.memory_space<vmem>> -> memref<1x5000x128xf32, #tpu.memory_space<vmem>>
    %dma_start3A_1407 = tpu.memref_squeeze %dma_start3A_1406 : memref<1x5000x128xf32, #tpu.memory_space<vmem>> -> memref<5000x128xf32, #tpu.memory_space<vmem>>
    %dma_start3A_1408 = arith.constant 0 : i32
    %dma_start3A_1409 = arith.constant 0 : i32
    %dma_start3A_1410 = tpu.memref_slice %arg2[%dma_start3A_1399, %dma_start3A_1408, %dma_start3A_1409] : memref<64x5000x128xf32, #tpu.memory_space<any>> -> memref<1x5000x128xf32, #tpu.memory_space<any>>
    %dma_start3A_1411 = tpu.memref_squeeze %dma_start3A_1410 : memref<1x5000x128xf32, #tpu.memory_space<any>> -> memref<5000x128xf32, #tpu.memory_space<any>>
    tpu.enqueue_dma source(%dma_start3A_1411 : memref<5000x128xf32, #tpu.memory_space<any>>) target(%dma_start3A_1407 : memref<5000x128xf32, #tpu.memory_space<vmem>>) target_semaphore(%dma_start3A_1403 : memref<!tpu.dma_semaphore, #tpu.memory_space<semaphore_mem>>)
    %dma_wait3A_1412 = arith.constant 31 : i32
    %dma_wait3A_1413 = arith.constant 3 : i32
    %dma_wait3A_1414 = arith.constant 3 : i32
    %dma_wait3A_1415 = tpu.memref_slice %arg5[%dma_wait3A_1414] : memref<4x!tpu.dma_semaphore, #tpu.memory_space<semaphore_mem>> -> memref<1x!tpu.dma_semaphore, #tpu.memory_space<semaphore_mem>>
    %dma_wait3A_1416 = tpu.memref_squeeze %dma_wait3A_1415 : memref<1x!tpu.dma_semaphore, #tpu.memory_space<semaphore_mem>> -> memref<!tpu.dma_semaphore, #tpu.memory_space<semaphore_mem>>
    %dma_wait3A_1417 = arith.constant 0 : i32
    %dma_wait3A_1418 = arith.constant 0 : i32
    %dma_wait3A_1419 = tpu.memref_slice %arg4[%dma_wait3A_1413, %dma_wait3A_1417, %dma_wait3A_1418] : memref<4x5000x128xf32, #tpu.memory_space<vmem>> -> memref<1x5000x128xf32, #tpu.memory_space<vmem>>
    %dma_wait3A_1420 = tpu.memref_squeeze %dma_wait3A_1419 : memref<1x5000x128xf32, #tpu.memory_space<vmem>> -> memref<5000x128xf32, #tpu.memory_space<vmem>>
    %dma_wait3A_1421 = arith.constant 0 : i32
    %dma_wait3A_1422 = arith.constant 0 : i32
    %dma_wait3A_1423 = tpu.memref_slice %arg2[%dma_wait3A_1412, %dma_wait3A_1421, %dma_wait3A_1422] : memref<64x5000x128xf32, #tpu.memory_space<any>> -> memref<1x5000x128xf32, #tpu.memory_space<any>>
    %dma_wait3A_1424 = tpu.memref_squeeze %dma_wait3A_1423 : memref<1x5000x128xf32, #tpu.memory_space<any>> -> memref<5000x128xf32, #tpu.memory_space<any>>
    tpu.wait_dma2 semaphore(%dma_wait3A_1416 : memref<!tpu.dma_semaphore, #tpu.memory_space<semaphore_mem>>) src(%dma_wait3A_1424 : memref<5000x128xf32, #tpu.memory_space<any>>) dst(%dma_wait3A_1420 : memref<5000x128xf32, #tpu.memory_space<vmem>>)
    %get3A_1425 = arith.constant 0 : index
    %get3A_1426 = arith.constant 0 : index
    %get3A_1427 = vector.load %arg0[%get3A_1425, %get3A_1426] : memref<1x128xf32, #tpu.memory_space<vmem>>, vector<1x128xf32>
    %get3A_1428 = arith.constant 3 : index
    %get3A_1429 = arith.constant 0 : index
    %get3A_1430 = arith.constant 0 : index
    %get3A_1431 = vector.load %arg4[%get3A_1428, %get3A_1429, %get3A_1430] : memref<4x5000x128xf32, #tpu.memory_space<vmem>>, vector<1x5000x128xf32>
    %get3A_1432 = vector.shape_cast %get3A_1431 : vector<1x5000x128xf32> to vector<5000x128xf32>
    %dot_general3A_1433 = arith.constant dense<0.000000e+00> : vector<1x5000xf32>
    %dot_general3A_1434 = tpu.matmul %get3A_1427, %get3A_1432, %dot_general3A_1433 {dimension_numbers = #tpu.dot_dimension_numbers<[1], [1], [0], [0], [0, 0, 1, 0], [], []>, transpose_lhs_hint = false} : vector<1x128xf32>, vector<5000x128xf32>, vector<1x5000xf32> -> vector<1x5000xf32>
    %squeeze3A_1435 = vector.shape_cast %dot_general3A_1434 : vector<1x5000xf32> to vector<5000xf32>
    %add3A_1436 = vector.broadcast %get3A_1 : f32 to vector<5000xf32>
    %add3A_1437 = arith.addf %squeeze3A_1435, %add3A_1436 : vector<5000xf32>
    %swap3A_1438 = arith.constant 31 : index
    %swap3A_1439 = arith.constant 0 : index
    %swap3A_1440 = vector.load %arg3[%swap3A_1438, %swap3A_1439] : memref<64x5000xf32, #tpu.memory_space<vmem>>, vector<1x5000xf32>
    %swap3A_1441 = vector.shape_cast %swap3A_1440 : vector<1x5000xf32> to vector<5000xf32>
    %swap3A_1442 = vector.shape_cast %add3A_1437 : vector<5000xf32> to vector<1x5000xf32>
    tpu.vector_store %arg3[%swap3A_1438, %swap3A_1439], %swap3A_1442 {strides = array<i32>} : memref<64x5000xf32, #tpu.memory_space<vmem>>, vector<1x5000xf32>,
    %dma_start3A_1443 = arith.constant 35 : i32
    %dma_start3A_1444 = arith.constant 3 : i32
    %dma_start3A_1445 = arith.constant 3 : i32
    %dma_start3A_1446 = tpu.memref_slice %arg5[%dma_start3A_1445] : memref<4x!tpu.dma_semaphore, #tpu.memory_space<semaphore_mem>> -> memref<1x!tpu.dma_semaphore, #tpu.memory_space<semaphore_mem>>
    %dma_start3A_1447 = tpu.memref_squeeze %dma_start3A_1446 : memref<1x!tpu.dma_semaphore, #tpu.memory_space<semaphore_mem>> -> memref<!tpu.dma_semaphore, #tpu.memory_space<semaphore_mem>>
    %dma_start3A_1448 = arith.constant 0 : i32
    %dma_start3A_1449 = arith.constant 0 : i32
    %dma_start3A_1450 = tpu.memref_slice %arg4[%dma_start3A_1444, %dma_start3A_1448, %dma_start3A_1449] : memref<4x5000x128xf32, #tpu.memory_space<vmem>> -> memref<1x5000x128xf32, #tpu.memory_space<vmem>>
    %dma_start3A_1451 = tpu.memref_squeeze %dma_start3A_1450 : memref<1x5000x128xf32, #tpu.memory_space<vmem>> -> memref<5000x128xf32, #tpu.memory_space<vmem>>
    %dma_start3A_1452 = arith.constant 0 : i32
    %dma_start3A_1453 = arith.constant 0 : i32
    %dma_start3A_1454 = tpu.memref_slice %arg2[%dma_start3A_1443, %dma_start3A_1452, %dma_start3A_1453] : memref<64x5000x128xf32, #tpu.memory_space<any>> -> memref<1x5000x128xf32, #tpu.memory_space<any>>
    %dma_start3A_1455 = tpu.memref_squeeze %dma_start3A_1454 : memref<1x5000x128xf32, #tpu.memory_space<any>> -> memref<5000x128xf32, #tpu.memory_space<any>>
    tpu.enqueue_dma source(%dma_start3A_1455 : memref<5000x128xf32, #tpu.memory_space<any>>) target(%dma_start3A_1451 : memref<5000x128xf32, #tpu.memory_space<vmem>>) target_semaphore(%dma_start3A_1447 : memref<!tpu.dma_semaphore, #tpu.memory_space<semaphore_mem>>)
    %dma_wait3A_1456 = arith.constant 32 : i32
    %dma_wait3A_1457 = arith.constant 0 : i32
    %dma_wait3A_1458 = arith.constant 0 : i32
    %dma_wait3A_1459 = tpu.memref_slice %arg5[%dma_wait3A_1458] : memref<4x!tpu.dma_semaphore, #tpu.memory_space<semaphore_mem>> -> memref<1x!tpu.dma_semaphore, #tpu.memory_space<semaphore_mem>>
    %dma_wait3A_1460 = tpu.memref_squeeze %dma_wait3A_1459 : memref<1x!tpu.dma_semaphore, #tpu.memory_space<semaphore_mem>> -> memref<!tpu.dma_semaphore, #tpu.memory_space<semaphore_mem>>
    %dma_wait3A_1461 = arith.constant 0 : i32
    %dma_wait3A_1462 = arith.constant 0 : i32
    %dma_wait3A_1463 = tpu.memref_slice %arg4[%dma_wait3A_1457, %dma_wait3A_1461, %dma_wait3A_1462] : memref<4x5000x128xf32, #tpu.memory_space<vmem>> -> memref<1x5000x128xf32, #tpu.memory_space<vmem>>
    %dma_wait3A_1464 = tpu.memref_squeeze %dma_wait3A_1463 : memref<1x5000x128xf32, #tpu.memory_space<vmem>> -> memref<5000x128xf32, #tpu.memory_space<vmem>>
    %dma_wait3A_1465 = arith.constant 0 : i32
    %dma_wait3A_1466 = arith.constant 0 : i32
    %dma_wait3A_1467 = tpu.memref_slice %arg2[%dma_wait3A_1456, %dma_wait3A_1465, %dma_wait3A_1466] : memref<64x5000x128xf32, #tpu.memory_space<any>> -> memref<1x5000x128xf32, #tpu.memory_space<any>>
    %dma_wait3A_1468 = tpu.memref_squeeze %dma_wait3A_1467 : memref<1x5000x128xf32, #tpu.memory_space<any>> -> memref<5000x128xf32, #tpu.memory_space<any>>
    tpu.wait_dma2 semaphore(%dma_wait3A_1460 : memref<!tpu.dma_semaphore, #tpu.memory_space<semaphore_mem>>) src(%dma_wait3A_1468 : memref<5000x128xf32, #tpu.memory_space<any>>) dst(%dma_wait3A_1464 : memref<5000x128xf32, #tpu.memory_space<vmem>>)
    %get3A_1469 = arith.constant 0 : index
    %get3A_1470 = arith.constant 0 : index
    %get3A_1471 = vector.load %arg0[%get3A_1469, %get3A_1470] : memref<1x128xf32, #tpu.memory_space<vmem>>, vector<1x128xf32>
    %get3A_1472 = arith.constant 0 : index
    %get3A_1473 = arith.constant 0 : index
    %get3A_1474 = arith.constant 0 : index
    %get3A_1475 = vector.load %arg4[%get3A_1472, %get3A_1473, %get3A_1474] : memref<4x5000x128xf32, #tpu.memory_space<vmem>>, vector<1x5000x128xf32>
    %get3A_1476 = vector.shape_cast %get3A_1475 : vector<1x5000x128xf32> to vector<5000x128xf32>
    %dot_general3A_1477 = arith.constant dense<0.000000e+00> : vector<1x5000xf32>
    %dot_general3A_1478 = tpu.matmul %get3A_1471, %get3A_1476, %dot_general3A_1477 {dimension_numbers = #tpu.dot_dimension_numbers<[1], [1], [0], [0], [0, 0, 1, 0], [], []>, transpose_lhs_hint = false} : vector<1x128xf32>, vector<5000x128xf32>, vector<1x5000xf32> -> vector<1x5000xf32>
    %squeeze3A_1479 = vector.shape_cast %dot_general3A_1478 : vector<1x5000xf32> to vector<5000xf32>
    %add3A_1480 = vector.broadcast %get3A_1 : f32 to vector<5000xf32>
    %add3A_1481 = arith.addf %squeeze3A_1479, %add3A_1480 : vector<5000xf32>
    %swap3A_1482 = arith.constant 32 : index
    %swap3A_1483 = arith.constant 0 : index
    %swap3A_1484 = vector.load %arg3[%swap3A_1482, %swap3A_1483] : memref<64x5000xf32, #tpu.memory_space<vmem>>, vector<1x5000xf32>
    %swap3A_1485 = vector.shape_cast %swap3A_1484 : vector<1x5000xf32> to vector<5000xf32>
    %swap3A_1486 = vector.shape_cast %add3A_1481 : vector<5000xf32> to vector<1x5000xf32>
    tpu.vector_store %arg3[%swap3A_1482, %swap3A_1483], %swap3A_1486 {strides = array<i32>} : memref<64x5000xf32, #tpu.memory_space<vmem>>, vector<1x5000xf32>,
    %dma_start3A_1487 = arith.constant 36 : i32
    %dma_start3A_1488 = arith.constant 0 : i32
    %dma_start3A_1489 = arith.constant 0 : i32
    %dma_start3A_1490 = tpu.memref_slice %arg5[%dma_start3A_1489] : memref<4x!tpu.dma_semaphore, #tpu.memory_space<semaphore_mem>> -> memref<1x!tpu.dma_semaphore, #tpu.memory_space<semaphore_mem>>
    %dma_start3A_1491 = tpu.memref_squeeze %dma_start3A_1490 : memref<1x!tpu.dma_semaphore, #tpu.memory_space<semaphore_mem>> -> memref<!tpu.dma_semaphore, #tpu.memory_space<semaphore_mem>>
    %dma_start3A_1492 = arith.constant 0 : i32
    %dma_start3A_1493 = arith.constant 0 : i32
    %dma_start3A_1494 = tpu.memref_slice %arg4[%dma_start3A_1488, %dma_start3A_1492, %dma_start3A_1493] : memref<4x5000x128xf32, #tpu.memory_space<vmem>> -> memref<1x5000x128xf32, #tpu.memory_space<vmem>>
    %dma_start3A_1495 = tpu.memref_squeeze %dma_start3A_1494 : memref<1x5000x128xf32, #tpu.memory_space<vmem>> -> memref<5000x128xf32, #tpu.memory_space<vmem>>
    %dma_start3A_1496 = arith.constant 0 : i32
    %dma_start3A_1497 = arith.constant 0 : i32
    %dma_start3A_1498 = tpu.memref_slice %arg2[%dma_start3A_1487, %dma_start3A_1496, %dma_start3A_1497] : memref<64x5000x128xf32, #tpu.memory_space<any>> -> memref<1x5000x128xf32, #tpu.memory_space<any>>
    %dma_start3A_1499 = tpu.memref_squeeze %dma_start3A_1498 : memref<1x5000x128xf32, #tpu.memory_space<any>> -> memref<5000x128xf32, #tpu.memory_space<any>>
    tpu.enqueue_dma source(%dma_start3A_1499 : memref<5000x128xf32, #tpu.memory_space<any>>) target(%dma_start3A_1495 : memref<5000x128xf32, #tpu.memory_space<vmem>>) target_semaphore(%dma_start3A_1491 : memref<!tpu.dma_semaphore, #tpu.memory_space<semaphore_mem>>)
    %dma_wait3A_1500 = arith.constant 33 : i32
    %dma_wait3A_1501 = arith.constant 1 : i32
    %dma_wait3A_1502 = arith.constant 1 : i32
    %dma_wait3A_1503 = tpu.memref_slice %arg5[%dma_wait3A_1502] : memref<4x!tpu.dma_semaphore, #tpu.memory_space<semaphore_mem>> -> memref<1x!tpu.dma_semaphore, #tpu.memory_space<semaphore_mem>>
    %dma_wait3A_1504 = tpu.memref_squeeze %dma_wait3A_1503 : memref<1x!tpu.dma_semaphore, #tpu.memory_space<semaphore_mem>> -> memref<!tpu.dma_semaphore, #tpu.memory_space<semaphore_mem>>
    %dma_wait3A_1505 = arith.constant 0 : i32
    %dma_wait3A_1506 = arith.constant 0 : i32
    %dma_wait3A_1507 = tpu.memref_slice %arg4[%dma_wait3A_1501, %dma_wait3A_1505, %dma_wait3A_1506] : memref<4x5000x128xf32, #tpu.memory_space<vmem>> -> memref<1x5000x128xf32, #tpu.memory_space<vmem>>
    %dma_wait3A_1508 = tpu.memref_squeeze %dma_wait3A_1507 : memref<1x5000x128xf32, #tpu.memory_space<vmem>> -> memref<5000x128xf32, #tpu.memory_space<vmem>>
    %dma_wait3A_1509 = arith.constant 0 : i32
    %dma_wait3A_1510 = arith.constant 0 : i32
    %dma_wait3A_1511 = tpu.memref_slice %arg2[%dma_wait3A_1500, %dma_wait3A_1509, %dma_wait3A_1510] : memref<64x5000x128xf32, #tpu.memory_space<any>> -> memref<1x5000x128xf32, #tpu.memory_space<any>>
    %dma_wait3A_1512 = tpu.memref_squeeze %dma_wait3A_1511 : memref<1x5000x128xf32, #tpu.memory_space<any>> -> memref<5000x128xf32, #tpu.memory_space<any>>
    tpu.wait_dma2 semaphore(%dma_wait3A_1504 : memref<!tpu.dma_semaphore, #tpu.memory_space<semaphore_mem>>) src(%dma_wait3A_1512 : memref<5000x128xf32, #tpu.memory_space<any>>) dst(%dma_wait3A_1508 : memref<5000x128xf32, #tpu.memory_space<vmem>>)
    %get3A_1513 = arith.constant 0 : index
    %get3A_1514 = arith.constant 0 : index
    %get3A_1515 = vector.load %arg0[%get3A_1513, %get3A_1514] : memref<1x128xf32, #tpu.memory_space<vmem>>, vector<1x128xf32>
    %get3A_1516 = arith.constant 1 : index
    %get3A_1517 = arith.constant 0 : index
    %get3A_1518 = arith.constant 0 : index
    %get3A_1519 = vector.load %arg4[%get3A_1516, %get3A_1517, %get3A_1518] : memref<4x5000x128xf32, #tpu.memory_space<vmem>>, vector<1x5000x128xf32>
    %get3A_1520 = vector.shape_cast %get3A_1519 : vector<1x5000x128xf32> to vector<5000x128xf32>
    %dot_general3A_1521 = arith.constant dense<0.000000e+00> : vector<1x5000xf32>
    %dot_general3A_1522 = tpu.matmul %get3A_1515, %get3A_1520, %dot_general3A_1521 {dimension_numbers = #tpu.dot_dimension_numbers<[1], [1], [0], [0], [0, 0, 1, 0], [], []>, transpose_lhs_hint = false} : vector<1x128xf32>, vector<5000x128xf32>, vector<1x5000xf32> -> vector<1x5000xf32>
    %squeeze3A_1523 = vector.shape_cast %dot_general3A_1522 : vector<1x5000xf32> to vector<5000xf32>
    %add3A_1524 = vector.broadcast %get3A_1 : f32 to vector<5000xf32>
    %add3A_1525 = arith.addf %squeeze3A_1523, %add3A_1524 : vector<5000xf32>
    %swap3A_1526 = arith.constant 33 : index
    %swap3A_1527 = arith.constant 0 : index
    %swap3A_1528 = vector.load %arg3[%swap3A_1526, %swap3A_1527] : memref<64x5000xf32, #tpu.memory_space<vmem>>, vector<1x5000xf32>
    %swap3A_1529 = vector.shape_cast %swap3A_1528 : vector<1x5000xf32> to vector<5000xf32>
    %swap3A_1530 = vector.shape_cast %add3A_1525 : vector<5000xf32> to vector<1x5000xf32>
    tpu.vector_store %arg3[%swap3A_1526, %swap3A_1527], %swap3A_1530 {strides = array<i32>} : memref<64x5000xf32, #tpu.memory_space<vmem>>, vector<1x5000xf32>,
    %dma_start3A_1531 = arith.constant 37 : i32
    %dma_start3A_1532 = arith.constant 1 : i32
    %dma_start3A_1533 = arith.constant 1 : i32
    %dma_start3A_1534 = tpu.memref_slice %arg5[%dma_start3A_1533] : memref<4x!tpu.dma_semaphore, #tpu.memory_space<semaphore_mem>> -> memref<1x!tpu.dma_semaphore, #tpu.memory_space<semaphore_mem>>
    %dma_start3A_1535 = tpu.memref_squeeze %dma_start3A_1534 : memref<1x!tpu.dma_semaphore, #tpu.memory_space<semaphore_mem>> -> memref<!tpu.dma_semaphore, #tpu.memory_space<semaphore_mem>>
    %dma_start3A_1536 = arith.constant 0 : i32
    %dma_start3A_1537 = arith.constant 0 : i32
    %dma_start3A_1538 = tpu.memref_slice %arg4[%dma_start3A_1532, %dma_start3A_1536, %dma_start3A_1537] : memref<4x5000x128xf32, #tpu.memory_space<vmem>> -> memref<1x5000x128xf32, #tpu.memory_space<vmem>>
    %dma_start3A_1539 = tpu.memref_squeeze %dma_start3A_1538 : memref<1x5000x128xf32, #tpu.memory_space<vmem>> -> memref<5000x128xf32, #tpu.memory_space<vmem>>
    %dma_start3A_1540 = arith.constant 0 : i32
    %dma_start3A_1541 = arith.constant 0 : i32
    %dma_start3A_1542 = tpu.memref_slice %arg2[%dma_start3A_1531, %dma_start3A_1540, %dma_start3A_1541] : memref<64x5000x128xf32, #tpu.memory_space<any>> -> memref<1x5000x128xf32, #tpu.memory_space<any>>
    %dma_start3A_1543 = tpu.memref_squeeze %dma_start3A_1542 : memref<1x5000x128xf32, #tpu.memory_space<any>> -> memref<5000x128xf32, #tpu.memory_space<any>>
    tpu.enqueue_dma source(%dma_start3A_1543 : memref<5000x128xf32, #tpu.memory_space<any>>) target(%dma_start3A_1539 : memref<5000x128xf32, #tpu.memory_space<vmem>>) target_semaphore(%dma_start3A_1535 : memref<!tpu.dma_semaphore, #tpu.memory_space<semaphore_mem>>)
    %dma_wait3A_1544 = arith.constant 34 : i32
    %dma_wait3A_1545 = arith.constant 2 : i32
    %dma_wait3A_1546 = arith.constant 2 : i32
    %dma_wait3A_1547 = tpu.memref_slice %arg5[%dma_wait3A_1546] : memref<4x!tpu.dma_semaphore, #tpu.memory_space<semaphore_mem>> -> memref<1x!tpu.dma_semaphore, #tpu.memory_space<semaphore_mem>>
    %dma_wait3A_1548 = tpu.memref_squeeze %dma_wait3A_1547 : memref<1x!tpu.dma_semaphore, #tpu.memory_space<semaphore_mem>> -> memref<!tpu.dma_semaphore, #tpu.memory_space<semaphore_mem>>
    %dma_wait3A_1549 = arith.constant 0 : i32
    %dma_wait3A_1550 = arith.constant 0 : i32
    %dma_wait3A_1551 = tpu.memref_slice %arg4[%dma_wait3A_1545, %dma_wait3A_1549, %dma_wait3A_1550] : memref<4x5000x128xf32, #tpu.memory_space<vmem>> -> memref<1x5000x128xf32, #tpu.memory_space<vmem>>
    %dma_wait3A_1552 = tpu.memref_squeeze %dma_wait3A_1551 : memref<1x5000x128xf32, #tpu.memory_space<vmem>> -> memref<5000x128xf32, #tpu.memory_space<vmem>>
    %dma_wait3A_1553 = arith.constant 0 : i32
    %dma_wait3A_1554 = arith.constant 0 : i32
    %dma_wait3A_1555 = tpu.memref_slice %arg2[%dma_wait3A_1544, %dma_wait3A_1553, %dma_wait3A_1554] : memref<64x5000x128xf32, #tpu.memory_space<any>> -> memref<1x5000x128xf32, #tpu.memory_space<any>>
    %dma_wait3A_1556 = tpu.memref_squeeze %dma_wait3A_1555 : memref<1x5000x128xf32, #tpu.memory_space<any>> -> memref<5000x128xf32, #tpu.memory_space<any>>
    tpu.wait_dma2 semaphore(%dma_wait3A_1548 : memref<!tpu.dma_semaphore, #tpu.memory_space<semaphore_mem>>) src(%dma_wait3A_1556 : memref<5000x128xf32, #tpu.memory_space<any>>) dst(%dma_wait3A_1552 : memref<5000x128xf32, #tpu.memory_space<vmem>>)
    %get3A_1557 = arith.constant 0 : index
    %get3A_1558 = arith.constant 0 : index
    %get3A_1559 = vector.load %arg0[%get3A_1557, %get3A_1558] : memref<1x128xf32, #tpu.memory_space<vmem>>, vector<1x128xf32>
    %get3A_1560 = arith.constant 2 : index
    %get3A_1561 = arith.constant 0 : index
    %get3A_1562 = arith.constant 0 : index
    %get3A_1563 = vector.load %arg4[%get3A_1560, %get3A_1561, %get3A_1562] : memref<4x5000x128xf32, #tpu.memory_space<vmem>>, vector<1x5000x128xf32>
    %get3A_1564 = vector.shape_cast %get3A_1563 : vector<1x5000x128xf32> to vector<5000x128xf32>
    %dot_general3A_1565 = arith.constant dense<0.000000e+00> : vector<1x5000xf32>
    %dot_general3A_1566 = tpu.matmul %get3A_1559, %get3A_1564, %dot_general3A_1565 {dimension_numbers = #tpu.dot_dimension_numbers<[1], [1], [0], [0], [0, 0, 1, 0], [], []>, transpose_lhs_hint = false} : vector<1x128xf32>, vector<5000x128xf32>, vector<1x5000xf32> -> vector<1x5000xf32>
    %squeeze3A_1567 = vector.shape_cast %dot_general3A_1566 : vector<1x5000xf32> to vector<5000xf32>
    %add3A_1568 = vector.broadcast %get3A_1 : f32 to vector<5000xf32>
    %add3A_1569 = arith.addf %squeeze3A_1567, %add3A_1568 : vector<5000xf32>
    %swap3A_1570 = arith.constant 34 : index
    %swap3A_1571 = arith.constant 0 : index
    %swap3A_1572 = vector.load %arg3[%swap3A_1570, %swap3A_1571] : memref<64x5000xf32, #tpu.memory_space<vmem>>, vector<1x5000xf32>
    %swap3A_1573 = vector.shape_cast %swap3A_1572 : vector<1x5000xf32> to vector<5000xf32>
    %swap3A_1574 = vector.shape_cast %add3A_1569 : vector<5000xf32> to vector<1x5000xf32>
    tpu.vector_store %arg3[%swap3A_1570, %swap3A_1571], %swap3A_1574 {strides = array<i32>} : memref<64x5000xf32, #tpu.memory_space<vmem>>, vector<1x5000xf32>,
    %dma_start3A_1575 = arith.constant 38 : i32
    %dma_start3A_1576 = arith.constant 2 : i32
    %dma_start3A_1577 = arith.constant 2 : i32
    %dma_start3A_1578 = tpu.memref_slice %arg5[%dma_start3A_1577] : memref<4x!tpu.dma_semaphore, #tpu.memory_space<semaphore_mem>> -> memref<1x!tpu.dma_semaphore, #tpu.memory_space<semaphore_mem>>
    %dma_start3A_1579 = tpu.memref_squeeze %dma_start3A_1578 : memref<1x!tpu.dma_semaphore, #tpu.memory_space<semaphore_mem>> -> memref<!tpu.dma_semaphore, #tpu.memory_space<semaphore_mem>>
    %dma_start3A_1580 = arith.constant 0 : i32
    %dma_start3A_1581 = arith.constant 0 : i32
    %dma_start3A_1582 = tpu.memref_slice %arg4[%dma_start3A_1576, %dma_start3A_1580, %dma_start3A_1581] : memref<4x5000x128xf32, #tpu.memory_space<vmem>> -> memref<1x5000x128xf32, #tpu.memory_space<vmem>>
    %dma_start3A_1583 = tpu.memref_squeeze %dma_start3A_1582 : memref<1x5000x128xf32, #tpu.memory_space<vmem>> -> memref<5000x128xf32, #tpu.memory_space<vmem>>
    %dma_start3A_1584 = arith.constant 0 : i32
    %dma_start3A_1585 = arith.constant 0 : i32
    %dma_start3A_1586 = tpu.memref_slice %arg2[%dma_start3A_1575, %dma_start3A_1584, %dma_start3A_1585] : memref<64x5000x128xf32, #tpu.memory_space<any>> -> memref<1x5000x128xf32, #tpu.memory_space<any>>
    %dma_start3A_1587 = tpu.memref_squeeze %dma_start3A_1586 : memref<1x5000x128xf32, #tpu.memory_space<any>> -> memref<5000x128xf32, #tpu.memory_space<any>>
    tpu.enqueue_dma source(%dma_start3A_1587 : memref<5000x128xf32, #tpu.memory_space<any>>) target(%dma_start3A_1583 : memref<5000x128xf32, #tpu.memory_space<vmem>>) target_semaphore(%dma_start3A_1579 : memref<!tpu.dma_semaphore, #tpu.memory_space<semaphore_mem>>)
    %dma_wait3A_1588 = arith.constant 35 : i32
    %dma_wait3A_1589 = arith.constant 3 : i32
    %dma_wait3A_1590 = arith.constant 3 : i32
    %dma_wait3A_1591 = tpu.memref_slice %arg5[%dma_wait3A_1590] : memref<4x!tpu.dma_semaphore, #tpu.memory_space<semaphore_mem>> -> memref<1x!tpu.dma_semaphore, #tpu.memory_space<semaphore_mem>>
    %dma_wait3A_1592 = tpu.memref_squeeze %dma_wait3A_1591 : memref<1x!tpu.dma_semaphore, #tpu.memory_space<semaphore_mem>> -> memref<!tpu.dma_semaphore, #tpu.memory_space<semaphore_mem>>
    %dma_wait3A_1593 = arith.constant 0 : i32
    %dma_wait3A_1594 = arith.constant 0 : i32
    %dma_wait3A_1595 = tpu.memref_slice %arg4[%dma_wait3A_1589, %dma_wait3A_1593, %dma_wait3A_1594] : memref<4x5000x128xf32, #tpu.memory_space<vmem>> -> memref<1x5000x128xf32, #tpu.memory_space<vmem>>
    %dma_wait3A_1596 = tpu.memref_squeeze %dma_wait3A_1595 : memref<1x5000x128xf32, #tpu.memory_space<vmem>> -> memref<5000x128xf32, #tpu.memory_space<vmem>>
    %dma_wait3A_1597 = arith.constant 0 : i32
    %dma_wait3A_1598 = arith.constant 0 : i32
    %dma_wait3A_1599 = tpu.memref_slice %arg2[%dma_wait3A_1588, %dma_wait3A_1597, %dma_wait3A_1598] : memref<64x5000x128xf32, #tpu.memory_space<any>> -> memref<1x5000x128xf32, #tpu.memory_space<any>>
    %dma_wait3A_1600 = tpu.memref_squeeze %dma_wait3A_1599 : memref<1x5000x128xf32, #tpu.memory_space<any>> -> memref<5000x128xf32, #tpu.memory_space<any>>
    tpu.wait_dma2 semaphore(%dma_wait3A_1592 : memref<!tpu.dma_semaphore, #tpu.memory_space<semaphore_mem>>) src(%dma_wait3A_1600 : memref<5000x128xf32, #tpu.memory_space<any>>) dst(%dma_wait3A_1596 : memref<5000x128xf32, #tpu.memory_space<vmem>>)
    %get3A_1601 = arith.constant 0 : index
    %get3A_1602 = arith.constant 0 : index
    %get3A_1603 = vector.load %arg0[%get3A_1601, %get3A_1602] : memref<1x128xf32, #tpu.memory_space<vmem>>, vector<1x128xf32>
    %get3A_1604 = arith.constant 3 : index
    %get3A_1605 = arith.constant 0 : index
    %get3A_1606 = arith.constant 0 : index
    %get3A_1607 = vector.load %arg4[%get3A_1604, %get3A_1605, %get3A_1606] : memref<4x5000x128xf32, #tpu.memory_space<vmem>>, vector<1x5000x128xf32>
    %get3A_1608 = vector.shape_cast %get3A_1607 : vector<1x5000x128xf32> to vector<5000x128xf32>
    %dot_general3A_1609 = arith.constant dense<0.000000e+00> : vector<1x5000xf32>
    %dot_general3A_1610 = tpu.matmul %get3A_1603, %get3A_1608, %dot_general3A_1609 {dimension_numbers = #tpu.dot_dimension_numbers<[1], [1], [0], [0], [0, 0, 1, 0], [], []>, transpose_lhs_hint = false} : vector<1x128xf32>, vector<5000x128xf32>, vector<1x5000xf32> -> vector<1x5000xf32>
    %squeeze3A_1611 = vector.shape_cast %dot_general3A_1610 : vector<1x5000xf32> to vector<5000xf32>
    %add3A_1612 = vector.broadcast %get3A_1 : f32 to vector<5000xf32>
    %add3A_1613 = arith.addf %squeeze3A_1611, %add3A_1612 : vector<5000xf32>
    %swap3A_1614 = arith.constant 35 : index
    %swap3A_1615 = arith.constant 0 : index
    %swap3A_1616 = vector.load %arg3[%swap3A_1614, %swap3A_1615] : memref<64x5000xf32, #tpu.memory_space<vmem>>, vector<1x5000xf32>
    %swap3A_1617 = vector.shape_cast %swap3A_1616 : vector<1x5000xf32> to vector<5000xf32>
    %swap3A_1618 = vector.shape_cast %add3A_1613 : vector<5000xf32> to vector<1x5000xf32>
    tpu.vector_store %arg3[%swap3A_1614, %swap3A_1615], %swap3A_1618 {strides = array<i32>} : memref<64x5000xf32, #tpu.memory_space<vmem>>, vector<1x5000xf32>,
    %dma_start3A_1619 = arith.constant 39 : i32
    %dma_start3A_1620 = arith.constant 3 : i32
    %dma_start3A_1621 = arith.constant 3 : i32
    %dma_start3A_1622 = tpu.memref_slice %arg5[%dma_start3A_1621] : memref<4x!tpu.dma_semaphore, #tpu.memory_space<semaphore_mem>> -> memref<1x!tpu.dma_semaphore, #tpu.memory_space<semaphore_mem>>
    %dma_start3A_1623 = tpu.memref_squeeze %dma_start3A_1622 : memref<1x!tpu.dma_semaphore, #tpu.memory_space<semaphore_mem>> -> memref<!tpu.dma_semaphore, #tpu.memory_space<semaphore_mem>>
    %dma_start3A_1624 = arith.constant 0 : i32
    %dma_start3A_1625 = arith.constant 0 : i32
    %dma_start3A_1626 = tpu.memref_slice %arg4[%dma_start3A_1620, %dma_start3A_1624, %dma_start3A_1625] : memref<4x5000x128xf32, #tpu.memory_space<vmem>> -> memref<1x5000x128xf32, #tpu.memory_space<vmem>>
    %dma_start3A_1627 = tpu.memref_squeeze %dma_start3A_1626 : memref<1x5000x128xf32, #tpu.memory_space<vmem>> -> memref<5000x128xf32, #tpu.memory_space<vmem>>
    %dma_start3A_1628 = arith.constant 0 : i32
    %dma_start3A_1629 = arith.constant 0 : i32
    %dma_start3A_1630 = tpu.memref_slice %arg2[%dma_start3A_1619, %dma_start3A_1628, %dma_start3A_1629] : memref<64x5000x128xf32, #tpu.memory_space<any>> -> memref<1x5000x128xf32, #tpu.memory_space<any>>
    %dma_start3A_1631 = tpu.memref_squeeze %dma_start3A_1630 : memref<1x5000x128xf32, #tpu.memory_space<any>> -> memref<5000x128xf32, #tpu.memory_space<any>>
    tpu.enqueue_dma source(%dma_start3A_1631 : memref<5000x128xf32, #tpu.memory_space<any>>) target(%dma_start3A_1627 : memref<5000x128xf32, #tpu.memory_space<vmem>>) target_semaphore(%dma_start3A_1623 : memref<!tpu.dma_semaphore, #tpu.memory_space<semaphore_mem>>)
    %dma_wait3A_1632 = arith.constant 36 : i32
    %dma_wait3A_1633 = arith.constant 0 : i32
    %dma_wait3A_1634 = arith.constant 0 : i32
    %dma_wait3A_1635 = tpu.memref_slice %arg5[%dma_wait3A_1634] : memref<4x!tpu.dma_semaphore, #tpu.memory_space<semaphore_mem>> -> memref<1x!tpu.dma_semaphore, #tpu.memory_space<semaphore_mem>>
    %dma_wait3A_1636 = tpu.memref_squeeze %dma_wait3A_1635 : memref<1x!tpu.dma_semaphore, #tpu.memory_space<semaphore_mem>> -> memref<!tpu.dma_semaphore, #tpu.memory_space<semaphore_mem>>
    %dma_wait3A_1637 = arith.constant 0 : i32
    %dma_wait3A_1638 = arith.constant 0 : i32
    %dma_wait3A_1639 = tpu.memref_slice %arg4[%dma_wait3A_1633, %dma_wait3A_1637, %dma_wait3A_1638] : memref<4x5000x128xf32, #tpu.memory_space<vmem>> -> memref<1x5000x128xf32, #tpu.memory_space<vmem>>
    %dma_wait3A_1640 = tpu.memref_squeeze %dma_wait3A_1639 : memref<1x5000x128xf32, #tpu.memory_space<vmem>> -> memref<5000x128xf32, #tpu.memory_space<vmem>>
    %dma_wait3A_1641 = arith.constant 0 : i32
    %dma_wait3A_1642 = arith.constant 0 : i32
    %dma_wait3A_1643 = tpu.memref_slice %arg2[%dma_wait3A_1632, %dma_wait3A_1641, %dma_wait3A_1642] : memref<64x5000x128xf32, #tpu.memory_space<any>> -> memref<1x5000x128xf32, #tpu.memory_space<any>>
    %dma_wait3A_1644 = tpu.memref_squeeze %dma_wait3A_1643 : memref<1x5000x128xf32, #tpu.memory_space<any>> -> memref<5000x128xf32, #tpu.memory_space<any>>
    tpu.wait_dma2 semaphore(%dma_wait3A_1636 : memref<!tpu.dma_semaphore, #tpu.memory_space<semaphore_mem>>) src(%dma_wait3A_1644 : memref<5000x128xf32, #tpu.memory_space<any>>) dst(%dma_wait3A_1640 : memref<5000x128xf32, #tpu.memory_space<vmem>>)
    %get3A_1645 = arith.constant 0 : index
    %get3A_1646 = arith.constant 0 : index
    %get3A_1647 = vector.load %arg0[%get3A_1645, %get3A_1646] : memref<1x128xf32, #tpu.memory_space<vmem>>, vector<1x128xf32>
    %get3A_1648 = arith.constant 0 : index
    %get3A_1649 = arith.constant 0 : index
    %get3A_1650 = arith.constant 0 : index
    %get3A_1651 = vector.load %arg4[%get3A_1648, %get3A_1649, %get3A_1650] : memref<4x5000x128xf32, #tpu.memory_space<vmem>>, vector<1x5000x128xf32>
    %get3A_1652 = vector.shape_cast %get3A_1651 : vector<1x5000x128xf32> to vector<5000x128xf32>
    %dot_general3A_1653 = arith.constant dense<0.000000e+00> : vector<1x5000xf32>
    %dot_general3A_1654 = tpu.matmul %get3A_1647, %get3A_1652, %dot_general3A_1653 {dimension_numbers = #tpu.dot_dimension_numbers<[1], [1], [0], [0], [0, 0, 1, 0], [], []>, transpose_lhs_hint = false} : vector<1x128xf32>, vector<5000x128xf32>, vector<1x5000xf32> -> vector<1x5000xf32>
    %squeeze3A_1655 = vector.shape_cast %dot_general3A_1654 : vector<1x5000xf32> to vector<5000xf32>
    %add3A_1656 = vector.broadcast %get3A_1 : f32 to vector<5000xf32>
    %add3A_1657 = arith.addf %squeeze3A_1655, %add3A_1656 : vector<5000xf32>
    %swap3A_1658 = arith.constant 36 : index
    %swap3A_1659 = arith.constant 0 : index
    %swap3A_1660 = vector.load %arg3[%swap3A_1658, %swap3A_1659] : memref<64x5000xf32, #tpu.memory_space<vmem>>, vector<1x5000xf32>
    %swap3A_1661 = vector.shape_cast %swap3A_1660 : vector<1x5000xf32> to vector<5000xf32>
    %swap3A_1662 = vector.shape_cast %add3A_1657 : vector<5000xf32> to vector<1x5000xf32>
    tpu.vector_store %arg3[%swap3A_1658, %swap3A_1659], %swap3A_1662 {strides = array<i32>} : memref<64x5000xf32, #tpu.memory_space<vmem>>, vector<1x5000xf32>,
    %dma_start3A_1663 = arith.constant 40 : i32
    %dma_start3A_1664 = arith.constant 0 : i32
    %dma_start3A_1665 = arith.constant 0 : i32
    %dma_start3A_1666 = tpu.memref_slice %arg5[%dma_start3A_1665] : memref<4x!tpu.dma_semaphore, #tpu.memory_space<semaphore_mem>> -> memref<1x!tpu.dma_semaphore, #tpu.memory_space<semaphore_mem>>
    %dma_start3A_1667 = tpu.memref_squeeze %dma_start3A_1666 : memref<1x!tpu.dma_semaphore, #tpu.memory_space<semaphore_mem>> -> memref<!tpu.dma_semaphore, #tpu.memory_space<semaphore_mem>>
    %dma_start3A_1668 = arith.constant 0 : i32
    %dma_start3A_1669 = arith.constant 0 : i32
    %dma_start3A_1670 = tpu.memref_slice %arg4[%dma_start3A_1664, %dma_start3A_1668, %dma_start3A_1669] : memref<4x5000x128xf32, #tpu.memory_space<vmem>> -> memref<1x5000x128xf32, #tpu.memory_space<vmem>>
    %dma_start3A_1671 = tpu.memref_squeeze %dma_start3A_1670 : memref<1x5000x128xf32, #tpu.memory_space<vmem>> -> memref<5000x128xf32, #tpu.memory_space<vmem>>
    %dma_start3A_1672 = arith.constant 0 : i32
    %dma_start3A_1673 = arith.constant 0 : i32
    %dma_start3A_1674 = tpu.memref_slice %arg2[%dma_start3A_1663, %dma_start3A_1672, %dma_start3A_1673] : memref<64x5000x128xf32, #tpu.memory_space<any>> -> memref<1x5000x128xf32, #tpu.memory_space<any>>
    %dma_start3A_1675 = tpu.memref_squeeze %dma_start3A_1674 : memref<1x5000x128xf32, #tpu.memory_space<any>> -> memref<5000x128xf32, #tpu.memory_space<any>>
    tpu.enqueue_dma source(%dma_start3A_1675 : memref<5000x128xf32, #tpu.memory_space<any>>) target(%dma_start3A_1671 : memref<5000x128xf32, #tpu.memory_space<vmem>>) target_semaphore(%dma_start3A_1667 : memref<!tpu.dma_semaphore, #tpu.memory_space<semaphore_mem>>)
    %dma_wait3A_1676 = arith.constant 37 : i32
    %dma_wait3A_1677 = arith.constant 1 : i32
    %dma_wait3A_1678 = arith.constant 1 : i32
    %dma_wait3A_1679 = tpu.memref_slice %arg5[%dma_wait3A_1678] : memref<4x!tpu.dma_semaphore, #tpu.memory_space<semaphore_mem>> -> memref<1x!tpu.dma_semaphore, #tpu.memory_space<semaphore_mem>>
    %dma_wait3A_1680 = tpu.memref_squeeze %dma_wait3A_1679 : memref<1x!tpu.dma_semaphore, #tpu.memory_space<semaphore_mem>> -> memref<!tpu.dma_semaphore, #tpu.memory_space<semaphore_mem>>
    %dma_wait3A_1681 = arith.constant 0 : i32
    %dma_wait3A_1682 = arith.constant 0 : i32
    %dma_wait3A_1683 = tpu.memref_slice %arg4[%dma_wait3A_1677, %dma_wait3A_1681, %dma_wait3A_1682] : memref<4x5000x128xf32, #tpu.memory_space<vmem>> -> memref<1x5000x128xf32, #tpu.memory_space<vmem>>
    %dma_wait3A_1684 = tpu.memref_squeeze %dma_wait3A_1683 : memref<1x5000x128xf32, #tpu.memory_space<vmem>> -> memref<5000x128xf32, #tpu.memory_space<vmem>>
    %dma_wait3A_1685 = arith.constant 0 : i32
    %dma_wait3A_1686 = arith.constant 0 : i32
    %dma_wait3A_1687 = tpu.memref_slice %arg2[%dma_wait3A_1676, %dma_wait3A_1685, %dma_wait3A_1686] : memref<64x5000x128xf32, #tpu.memory_space<any>> -> memref<1x5000x128xf32, #tpu.memory_space<any>>
    %dma_wait3A_1688 = tpu.memref_squeeze %dma_wait3A_1687 : memref<1x5000x128xf32, #tpu.memory_space<any>> -> memref<5000x128xf32, #tpu.memory_space<any>>
    tpu.wait_dma2 semaphore(%dma_wait3A_1680 : memref<!tpu.dma_semaphore, #tpu.memory_space<semaphore_mem>>) src(%dma_wait3A_1688 : memref<5000x128xf32, #tpu.memory_space<any>>) dst(%dma_wait3A_1684 : memref<5000x128xf32, #tpu.memory_space<vmem>>)
    %get3A_1689 = arith.constant 0 : index
    %get3A_1690 = arith.constant 0 : index
    %get3A_1691 = vector.load %arg0[%get3A_1689, %get3A_1690] : memref<1x128xf32, #tpu.memory_space<vmem>>, vector<1x128xf32>
    %get3A_1692 = arith.constant 1 : index
    %get3A_1693 = arith.constant 0 : index
    %get3A_1694 = arith.constant 0 : index
    %get3A_1695 = vector.load %arg4[%get3A_1692, %get3A_1693, %get3A_1694] : memref<4x5000x128xf32, #tpu.memory_space<vmem>>, vector<1x5000x128xf32>
    %get3A_1696 = vector.shape_cast %get3A_1695 : vector<1x5000x128xf32> to vector<5000x128xf32>
    %dot_general3A_1697 = arith.constant dense<0.000000e+00> : vector<1x5000xf32>
    %dot_general3A_1698 = tpu.matmul %get3A_1691, %get3A_1696, %dot_general3A_1697 {dimension_numbers = #tpu.dot_dimension_numbers<[1], [1], [0], [0], [0, 0, 1, 0], [], []>, transpose_lhs_hint = false} : vector<1x128xf32>, vector<5000x128xf32>, vector<1x5000xf32> -> vector<1x5000xf32>
    %squeeze3A_1699 = vector.shape_cast %dot_general3A_1698 : vector<1x5000xf32> to vector<5000xf32>
    %add3A_1700 = vector.broadcast %get3A_1 : f32 to vector<5000xf32>
    %add3A_1701 = arith.addf %squeeze3A_1699, %add3A_1700 : vector<5000xf32>
    %swap3A_1702 = arith.constant 37 : index
    %swap3A_1703 = arith.constant 0 : index
    %swap3A_1704 = vector.load %arg3[%swap3A_1702, %swap3A_1703] : memref<64x5000xf32, #tpu.memory_space<vmem>>, vector<1x5000xf32>
    %swap3A_1705 = vector.shape_cast %swap3A_1704 : vector<1x5000xf32> to vector<5000xf32>
    %swap3A_1706 = vector.shape_cast %add3A_1701 : vector<5000xf32> to vector<1x5000xf32>
    tpu.vector_store %arg3[%swap3A_1702, %swap3A_1703], %swap3A_1706 {strides = array<i32>} : memref<64x5000xf32, #tpu.memory_space<vmem>>, vector<1x5000xf32>,
    %dma_start3A_1707 = arith.constant 41 : i32
    %dma_start3A_1708 = arith.constant 1 : i32
    %dma_start3A_1709 = arith.constant 1 : i32
    %dma_start3A_1710 = tpu.memref_slice %arg5[%dma_start3A_1709] : memref<4x!tpu.dma_semaphore, #tpu.memory_space<semaphore_mem>> -> memref<1x!tpu.dma_semaphore, #tpu.memory_space<semaphore_mem>>
    %dma_start3A_1711 = tpu.memref_squeeze %dma_start3A_1710 : memref<1x!tpu.dma_semaphore, #tpu.memory_space<semaphore_mem>> -> memref<!tpu.dma_semaphore, #tpu.memory_space<semaphore_mem>>
    %dma_start3A_1712 = arith.constant 0 : i32
    %dma_start3A_1713 = arith.constant 0 : i32
    %dma_start3A_1714 = tpu.memref_slice %arg4[%dma_start3A_1708, %dma_start3A_1712, %dma_start3A_1713] : memref<4x5000x128xf32, #tpu.memory_space<vmem>> -> memref<1x5000x128xf32, #tpu.memory_space<vmem>>
    %dma_start3A_1715 = tpu.memref_squeeze %dma_start3A_1714 : memref<1x5000x128xf32, #tpu.memory_space<vmem>> -> memref<5000x128xf32, #tpu.memory_space<vmem>>
    %dma_start3A_1716 = arith.constant 0 : i32
    %dma_start3A_1717 = arith.constant 0 : i32
    %dma_start3A_1718 = tpu.memref_slice %arg2[%dma_start3A_1707, %dma_start3A_1716, %dma_start3A_1717] : memref<64x5000x128xf32, #tpu.memory_space<any>> -> memref<1x5000x128xf32, #tpu.memory_space<any>>
    %dma_start3A_1719 = tpu.memref_squeeze %dma_start3A_1718 : memref<1x5000x128xf32, #tpu.memory_space<any>> -> memref<5000x128xf32, #tpu.memory_space<any>>
    tpu.enqueue_dma source(%dma_start3A_1719 : memref<5000x128xf32, #tpu.memory_space<any>>) target(%dma_start3A_1715 : memref<5000x128xf32, #tpu.memory_space<vmem>>) target_semaphore(%dma_start3A_1711 : memref<!tpu.dma_semaphore, #tpu.memory_space<semaphore_mem>>)
    %dma_wait3A_1720 = arith.constant 38 : i32
    %dma_wait3A_1721 = arith.constant 2 : i32
    %dma_wait3A_1722 = arith.constant 2 : i32
    %dma_wait3A_1723 = tpu.memref_slice %arg5[%dma_wait3A_1722] : memref<4x!tpu.dma_semaphore, #tpu.memory_space<semaphore_mem>> -> memref<1x!tpu.dma_semaphore, #tpu.memory_space<semaphore_mem>>
    %dma_wait3A_1724 = tpu.memref_squeeze %dma_wait3A_1723 : memref<1x!tpu.dma_semaphore, #tpu.memory_space<semaphore_mem>> -> memref<!tpu.dma_semaphore, #tpu.memory_space<semaphore_mem>>
    %dma_wait3A_1725 = arith.constant 0 : i32
    %dma_wait3A_1726 = arith.constant 0 : i32
    %dma_wait3A_1727 = tpu.memref_slice %arg4[%dma_wait3A_1721, %dma_wait3A_1725, %dma_wait3A_1726] : memref<4x5000x128xf32, #tpu.memory_space<vmem>> -> memref<1x5000x128xf32, #tpu.memory_space<vmem>>
    %dma_wait3A_1728 = tpu.memref_squeeze %dma_wait3A_1727 : memref<1x5000x128xf32, #tpu.memory_space<vmem>> -> memref<5000x128xf32, #tpu.memory_space<vmem>>
    %dma_wait3A_1729 = arith.constant 0 : i32
    %dma_wait3A_1730 = arith.constant 0 : i32
    %dma_wait3A_1731 = tpu.memref_slice %arg2[%dma_wait3A_1720, %dma_wait3A_1729, %dma_wait3A_1730] : memref<64x5000x128xf32, #tpu.memory_space<any>> -> memref<1x5000x128xf32, #tpu.memory_space<any>>
    %dma_wait3A_1732 = tpu.memref_squeeze %dma_wait3A_1731 : memref<1x5000x128xf32, #tpu.memory_space<any>> -> memref<5000x128xf32, #tpu.memory_space<any>>
    tpu.wait_dma2 semaphore(%dma_wait3A_1724 : memref<!tpu.dma_semaphore, #tpu.memory_space<semaphore_mem>>) src(%dma_wait3A_1732 : memref<5000x128xf32, #tpu.memory_space<any>>) dst(%dma_wait3A_1728 : memref<5000x128xf32, #tpu.memory_space<vmem>>)
    %get3A_1733 = arith.constant 0 : index
    %get3A_1734 = arith.constant 0 : index
    %get3A_1735 = vector.load %arg0[%get3A_1733, %get3A_1734] : memref<1x128xf32, #tpu.memory_space<vmem>>, vector<1x128xf32>
    %get3A_1736 = arith.constant 2 : index
    %get3A_1737 = arith.constant 0 : index
    %get3A_1738 = arith.constant 0 : index
    %get3A_1739 = vector.load %arg4[%get3A_1736, %get3A_1737, %get3A_1738] : memref<4x5000x128xf32, #tpu.memory_space<vmem>>, vector<1x5000x128xf32>
    %get3A_1740 = vector.shape_cast %get3A_1739 : vector<1x5000x128xf32> to vector<5000x128xf32>
    %dot_general3A_1741 = arith.constant dense<0.000000e+00> : vector<1x5000xf32>
    %dot_general3A_1742 = tpu.matmul %get3A_1735, %get3A_1740, %dot_general3A_1741 {dimension_numbers = #tpu.dot_dimension_numbers<[1], [1], [0], [0], [0, 0, 1, 0], [], []>, transpose_lhs_hint = false} : vector<1x128xf32>, vector<5000x128xf32>, vector<1x5000xf32> -> vector<1x5000xf32>
    %squeeze3A_1743 = vector.shape_cast %dot_general3A_1742 : vector<1x5000xf32> to vector<5000xf32>
    %add3A_1744 = vector.broadcast %get3A_1 : f32 to vector<5000xf32>
    %add3A_1745 = arith.addf %squeeze3A_1743, %add3A_1744 : vector<5000xf32>
    %swap3A_1746 = arith.constant 38 : index
    %swap3A_1747 = arith.constant 0 : index
    %swap3A_1748 = vector.load %arg3[%swap3A_1746, %swap3A_1747] : memref<64x5000xf32, #tpu.memory_space<vmem>>, vector<1x5000xf32>
    %swap3A_1749 = vector.shape_cast %swap3A_1748 : vector<1x5000xf32> to vector<5000xf32>
    %swap3A_1750 = vector.shape_cast %add3A_1745 : vector<5000xf32> to vector<1x5000xf32>
    tpu.vector_store %arg3[%swap3A_1746, %swap3A_1747], %swap3A_1750 {strides = array<i32>} : memref<64x5000xf32, #tpu.memory_space<vmem>>, vector<1x5000xf32>,
    %dma_start3A_1751 = arith.constant 42 : i32
    %dma_start3A_1752 = arith.constant 2 : i32
    %dma_start3A_1753 = arith.constant 2 : i32
    %dma_start3A_1754 = tpu.memref_slice %arg5[%dma_start3A_1753] : memref<4x!tpu.dma_semaphore, #tpu.memory_space<semaphore_mem>> -> memref<1x!tpu.dma_semaphore, #tpu.memory_space<semaphore_mem>>
    %dma_start3A_1755 = tpu.memref_squeeze %dma_start3A_1754 : memref<1x!tpu.dma_semaphore, #tpu.memory_space<semaphore_mem>> -> memref<!tpu.dma_semaphore, #tpu.memory_space<semaphore_mem>>
    %dma_start3A_1756 = arith.constant 0 : i32
    %dma_start3A_1757 = arith.constant 0 : i32
    %dma_start3A_1758 = tpu.memref_slice %arg4[%dma_start3A_1752, %dma_start3A_1756, %dma_start3A_1757] : memref<4x5000x128xf32, #tpu.memory_space<vmem>> -> memref<1x5000x128xf32, #tpu.memory_space<vmem>>
    %dma_start3A_1759 = tpu.memref_squeeze %dma_start3A_1758 : memref<1x5000x128xf32, #tpu.memory_space<vmem>> -> memref<5000x128xf32, #tpu.memory_space<vmem>>
    %dma_start3A_1760 = arith.constant 0 : i32
    %dma_start3A_1761 = arith.constant 0 : i32
    %dma_start3A_1762 = tpu.memref_slice %arg2[%dma_start3A_1751, %dma_start3A_1760, %dma_start3A_1761] : memref<64x5000x128xf32, #tpu.memory_space<any>> -> memref<1x5000x128xf32, #tpu.memory_space<any>>
    %dma_start3A_1763 = tpu.memref_squeeze %dma_start3A_1762 : memref<1x5000x128xf32, #tpu.memory_space<any>> -> memref<5000x128xf32, #tpu.memory_space<any>>
    tpu.enqueue_dma source(%dma_start3A_1763 : memref<5000x128xf32, #tpu.memory_space<any>>) target(%dma_start3A_1759 : memref<5000x128xf32, #tpu.memory_space<vmem>>) target_semaphore(%dma_start3A_1755 : memref<!tpu.dma_semaphore, #tpu.memory_space<semaphore_mem>>)
    %dma_wait3A_1764 = arith.constant 39 : i32
    %dma_wait3A_1765 = arith.constant 3 : i32
    %dma_wait3A_1766 = arith.constant 3 : i32
    %dma_wait3A_1767 = tpu.memref_slice %arg5[%dma_wait3A_1766] : memref<4x!tpu.dma_semaphore, #tpu.memory_space<semaphore_mem>> -> memref<1x!tpu.dma_semaphore, #tpu.memory_space<semaphore_mem>>
    %dma_wait3A_1768 = tpu.memref_squeeze %dma_wait3A_1767 : memref<1x!tpu.dma_semaphore, #tpu.memory_space<semaphore_mem>> -> memref<!tpu.dma_semaphore, #tpu.memory_space<semaphore_mem>>
    %dma_wait3A_1769 = arith.constant 0 : i32
    %dma_wait3A_1770 = arith.constant 0 : i32
    %dma_wait3A_1771 = tpu.memref_slice %arg4[%dma_wait3A_1765, %dma_wait3A_1769, %dma_wait3A_1770] : memref<4x5000x128xf32, #tpu.memory_space<vmem>> -> memref<1x5000x128xf32, #tpu.memory_space<vmem>>
    %dma_wait3A_1772 = tpu.memref_squeeze %dma_wait3A_1771 : memref<1x5000x128xf32, #tpu.memory_space<vmem>> -> memref<5000x128xf32, #tpu.memory_space<vmem>>
    %dma_wait3A_1773 = arith.constant 0 : i32
    %dma_wait3A_1774 = arith.constant 0 : i32
    %dma_wait3A_1775 = tpu.memref_slice %arg2[%dma_wait3A_1764, %dma_wait3A_1773, %dma_wait3A_1774] : memref<64x5000x128xf32, #tpu.memory_space<any>> -> memref<1x5000x128xf32, #tpu.memory_space<any>>
    %dma_wait3A_1776 = tpu.memref_squeeze %dma_wait3A_1775 : memref<1x5000x128xf32, #tpu.memory_space<any>> -> memref<5000x128xf32, #tpu.memory_space<any>>
    tpu.wait_dma2 semaphore(%dma_wait3A_1768 : memref<!tpu.dma_semaphore, #tpu.memory_space<semaphore_mem>>) src(%dma_wait3A_1776 : memref<5000x128xf32, #tpu.memory_space<any>>) dst(%dma_wait3A_1772 : memref<5000x128xf32, #tpu.memory_space<vmem>>)
    %get3A_1777 = arith.constant 0 : index
    %get3A_1778 = arith.constant 0 : index
    %get3A_1779 = vector.load %arg0[%get3A_1777, %get3A_1778] : memref<1x128xf32, #tpu.memory_space<vmem>>, vector<1x128xf32>
    %get3A_1780 = arith.constant 3 : index
    %get3A_1781 = arith.constant 0 : index
    %get3A_1782 = arith.constant 0 : index
    %get3A_1783 = vector.load %arg4[%get3A_1780, %get3A_1781, %get3A_1782] : memref<4x5000x128xf32, #tpu.memory_space<vmem>>, vector<1x5000x128xf32>
    %get3A_1784 = vector.shape_cast %get3A_1783 : vector<1x5000x128xf32> to vector<5000x128xf32>
    %dot_general3A_1785 = arith.constant dense<0.000000e+00> : vector<1x5000xf32>
    %dot_general3A_1786 = tpu.matmul %get3A_1779, %get3A_1784, %dot_general3A_1785 {dimension_numbers = #tpu.dot_dimension_numbers<[1], [1], [0], [0], [0, 0, 1, 0], [], []>, transpose_lhs_hint = false} : vector<1x128xf32>, vector<5000x128xf32>, vector<1x5000xf32> -> vector<1x5000xf32>
    %squeeze3A_1787 = vector.shape_cast %dot_general3A_1786 : vector<1x5000xf32> to vector<5000xf32>
    %add3A_1788 = vector.broadcast %get3A_1 : f32 to vector<5000xf32>
    %add3A_1789 = arith.addf %squeeze3A_1787, %add3A_1788 : vector<5000xf32>
    %swap3A_1790 = arith.constant 39 : index
    %swap3A_1791 = arith.constant 0 : index
    %swap3A_1792 = vector.load %arg3[%swap3A_1790, %swap3A_1791] : memref<64x5000xf32, #tpu.memory_space<vmem>>, vector<1x5000xf32>
    %swap3A_1793 = vector.shape_cast %swap3A_1792 : vector<1x5000xf32> to vector<5000xf32>
    %swap3A_1794 = vector.shape_cast %add3A_1789 : vector<5000xf32> to vector<1x5000xf32>
    tpu.vector_store %arg3[%swap3A_1790, %swap3A_1791], %swap3A_1794 {strides = array<i32>} : memref<64x5000xf32, #tpu.memory_space<vmem>>, vector<1x5000xf32>,
    %dma_start3A_1795 = arith.constant 43 : i32
    %dma_start3A_1796 = arith.constant 3 : i32
    %dma_start3A_1797 = arith.constant 3 : i32
    %dma_start3A_1798 = tpu.memref_slice %arg5[%dma_start3A_1797] : memref<4x!tpu.dma_semaphore, #tpu.memory_space<semaphore_mem>> -> memref<1x!tpu.dma_semaphore, #tpu.memory_space<semaphore_mem>>
    %dma_start3A_1799 = tpu.memref_squeeze %dma_start3A_1798 : memref<1x!tpu.dma_semaphore, #tpu.memory_space<semaphore_mem>> -> memref<!tpu.dma_semaphore, #tpu.memory_space<semaphore_mem>>
    %dma_start3A_1800 = arith.constant 0 : i32
    %dma_start3A_1801 = arith.constant 0 : i32
    %dma_start3A_1802 = tpu.memref_slice %arg4[%dma_start3A_1796, %dma_start3A_1800, %dma_start3A_1801] : memref<4x5000x128xf32, #tpu.memory_space<vmem>> -> memref<1x5000x128xf32, #tpu.memory_space<vmem>>
    %dma_start3A_1803 = tpu.memref_squeeze %dma_start3A_1802 : memref<1x5000x128xf32, #tpu.memory_space<vmem>> -> memref<5000x128xf32, #tpu.memory_space<vmem>>
    %dma_start3A_1804 = arith.constant 0 : i32
    %dma_start3A_1805 = arith.constant 0 : i32
    %dma_start3A_1806 = tpu.memref_slice %arg2[%dma_start3A_1795, %dma_start3A_1804, %dma_start3A_1805] : memref<64x5000x128xf32, #tpu.memory_space<any>> -> memref<1x5000x128xf32, #tpu.memory_space<any>>
    %dma_start3A_1807 = tpu.memref_squeeze %dma_start3A_1806 : memref<1x5000x128xf32, #tpu.memory_space<any>> -> memref<5000x128xf32, #tpu.memory_space<any>>
    tpu.enqueue_dma source(%dma_start3A_1807 : memref<5000x128xf32, #tpu.memory_space<any>>) target(%dma_start3A_1803 : memref<5000x128xf32, #tpu.memory_space<vmem>>) target_semaphore(%dma_start3A_1799 : memref<!tpu.dma_semaphore, #tpu.memory_space<semaphore_mem>>)
    %dma_wait3A_1808 = arith.constant 40 : i32
    %dma_wait3A_1809 = arith.constant 0 : i32
    %dma_wait3A_1810 = arith.constant 0 : i32
    %dma_wait3A_1811 = tpu.memref_slice %arg5[%dma_wait3A_1810] : memref<4x!tpu.dma_semaphore, #tpu.memory_space<semaphore_mem>> -> memref<1x!tpu.dma_semaphore, #tpu.memory_space<semaphore_mem>>
    %dma_wait3A_1812 = tpu.memref_squeeze %dma_wait3A_1811 : memref<1x!tpu.dma_semaphore, #tpu.memory_space<semaphore_mem>> -> memref<!tpu.dma_semaphore, #tpu.memory_space<semaphore_mem>>
    %dma_wait3A_1813 = arith.constant 0 : i32
    %dma_wait3A_1814 = arith.constant 0 : i32
    %dma_wait3A_1815 = tpu.memref_slice %arg4[%dma_wait3A_1809, %dma_wait3A_1813, %dma_wait3A_1814] : memref<4x5000x128xf32, #tpu.memory_space<vmem>> -> memref<1x5000x128xf32, #tpu.memory_space<vmem>>
    %dma_wait3A_1816 = tpu.memref_squeeze %dma_wait3A_1815 : memref<1x5000x128xf32, #tpu.memory_space<vmem>> -> memref<5000x128xf32, #tpu.memory_space<vmem>>
    %dma_wait3A_1817 = arith.constant 0 : i32
    %dma_wait3A_1818 = arith.constant 0 : i32
    %dma_wait3A_1819 = tpu.memref_slice %arg2[%dma_wait3A_1808, %dma_wait3A_1817, %dma_wait3A_1818] : memref<64x5000x128xf32, #tpu.memory_space<any>> -> memref<1x5000x128xf32, #tpu.memory_space<any>>
    %dma_wait3A_1820 = tpu.memref_squeeze %dma_wait3A_1819 : memref<1x5000x128xf32, #tpu.memory_space<any>> -> memref<5000x128xf32, #tpu.memory_space<any>>
    tpu.wait_dma2 semaphore(%dma_wait3A_1812 : memref<!tpu.dma_semaphore, #tpu.memory_space<semaphore_mem>>) src(%dma_wait3A_1820 : memref<5000x128xf32, #tpu.memory_space<any>>) dst(%dma_wait3A_1816 : memref<5000x128xf32, #tpu.memory_space<vmem>>)
    %get3A_1821 = arith.constant 0 : index
    %get3A_1822 = arith.constant 0 : index
    %get3A_1823 = vector.load %arg0[%get3A_1821, %get3A_1822] : memref<1x128xf32, #tpu.memory_space<vmem>>, vector<1x128xf32>
    %get3A_1824 = arith.constant 0 : index
    %get3A_1825 = arith.constant 0 : index
    %get3A_1826 = arith.constant 0 : index
    %get3A_1827 = vector.load %arg4[%get3A_1824, %get3A_1825, %get3A_1826] : memref<4x5000x128xf32, #tpu.memory_space<vmem>>, vector<1x5000x128xf32>
    %get3A_1828 = vector.shape_cast %get3A_1827 : vector<1x5000x128xf32> to vector<5000x128xf32>
    %dot_general3A_1829 = arith.constant dense<0.000000e+00> : vector<1x5000xf32>
    %dot_general3A_1830 = tpu.matmul %get3A_1823, %get3A_1828, %dot_general3A_1829 {dimension_numbers = #tpu.dot_dimension_numbers<[1], [1], [0], [0], [0, 0, 1, 0], [], []>, transpose_lhs_hint = false} : vector<1x128xf32>, vector<5000x128xf32>, vector<1x5000xf32> -> vector<1x5000xf32>
    %squeeze3A_1831 = vector.shape_cast %dot_general3A_1830 : vector<1x5000xf32> to vector<5000xf32>
    %add3A_1832 = vector.broadcast %get3A_1 : f32 to vector<5000xf32>
    %add3A_1833 = arith.addf %squeeze3A_1831, %add3A_1832 : vector<5000xf32>
    %swap3A_1834 = arith.constant 40 : index
    %swap3A_1835 = arith.constant 0 : index
    %swap3A_1836 = vector.load %arg3[%swap3A_1834, %swap3A_1835] : memref<64x5000xf32, #tpu.memory_space<vmem>>, vector<1x5000xf32>
    %swap3A_1837 = vector.shape_cast %swap3A_1836 : vector<1x5000xf32> to vector<5000xf32>
    %swap3A_1838 = vector.shape_cast %add3A_1833 : vector<5000xf32> to vector<1x5000xf32>
    tpu.vector_store %arg3[%swap3A_1834, %swap3A_1835], %swap3A_1838 {strides = array<i32>} : memref<64x5000xf32, #tpu.memory_space<vmem>>, vector<1x5000xf32>,
    %dma_start3A_1839 = arith.constant 44 : i32
    %dma_start3A_1840 = arith.constant 0 : i32
    %dma_start3A_1841 = arith.constant 0 : i32
    %dma_start3A_1842 = tpu.memref_slice %arg5[%dma_start3A_1841] : memref<4x!tpu.dma_semaphore, #tpu.memory_space<semaphore_mem>> -> memref<1x!tpu.dma_semaphore, #tpu.memory_space<semaphore_mem>>
    %dma_start3A_1843 = tpu.memref_squeeze %dma_start3A_1842 : memref<1x!tpu.dma_semaphore, #tpu.memory_space<semaphore_mem>> -> memref<!tpu.dma_semaphore, #tpu.memory_space<semaphore_mem>>
    %dma_start3A_1844 = arith.constant 0 : i32
    %dma_start3A_1845 = arith.constant 0 : i32
    %dma_start3A_1846 = tpu.memref_slice %arg4[%dma_start3A_1840, %dma_start3A_1844, %dma_start3A_1845] : memref<4x5000x128xf32, #tpu.memory_space<vmem>> -> memref<1x5000x128xf32, #tpu.memory_space<vmem>>
    %dma_start3A_1847 = tpu.memref_squeeze %dma_start3A_1846 : memref<1x5000x128xf32, #tpu.memory_space<vmem>> -> memref<5000x128xf32, #tpu.memory_space<vmem>>
    %dma_start3A_1848 = arith.constant 0 : i32
    %dma_start3A_1849 = arith.constant 0 : i32
    %dma_start3A_1850 = tpu.memref_slice %arg2[%dma_start3A_1839, %dma_start3A_1848, %dma_start3A_1849] : memref<64x5000x128xf32, #tpu.memory_space<any>> -> memref<1x5000x128xf32, #tpu.memory_space<any>>
    %dma_start3A_1851 = tpu.memref_squeeze %dma_start3A_1850 : memref<1x5000x128xf32, #tpu.memory_space<any>> -> memref<5000x128xf32, #tpu.memory_space<any>>
    tpu.enqueue_dma source(%dma_start3A_1851 : memref<5000x128xf32, #tpu.memory_space<any>>) target(%dma_start3A_1847 : memref<5000x128xf32, #tpu.memory_space<vmem>>) target_semaphore(%dma_start3A_1843 : memref<!tpu.dma_semaphore, #tpu.memory_space<semaphore_mem>>)
    %dma_wait3A_1852 = arith.constant 41 : i32
    %dma_wait3A_1853 = arith.constant 1 : i32
    %dma_wait3A_1854 = arith.constant 1 : i32
    %dma_wait3A_1855 = tpu.memref_slice %arg5[%dma_wait3A_1854] : memref<4x!tpu.dma_semaphore, #tpu.memory_space<semaphore_mem>> -> memref<1x!tpu.dma_semaphore, #tpu.memory_space<semaphore_mem>>
    %dma_wait3A_1856 = tpu.memref_squeeze %dma_wait3A_1855 : memref<1x!tpu.dma_semaphore, #tpu.memory_space<semaphore_mem>> -> memref<!tpu.dma_semaphore, #tpu.memory_space<semaphore_mem>>
    %dma_wait3A_1857 = arith.constant 0 : i32
    %dma_wait3A_1858 = arith.constant 0 : i32
    %dma_wait3A_1859 = tpu.memref_slice %arg4[%dma_wait3A_1853, %dma_wait3A_1857, %dma_wait3A_1858] : memref<4x5000x128xf32, #tpu.memory_space<vmem>> -> memref<1x5000x128xf32, #tpu.memory_space<vmem>>
    %dma_wait3A_1860 = tpu.memref_squeeze %dma_wait3A_1859 : memref<1x5000x128xf32, #tpu.memory_space<vmem>> -> memref<5000x128xf32, #tpu.memory_space<vmem>>
    %dma_wait3A_1861 = arith.constant 0 : i32
    %dma_wait3A_1862 = arith.constant 0 : i32
    %dma_wait3A_1863 = tpu.memref_slice %arg2[%dma_wait3A_1852, %dma_wait3A_1861, %dma_wait3A_1862] : memref<64x5000x128xf32, #tpu.memory_space<any>> -> memref<1x5000x128xf32, #tpu.memory_space<any>>
    %dma_wait3A_1864 = tpu.memref_squeeze %dma_wait3A_1863 : memref<1x5000x128xf32, #tpu.memory_space<any>> -> memref<5000x128xf32, #tpu.memory_space<any>>
    tpu.wait_dma2 semaphore(%dma_wait3A_1856 : memref<!tpu.dma_semaphore, #tpu.memory_space<semaphore_mem>>) src(%dma_wait3A_1864 : memref<5000x128xf32, #tpu.memory_space<any>>) dst(%dma_wait3A_1860 : memref<5000x128xf32, #tpu.memory_space<vmem>>)
    %get3A_1865 = arith.constant 0 : index
    %get3A_1866 = arith.constant 0 : index
    %get3A_1867 = vector.load %arg0[%get3A_1865, %get3A_1866] : memref<1x128xf32, #tpu.memory_space<vmem>>, vector<1x128xf32>
    %get3A_1868 = arith.constant 1 : index
    %get3A_1869 = arith.constant 0 : index
    %get3A_1870 = arith.constant 0 : index
    %get3A_1871 = vector.load %arg4[%get3A_1868, %get3A_1869, %get3A_1870] : memref<4x5000x128xf32, #tpu.memory_space<vmem>>, vector<1x5000x128xf32>
    %get3A_1872 = vector.shape_cast %get3A_1871 : vector<1x5000x128xf32> to vector<5000x128xf32>
    %dot_general3A_1873 = arith.constant dense<0.000000e+00> : vector<1x5000xf32>
    %dot_general3A_1874 = tpu.matmul %get3A_1867, %get3A_1872, %dot_general3A_1873 {dimension_numbers = #tpu.dot_dimension_numbers<[1], [1], [0], [0], [0, 0, 1, 0], [], []>, transpose_lhs_hint = false} : vector<1x128xf32>, vector<5000x128xf32>, vector<1x5000xf32> -> vector<1x5000xf32>
    %squeeze3A_1875 = vector.shape_cast %dot_general3A_1874 : vector<1x5000xf32> to vector<5000xf32>
    %add3A_1876 = vector.broadcast %get3A_1 : f32 to vector<5000xf32>
    %add3A_1877 = arith.addf %squeeze3A_1875, %add3A_1876 : vector<5000xf32>
    %swap3A_1878 = arith.constant 41 : index
    %swap3A_1879 = arith.constant 0 : index
    %swap3A_1880 = vector.load %arg3[%swap3A_1878, %swap3A_1879] : memref<64x5000xf32, #tpu.memory_space<vmem>>, vector<1x5000xf32>
    %swap3A_1881 = vector.shape_cast %swap3A_1880 : vector<1x5000xf32> to vector<5000xf32>
    %swap3A_1882 = vector.shape_cast %add3A_1877 : vector<5000xf32> to vector<1x5000xf32>
    tpu.vector_store %arg3[%swap3A_1878, %swap3A_1879], %swap3A_1882 {strides = array<i32>} : memref<64x5000xf32, #tpu.memory_space<vmem>>, vector<1x5000xf32>,
    %dma_start3A_1883 = arith.constant 45 : i32
    %dma_start3A_1884 = arith.constant 1 : i32
    %dma_start3A_1885 = arith.constant 1 : i32
    %dma_start3A_1886 = tpu.memref_slice %arg5[%dma_start3A_1885] : memref<4x!tpu.dma_semaphore, #tpu.memory_space<semaphore_mem>> -> memref<1x!tpu.dma_semaphore, #tpu.memory_space<semaphore_mem>>
    %dma_start3A_1887 = tpu.memref_squeeze %dma_start3A_1886 : memref<1x!tpu.dma_semaphore, #tpu.memory_space<semaphore_mem>> -> memref<!tpu.dma_semaphore, #tpu.memory_space<semaphore_mem>>
    %dma_start3A_1888 = arith.constant 0 : i32
    %dma_start3A_1889 = arith.constant 0 : i32
    %dma_start3A_1890 = tpu.memref_slice %arg4[%dma_start3A_1884, %dma_start3A_1888, %dma_start3A_1889] : memref<4x5000x128xf32, #tpu.memory_space<vmem>> -> memref<1x5000x128xf32, #tpu.memory_space<vmem>>
    %dma_start3A_1891 = tpu.memref_squeeze %dma_start3A_1890 : memref<1x5000x128xf32, #tpu.memory_space<vmem>> -> memref<5000x128xf32, #tpu.memory_space<vmem>>
    %dma_start3A_1892 = arith.constant 0 : i32
    %dma_start3A_1893 = arith.constant 0 : i32
    %dma_start3A_1894 = tpu.memref_slice %arg2[%dma_start3A_1883, %dma_start3A_1892, %dma_start3A_1893] : memref<64x5000x128xf32, #tpu.memory_space<any>> -> memref<1x5000x128xf32, #tpu.memory_space<any>>
    %dma_start3A_1895 = tpu.memref_squeeze %dma_start3A_1894 : memref<1x5000x128xf32, #tpu.memory_space<any>> -> memref<5000x128xf32, #tpu.memory_space<any>>
    tpu.enqueue_dma source(%dma_start3A_1895 : memref<5000x128xf32, #tpu.memory_space<any>>) target(%dma_start3A_1891 : memref<5000x128xf32, #tpu.memory_space<vmem>>) target_semaphore(%dma_start3A_1887 : memref<!tpu.dma_semaphore, #tpu.memory_space<semaphore_mem>>)
    %dma_wait3A_1896 = arith.constant 42 : i32
    %dma_wait3A_1897 = arith.constant 2 : i32
    %dma_wait3A_1898 = arith.constant 2 : i32
    %dma_wait3A_1899 = tpu.memref_slice %arg5[%dma_wait3A_1898] : memref<4x!tpu.dma_semaphore, #tpu.memory_space<semaphore_mem>> -> memref<1x!tpu.dma_semaphore, #tpu.memory_space<semaphore_mem>>
    %dma_wait3A_1900 = tpu.memref_squeeze %dma_wait3A_1899 : memref<1x!tpu.dma_semaphore, #tpu.memory_space<semaphore_mem>> -> memref<!tpu.dma_semaphore, #tpu.memory_space<semaphore_mem>>
    %dma_wait3A_1901 = arith.constant 0 : i32
    %dma_wait3A_1902 = arith.constant 0 : i32
    %dma_wait3A_1903 = tpu.memref_slice %arg4[%dma_wait3A_1897, %dma_wait3A_1901, %dma_wait3A_1902] : memref<4x5000x128xf32, #tpu.memory_space<vmem>> -> memref<1x5000x128xf32, #tpu.memory_space<vmem>>
    %dma_wait3A_1904 = tpu.memref_squeeze %dma_wait3A_1903 : memref<1x5000x128xf32, #tpu.memory_space<vmem>> -> memref<5000x128xf32, #tpu.memory_space<vmem>>
    %dma_wait3A_1905 = arith.constant 0 : i32
    %dma_wait3A_1906 = arith.constant 0 : i32
    %dma_wait3A_1907 = tpu.memref_slice %arg2[%dma_wait3A_1896, %dma_wait3A_1905, %dma_wait3A_1906] : memref<64x5000x128xf32, #tpu.memory_space<any>> -> memref<1x5000x128xf32, #tpu.memory_space<any>>
    %dma_wait3A_1908 = tpu.memref_squeeze %dma_wait3A_1907 : memref<1x5000x128xf32, #tpu.memory_space<any>> -> memref<5000x128xf32, #tpu.memory_space<any>>
    tpu.wait_dma2 semaphore(%dma_wait3A_1900 : memref<!tpu.dma_semaphore, #tpu.memory_space<semaphore_mem>>) src(%dma_wait3A_1908 : memref<5000x128xf32, #tpu.memory_space<any>>) dst(%dma_wait3A_1904 : memref<5000x128xf32, #tpu.memory_space<vmem>>)
    %get3A_1909 = arith.constant 0 : index
    %get3A_1910 = arith.constant 0 : index
    %get3A_1911 = vector.load %arg0[%get3A_1909, %get3A_1910] : memref<1x128xf32, #tpu.memory_space<vmem>>, vector<1x128xf32>
    %get3A_1912 = arith.constant 2 : index
    %get3A_1913 = arith.constant 0 : index
    %get3A_1914 = arith.constant 0 : index
    %get3A_1915 = vector.load %arg4[%get3A_1912, %get3A_1913, %get3A_1914] : memref<4x5000x128xf32, #tpu.memory_space<vmem>>, vector<1x5000x128xf32>
    %get3A_1916 = vector.shape_cast %get3A_1915 : vector<1x5000x128xf32> to vector<5000x128xf32>
    %dot_general3A_1917 = arith.constant dense<0.000000e+00> : vector<1x5000xf32>
    %dot_general3A_1918 = tpu.matmul %get3A_1911, %get3A_1916, %dot_general3A_1917 {dimension_numbers = #tpu.dot_dimension_numbers<[1], [1], [0], [0], [0, 0, 1, 0], [], []>, transpose_lhs_hint = false} : vector<1x128xf32>, vector<5000x128xf32>, vector<1x5000xf32> -> vector<1x5000xf32>
    %squeeze3A_1919 = vector.shape_cast %dot_general3A_1918 : vector<1x5000xf32> to vector<5000xf32>
    %add3A_1920 = vector.broadcast %get3A_1 : f32 to vector<5000xf32>
    %add3A_1921 = arith.addf %squeeze3A_1919, %add3A_1920 : vector<5000xf32>
    %swap3A_1922 = arith.constant 42 : index
    %swap3A_1923 = arith.constant 0 : index
    %swap3A_1924 = vector.load %arg3[%swap3A_1922, %swap3A_1923] : memref<64x5000xf32, #tpu.memory_space<vmem>>, vector<1x5000xf32>
    %swap3A_1925 = vector.shape_cast %swap3A_1924 : vector<1x5000xf32> to vector<5000xf32>
    %swap3A_1926 = vector.shape_cast %add3A_1921 : vector<5000xf32> to vector<1x5000xf32>
    tpu.vector_store %arg3[%swap3A_1922, %swap3A_1923], %swap3A_1926 {strides = array<i32>} : memref<64x5000xf32, #tpu.memory_space<vmem>>, vector<1x5000xf32>,
    %dma_start3A_1927 = arith.constant 46 : i32
    %dma_start3A_1928 = arith.constant 2 : i32
    %dma_start3A_1929 = arith.constant 2 : i32
    %dma_start3A_1930 = tpu.memref_slice %arg5[%dma_start3A_1929] : memref<4x!tpu.dma_semaphore, #tpu.memory_space<semaphore_mem>> -> memref<1x!tpu.dma_semaphore, #tpu.memory_space<semaphore_mem>>
    %dma_start3A_1931 = tpu.memref_squeeze %dma_start3A_1930 : memref<1x!tpu.dma_semaphore, #tpu.memory_space<semaphore_mem>> -> memref<!tpu.dma_semaphore, #tpu.memory_space<semaphore_mem>>
    %dma_start3A_1932 = arith.constant 0 : i32
    %dma_start3A_1933 = arith.constant 0 : i32
    %dma_start3A_1934 = tpu.memref_slice %arg4[%dma_start3A_1928, %dma_start3A_1932, %dma_start3A_1933] : memref<4x5000x128xf32, #tpu.memory_space<vmem>> -> memref<1x5000x128xf32, #tpu.memory_space<vmem>>
    %dma_start3A_1935 = tpu.memref_squeeze %dma_start3A_1934 : memref<1x5000x128xf32, #tpu.memory_space<vmem>> -> memref<5000x128xf32, #tpu.memory_space<vmem>>
    %dma_start3A_1936 = arith.constant 0 : i32
    %dma_start3A_1937 = arith.constant 0 : i32
    %dma_start3A_1938 = tpu.memref_slice %arg2[%dma_start3A_1927, %dma_start3A_1936, %dma_start3A_1937] : memref<64x5000x128xf32, #tpu.memory_space<any>> -> memref<1x5000x128xf32, #tpu.memory_space<any>>
    %dma_start3A_1939 = tpu.memref_squeeze %dma_start3A_1938 : memref<1x5000x128xf32, #tpu.memory_space<any>> -> memref<5000x128xf32, #tpu.memory_space<any>>
    tpu.enqueue_dma source(%dma_start3A_1939 : memref<5000x128xf32, #tpu.memory_space<any>>) target(%dma_start3A_1935 : memref<5000x128xf32, #tpu.memory_space<vmem>>) target_semaphore(%dma_start3A_1931 : memref<!tpu.dma_semaphore, #tpu.memory_space<semaphore_mem>>)
    %dma_wait3A_1940 = arith.constant 43 : i32
    %dma_wait3A_1941 = arith.constant 3 : i32
    %dma_wait3A_1942 = arith.constant 3 : i32
    %dma_wait3A_1943 = tpu.memref_slice %arg5[%dma_wait3A_1942] : memref<4x!tpu.dma_semaphore, #tpu.memory_space<semaphore_mem>> -> memref<1x!tpu.dma_semaphore, #tpu.memory_space<semaphore_mem>>
    %dma_wait3A_1944 = tpu.memref_squeeze %dma_wait3A_1943 : memref<1x!tpu.dma_semaphore, #tpu.memory_space<semaphore_mem>> -> memref<!tpu.dma_semaphore, #tpu.memory_space<semaphore_mem>>
    %dma_wait3A_1945 = arith.constant 0 : i32
    %dma_wait3A_1946 = arith.constant 0 : i32
    %dma_wait3A_1947 = tpu.memref_slice %arg4[%dma_wait3A_1941, %dma_wait3A_1945, %dma_wait3A_1946] : memref<4x5000x128xf32, #tpu.memory_space<vmem>> -> memref<1x5000x128xf32, #tpu.memory_space<vmem>>
    %dma_wait3A_1948 = tpu.memref_squeeze %dma_wait3A_1947 : memref<1x5000x128xf32, #tpu.memory_space<vmem>> -> memref<5000x128xf32, #tpu.memory_space<vmem>>
    %dma_wait3A_1949 = arith.constant 0 : i32
    %dma_wait3A_1950 = arith.constant 0 : i32
    %dma_wait3A_1951 = tpu.memref_slice %arg2[%dma_wait3A_1940, %dma_wait3A_1949, %dma_wait3A_1950] : memref<64x5000x128xf32, #tpu.memory_space<any>> -> memref<1x5000x128xf32, #tpu.memory_space<any>>
    %dma_wait3A_1952 = tpu.memref_squeeze %dma_wait3A_1951 : memref<1x5000x128xf32, #tpu.memory_space<any>> -> memref<5000x128xf32, #tpu.memory_space<any>>
    tpu.wait_dma2 semaphore(%dma_wait3A_1944 : memref<!tpu.dma_semaphore, #tpu.memory_space<semaphore_mem>>) src(%dma_wait3A_1952 : memref<5000x128xf32, #tpu.memory_space<any>>) dst(%dma_wait3A_1948 : memref<5000x128xf32, #tpu.memory_space<vmem>>)
    %get3A_1953 = arith.constant 0 : index
    %get3A_1954 = arith.constant 0 : index
    %get3A_1955 = vector.load %arg0[%get3A_1953, %get3A_1954] : memref<1x128xf32, #tpu.memory_space<vmem>>, vector<1x128xf32>
    %get3A_1956 = arith.constant 3 : index
    %get3A_1957 = arith.constant 0 : index
    %get3A_1958 = arith.constant 0 : index
    %get3A_1959 = vector.load %arg4[%get3A_1956, %get3A_1957, %get3A_1958] : memref<4x5000x128xf32, #tpu.memory_space<vmem>>, vector<1x5000x128xf32>
    %get3A_1960 = vector.shape_cast %get3A_1959 : vector<1x5000x128xf32> to vector<5000x128xf32>
    %dot_general3A_1961 = arith.constant dense<0.000000e+00> : vector<1x5000xf32>
    %dot_general3A_1962 = tpu.matmul %get3A_1955, %get3A_1960, %dot_general3A_1961 {dimension_numbers = #tpu.dot_dimension_numbers<[1], [1], [0], [0], [0, 0, 1, 0], [], []>, transpose_lhs_hint = false} : vector<1x128xf32>, vector<5000x128xf32>, vector<1x5000xf32> -> vector<1x5000xf32>
    %squeeze3A_1963 = vector.shape_cast %dot_general3A_1962 : vector<1x5000xf32> to vector<5000xf32>
    %add3A_1964 = vector.broadcast %get3A_1 : f32 to vector<5000xf32>
    %add3A_1965 = arith.addf %squeeze3A_1963, %add3A_1964 : vector<5000xf32>
    %swap3A_1966 = arith.constant 43 : index
    %swap3A_1967 = arith.constant 0 : index
    %swap3A_1968 = vector.load %arg3[%swap3A_1966, %swap3A_1967] : memref<64x5000xf32, #tpu.memory_space<vmem>>, vector<1x5000xf32>
    %swap3A_1969 = vector.shape_cast %swap3A_1968 : vector<1x5000xf32> to vector<5000xf32>
    %swap3A_1970 = vector.shape_cast %add3A_1965 : vector<5000xf32> to vector<1x5000xf32>
    tpu.vector_store %arg3[%swap3A_1966, %swap3A_1967], %swap3A_1970 {strides = array<i32>} : memref<64x5000xf32, #tpu.memory_space<vmem>>, vector<1x5000xf32>,
    %dma_start3A_1971 = arith.constant 47 : i32
    %dma_start3A_1972 = arith.constant 3 : i32
    %dma_start3A_1973 = arith.constant 3 : i32
    %dma_start3A_1974 = tpu.memref_slice %arg5[%dma_start3A_1973] : memref<4x!tpu.dma_semaphore, #tpu.memory_space<semaphore_mem>> -> memref<1x!tpu.dma_semaphore, #tpu.memory_space<semaphore_mem>>
    %dma_start3A_1975 = tpu.memref_squeeze %dma_start3A_1974 : memref<1x!tpu.dma_semaphore, #tpu.memory_space<semaphore_mem>> -> memref<!tpu.dma_semaphore, #tpu.memory_space<semaphore_mem>>
    %dma_start3A_1976 = arith.constant 0 : i32
    %dma_start3A_1977 = arith.constant 0 : i32
    %dma_start3A_1978 = tpu.memref_slice %arg4[%dma_start3A_1972, %dma_start3A_1976, %dma_start3A_1977] : memref<4x5000x128xf32, #tpu.memory_space<vmem>> -> memref<1x5000x128xf32, #tpu.memory_space<vmem>>
    %dma_start3A_1979 = tpu.memref_squeeze %dma_start3A_1978 : memref<1x5000x128xf32, #tpu.memory_space<vmem>> -> memref<5000x128xf32, #tpu.memory_space<vmem>>
    %dma_start3A_1980 = arith.constant 0 : i32
    %dma_start3A_1981 = arith.constant 0 : i32
    %dma_start3A_1982 = tpu.memref_slice %arg2[%dma_start3A_1971, %dma_start3A_1980, %dma_start3A_1981] : memref<64x5000x128xf32, #tpu.memory_space<any>> -> memref<1x5000x128xf32, #tpu.memory_space<any>>
    %dma_start3A_1983 = tpu.memref_squeeze %dma_start3A_1982 : memref<1x5000x128xf32, #tpu.memory_space<any>> -> memref<5000x128xf32, #tpu.memory_space<any>>
    tpu.enqueue_dma source(%dma_start3A_1983 : memref<5000x128xf32, #tpu.memory_space<any>>) target(%dma_start3A_1979 : memref<5000x128xf32, #tpu.memory_space<vmem>>) target_semaphore(%dma_start3A_1975 : memref<!tpu.dma_semaphore, #tpu.memory_space<semaphore_mem>>)
    %dma_wait3A_1984 = arith.constant 44 : i32
    %dma_wait3A_1985 = arith.constant 0 : i32
    %dma_wait3A_1986 = arith.constant 0 : i32
    %dma_wait3A_1987 = tpu.memref_slice %arg5[%dma_wait3A_1986] : memref<4x!tpu.dma_semaphore, #tpu.memory_space<semaphore_mem>> -> memref<1x!tpu.dma_semaphore, #tpu.memory_space<semaphore_mem>>
    %dma_wait3A_1988 = tpu.memref_squeeze %dma_wait3A_1987 : memref<1x!tpu.dma_semaphore, #tpu.memory_space<semaphore_mem>> -> memref<!tpu.dma_semaphore, #tpu.memory_space<semaphore_mem>>
    %dma_wait3A_1989 = arith.constant 0 : i32
    %dma_wait3A_1990 = arith.constant 0 : i32
    %dma_wait3A_1991 = tpu.memref_slice %arg4[%dma_wait3A_1985, %dma_wait3A_1989, %dma_wait3A_1990] : memref<4x5000x128xf32, #tpu.memory_space<vmem>> -> memref<1x5000x128xf32, #tpu.memory_space<vmem>>
    %dma_wait3A_1992 = tpu.memref_squeeze %dma_wait3A_1991 : memref<1x5000x128xf32, #tpu.memory_space<vmem>> -> memref<5000x128xf32, #tpu.memory_space<vmem>>
    %dma_wait3A_1993 = arith.constant 0 : i32
    %dma_wait3A_1994 = arith.constant 0 : i32
    %dma_wait3A_1995 = tpu.memref_slice %arg2[%dma_wait3A_1984, %dma_wait3A_1993, %dma_wait3A_1994] : memref<64x5000x128xf32, #tpu.memory_space<any>> -> memref<1x5000x128xf32, #tpu.memory_space<any>>
    %dma_wait3A_1996 = tpu.memref_squeeze %dma_wait3A_1995 : memref<1x5000x128xf32, #tpu.memory_space<any>> -> memref<5000x128xf32, #tpu.memory_space<any>>
    tpu.wait_dma2 semaphore(%dma_wait3A_1988 : memref<!tpu.dma_semaphore, #tpu.memory_space<semaphore_mem>>) src(%dma_wait3A_1996 : memref<5000x128xf32, #tpu.memory_space<any>>) dst(%dma_wait3A_1992 : memref<5000x128xf32, #tpu.memory_space<vmem>>)
    %get3A_1997 = arith.constant 0 : index
    %get3A_1998 = arith.constant 0 : index
    %get3A_1999 = vector.load %arg0[%get3A_1997, %get3A_1998] : memref<1x128xf32, #tpu.memory_space<vmem>>, vector<1x128xf32>
    %get3A_2000 = arith.constant 0 : index
    %get3A_2001 = arith.constant 0 : index
    %get3A_2002 = arith.constant 0 : index
    %get3A_2003 = vector.load %arg4[%get3A_2000, %get3A_2001, %get3A_2002] : memref<4x5000x128xf32, #tpu.memory_space<vmem>>, vector<1x5000x128xf32>
    %get3A_2004 = vector.shape_cast %get3A_2003 : vector<1x5000x128xf32> to vector<5000x128xf32>
    %dot_general3A_2005 = arith.constant dense<0.000000e+00> : vector<1x5000xf32>
    %dot_general3A_2006 = tpu.matmul %get3A_1999, %get3A_2004, %dot_general3A_2005 {dimension_numbers = #tpu.dot_dimension_numbers<[1], [1], [0], [0], [0, 0, 1, 0], [], []>, transpose_lhs_hint = false} : vector<1x128xf32>, vector<5000x128xf32>, vector<1x5000xf32> -> vector<1x5000xf32>
    %squeeze3A_2007 = vector.shape_cast %dot_general3A_2006 : vector<1x5000xf32> to vector<5000xf32>
    %add3A_2008 = vector.broadcast %get3A_1 : f32 to vector<5000xf32>
    %add3A_2009 = arith.addf %squeeze3A_2007, %add3A_2008 : vector<5000xf32>
    %swap3A_2010 = arith.constant 44 : index
    %swap3A_2011 = arith.constant 0 : index
    %swap3A_2012 = vector.load %arg3[%swap3A_2010, %swap3A_2011] : memref<64x5000xf32, #tpu.memory_space<vmem>>, vector<1x5000xf32>
    %swap3A_2013 = vector.shape_cast %swap3A_2012 : vector<1x5000xf32> to vector<5000xf32>
    %swap3A_2014 = vector.shape_cast %add3A_2009 : vector<5000xf32> to vector<1x5000xf32>
    tpu.vector_store %arg3[%swap3A_2010, %swap3A_2011], %swap3A_2014 {strides = array<i32>} : memref<64x5000xf32, #tpu.memory_space<vmem>>, vector<1x5000xf32>,
    %dma_start3A_2015 = arith.constant 48 : i32
    %dma_start3A_2016 = arith.constant 0 : i32
    %dma_start3A_2017 = arith.constant 0 : i32
    %dma_start3A_2018 = tpu.memref_slice %arg5[%dma_start3A_2017] : memref<4x!tpu.dma_semaphore, #tpu.memory_space<semaphore_mem>> -> memref<1x!tpu.dma_semaphore, #tpu.memory_space<semaphore_mem>>
    %dma_start3A_2019 = tpu.memref_squeeze %dma_start3A_2018 : memref<1x!tpu.dma_semaphore, #tpu.memory_space<semaphore_mem>> -> memref<!tpu.dma_semaphore, #tpu.memory_space<semaphore_mem>>
    %dma_start3A_2020 = arith.constant 0 : i32
    %dma_start3A_2021 = arith.constant 0 : i32
    %dma_start3A_2022 = tpu.memref_slice %arg4[%dma_start3A_2016, %dma_start3A_2020, %dma_start3A_2021] : memref<4x5000x128xf32, #tpu.memory_space<vmem>> -> memref<1x5000x128xf32, #tpu.memory_space<vmem>>
    %dma_start3A_2023 = tpu.memref_squeeze %dma_start3A_2022 : memref<1x5000x128xf32, #tpu.memory_space<vmem>> -> memref<5000x128xf32, #tpu.memory_space<vmem>>
    %dma_start3A_2024 = arith.constant 0 : i32
    %dma_start3A_2025 = arith.constant 0 : i32
    %dma_start3A_2026 = tpu.memref_slice %arg2[%dma_start3A_2015, %dma_start3A_2024, %dma_start3A_2025] : memref<64x5000x128xf32, #tpu.memory_space<any>> -> memref<1x5000x128xf32, #tpu.memory_space<any>>
    %dma_start3A_2027 = tpu.memref_squeeze %dma_start3A_2026 : memref<1x5000x128xf32, #tpu.memory_space<any>> -> memref<5000x128xf32, #tpu.memory_space<any>>
    tpu.enqueue_dma source(%dma_start3A_2027 : memref<5000x128xf32, #tpu.memory_space<any>>) target(%dma_start3A_2023 : memref<5000x128xf32, #tpu.memory_space<vmem>>) target_semaphore(%dma_start3A_2019 : memref<!tpu.dma_semaphore, #tpu.memory_space<semaphore_mem>>)
    %dma_wait3A_2028 = arith.constant 45 : i32
    %dma_wait3A_2029 = arith.constant 1 : i32
    %dma_wait3A_2030 = arith.constant 1 : i32
    %dma_wait3A_2031 = tpu.memref_slice %arg5[%dma_wait3A_2030] : memref<4x!tpu.dma_semaphore, #tpu.memory_space<semaphore_mem>> -> memref<1x!tpu.dma_semaphore, #tpu.memory_space<semaphore_mem>>
    %dma_wait3A_2032 = tpu.memref_squeeze %dma_wait3A_2031 : memref<1x!tpu.dma_semaphore, #tpu.memory_space<semaphore_mem>> -> memref<!tpu.dma_semaphore, #tpu.memory_space<semaphore_mem>>
    %dma_wait3A_2033 = arith.constant 0 : i32
    %dma_wait3A_2034 = arith.constant 0 : i32
    %dma_wait3A_2035 = tpu.memref_slice %arg4[%dma_wait3A_2029, %dma_wait3A_2033, %dma_wait3A_2034] : memref<4x5000x128xf32, #tpu.memory_space<vmem>> -> memref<1x5000x128xf32, #tpu.memory_space<vmem>>
    %dma_wait3A_2036 = tpu.memref_squeeze %dma_wait3A_2035 : memref<1x5000x128xf32, #tpu.memory_space<vmem>> -> memref<5000x128xf32, #tpu.memory_space<vmem>>
    %dma_wait3A_2037 = arith.constant 0 : i32
    %dma_wait3A_2038 = arith.constant 0 : i32
    %dma_wait3A_2039 = tpu.memref_slice %arg2[%dma_wait3A_2028, %dma_wait3A_2037, %dma_wait3A_2038] : memref<64x5000x128xf32, #tpu.memory_space<any>> -> memref<1x5000x128xf32, #tpu.memory_space<any>>
    %dma_wait3A_2040 = tpu.memref_squeeze %dma_wait3A_2039 : memref<1x5000x128xf32, #tpu.memory_space<any>> -> memref<5000x128xf32, #tpu.memory_space<any>>
    tpu.wait_dma2 semaphore(%dma_wait3A_2032 : memref<!tpu.dma_semaphore, #tpu.memory_space<semaphore_mem>>) src(%dma_wait3A_2040 : memref<5000x128xf32, #tpu.memory_space<any>>) dst(%dma_wait3A_2036 : memref<5000x128xf32, #tpu.memory_space<vmem>>)
    %get3A_2041 = arith.constant 0 : index
    %get3A_2042 = arith.constant 0 : index
    %get3A_2043 = vector.load %arg0[%get3A_2041, %get3A_2042] : memref<1x128xf32, #tpu.memory_space<vmem>>, vector<1x128xf32>
    %get3A_2044 = arith.constant 1 : index
    %get3A_2045 = arith.constant 0 : index
    %get3A_2046 = arith.constant 0 : index
    %get3A_2047 = vector.load %arg4[%get3A_2044, %get3A_2045, %get3A_2046] : memref<4x5000x128xf32, #tpu.memory_space<vmem>>, vector<1x5000x128xf32>
    %get3A_2048 = vector.shape_cast %get3A_2047 : vector<1x5000x128xf32> to vector<5000x128xf32>
    %dot_general3A_2049 = arith.constant dense<0.000000e+00> : vector<1x5000xf32>
    %dot_general3A_2050 = tpu.matmul %get3A_2043, %get3A_2048, %dot_general3A_2049 {dimension_numbers = #tpu.dot_dimension_numbers<[1], [1], [0], [0], [0, 0, 1, 0], [], []>, transpose_lhs_hint = false} : vector<1x128xf32>, vector<5000x128xf32>, vector<1x5000xf32> -> vector<1x5000xf32>
    %squeeze3A_2051 = vector.shape_cast %dot_general3A_2050 : vector<1x5000xf32> to vector<5000xf32>
    %add3A_2052 = vector.broadcast %get3A_1 : f32 to vector<5000xf32>
    %add3A_2053 = arith.addf %squeeze3A_2051, %add3A_2052 : vector<5000xf32>
    %swap3A_2054 = arith.constant 45 : index
    %swap3A_2055 = arith.constant 0 : index
    %swap3A_2056 = vector.load %arg3[%swap3A_2054, %swap3A_2055] : memref<64x5000xf32, #tpu.memory_space<vmem>>, vector<1x5000xf32>
    %swap3A_2057 = vector.shape_cast %swap3A_2056 : vector<1x5000xf32> to vector<5000xf32>
    %swap3A_2058 = vector.shape_cast %add3A_2053 : vector<5000xf32> to vector<1x5000xf32>
    tpu.vector_store %arg3[%swap3A_2054, %swap3A_2055], %swap3A_2058 {strides = array<i32>} : memref<64x5000xf32, #tpu.memory_space<vmem>>, vector<1x5000xf32>,
    %dma_start3A_2059 = arith.constant 49 : i32
    %dma_start3A_2060 = arith.constant 1 : i32
    %dma_start3A_2061 = arith.constant 1 : i32
    %dma_start3A_2062 = tpu.memref_slice %arg5[%dma_start3A_2061] : memref<4x!tpu.dma_semaphore, #tpu.memory_space<semaphore_mem>> -> memref<1x!tpu.dma_semaphore, #tpu.memory_space<semaphore_mem>>
    %dma_start3A_2063 = tpu.memref_squeeze %dma_start3A_2062 : memref<1x!tpu.dma_semaphore, #tpu.memory_space<semaphore_mem>> -> memref<!tpu.dma_semaphore, #tpu.memory_space<semaphore_mem>>
    %dma_start3A_2064 = arith.constant 0 : i32
    %dma_start3A_2065 = arith.constant 0 : i32
    %dma_start3A_2066 = tpu.memref_slice %arg4[%dma_start3A_2060, %dma_start3A_2064, %dma_start3A_2065] : memref<4x5000x128xf32, #tpu.memory_space<vmem>> -> memref<1x5000x128xf32, #tpu.memory_space<vmem>>
    %dma_start3A_2067 = tpu.memref_squeeze %dma_start3A_2066 : memref<1x5000x128xf32, #tpu.memory_space<vmem>> -> memref<5000x128xf32, #tpu.memory_space<vmem>>
    %dma_start3A_2068 = arith.constant 0 : i32
    %dma_start3A_2069 = arith.constant 0 : i32
    %dma_start3A_2070 = tpu.memref_slice %arg2[%dma_start3A_2059, %dma_start3A_2068, %dma_start3A_2069] : memref<64x5000x128xf32, #tpu.memory_space<any>> -> memref<1x5000x128xf32, #tpu.memory_space<any>>
    %dma_start3A_2071 = tpu.memref_squeeze %dma_start3A_2070 : memref<1x5000x128xf32, #tpu.memory_space<any>> -> memref<5000x128xf32, #tpu.memory_space<any>>
    tpu.enqueue_dma source(%dma_start3A_2071 : memref<5000x128xf32, #tpu.memory_space<any>>) target(%dma_start3A_2067 : memref<5000x128xf32, #tpu.memory_space<vmem>>) target_semaphore(%dma_start3A_2063 : memref<!tpu.dma_semaphore, #tpu.memory_space<semaphore_mem>>)
    %dma_wait3A_2072 = arith.constant 46 : i32
    %dma_wait3A_2073 = arith.constant 2 : i32
    %dma_wait3A_2074 = arith.constant 2 : i32
    %dma_wait3A_2075 = tpu.memref_slice %arg5[%dma_wait3A_2074] : memref<4x!tpu.dma_semaphore, #tpu.memory_space<semaphore_mem>> -> memref<1x!tpu.dma_semaphore, #tpu.memory_space<semaphore_mem>>
    %dma_wait3A_2076 = tpu.memref_squeeze %dma_wait3A_2075 : memref<1x!tpu.dma_semaphore, #tpu.memory_space<semaphore_mem>> -> memref<!tpu.dma_semaphore, #tpu.memory_space<semaphore_mem>>
    %dma_wait3A_2077 = arith.constant 0 : i32
    %dma_wait3A_2078 = arith.constant 0 : i32
    %dma_wait3A_2079 = tpu.memref_slice %arg4[%dma_wait3A_2073, %dma_wait3A_2077, %dma_wait3A_2078] : memref<4x5000x128xf32, #tpu.memory_space<vmem>> -> memref<1x5000x128xf32, #tpu.memory_space<vmem>>
    %dma_wait3A_2080 = tpu.memref_squeeze %dma_wait3A_2079 : memref<1x5000x128xf32, #tpu.memory_space<vmem>> -> memref<5000x128xf32, #tpu.memory_space<vmem>>
    %dma_wait3A_2081 = arith.constant 0 : i32
    %dma_wait3A_2082 = arith.constant 0 : i32
    %dma_wait3A_2083 = tpu.memref_slice %arg2[%dma_wait3A_2072, %dma_wait3A_2081, %dma_wait3A_2082] : memref<64x5000x128xf32, #tpu.memory_space<any>> -> memref<1x5000x128xf32, #tpu.memory_space<any>>
    %dma_wait3A_2084 = tpu.memref_squeeze %dma_wait3A_2083 : memref<1x5000x128xf32, #tpu.memory_space<any>> -> memref<5000x128xf32, #tpu.memory_space<any>>
    tpu.wait_dma2 semaphore(%dma_wait3A_2076 : memref<!tpu.dma_semaphore, #tpu.memory_space<semaphore_mem>>) src(%dma_wait3A_2084 : memref<5000x128xf32, #tpu.memory_space<any>>) dst(%dma_wait3A_2080 : memref<5000x128xf32, #tpu.memory_space<vmem>>)
    %get3A_2085 = arith.constant 0 : index
    %get3A_2086 = arith.constant 0 : index
    %get3A_2087 = vector.load %arg0[%get3A_2085, %get3A_2086] : memref<1x128xf32, #tpu.memory_space<vmem>>, vector<1x128xf32>
    %get3A_2088 = arith.constant 2 : index
    %get3A_2089 = arith.constant 0 : index
    %get3A_2090 = arith.constant 0 : index
    %get3A_2091 = vector.load %arg4[%get3A_2088, %get3A_2089, %get3A_2090] : memref<4x5000x128xf32, #tpu.memory_space<vmem>>, vector<1x5000x128xf32>
    %get3A_2092 = vector.shape_cast %get3A_2091 : vector<1x5000x128xf32> to vector<5000x128xf32>
    %dot_general3A_2093 = arith.constant dense<0.000000e+00> : vector<1x5000xf32>
    %dot_general3A_2094 = tpu.matmul %get3A_2087, %get3A_2092, %dot_general3A_2093 {dimension_numbers = #tpu.dot_dimension_numbers<[1], [1], [0], [0], [0, 0, 1, 0], [], []>, transpose_lhs_hint = false} : vector<1x128xf32>, vector<5000x128xf32>, vector<1x5000xf32> -> vector<1x5000xf32>
    %squeeze3A_2095 = vector.shape_cast %dot_general3A_2094 : vector<1x5000xf32> to vector<5000xf32>
    %add3A_2096 = vector.broadcast %get3A_1 : f32 to vector<5000xf32>
    %add3A_2097 = arith.addf %squeeze3A_2095, %add3A_2096 : vector<5000xf32>
    %swap3A_2098 = arith.constant 46 : index
    %swap3A_2099 = arith.constant 0 : index
    %swap3A_2100 = vector.load %arg3[%swap3A_2098, %swap3A_2099] : memref<64x5000xf32, #tpu.memory_space<vmem>>, vector<1x5000xf32>
    %swap3A_2101 = vector.shape_cast %swap3A_2100 : vector<1x5000xf32> to vector<5000xf32>
    %swap3A_2102 = vector.shape_cast %add3A_2097 : vector<5000xf32> to vector<1x5000xf32>
    tpu.vector_store %arg3[%swap3A_2098, %swap3A_2099], %swap3A_2102 {strides = array<i32>} : memref<64x5000xf32, #tpu.memory_space<vmem>>, vector<1x5000xf32>,
    %dma_start3A_2103 = arith.constant 50 : i32
    %dma_start3A_2104 = arith.constant 2 : i32
    %dma_start3A_2105 = arith.constant 2 : i32
    %dma_start3A_2106 = tpu.memref_slice %arg5[%dma_start3A_2105] : memref<4x!tpu.dma_semaphore, #tpu.memory_space<semaphore_mem>> -> memref<1x!tpu.dma_semaphore, #tpu.memory_space<semaphore_mem>>
    %dma_start3A_2107 = tpu.memref_squeeze %dma_start3A_2106 : memref<1x!tpu.dma_semaphore, #tpu.memory_space<semaphore_mem>> -> memref<!tpu.dma_semaphore, #tpu.memory_space<semaphore_mem>>
    %dma_start3A_2108 = arith.constant 0 : i32
    %dma_start3A_2109 = arith.constant 0 : i32
    %dma_start3A_2110 = tpu.memref_slice %arg4[%dma_start3A_2104, %dma_start3A_2108, %dma_start3A_2109] : memref<4x5000x128xf32, #tpu.memory_space<vmem>> -> memref<1x5000x128xf32, #tpu.memory_space<vmem>>
    %dma_start3A_2111 = tpu.memref_squeeze %dma_start3A_2110 : memref<1x5000x128xf32, #tpu.memory_space<vmem>> -> memref<5000x128xf32, #tpu.memory_space<vmem>>
    %dma_start3A_2112 = arith.constant 0 : i32
    %dma_start3A_2113 = arith.constant 0 : i32
    %dma_start3A_2114 = tpu.memref_slice %arg2[%dma_start3A_2103, %dma_start3A_2112, %dma_start3A_2113] : memref<64x5000x128xf32, #tpu.memory_space<any>> -> memref<1x5000x128xf32, #tpu.memory_space<any>>
    %dma_start3A_2115 = tpu.memref_squeeze %dma_start3A_2114 : memref<1x5000x128xf32, #tpu.memory_space<any>> -> memref<5000x128xf32, #tpu.memory_space<any>>
    tpu.enqueue_dma source(%dma_start3A_2115 : memref<5000x128xf32, #tpu.memory_space<any>>) target(%dma_start3A_2111 : memref<5000x128xf32, #tpu.memory_space<vmem>>) target_semaphore(%dma_start3A_2107 : memref<!tpu.dma_semaphore, #tpu.memory_space<semaphore_mem>>)
    %dma_wait3A_2116 = arith.constant 47 : i32
    %dma_wait3A_2117 = arith.constant 3 : i32
    %dma_wait3A_2118 = arith.constant 3 : i32
    %dma_wait3A_2119 = tpu.memref_slice %arg5[%dma_wait3A_2118] : memref<4x!tpu.dma_semaphore, #tpu.memory_space<semaphore_mem>> -> memref<1x!tpu.dma_semaphore, #tpu.memory_space<semaphore_mem>>
    %dma_wait3A_2120 = tpu.memref_squeeze %dma_wait3A_2119 : memref<1x!tpu.dma_semaphore, #tpu.memory_space<semaphore_mem>> -> memref<!tpu.dma_semaphore, #tpu.memory_space<semaphore_mem>>
    %dma_wait3A_2121 = arith.constant 0 : i32
    %dma_wait3A_2122 = arith.constant 0 : i32
    %dma_wait3A_2123 = tpu.memref_slice %arg4[%dma_wait3A_2117, %dma_wait3A_2121, %dma_wait3A_2122] : memref<4x5000x128xf32, #tpu.memory_space<vmem>> -> memref<1x5000x128xf32, #tpu.memory_space<vmem>>
    %dma_wait3A_2124 = tpu.memref_squeeze %dma_wait3A_2123 : memref<1x5000x128xf32, #tpu.memory_space<vmem>> -> memref<5000x128xf32, #tpu.memory_space<vmem>>
    %dma_wait3A_2125 = arith.constant 0 : i32
    %dma_wait3A_2126 = arith.constant 0 : i32
    %dma_wait3A_2127 = tpu.memref_slice %arg2[%dma_wait3A_2116, %dma_wait3A_2125, %dma_wait3A_2126] : memref<64x5000x128xf32, #tpu.memory_space<any>> -> memref<1x5000x128xf32, #tpu.memory_space<any>>
    %dma_wait3A_2128 = tpu.memref_squeeze %dma_wait3A_2127 : memref<1x5000x128xf32, #tpu.memory_space<any>> -> memref<5000x128xf32, #tpu.memory_space<any>>
    tpu.wait_dma2 semaphore(%dma_wait3A_2120 : memref<!tpu.dma_semaphore, #tpu.memory_space<semaphore_mem>>) src(%dma_wait3A_2128 : memref<5000x128xf32, #tpu.memory_space<any>>) dst(%dma_wait3A_2124 : memref<5000x128xf32, #tpu.memory_space<vmem>>)
    %get3A_2129 = arith.constant 0 : index
    %get3A_2130 = arith.constant 0 : index
    %get3A_2131 = vector.load %arg0[%get3A_2129, %get3A_2130] : memref<1x128xf32, #tpu.memory_space<vmem>>, vector<1x128xf32>
    %get3A_2132 = arith.constant 3 : index
    %get3A_2133 = arith.constant 0 : index
    %get3A_2134 = arith.constant 0 : index
    %get3A_2135 = vector.load %arg4[%get3A_2132, %get3A_2133, %get3A_2134] : memref<4x5000x128xf32, #tpu.memory_space<vmem>>, vector<1x5000x128xf32>
    %get3A_2136 = vector.shape_cast %get3A_2135 : vector<1x5000x128xf32> to vector<5000x128xf32>
    %dot_general3A_2137 = arith.constant dense<0.000000e+00> : vector<1x5000xf32>
    %dot_general3A_2138 = tpu.matmul %get3A_2131, %get3A_2136, %dot_general3A_2137 {dimension_numbers = #tpu.dot_dimension_numbers<[1], [1], [0], [0], [0, 0, 1, 0], [], []>, transpose_lhs_hint = false} : vector<1x128xf32>, vector<5000x128xf32>, vector<1x5000xf32> -> vector<1x5000xf32>
    %squeeze3A_2139 = vector.shape_cast %dot_general3A_2138 : vector<1x5000xf32> to vector<5000xf32>
    %add3A_2140 = vector.broadcast %get3A_1 : f32 to vector<5000xf32>
    %add3A_2141 = arith.addf %squeeze3A_2139, %add3A_2140 : vector<5000xf32>
    %swap3A_2142 = arith.constant 47 : index
    %swap3A_2143 = arith.constant 0 : index
    %swap3A_2144 = vector.load %arg3[%swap3A_2142, %swap3A_2143] : memref<64x5000xf32, #tpu.memory_space<vmem>>, vector<1x5000xf32>
    %swap3A_2145 = vector.shape_cast %swap3A_2144 : vector<1x5000xf32> to vector<5000xf32>
    %swap3A_2146 = vector.shape_cast %add3A_2141 : vector<5000xf32> to vector<1x5000xf32>
    tpu.vector_store %arg3[%swap3A_2142, %swap3A_2143], %swap3A_2146 {strides = array<i32>} : memref<64x5000xf32, #tpu.memory_space<vmem>>, vector<1x5000xf32>,
    %dma_start3A_2147 = arith.constant 51 : i32
    %dma_start3A_2148 = arith.constant 3 : i32
    %dma_start3A_2149 = arith.constant 3 : i32
    %dma_start3A_2150 = tpu.memref_slice %arg5[%dma_start3A_2149] : memref<4x!tpu.dma_semaphore, #tpu.memory_space<semaphore_mem>> -> memref<1x!tpu.dma_semaphore, #tpu.memory_space<semaphore_mem>>
    %dma_start3A_2151 = tpu.memref_squeeze %dma_start3A_2150 : memref<1x!tpu.dma_semaphore, #tpu.memory_space<semaphore_mem>> -> memref<!tpu.dma_semaphore, #tpu.memory_space<semaphore_mem>>
    %dma_start3A_2152 = arith.constant 0 : i32
    %dma_start3A_2153 = arith.constant 0 : i32
    %dma_start3A_2154 = tpu.memref_slice %arg4[%dma_start3A_2148, %dma_start3A_2152, %dma_start3A_2153] : memref<4x5000x128xf32, #tpu.memory_space<vmem>> -> memref<1x5000x128xf32, #tpu.memory_space<vmem>>
    %dma_start3A_2155 = tpu.memref_squeeze %dma_start3A_2154 : memref<1x5000x128xf32, #tpu.memory_space<vmem>> -> memref<5000x128xf32, #tpu.memory_space<vmem>>
    %dma_start3A_2156 = arith.constant 0 : i32
    %dma_start3A_2157 = arith.constant 0 : i32
    %dma_start3A_2158 = tpu.memref_slice %arg2[%dma_start3A_2147, %dma_start3A_2156, %dma_start3A_2157] : memref<64x5000x128xf32, #tpu.memory_space<any>> -> memref<1x5000x128xf32, #tpu.memory_space<any>>
    %dma_start3A_2159 = tpu.memref_squeeze %dma_start3A_2158 : memref<1x5000x128xf32, #tpu.memory_space<any>> -> memref<5000x128xf32, #tpu.memory_space<any>>
    tpu.enqueue_dma source(%dma_start3A_2159 : memref<5000x128xf32, #tpu.memory_space<any>>) target(%dma_start3A_2155 : memref<5000x128xf32, #tpu.memory_space<vmem>>) target_semaphore(%dma_start3A_2151 : memref<!tpu.dma_semaphore, #tpu.memory_space<semaphore_mem>>)
    %dma_wait3A_2160 = arith.constant 48 : i32
    %dma_wait3A_2161 = arith.constant 0 : i32
    %dma_wait3A_2162 = arith.constant 0 : i32
    %dma_wait3A_2163 = tpu.memref_slice %arg5[%dma_wait3A_2162] : memref<4x!tpu.dma_semaphore, #tpu.memory_space<semaphore_mem>> -> memref<1x!tpu.dma_semaphore, #tpu.memory_space<semaphore_mem>>
    %dma_wait3A_2164 = tpu.memref_squeeze %dma_wait3A_2163 : memref<1x!tpu.dma_semaphore, #tpu.memory_space<semaphore_mem>> -> memref<!tpu.dma_semaphore, #tpu.memory_space<semaphore_mem>>
    %dma_wait3A_2165 = arith.constant 0 : i32
    %dma_wait3A_2166 = arith.constant 0 : i32
    %dma_wait3A_2167 = tpu.memref_slice %arg4[%dma_wait3A_2161, %dma_wait3A_2165, %dma_wait3A_2166] : memref<4x5000x128xf32, #tpu.memory_space<vmem>> -> memref<1x5000x128xf32, #tpu.memory_space<vmem>>
    %dma_wait3A_2168 = tpu.memref_squeeze %dma_wait3A_2167 : memref<1x5000x128xf32, #tpu.memory_space<vmem>> -> memref<5000x128xf32, #tpu.memory_space<vmem>>
    %dma_wait3A_2169 = arith.constant 0 : i32
    %dma_wait3A_2170 = arith.constant 0 : i32
    %dma_wait3A_2171 = tpu.memref_slice %arg2[%dma_wait3A_2160, %dma_wait3A_2169, %dma_wait3A_2170] : memref<64x5000x128xf32, #tpu.memory_space<any>> -> memref<1x5000x128xf32, #tpu.memory_space<any>>
    %dma_wait3A_2172 = tpu.memref_squeeze %dma_wait3A_2171 : memref<1x5000x128xf32, #tpu.memory_space<any>> -> memref<5000x128xf32, #tpu.memory_space<any>>
    tpu.wait_dma2 semaphore(%dma_wait3A_2164 : memref<!tpu.dma_semaphore, #tpu.memory_space<semaphore_mem>>) src(%dma_wait3A_2172 : memref<5000x128xf32, #tpu.memory_space<any>>) dst(%dma_wait3A_2168 : memref<5000x128xf32, #tpu.memory_space<vmem>>)
    %get3A_2173 = arith.constant 0 : index
    %get3A_2174 = arith.constant 0 : index
    %get3A_2175 = vector.load %arg0[%get3A_2173, %get3A_2174] : memref<1x128xf32, #tpu.memory_space<vmem>>, vector<1x128xf32>
    %get3A_2176 = arith.constant 0 : index
    %get3A_2177 = arith.constant 0 : index
    %get3A_2178 = arith.constant 0 : index
    %get3A_2179 = vector.load %arg4[%get3A_2176, %get3A_2177, %get3A_2178] : memref<4x5000x128xf32, #tpu.memory_space<vmem>>, vector<1x5000x128xf32>
    %get3A_2180 = vector.shape_cast %get3A_2179 : vector<1x5000x128xf32> to vector<5000x128xf32>
    %dot_general3A_2181 = arith.constant dense<0.000000e+00> : vector<1x5000xf32>
    %dot_general3A_2182 = tpu.matmul %get3A_2175, %get3A_2180, %dot_general3A_2181 {dimension_numbers = #tpu.dot_dimension_numbers<[1], [1], [0], [0], [0, 0, 1, 0], [], []>, transpose_lhs_hint = false} : vector<1x128xf32>, vector<5000x128xf32>, vector<1x5000xf32> -> vector<1x5000xf32>
    %squeeze3A_2183 = vector.shape_cast %dot_general3A_2182 : vector<1x5000xf32> to vector<5000xf32>
    %add3A_2184 = vector.broadcast %get3A_1 : f32 to vector<5000xf32>
    %add3A_2185 = arith.addf %squeeze3A_2183, %add3A_2184 : vector<5000xf32>
    %swap3A_2186 = arith.constant 48 : index
    %swap3A_2187 = arith.constant 0 : index
    %swap3A_2188 = vector.load %arg3[%swap3A_2186, %swap3A_2187] : memref<64x5000xf32, #tpu.memory_space<vmem>>, vector<1x5000xf32>
    %swap3A_2189 = vector.shape_cast %swap3A_2188 : vector<1x5000xf32> to vector<5000xf32>
    %swap3A_2190 = vector.shape_cast %add3A_2185 : vector<5000xf32> to vector<1x5000xf32>
    tpu.vector_store %arg3[%swap3A_2186, %swap3A_2187], %swap3A_2190 {strides = array<i32>} : memref<64x5000xf32, #tpu.memory_space<vmem>>, vector<1x5000xf32>,
    %dma_start3A_2191 = arith.constant 52 : i32
    %dma_start3A_2192 = arith.constant 0 : i32
    %dma_start3A_2193 = arith.constant 0 : i32
    %dma_start3A_2194 = tpu.memref_slice %arg5[%dma_start3A_2193] : memref<4x!tpu.dma_semaphore, #tpu.memory_space<semaphore_mem>> -> memref<1x!tpu.dma_semaphore, #tpu.memory_space<semaphore_mem>>
    %dma_start3A_2195 = tpu.memref_squeeze %dma_start3A_2194 : memref<1x!tpu.dma_semaphore, #tpu.memory_space<semaphore_mem>> -> memref<!tpu.dma_semaphore, #tpu.memory_space<semaphore_mem>>
    %dma_start3A_2196 = arith.constant 0 : i32
    %dma_start3A_2197 = arith.constant 0 : i32
    %dma_start3A_2198 = tpu.memref_slice %arg4[%dma_start3A_2192, %dma_start3A_2196, %dma_start3A_2197] : memref<4x5000x128xf32, #tpu.memory_space<vmem>> -> memref<1x5000x128xf32, #tpu.memory_space<vmem>>
    %dma_start3A_2199 = tpu.memref_squeeze %dma_start3A_2198 : memref<1x5000x128xf32, #tpu.memory_space<vmem>> -> memref<5000x128xf32, #tpu.memory_space<vmem>>
    %dma_start3A_2200 = arith.constant 0 : i32
    %dma_start3A_2201 = arith.constant 0 : i32
    %dma_start3A_2202 = tpu.memref_slice %arg2[%dma_start3A_2191, %dma_start3A_2200, %dma_start3A_2201] : memref<64x5000x128xf32, #tpu.memory_space<any>> -> memref<1x5000x128xf32, #tpu.memory_space<any>>
    %dma_start3A_2203 = tpu.memref_squeeze %dma_start3A_2202 : memref<1x5000x128xf32, #tpu.memory_space<any>> -> memref<5000x128xf32, #tpu.memory_space<any>>
    tpu.enqueue_dma source(%dma_start3A_2203 : memref<5000x128xf32, #tpu.memory_space<any>>) target(%dma_start3A_2199 : memref<5000x128xf32, #tpu.memory_space<vmem>>) target_semaphore(%dma_start3A_2195 : memref<!tpu.dma_semaphore, #tpu.memory_space<semaphore_mem>>)
    %dma_wait3A_2204 = arith.constant 49 : i32
    %dma_wait3A_2205 = arith.constant 1 : i32
    %dma_wait3A_2206 = arith.constant 1 : i32
    %dma_wait3A_2207 = tpu.memref_slice %arg5[%dma_wait3A_2206] : memref<4x!tpu.dma_semaphore, #tpu.memory_space<semaphore_mem>> -> memref<1x!tpu.dma_semaphore, #tpu.memory_space<semaphore_mem>>
    %dma_wait3A_2208 = tpu.memref_squeeze %dma_wait3A_2207 : memref<1x!tpu.dma_semaphore, #tpu.memory_space<semaphore_mem>> -> memref<!tpu.dma_semaphore, #tpu.memory_space<semaphore_mem>>
    %dma_wait3A_2209 = arith.constant 0 : i32
    %dma_wait3A_2210 = arith.constant 0 : i32
    %dma_wait3A_2211 = tpu.memref_slice %arg4[%dma_wait3A_2205, %dma_wait3A_2209, %dma_wait3A_2210] : memref<4x5000x128xf32, #tpu.memory_space<vmem>> -> memref<1x5000x128xf32, #tpu.memory_space<vmem>>
    %dma_wait3A_2212 = tpu.memref_squeeze %dma_wait3A_2211 : memref<1x5000x128xf32, #tpu.memory_space<vmem>> -> memref<5000x128xf32, #tpu.memory_space<vmem>>
    %dma_wait3A_2213 = arith.constant 0 : i32
    %dma_wait3A_2214 = arith.constant 0 : i32
    %dma_wait3A_2215 = tpu.memref_slice %arg2[%dma_wait3A_2204, %dma_wait3A_2213, %dma_wait3A_2214] : memref<64x5000x128xf32, #tpu.memory_space<any>> -> memref<1x5000x128xf32, #tpu.memory_space<any>>
    %dma_wait3A_2216 = tpu.memref_squeeze %dma_wait3A_2215 : memref<1x5000x128xf32, #tpu.memory_space<any>> -> memref<5000x128xf32, #tpu.memory_space<any>>
    tpu.wait_dma2 semaphore(%dma_wait3A_2208 : memref<!tpu.dma_semaphore, #tpu.memory_space<semaphore_mem>>) src(%dma_wait3A_2216 : memref<5000x128xf32, #tpu.memory_space<any>>) dst(%dma_wait3A_2212 : memref<5000x128xf32, #tpu.memory_space<vmem>>)
    %get3A_2217 = arith.constant 0 : index
    %get3A_2218 = arith.constant 0 : index
    %get3A_2219 = vector.load %arg0[%get3A_2217, %get3A_2218] : memref<1x128xf32, #tpu.memory_space<vmem>>, vector<1x128xf32>
    %get3A_2220 = arith.constant 1 : index
    %get3A_2221 = arith.constant 0 : index
    %get3A_2222 = arith.constant 0 : index
    %get3A_2223 = vector.load %arg4[%get3A_2220, %get3A_2221, %get3A_2222] : memref<4x5000x128xf32, #tpu.memory_space<vmem>>, vector<1x5000x128xf32>
    %get3A_2224 = vector.shape_cast %get3A_2223 : vector<1x5000x128xf32> to vector<5000x128xf32>
    %dot_general3A_2225 = arith.constant dense<0.000000e+00> : vector<1x5000xf32>
    %dot_general3A_2226 = tpu.matmul %get3A_2219, %get3A_2224, %dot_general3A_2225 {dimension_numbers = #tpu.dot_dimension_numbers<[1], [1], [0], [0], [0, 0, 1, 0], [], []>, transpose_lhs_hint = false} : vector<1x128xf32>, vector<5000x128xf32>, vector<1x5000xf32> -> vector<1x5000xf32>
    %squeeze3A_2227 = vector.shape_cast %dot_general3A_2226 : vector<1x5000xf32> to vector<5000xf32>
    %add3A_2228 = vector.broadcast %get3A_1 : f32 to vector<5000xf32>
    %add3A_2229 = arith.addf %squeeze3A_2227, %add3A_2228 : vector<5000xf32>
    %swap3A_2230 = arith.constant 49 : index
    %swap3A_2231 = arith.constant 0 : index
    %swap3A_2232 = vector.load %arg3[%swap3A_2230, %swap3A_2231] : memref<64x5000xf32, #tpu.memory_space<vmem>>, vector<1x5000xf32>
    %swap3A_2233 = vector.shape_cast %swap3A_2232 : vector<1x5000xf32> to vector<5000xf32>
    %swap3A_2234 = vector.shape_cast %add3A_2229 : vector<5000xf32> to vector<1x5000xf32>
    tpu.vector_store %arg3[%swap3A_2230, %swap3A_2231], %swap3A_2234 {strides = array<i32>} : memref<64x5000xf32, #tpu.memory_space<vmem>>, vector<1x5000xf32>,
    %dma_start3A_2235 = arith.constant 53 : i32
    %dma_start3A_2236 = arith.constant 1 : i32
    %dma_start3A_2237 = arith.constant 1 : i32
    %dma_start3A_2238 = tpu.memref_slice %arg5[%dma_start3A_2237] : memref<4x!tpu.dma_semaphore, #tpu.memory_space<semaphore_mem>> -> memref<1x!tpu.dma_semaphore, #tpu.memory_space<semaphore_mem>>
    %dma_start3A_2239 = tpu.memref_squeeze %dma_start3A_2238 : memref<1x!tpu.dma_semaphore, #tpu.memory_space<semaphore_mem>> -> memref<!tpu.dma_semaphore, #tpu.memory_space<semaphore_mem>>
    %dma_start3A_2240 = arith.constant 0 : i32
    %dma_start3A_2241 = arith.constant 0 : i32
    %dma_start3A_2242 = tpu.memref_slice %arg4[%dma_start3A_2236, %dma_start3A_2240, %dma_start3A_2241] : memref<4x5000x128xf32, #tpu.memory_space<vmem>> -> memref<1x5000x128xf32, #tpu.memory_space<vmem>>
    %dma_start3A_2243 = tpu.memref_squeeze %dma_start3A_2242 : memref<1x5000x128xf32, #tpu.memory_space<vmem>> -> memref<5000x128xf32, #tpu.memory_space<vmem>>
    %dma_start3A_2244 = arith.constant 0 : i32
    %dma_start3A_2245 = arith.constant 0 : i32
    %dma_start3A_2246 = tpu.memref_slice %arg2[%dma_start3A_2235, %dma_start3A_2244, %dma_start3A_2245] : memref<64x5000x128xf32, #tpu.memory_space<any>> -> memref<1x5000x128xf32, #tpu.memory_space<any>>
    %dma_start3A_2247 = tpu.memref_squeeze %dma_start3A_2246 : memref<1x5000x128xf32, #tpu.memory_space<any>> -> memref<5000x128xf32, #tpu.memory_space<any>>
    tpu.enqueue_dma source(%dma_start3A_2247 : memref<5000x128xf32, #tpu.memory_space<any>>) target(%dma_start3A_2243 : memref<5000x128xf32, #tpu.memory_space<vmem>>) target_semaphore(%dma_start3A_2239 : memref<!tpu.dma_semaphore, #tpu.memory_space<semaphore_mem>>)
    %dma_wait3A_2248 = arith.constant 50 : i32
    %dma_wait3A_2249 = arith.constant 2 : i32
    %dma_wait3A_2250 = arith.constant 2 : i32
    %dma_wait3A_2251 = tpu.memref_slice %arg5[%dma_wait3A_2250] : memref<4x!tpu.dma_semaphore, #tpu.memory_space<semaphore_mem>> -> memref<1x!tpu.dma_semaphore, #tpu.memory_space<semaphore_mem>>
    %dma_wait3A_2252 = tpu.memref_squeeze %dma_wait3A_2251 : memref<1x!tpu.dma_semaphore, #tpu.memory_space<semaphore_mem>> -> memref<!tpu.dma_semaphore, #tpu.memory_space<semaphore_mem>>
    %dma_wait3A_2253 = arith.constant 0 : i32
    %dma_wait3A_2254 = arith.constant 0 : i32
    %dma_wait3A_2255 = tpu.memref_slice %arg4[%dma_wait3A_2249, %dma_wait3A_2253, %dma_wait3A_2254] : memref<4x5000x128xf32, #tpu.memory_space<vmem>> -> memref<1x5000x128xf32, #tpu.memory_space<vmem>>
    %dma_wait3A_2256 = tpu.memref_squeeze %dma_wait3A_2255 : memref<1x5000x128xf32, #tpu.memory_space<vmem>> -> memref<5000x128xf32, #tpu.memory_space<vmem>>
    %dma_wait3A_2257 = arith.constant 0 : i32
    %dma_wait3A_2258 = arith.constant 0 : i32
    %dma_wait3A_2259 = tpu.memref_slice %arg2[%dma_wait3A_2248, %dma_wait3A_2257, %dma_wait3A_2258] : memref<64x5000x128xf32, #tpu.memory_space<any>> -> memref<1x5000x128xf32, #tpu.memory_space<any>>
    %dma_wait3A_2260 = tpu.memref_squeeze %dma_wait3A_2259 : memref<1x5000x128xf32, #tpu.memory_space<any>> -> memref<5000x128xf32, #tpu.memory_space<any>>
    tpu.wait_dma2 semaphore(%dma_wait3A_2252 : memref<!tpu.dma_semaphore, #tpu.memory_space<semaphore_mem>>) src(%dma_wait3A_2260 : memref<5000x128xf32, #tpu.memory_space<any>>) dst(%dma_wait3A_2256 : memref<5000x128xf32, #tpu.memory_space<vmem>>)
    %get3A_2261 = arith.constant 0 : index
    %get3A_2262 = arith.constant 0 : index
    %get3A_2263 = vector.load %arg0[%get3A_2261, %get3A_2262] : memref<1x128xf32, #tpu.memory_space<vmem>>, vector<1x128xf32>
    %get3A_2264 = arith.constant 2 : index
    %get3A_2265 = arith.constant 0 : index
    %get3A_2266 = arith.constant 0 : index
    %get3A_2267 = vector.load %arg4[%get3A_2264, %get3A_2265, %get3A_2266] : memref<4x5000x128xf32, #tpu.memory_space<vmem>>, vector<1x5000x128xf32>
    %get3A_2268 = vector.shape_cast %get3A_2267 : vector<1x5000x128xf32> to vector<5000x128xf32>
    %dot_general3A_2269 = arith.constant dense<0.000000e+00> : vector<1x5000xf32>
    %dot_general3A_2270 = tpu.matmul %get3A_2263, %get3A_2268, %dot_general3A_2269 {dimension_numbers = #tpu.dot_dimension_numbers<[1], [1], [0], [0], [0, 0, 1, 0], [], []>, transpose_lhs_hint = false} : vector<1x128xf32>, vector<5000x128xf32>, vector<1x5000xf32> -> vector<1x5000xf32>
    %squeeze3A_2271 = vector.shape_cast %dot_general3A_2270 : vector<1x5000xf32> to vector<5000xf32>
    %add3A_2272 = vector.broadcast %get3A_1 : f32 to vector<5000xf32>
    %add3A_2273 = arith.addf %squeeze3A_2271, %add3A_2272 : vector<5000xf32>
    %swap3A_2274 = arith.constant 50 : index
    %swap3A_2275 = arith.constant 0 : index
    %swap3A_2276 = vector.load %arg3[%swap3A_2274, %swap3A_2275] : memref<64x5000xf32, #tpu.memory_space<vmem>>, vector<1x5000xf32>
    %swap3A_2277 = vector.shape_cast %swap3A_2276 : vector<1x5000xf32> to vector<5000xf32>
    %swap3A_2278 = vector.shape_cast %add3A_2273 : vector<5000xf32> to vector<1x5000xf32>
    tpu.vector_store %arg3[%swap3A_2274, %swap3A_2275], %swap3A_2278 {strides = array<i32>} : memref<64x5000xf32, #tpu.memory_space<vmem>>, vector<1x5000xf32>,
    %dma_start3A_2279 = arith.constant 54 : i32
    %dma_start3A_2280 = arith.constant 2 : i32
    %dma_start3A_2281 = arith.constant 2 : i32
    %dma_start3A_2282 = tpu.memref_slice %arg5[%dma_start3A_2281] : memref<4x!tpu.dma_semaphore, #tpu.memory_space<semaphore_mem>> -> memref<1x!tpu.dma_semaphore, #tpu.memory_space<semaphore_mem>>
    %dma_start3A_2283 = tpu.memref_squeeze %dma_start3A_2282 : memref<1x!tpu.dma_semaphore, #tpu.memory_space<semaphore_mem>> -> memref<!tpu.dma_semaphore, #tpu.memory_space<semaphore_mem>>
    %dma_start3A_2284 = arith.constant 0 : i32
    %dma_start3A_2285 = arith.constant 0 : i32
    %dma_start3A_2286 = tpu.memref_slice %arg4[%dma_start3A_2280, %dma_start3A_2284, %dma_start3A_2285] : memref<4x5000x128xf32, #tpu.memory_space<vmem>> -> memref<1x5000x128xf32, #tpu.memory_space<vmem>>
    %dma_start3A_2287 = tpu.memref_squeeze %dma_start3A_2286 : memref<1x5000x128xf32, #tpu.memory_space<vmem>> -> memref<5000x128xf32, #tpu.memory_space<vmem>>
    %dma_start3A_2288 = arith.constant 0 : i32
    %dma_start3A_2289 = arith.constant 0 : i32
    %dma_start3A_2290 = tpu.memref_slice %arg2[%dma_start3A_2279, %dma_start3A_2288, %dma_start3A_2289] : memref<64x5000x128xf32, #tpu.memory_space<any>> -> memref<1x5000x128xf32, #tpu.memory_space<any>>
    %dma_start3A_2291 = tpu.memref_squeeze %dma_start3A_2290 : memref<1x5000x128xf32, #tpu.memory_space<any>> -> memref<5000x128xf32, #tpu.memory_space<any>>
    tpu.enqueue_dma source(%dma_start3A_2291 : memref<5000x128xf32, #tpu.memory_space<any>>) target(%dma_start3A_2287 : memref<5000x128xf32, #tpu.memory_space<vmem>>) target_semaphore(%dma_start3A_2283 : memref<!tpu.dma_semaphore, #tpu.memory_space<semaphore_mem>>)
    %dma_wait3A_2292 = arith.constant 51 : i32
    %dma_wait3A_2293 = arith.constant 3 : i32
    %dma_wait3A_2294 = arith.constant 3 : i32
    %dma_wait3A_2295 = tpu.memref_slice %arg5[%dma_wait3A_2294] : memref<4x!tpu.dma_semaphore, #tpu.memory_space<semaphore_mem>> -> memref<1x!tpu.dma_semaphore, #tpu.memory_space<semaphore_mem>>
    %dma_wait3A_2296 = tpu.memref_squeeze %dma_wait3A_2295 : memref<1x!tpu.dma_semaphore, #tpu.memory_space<semaphore_mem>> -> memref<!tpu.dma_semaphore, #tpu.memory_space<semaphore_mem>>
    %dma_wait3A_2297 = arith.constant 0 : i32
    %dma_wait3A_2298 = arith.constant 0 : i32
    %dma_wait3A_2299 = tpu.memref_slice %arg4[%dma_wait3A_2293, %dma_wait3A_2297, %dma_wait3A_2298] : memref<4x5000x128xf32, #tpu.memory_space<vmem>> -> memref<1x5000x128xf32, #tpu.memory_space<vmem>>
    %dma_wait3A_2300 = tpu.memref_squeeze %dma_wait3A_2299 : memref<1x5000x128xf32, #tpu.memory_space<vmem>> -> memref<5000x128xf32, #tpu.memory_space<vmem>>
    %dma_wait3A_2301 = arith.constant 0 : i32
    %dma_wait3A_2302 = arith.constant 0 : i32
    %dma_wait3A_2303 = tpu.memref_slice %arg2[%dma_wait3A_2292, %dma_wait3A_2301, %dma_wait3A_2302] : memref<64x5000x128xf32, #tpu.memory_space<any>> -> memref<1x5000x128xf32, #tpu.memory_space<any>>
    %dma_wait3A_2304 = tpu.memref_squeeze %dma_wait3A_2303 : memref<1x5000x128xf32, #tpu.memory_space<any>> -> memref<5000x128xf32, #tpu.memory_space<any>>
    tpu.wait_dma2 semaphore(%dma_wait3A_2296 : memref<!tpu.dma_semaphore, #tpu.memory_space<semaphore_mem>>) src(%dma_wait3A_2304 : memref<5000x128xf32, #tpu.memory_space<any>>) dst(%dma_wait3A_2300 : memref<5000x128xf32, #tpu.memory_space<vmem>>)
    %get3A_2305 = arith.constant 0 : index
    %get3A_2306 = arith.constant 0 : index
    %get3A_2307 = vector.load %arg0[%get3A_2305, %get3A_2306] : memref<1x128xf32, #tpu.memory_space<vmem>>, vector<1x128xf32>
    %get3A_2308 = arith.constant 3 : index
    %get3A_2309 = arith.constant 0 : index
    %get3A_2310 = arith.constant 0 : index
    %get3A_2311 = vector.load %arg4[%get3A_2308, %get3A_2309, %get3A_2310] : memref<4x5000x128xf32, #tpu.memory_space<vmem>>, vector<1x5000x128xf32>
    %get3A_2312 = vector.shape_cast %get3A_2311 : vector<1x5000x128xf32> to vector<5000x128xf32>
    %dot_general3A_2313 = arith.constant dense<0.000000e+00> : vector<1x5000xf32>
    %dot_general3A_2314 = tpu.matmul %get3A_2307, %get3A_2312, %dot_general3A_2313 {dimension_numbers = #tpu.dot_dimension_numbers<[1], [1], [0], [0], [0, 0, 1, 0], [], []>, transpose_lhs_hint = false} : vector<1x128xf32>, vector<5000x128xf32>, vector<1x5000xf32> -> vector<1x5000xf32>
    %squeeze3A_2315 = vector.shape_cast %dot_general3A_2314 : vector<1x5000xf32> to vector<5000xf32>
    %add3A_2316 = vector.broadcast %get3A_1 : f32 to vector<5000xf32>
    %add3A_2317 = arith.addf %squeeze3A_2315, %add3A_2316 : vector<5000xf32>
    %swap3A_2318 = arith.constant 51 : index
    %swap3A_2319 = arith.constant 0 : index
    %swap3A_2320 = vector.load %arg3[%swap3A_2318, %swap3A_2319] : memref<64x5000xf32, #tpu.memory_space<vmem>>, vector<1x5000xf32>
    %swap3A_2321 = vector.shape_cast %swap3A_2320 : vector<1x5000xf32> to vector<5000xf32>
    %swap3A_2322 = vector.shape_cast %add3A_2317 : vector<5000xf32> to vector<1x5000xf32>
    tpu.vector_store %arg3[%swap3A_2318, %swap3A_2319], %swap3A_2322 {strides = array<i32>} : memref<64x5000xf32, #tpu.memory_space<vmem>>, vector<1x5000xf32>,
    %dma_start3A_2323 = arith.constant 55 : i32
    %dma_start3A_2324 = arith.constant 3 : i32
    %dma_start3A_2325 = arith.constant 3 : i32
    %dma_start3A_2326 = tpu.memref_slice %arg5[%dma_start3A_2325] : memref<4x!tpu.dma_semaphore, #tpu.memory_space<semaphore_mem>> -> memref<1x!tpu.dma_semaphore, #tpu.memory_space<semaphore_mem>>
    %dma_start3A_2327 = tpu.memref_squeeze %dma_start3A_2326 : memref<1x!tpu.dma_semaphore, #tpu.memory_space<semaphore_mem>> -> memref<!tpu.dma_semaphore, #tpu.memory_space<semaphore_mem>>
    %dma_start3A_2328 = arith.constant 0 : i32
    %dma_start3A_2329 = arith.constant 0 : i32
    %dma_start3A_2330 = tpu.memref_slice %arg4[%dma_start3A_2324, %dma_start3A_2328, %dma_start3A_2329] : memref<4x5000x128xf32, #tpu.memory_space<vmem>> -> memref<1x5000x128xf32, #tpu.memory_space<vmem>>
    %dma_start3A_2331 = tpu.memref_squeeze %dma_start3A_2330 : memref<1x5000x128xf32, #tpu.memory_space<vmem>> -> memref<5000x128xf32, #tpu.memory_space<vmem>>
    %dma_start3A_2332 = arith.constant 0 : i32
    %dma_start3A_2333 = arith.constant 0 : i32
    %dma_start3A_2334 = tpu.memref_slice %arg2[%dma_start3A_2323, %dma_start3A_2332, %dma_start3A_2333] : memref<64x5000x128xf32, #tpu.memory_space<any>> -> memref<1x5000x128xf32, #tpu.memory_space<any>>
    %dma_start3A_2335 = tpu.memref_squeeze %dma_start3A_2334 : memref<1x5000x128xf32, #tpu.memory_space<any>> -> memref<5000x128xf32, #tpu.memory_space<any>>
    tpu.enqueue_dma source(%dma_start3A_2335 : memref<5000x128xf32, #tpu.memory_space<any>>) target(%dma_start3A_2331 : memref<5000x128xf32, #tpu.memory_space<vmem>>) target_semaphore(%dma_start3A_2327 : memref<!tpu.dma_semaphore, #tpu.memory_space<semaphore_mem>>)
    %dma_wait3A_2336 = arith.constant 52 : i32
    %dma_wait3A_2337 = arith.constant 0 : i32
    %dma_wait3A_2338 = arith.constant 0 : i32
    %dma_wait3A_2339 = tpu.memref_slice %arg5[%dma_wait3A_2338] : memref<4x!tpu.dma_semaphore, #tpu.memory_space<semaphore_mem>> -> memref<1x!tpu.dma_semaphore, #tpu.memory_space<semaphore_mem>>
    %dma_wait3A_2340 = tpu.memref_squeeze %dma_wait3A_2339 : memref<1x!tpu.dma_semaphore, #tpu.memory_space<semaphore_mem>> -> memref<!tpu.dma_semaphore, #tpu.memory_space<semaphore_mem>>
    %dma_wait3A_2341 = arith.constant 0 : i32
    %dma_wait3A_2342 = arith.constant 0 : i32
    %dma_wait3A_2343 = tpu.memref_slice %arg4[%dma_wait3A_2337, %dma_wait3A_2341, %dma_wait3A_2342] : memref<4x5000x128xf32, #tpu.memory_space<vmem>> -> memref<1x5000x128xf32, #tpu.memory_space<vmem>>
    %dma_wait3A_2344 = tpu.memref_squeeze %dma_wait3A_2343 : memref<1x5000x128xf32, #tpu.memory_space<vmem>> -> memref<5000x128xf32, #tpu.memory_space<vmem>>
    %dma_wait3A_2345 = arith.constant 0 : i32
    %dma_wait3A_2346 = arith.constant 0 : i32
    %dma_wait3A_2347 = tpu.memref_slice %arg2[%dma_wait3A_2336, %dma_wait3A_2345, %dma_wait3A_2346] : memref<64x5000x128xf32, #tpu.memory_space<any>> -> memref<1x5000x128xf32, #tpu.memory_space<any>>
    %dma_wait3A_2348 = tpu.memref_squeeze %dma_wait3A_2347 : memref<1x5000x128xf32, #tpu.memory_space<any>> -> memref<5000x128xf32, #tpu.memory_space<any>>
    tpu.wait_dma2 semaphore(%dma_wait3A_2340 : memref<!tpu.dma_semaphore, #tpu.memory_space<semaphore_mem>>) src(%dma_wait3A_2348 : memref<5000x128xf32, #tpu.memory_space<any>>) dst(%dma_wait3A_2344 : memref<5000x128xf32, #tpu.memory_space<vmem>>)
    %get3A_2349 = arith.constant 0 : index
    %get3A_2350 = arith.constant 0 : index
    %get3A_2351 = vector.load %arg0[%get3A_2349, %get3A_2350] : memref<1x128xf32, #tpu.memory_space<vmem>>, vector<1x128xf32>
    %get3A_2352 = arith.constant 0 : index
    %get3A_2353 = arith.constant 0 : index
    %get3A_2354 = arith.constant 0 : index
    %get3A_2355 = vector.load %arg4[%get3A_2352, %get3A_2353, %get3A_2354] : memref<4x5000x128xf32, #tpu.memory_space<vmem>>, vector<1x5000x128xf32>
    %get3A_2356 = vector.shape_cast %get3A_2355 : vector<1x5000x128xf32> to vector<5000x128xf32>
    %dot_general3A_2357 = arith.constant dense<0.000000e+00> : vector<1x5000xf32>
    %dot_general3A_2358 = tpu.matmul %get3A_2351, %get3A_2356, %dot_general3A_2357 {dimension_numbers = #tpu.dot_dimension_numbers<[1], [1], [0], [0], [0, 0, 1, 0], [], []>, transpose_lhs_hint = false} : vector<1x128xf32>, vector<5000x128xf32>, vector<1x5000xf32> -> vector<1x5000xf32>
    %squeeze3A_2359 = vector.shape_cast %dot_general3A_2358 : vector<1x5000xf32> to vector<5000xf32>
    %add3A_2360 = vector.broadcast %get3A_1 : f32 to vector<5000xf32>
    %add3A_2361 = arith.addf %squeeze3A_2359, %add3A_2360 : vector<5000xf32>
    %swap3A_2362 = arith.constant 52 : index
    %swap3A_2363 = arith.constant 0 : index
    %swap3A_2364 = vector.load %arg3[%swap3A_2362, %swap3A_2363] : memref<64x5000xf32, #tpu.memory_space<vmem>>, vector<1x5000xf32>
    %swap3A_2365 = vector.shape_cast %swap3A_2364 : vector<1x5000xf32> to vector<5000xf32>
    %swap3A_2366 = vector.shape_cast %add3A_2361 : vector<5000xf32> to vector<1x5000xf32>
    tpu.vector_store %arg3[%swap3A_2362, %swap3A_2363], %swap3A_2366 {strides = array<i32>} : memref<64x5000xf32, #tpu.memory_space<vmem>>, vector<1x5000xf32>,
    %dma_start3A_2367 = arith.constant 56 : i32
    %dma_start3A_2368 = arith.constant 0 : i32
    %dma_start3A_2369 = arith.constant 0 : i32
    %dma_start3A_2370 = tpu.memref_slice %arg5[%dma_start3A_2369] : memref<4x!tpu.dma_semaphore, #tpu.memory_space<semaphore_mem>> -> memref<1x!tpu.dma_semaphore, #tpu.memory_space<semaphore_mem>>
    %dma_start3A_2371 = tpu.memref_squeeze %dma_start3A_2370 : memref<1x!tpu.dma_semaphore, #tpu.memory_space<semaphore_mem>> -> memref<!tpu.dma_semaphore, #tpu.memory_space<semaphore_mem>>
    %dma_start3A_2372 = arith.constant 0 : i32
    %dma_start3A_2373 = arith.constant 0 : i32
    %dma_start3A_2374 = tpu.memref_slice %arg4[%dma_start3A_2368, %dma_start3A_2372, %dma_start3A_2373] : memref<4x5000x128xf32, #tpu.memory_space<vmem>> -> memref<1x5000x128xf32, #tpu.memory_space<vmem>>
    %dma_start3A_2375 = tpu.memref_squeeze %dma_start3A_2374 : memref<1x5000x128xf32, #tpu.memory_space<vmem>> -> memref<5000x128xf32, #tpu.memory_space<vmem>>
    %dma_start3A_2376 = arith.constant 0 : i32
    %dma_start3A_2377 = arith.constant 0 : i32
    %dma_start3A_2378 = tpu.memref_slice %arg2[%dma_start3A_2367, %dma_start3A_2376, %dma_start3A_2377] : memref<64x5000x128xf32, #tpu.memory_space<any>> -> memref<1x5000x128xf32, #tpu.memory_space<any>>
    %dma_start3A_2379 = tpu.memref_squeeze %dma_start3A_2378 : memref<1x5000x128xf32, #tpu.memory_space<any>> -> memref<5000x128xf32, #tpu.memory_space<any>>
    tpu.enqueue_dma source(%dma_start3A_2379 : memref<5000x128xf32, #tpu.memory_space<any>>) target(%dma_start3A_2375 : memref<5000x128xf32, #tpu.memory_space<vmem>>) target_semaphore(%dma_start3A_2371 : memref<!tpu.dma_semaphore, #tpu.memory_space<semaphore_mem>>)
    %dma_wait3A_2380 = arith.constant 53 : i32
    %dma_wait3A_2381 = arith.constant 1 : i32
    %dma_wait3A_2382 = arith.constant 1 : i32
    %dma_wait3A_2383 = tpu.memref_slice %arg5[%dma_wait3A_2382] : memref<4x!tpu.dma_semaphore, #tpu.memory_space<semaphore_mem>> -> memref<1x!tpu.dma_semaphore, #tpu.memory_space<semaphore_mem>>
    %dma_wait3A_2384 = tpu.memref_squeeze %dma_wait3A_2383 : memref<1x!tpu.dma_semaphore, #tpu.memory_space<semaphore_mem>> -> memref<!tpu.dma_semaphore, #tpu.memory_space<semaphore_mem>>
    %dma_wait3A_2385 = arith.constant 0 : i32
    %dma_wait3A_2386 = arith.constant 0 : i32
    %dma_wait3A_2387 = tpu.memref_slice %arg4[%dma_wait3A_2381, %dma_wait3A_2385, %dma_wait3A_2386] : memref<4x5000x128xf32, #tpu.memory_space<vmem>> -> memref<1x5000x128xf32, #tpu.memory_space<vmem>>
    %dma_wait3A_2388 = tpu.memref_squeeze %dma_wait3A_2387 : memref<1x5000x128xf32, #tpu.memory_space<vmem>> -> memref<5000x128xf32, #tpu.memory_space<vmem>>
    %dma_wait3A_2389 = arith.constant 0 : i32
    %dma_wait3A_2390 = arith.constant 0 : i32
    %dma_wait3A_2391 = tpu.memref_slice %arg2[%dma_wait3A_2380, %dma_wait3A_2389, %dma_wait3A_2390] : memref<64x5000x128xf32, #tpu.memory_space<any>> -> memref<1x5000x128xf32, #tpu.memory_space<any>>
    %dma_wait3A_2392 = tpu.memref_squeeze %dma_wait3A_2391 : memref<1x5000x128xf32, #tpu.memory_space<any>> -> memref<5000x128xf32, #tpu.memory_space<any>>
    tpu.wait_dma2 semaphore(%dma_wait3A_2384 : memref<!tpu.dma_semaphore, #tpu.memory_space<semaphore_mem>>) src(%dma_wait3A_2392 : memref<5000x128xf32, #tpu.memory_space<any>>) dst(%dma_wait3A_2388 : memref<5000x128xf32, #tpu.memory_space<vmem>>)
    %get3A_2393 = arith.constant 0 : index
    %get3A_2394 = arith.constant 0 : index
    %get3A_2395 = vector.load %arg0[%get3A_2393, %get3A_2394] : memref<1x128xf32, #tpu.memory_space<vmem>>, vector<1x128xf32>
    %get3A_2396 = arith.constant 1 : index
    %get3A_2397 = arith.constant 0 : index
    %get3A_2398 = arith.constant 0 : index
    %get3A_2399 = vector.load %arg4[%get3A_2396, %get3A_2397, %get3A_2398] : memref<4x5000x128xf32, #tpu.memory_space<vmem>>, vector<1x5000x128xf32>
    %get3A_2400 = vector.shape_cast %get3A_2399 : vector<1x5000x128xf32> to vector<5000x128xf32>
    %dot_general3A_2401 = arith.constant dense<0.000000e+00> : vector<1x5000xf32>
    %dot_general3A_2402 = tpu.matmul %get3A_2395, %get3A_2400, %dot_general3A_2401 {dimension_numbers = #tpu.dot_dimension_numbers<[1], [1], [0], [0], [0, 0, 1, 0], [], []>, transpose_lhs_hint = false} : vector<1x128xf32>, vector<5000x128xf32>, vector<1x5000xf32> -> vector<1x5000xf32>
    %squeeze3A_2403 = vector.shape_cast %dot_general3A_2402 : vector<1x5000xf32> to vector<5000xf32>
    %add3A_2404 = vector.broadcast %get3A_1 : f32 to vector<5000xf32>
    %add3A_2405 = arith.addf %squeeze3A_2403, %add3A_2404 : vector<5000xf32>
    %swap3A_2406 = arith.constant 53 : index
    %swap3A_2407 = arith.constant 0 : index
    %swap3A_2408 = vector.load %arg3[%swap3A_2406, %swap3A_2407] : memref<64x5000xf32, #tpu.memory_space<vmem>>, vector<1x5000xf32>
    %swap3A_2409 = vector.shape_cast %swap3A_2408 : vector<1x5000xf32> to vector<5000xf32>
    %swap3A_2410 = vector.shape_cast %add3A_2405 : vector<5000xf32> to vector<1x5000xf32>
    tpu.vector_store %arg3[%swap3A_2406, %swap3A_2407], %swap3A_2410 {strides = array<i32>} : memref<64x5000xf32, #tpu.memory_space<vmem>>, vector<1x5000xf32>,
    %dma_start3A_2411 = arith.constant 57 : i32
    %dma_start3A_2412 = arith.constant 1 : i32
    %dma_start3A_2413 = arith.constant 1 : i32
    %dma_start3A_2414 = tpu.memref_slice %arg5[%dma_start3A_2413] : memref<4x!tpu.dma_semaphore, #tpu.memory_space<semaphore_mem>> -> memref<1x!tpu.dma_semaphore, #tpu.memory_space<semaphore_mem>>
    %dma_start3A_2415 = tpu.memref_squeeze %dma_start3A_2414 : memref<1x!tpu.dma_semaphore, #tpu.memory_space<semaphore_mem>> -> memref<!tpu.dma_semaphore, #tpu.memory_space<semaphore_mem>>
    %dma_start3A_2416 = arith.constant 0 : i32
    %dma_start3A_2417 = arith.constant 0 : i32
    %dma_start3A_2418 = tpu.memref_slice %arg4[%dma_start3A_2412, %dma_start3A_2416, %dma_start3A_2417] : memref<4x5000x128xf32, #tpu.memory_space<vmem>> -> memref<1x5000x128xf32, #tpu.memory_space<vmem>>
    %dma_start3A_2419 = tpu.memref_squeeze %dma_start3A_2418 : memref<1x5000x128xf32, #tpu.memory_space<vmem>> -> memref<5000x128xf32, #tpu.memory_space<vmem>>
    %dma_start3A_2420 = arith.constant 0 : i32
    %dma_start3A_2421 = arith.constant 0 : i32
    %dma_start3A_2422 = tpu.memref_slice %arg2[%dma_start3A_2411, %dma_start3A_2420, %dma_start3A_2421] : memref<64x5000x128xf32, #tpu.memory_space<any>> -> memref<1x5000x128xf32, #tpu.memory_space<any>>
    %dma_start3A_2423 = tpu.memref_squeeze %dma_start3A_2422 : memref<1x5000x128xf32, #tpu.memory_space<any>> -> memref<5000x128xf32, #tpu.memory_space<any>>
    tpu.enqueue_dma source(%dma_start3A_2423 : memref<5000x128xf32, #tpu.memory_space<any>>) target(%dma_start3A_2419 : memref<5000x128xf32, #tpu.memory_space<vmem>>) target_semaphore(%dma_start3A_2415 : memref<!tpu.dma_semaphore, #tpu.memory_space<semaphore_mem>>)
    %dma_wait3A_2424 = arith.constant 54 : i32
    %dma_wait3A_2425 = arith.constant 2 : i32
    %dma_wait3A_2426 = arith.constant 2 : i32
    %dma_wait3A_2427 = tpu.memref_slice %arg5[%dma_wait3A_2426] : memref<4x!tpu.dma_semaphore, #tpu.memory_space<semaphore_mem>> -> memref<1x!tpu.dma_semaphore, #tpu.memory_space<semaphore_mem>>
    %dma_wait3A_2428 = tpu.memref_squeeze %dma_wait3A_2427 : memref<1x!tpu.dma_semaphore, #tpu.memory_space<semaphore_mem>> -> memref<!tpu.dma_semaphore, #tpu.memory_space<semaphore_mem>>
    %dma_wait3A_2429 = arith.constant 0 : i32
    %dma_wait3A_2430 = arith.constant 0 : i32
    %dma_wait3A_2431 = tpu.memref_slice %arg4[%dma_wait3A_2425, %dma_wait3A_2429, %dma_wait3A_2430] : memref<4x5000x128xf32, #tpu.memory_space<vmem>> -> memref<1x5000x128xf32, #tpu.memory_space<vmem>>
    %dma_wait3A_2432 = tpu.memref_squeeze %dma_wait3A_2431 : memref<1x5000x128xf32, #tpu.memory_space<vmem>> -> memref<5000x128xf32, #tpu.memory_space<vmem>>
    %dma_wait3A_2433 = arith.constant 0 : i32
    %dma_wait3A_2434 = arith.constant 0 : i32
    %dma_wait3A_2435 = tpu.memref_slice %arg2[%dma_wait3A_2424, %dma_wait3A_2433, %dma_wait3A_2434] : memref<64x5000x128xf32, #tpu.memory_space<any>> -> memref<1x5000x128xf32, #tpu.memory_space<any>>
    %dma_wait3A_2436 = tpu.memref_squeeze %dma_wait3A_2435 : memref<1x5000x128xf32, #tpu.memory_space<any>> -> memref<5000x128xf32, #tpu.memory_space<any>>
    tpu.wait_dma2 semaphore(%dma_wait3A_2428 : memref<!tpu.dma_semaphore, #tpu.memory_space<semaphore_mem>>) src(%dma_wait3A_2436 : memref<5000x128xf32, #tpu.memory_space<any>>) dst(%dma_wait3A_2432 : memref<5000x128xf32, #tpu.memory_space<vmem>>)
    %get3A_2437 = arith.constant 0 : index
    %get3A_2438 = arith.constant 0 : index
    %get3A_2439 = vector.load %arg0[%get3A_2437, %get3A_2438] : memref<1x128xf32, #tpu.memory_space<vmem>>, vector<1x128xf32>
    %get3A_2440 = arith.constant 2 : index
    %get3A_2441 = arith.constant 0 : index
    %get3A_2442 = arith.constant 0 : index
    %get3A_2443 = vector.load %arg4[%get3A_2440, %get3A_2441, %get3A_2442] : memref<4x5000x128xf32, #tpu.memory_space<vmem>>, vector<1x5000x128xf32>
    %get3A_2444 = vector.shape_cast %get3A_2443 : vector<1x5000x128xf32> to vector<5000x128xf32>
    %dot_general3A_2445 = arith.constant dense<0.000000e+00> : vector<1x5000xf32>
    %dot_general3A_2446 = tpu.matmul %get3A_2439, %get3A_2444, %dot_general3A_2445 {dimension_numbers = #tpu.dot_dimension_numbers<[1], [1], [0], [0], [0, 0, 1, 0], [], []>, transpose_lhs_hint = false} : vector<1x128xf32>, vector<5000x128xf32>, vector<1x5000xf32> -> vector<1x5000xf32>
    %squeeze3A_2447 = vector.shape_cast %dot_general3A_2446 : vector<1x5000xf32> to vector<5000xf32>
    %add3A_2448 = vector.broadcast %get3A_1 : f32 to vector<5000xf32>
    %add3A_2449 = arith.addf %squeeze3A_2447, %add3A_2448 : vector<5000xf32>
    %swap3A_2450 = arith.constant 54 : index
    %swap3A_2451 = arith.constant 0 : index
    %swap3A_2452 = vector.load %arg3[%swap3A_2450, %swap3A_2451] : memref<64x5000xf32, #tpu.memory_space<vmem>>, vector<1x5000xf32>
    %swap3A_2453 = vector.shape_cast %swap3A_2452 : vector<1x5000xf32> to vector<5000xf32>
    %swap3A_2454 = vector.shape_cast %add3A_2449 : vector<5000xf32> to vector<1x5000xf32>
    tpu.vector_store %arg3[%swap3A_2450, %swap3A_2451], %swap3A_2454 {strides = array<i32>} : memref<64x5000xf32, #tpu.memory_space<vmem>>, vector<1x5000xf32>,
    %dma_start3A_2455 = arith.constant 58 : i32
    %dma_start3A_2456 = arith.constant 2 : i32
    %dma_start3A_2457 = arith.constant 2 : i32
    %dma_start3A_2458 = tpu.memref_slice %arg5[%dma_start3A_2457] : memref<4x!tpu.dma_semaphore, #tpu.memory_space<semaphore_mem>> -> memref<1x!tpu.dma_semaphore, #tpu.memory_space<semaphore_mem>>
    %dma_start3A_2459 = tpu.memref_squeeze %dma_start3A_2458 : memref<1x!tpu.dma_semaphore, #tpu.memory_space<semaphore_mem>> -> memref<!tpu.dma_semaphore, #tpu.memory_space<semaphore_mem>>
    %dma_start3A_2460 = arith.constant 0 : i32
    %dma_start3A_2461 = arith.constant 0 : i32
    %dma_start3A_2462 = tpu.memref_slice %arg4[%dma_start3A_2456, %dma_start3A_2460, %dma_start3A_2461] : memref<4x5000x128xf32, #tpu.memory_space<vmem>> -> memref<1x5000x128xf32, #tpu.memory_space<vmem>>
    %dma_start3A_2463 = tpu.memref_squeeze %dma_start3A_2462 : memref<1x5000x128xf32, #tpu.memory_space<vmem>> -> memref<5000x128xf32, #tpu.memory_space<vmem>>
    %dma_start3A_2464 = arith.constant 0 : i32
    %dma_start3A_2465 = arith.constant 0 : i32
    %dma_start3A_2466 = tpu.memref_slice %arg2[%dma_start3A_2455, %dma_start3A_2464, %dma_start3A_2465] : memref<64x5000x128xf32, #tpu.memory_space<any>> -> memref<1x5000x128xf32, #tpu.memory_space<any>>
    %dma_start3A_2467 = tpu.memref_squeeze %dma_start3A_2466 : memref<1x5000x128xf32, #tpu.memory_space<any>> -> memref<5000x128xf32, #tpu.memory_space<any>>
    tpu.enqueue_dma source(%dma_start3A_2467 : memref<5000x128xf32, #tpu.memory_space<any>>) target(%dma_start3A_2463 : memref<5000x128xf32, #tpu.memory_space<vmem>>) target_semaphore(%dma_start3A_2459 : memref<!tpu.dma_semaphore, #tpu.memory_space<semaphore_mem>>)
    %dma_wait3A_2468 = arith.constant 55 : i32
    %dma_wait3A_2469 = arith.constant 3 : i32
    %dma_wait3A_2470 = arith.constant 3 : i32
    %dma_wait3A_2471 = tpu.memref_slice %arg5[%dma_wait3A_2470] : memref<4x!tpu.dma_semaphore, #tpu.memory_space<semaphore_mem>> -> memref<1x!tpu.dma_semaphore, #tpu.memory_space<semaphore_mem>>
    %dma_wait3A_2472 = tpu.memref_squeeze %dma_wait3A_2471 : memref<1x!tpu.dma_semaphore, #tpu.memory_space<semaphore_mem>> -> memref<!tpu.dma_semaphore, #tpu.memory_space<semaphore_mem>>
    %dma_wait3A_2473 = arith.constant 0 : i32
    %dma_wait3A_2474 = arith.constant 0 : i32
    %dma_wait3A_2475 = tpu.memref_slice %arg4[%dma_wait3A_2469, %dma_wait3A_2473, %dma_wait3A_2474] : memref<4x5000x128xf32, #tpu.memory_space<vmem>> -> memref<1x5000x128xf32, #tpu.memory_space<vmem>>
    %dma_wait3A_2476 = tpu.memref_squeeze %dma_wait3A_2475 : memref<1x5000x128xf32, #tpu.memory_space<vmem>> -> memref<5000x128xf32, #tpu.memory_space<vmem>>
    %dma_wait3A_2477 = arith.constant 0 : i32
    %dma_wait3A_2478 = arith.constant 0 : i32
    %dma_wait3A_2479 = tpu.memref_slice %arg2[%dma_wait3A_2468, %dma_wait3A_2477, %dma_wait3A_2478] : memref<64x5000x128xf32, #tpu.memory_space<any>> -> memref<1x5000x128xf32, #tpu.memory_space<any>>
    %dma_wait3A_2480 = tpu.memref_squeeze %dma_wait3A_2479 : memref<1x5000x128xf32, #tpu.memory_space<any>> -> memref<5000x128xf32, #tpu.memory_space<any>>
    tpu.wait_dma2 semaphore(%dma_wait3A_2472 : memref<!tpu.dma_semaphore, #tpu.memory_space<semaphore_mem>>) src(%dma_wait3A_2480 : memref<5000x128xf32, #tpu.memory_space<any>>) dst(%dma_wait3A_2476 : memref<5000x128xf32, #tpu.memory_space<vmem>>)
    %get3A_2481 = arith.constant 0 : index
    %get3A_2482 = arith.constant 0 : index
    %get3A_2483 = vector.load %arg0[%get3A_2481, %get3A_2482] : memref<1x128xf32, #tpu.memory_space<vmem>>, vector<1x128xf32>
    %get3A_2484 = arith.constant 3 : index
    %get3A_2485 = arith.constant 0 : index
    %get3A_2486 = arith.constant 0 : index
    %get3A_2487 = vector.load %arg4[%get3A_2484, %get3A_2485, %get3A_2486] : memref<4x5000x128xf32, #tpu.memory_space<vmem>>, vector<1x5000x128xf32>
    %get3A_2488 = vector.shape_cast %get3A_2487 : vector<1x5000x128xf32> to vector<5000x128xf32>
    %dot_general3A_2489 = arith.constant dense<0.000000e+00> : vector<1x5000xf32>
    %dot_general3A_2490 = tpu.matmul %get3A_2483, %get3A_2488, %dot_general3A_2489 {dimension_numbers = #tpu.dot_dimension_numbers<[1], [1], [0], [0], [0, 0, 1, 0], [], []>, transpose_lhs_hint = false} : vector<1x128xf32>, vector<5000x128xf32>, vector<1x5000xf32> -> vector<1x5000xf32>
    %squeeze3A_2491 = vector.shape_cast %dot_general3A_2490 : vector<1x5000xf32> to vector<5000xf32>
    %add3A_2492 = vector.broadcast %get3A_1 : f32 to vector<5000xf32>
    %add3A_2493 = arith.addf %squeeze3A_2491, %add3A_2492 : vector<5000xf32>
    %swap3A_2494 = arith.constant 55 : index
    %swap3A_2495 = arith.constant 0 : index
    %swap3A_2496 = vector.load %arg3[%swap3A_2494, %swap3A_2495] : memref<64x5000xf32, #tpu.memory_space<vmem>>, vector<1x5000xf32>
    %swap3A_2497 = vector.shape_cast %swap3A_2496 : vector<1x5000xf32> to vector<5000xf32>
    %swap3A_2498 = vector.shape_cast %add3A_2493 : vector<5000xf32> to vector<1x5000xf32>
    tpu.vector_store %arg3[%swap3A_2494, %swap3A_2495], %swap3A_2498 {strides = array<i32>} : memref<64x5000xf32, #tpu.memory_space<vmem>>, vector<1x5000xf32>,
    %dma_start3A_2499 = arith.constant 59 : i32
    %dma_start3A_2500 = arith.constant 3 : i32
    %dma_start3A_2501 = arith.constant 3 : i32
    %dma_start3A_2502 = tpu.memref_slice %arg5[%dma_start3A_2501] : memref<4x!tpu.dma_semaphore, #tpu.memory_space<semaphore_mem>> -> memref<1x!tpu.dma_semaphore, #tpu.memory_space<semaphore_mem>>
    %dma_start3A_2503 = tpu.memref_squeeze %dma_start3A_2502 : memref<1x!tpu.dma_semaphore, #tpu.memory_space<semaphore_mem>> -> memref<!tpu.dma_semaphore, #tpu.memory_space<semaphore_mem>>
    %dma_start3A_2504 = arith.constant 0 : i32
    %dma_start3A_2505 = arith.constant 0 : i32
    %dma_start3A_2506 = tpu.memref_slice %arg4[%dma_start3A_2500, %dma_start3A_2504, %dma_start3A_2505] : memref<4x5000x128xf32, #tpu.memory_space<vmem>> -> memref<1x5000x128xf32, #tpu.memory_space<vmem>>
    %dma_start3A_2507 = tpu.memref_squeeze %dma_start3A_2506 : memref<1x5000x128xf32, #tpu.memory_space<vmem>> -> memref<5000x128xf32, #tpu.memory_space<vmem>>
    %dma_start3A_2508 = arith.constant 0 : i32
    %dma_start3A_2509 = arith.constant 0 : i32
    %dma_start3A_2510 = tpu.memref_slice %arg2[%dma_start3A_2499, %dma_start3A_2508, %dma_start3A_2509] : memref<64x5000x128xf32, #tpu.memory_space<any>> -> memref<1x5000x128xf32, #tpu.memory_space<any>>
    %dma_start3A_2511 = tpu.memref_squeeze %dma_start3A_2510 : memref<1x5000x128xf32, #tpu.memory_space<any>> -> memref<5000x128xf32, #tpu.memory_space<any>>
    tpu.enqueue_dma source(%dma_start3A_2511 : memref<5000x128xf32, #tpu.memory_space<any>>) target(%dma_start3A_2507 : memref<5000x128xf32, #tpu.memory_space<vmem>>) target_semaphore(%dma_start3A_2503 : memref<!tpu.dma_semaphore, #tpu.memory_space<semaphore_mem>>)
    %dma_wait3A_2512 = arith.constant 56 : i32
    %dma_wait3A_2513 = arith.constant 0 : i32
    %dma_wait3A_2514 = arith.constant 0 : i32
    %dma_wait3A_2515 = tpu.memref_slice %arg5[%dma_wait3A_2514] : memref<4x!tpu.dma_semaphore, #tpu.memory_space<semaphore_mem>> -> memref<1x!tpu.dma_semaphore, #tpu.memory_space<semaphore_mem>>
    %dma_wait3A_2516 = tpu.memref_squeeze %dma_wait3A_2515 : memref<1x!tpu.dma_semaphore, #tpu.memory_space<semaphore_mem>> -> memref<!tpu.dma_semaphore, #tpu.memory_space<semaphore_mem>>
    %dma_wait3A_2517 = arith.constant 0 : i32
    %dma_wait3A_2518 = arith.constant 0 : i32
    %dma_wait3A_2519 = tpu.memref_slice %arg4[%dma_wait3A_2513, %dma_wait3A_2517, %dma_wait3A_2518] : memref<4x5000x128xf32, #tpu.memory_space<vmem>> -> memref<1x5000x128xf32, #tpu.memory_space<vmem>>
    %dma_wait3A_2520 = tpu.memref_squeeze %dma_wait3A_2519 : memref<1x5000x128xf32, #tpu.memory_space<vmem>> -> memref<5000x128xf32, #tpu.memory_space<vmem>>
    %dma_wait3A_2521 = arith.constant 0 : i32
    %dma_wait3A_2522 = arith.constant 0 : i32
    %dma_wait3A_2523 = tpu.memref_slice %arg2[%dma_wait3A_2512, %dma_wait3A_2521, %dma_wait3A_2522] : memref<64x5000x128xf32, #tpu.memory_space<any>> -> memref<1x5000x128xf32, #tpu.memory_space<any>>
    %dma_wait3A_2524 = tpu.memref_squeeze %dma_wait3A_2523 : memref<1x5000x128xf32, #tpu.memory_space<any>> -> memref<5000x128xf32, #tpu.memory_space<any>>
    tpu.wait_dma2 semaphore(%dma_wait3A_2516 : memref<!tpu.dma_semaphore, #tpu.memory_space<semaphore_mem>>) src(%dma_wait3A_2524 : memref<5000x128xf32, #tpu.memory_space<any>>) dst(%dma_wait3A_2520 : memref<5000x128xf32, #tpu.memory_space<vmem>>)
    %get3A_2525 = arith.constant 0 : index
    %get3A_2526 = arith.constant 0 : index
    %get3A_2527 = vector.load %arg0[%get3A_2525, %get3A_2526] : memref<1x128xf32, #tpu.memory_space<vmem>>, vector<1x128xf32>
    %get3A_2528 = arith.constant 0 : index
    %get3A_2529 = arith.constant 0 : index
    %get3A_2530 = arith.constant 0 : index
    %get3A_2531 = vector.load %arg4[%get3A_2528, %get3A_2529, %get3A_2530] : memref<4x5000x128xf32, #tpu.memory_space<vmem>>, vector<1x5000x128xf32>
    %get3A_2532 = vector.shape_cast %get3A_2531 : vector<1x5000x128xf32> to vector<5000x128xf32>
    %dot_general3A_2533 = arith.constant dense<0.000000e+00> : vector<1x5000xf32>
    %dot_general3A_2534 = tpu.matmul %get3A_2527, %get3A_2532, %dot_general3A_2533 {dimension_numbers = #tpu.dot_dimension_numbers<[1], [1], [0], [0], [0, 0, 1, 0], [], []>, transpose_lhs_hint = false} : vector<1x128xf32>, vector<5000x128xf32>, vector<1x5000xf32> -> vector<1x5000xf32>
    %squeeze3A_2535 = vector.shape_cast %dot_general3A_2534 : vector<1x5000xf32> to vector<5000xf32>
    %add3A_2536 = vector.broadcast %get3A_1 : f32 to vector<5000xf32>
    %add3A_2537 = arith.addf %squeeze3A_2535, %add3A_2536 : vector<5000xf32>
    %swap3A_2538 = arith.constant 56 : index
    %swap3A_2539 = arith.constant 0 : index
    %swap3A_2540 = vector.load %arg3[%swap3A_2538, %swap3A_2539] : memref<64x5000xf32, #tpu.memory_space<vmem>>, vector<1x5000xf32>
    %swap3A_2541 = vector.shape_cast %swap3A_2540 : vector<1x5000xf32> to vector<5000xf32>
    %swap3A_2542 = vector.shape_cast %add3A_2537 : vector<5000xf32> to vector<1x5000xf32>
    tpu.vector_store %arg3[%swap3A_2538, %swap3A_2539], %swap3A_2542 {strides = array<i32>} : memref<64x5000xf32, #tpu.memory_space<vmem>>, vector<1x5000xf32>,
    %dma_start3A_2543 = arith.constant 60 : i32
    %dma_start3A_2544 = arith.constant 0 : i32
    %dma_start3A_2545 = arith.constant 0 : i32
    %dma_start3A_2546 = tpu.memref_slice %arg5[%dma_start3A_2545] : memref<4x!tpu.dma_semaphore, #tpu.memory_space<semaphore_mem>> -> memref<1x!tpu.dma_semaphore, #tpu.memory_space<semaphore_mem>>
    %dma_start3A_2547 = tpu.memref_squeeze %dma_start3A_2546 : memref<1x!tpu.dma_semaphore, #tpu.memory_space<semaphore_mem>> -> memref<!tpu.dma_semaphore, #tpu.memory_space<semaphore_mem>>
    %dma_start3A_2548 = arith.constant 0 : i32
    %dma_start3A_2549 = arith.constant 0 : i32
    %dma_start3A_2550 = tpu.memref_slice %arg4[%dma_start3A_2544, %dma_start3A_2548, %dma_start3A_2549] : memref<4x5000x128xf32, #tpu.memory_space<vmem>> -> memref<1x5000x128xf32, #tpu.memory_space<vmem>>
    %dma_start3A_2551 = tpu.memref_squeeze %dma_start3A_2550 : memref<1x5000x128xf32, #tpu.memory_space<vmem>> -> memref<5000x128xf32, #tpu.memory_space<vmem>>
    %dma_start3A_2552 = arith.constant 0 : i32
    %dma_start3A_2553 = arith.constant 0 : i32
    %dma_start3A_2554 = tpu.memref_slice %arg2[%dma_start3A_2543, %dma_start3A_2552, %dma_start3A_2553] : memref<64x5000x128xf32, #tpu.memory_space<any>> -> memref<1x5000x128xf32, #tpu.memory_space<any>>
    %dma_start3A_2555 = tpu.memref_squeeze %dma_start3A_2554 : memref<1x5000x128xf32, #tpu.memory_space<any>> -> memref<5000x128xf32, #tpu.memory_space<any>>
    tpu.enqueue_dma source(%dma_start3A_2555 : memref<5000x128xf32, #tpu.memory_space<any>>) target(%dma_start3A_2551 : memref<5000x128xf32, #tpu.memory_space<vmem>>) target_semaphore(%dma_start3A_2547 : memref<!tpu.dma_semaphore, #tpu.memory_space<semaphore_mem>>)
    %dma_wait3A_2556 = arith.constant 57 : i32
    %dma_wait3A_2557 = arith.constant 1 : i32
    %dma_wait3A_2558 = arith.constant 1 : i32
    %dma_wait3A_2559 = tpu.memref_slice %arg5[%dma_wait3A_2558] : memref<4x!tpu.dma_semaphore, #tpu.memory_space<semaphore_mem>> -> memref<1x!tpu.dma_semaphore, #tpu.memory_space<semaphore_mem>>
    %dma_wait3A_2560 = tpu.memref_squeeze %dma_wait3A_2559 : memref<1x!tpu.dma_semaphore, #tpu.memory_space<semaphore_mem>> -> memref<!tpu.dma_semaphore, #tpu.memory_space<semaphore_mem>>
    %dma_wait3A_2561 = arith.constant 0 : i32
    %dma_wait3A_2562 = arith.constant 0 : i32
    %dma_wait3A_2563 = tpu.memref_slice %arg4[%dma_wait3A_2557, %dma_wait3A_2561, %dma_wait3A_2562] : memref<4x5000x128xf32, #tpu.memory_space<vmem>> -> memref<1x5000x128xf32, #tpu.memory_space<vmem>>
    %dma_wait3A_2564 = tpu.memref_squeeze %dma_wait3A_2563 : memref<1x5000x128xf32, #tpu.memory_space<vmem>> -> memref<5000x128xf32, #tpu.memory_space<vmem>>
    %dma_wait3A_2565 = arith.constant 0 : i32
    %dma_wait3A_2566 = arith.constant 0 : i32
    %dma_wait3A_2567 = tpu.memref_slice %arg2[%dma_wait3A_2556, %dma_wait3A_2565, %dma_wait3A_2566] : memref<64x5000x128xf32, #tpu.memory_space<any>> -> memref<1x5000x128xf32, #tpu.memory_space<any>>
    %dma_wait3A_2568 = tpu.memref_squeeze %dma_wait3A_2567 : memref<1x5000x128xf32, #tpu.memory_space<any>> -> memref<5000x128xf32, #tpu.memory_space<any>>
    tpu.wait_dma2 semaphore(%dma_wait3A_2560 : memref<!tpu.dma_semaphore, #tpu.memory_space<semaphore_mem>>) src(%dma_wait3A_2568 : memref<5000x128xf32, #tpu.memory_space<any>>) dst(%dma_wait3A_2564 : memref<5000x128xf32, #tpu.memory_space<vmem>>)
    %get3A_2569 = arith.constant 0 : index
    %get3A_2570 = arith.constant 0 : index
    %get3A_2571 = vector.load %arg0[%get3A_2569, %get3A_2570] : memref<1x128xf32, #tpu.memory_space<vmem>>, vector<1x128xf32>
    %get3A_2572 = arith.constant 1 : index
    %get3A_2573 = arith.constant 0 : index
    %get3A_2574 = arith.constant 0 : index
    %get3A_2575 = vector.load %arg4[%get3A_2572, %get3A_2573, %get3A_2574] : memref<4x5000x128xf32, #tpu.memory_space<vmem>>, vector<1x5000x128xf32>
    %get3A_2576 = vector.shape_cast %get3A_2575 : vector<1x5000x128xf32> to vector<5000x128xf32>
    %dot_general3A_2577 = arith.constant dense<0.000000e+00> : vector<1x5000xf32>
    %dot_general3A_2578 = tpu.matmul %get3A_2571, %get3A_2576, %dot_general3A_2577 {dimension_numbers = #tpu.dot_dimension_numbers<[1], [1], [0], [0], [0, 0, 1, 0], [], []>, transpose_lhs_hint = false} : vector<1x128xf32>, vector<5000x128xf32>, vector<1x5000xf32> -> vector<1x5000xf32>
    %squeeze3A_2579 = vector.shape_cast %dot_general3A_2578 : vector<1x5000xf32> to vector<5000xf32>
    %add3A_2580 = vector.broadcast %get3A_1 : f32 to vector<5000xf32>
    %add3A_2581 = arith.addf %squeeze3A_2579, %add3A_2580 : vector<5000xf32>
    %swap3A_2582 = arith.constant 57 : index
    %swap3A_2583 = arith.constant 0 : index
    %swap3A_2584 = vector.load %arg3[%swap3A_2582, %swap3A_2583] : memref<64x5000xf32, #tpu.memory_space<vmem>>, vector<1x5000xf32>
    %swap3A_2585 = vector.shape_cast %swap3A_2584 : vector<1x5000xf32> to vector<5000xf32>
    %swap3A_2586 = vector.shape_cast %add3A_2581 : vector<5000xf32> to vector<1x5000xf32>
    tpu.vector_store %arg3[%swap3A_2582, %swap3A_2583], %swap3A_2586 {strides = array<i32>} : memref<64x5000xf32, #tpu.memory_space<vmem>>, vector<1x5000xf32>,
    %dma_start3A_2587 = arith.constant 61 : i32
    %dma_start3A_2588 = arith.constant 1 : i32
    %dma_start3A_2589 = arith.constant 1 : i32
    %dma_start3A_2590 = tpu.memref_slice %arg5[%dma_start3A_2589] : memref<4x!tpu.dma_semaphore, #tpu.memory_space<semaphore_mem>> -> memref<1x!tpu.dma_semaphore, #tpu.memory_space<semaphore_mem>>
    %dma_start3A_2591 = tpu.memref_squeeze %dma_start3A_2590 : memref<1x!tpu.dma_semaphore, #tpu.memory_space<semaphore_mem>> -> memref<!tpu.dma_semaphore, #tpu.memory_space<semaphore_mem>>
    %dma_start3A_2592 = arith.constant 0 : i32
    %dma_start3A_2593 = arith.constant 0 : i32
    %dma_start3A_2594 = tpu.memref_slice %arg4[%dma_start3A_2588, %dma_start3A_2592, %dma_start3A_2593] : memref<4x5000x128xf32, #tpu.memory_space<vmem>> -> memref<1x5000x128xf32, #tpu.memory_space<vmem>>
    %dma_start3A_2595 = tpu.memref_squeeze %dma_start3A_2594 : memref<1x5000x128xf32, #tpu.memory_space<vmem>> -> memref<5000x128xf32, #tpu.memory_space<vmem>>
    %dma_start3A_2596 = arith.constant 0 : i32
    %dma_start3A_2597 = arith.constant 0 : i32
    %dma_start3A_2598 = tpu.memref_slice %arg2[%dma_start3A_2587, %dma_start3A_2596, %dma_start3A_2597] : memref<64x5000x128xf32, #tpu.memory_space<any>> -> memref<1x5000x128xf32, #tpu.memory_space<any>>
    %dma_start3A_2599 = tpu.memref_squeeze %dma_start3A_2598 : memref<1x5000x128xf32, #tpu.memory_space<any>> -> memref<5000x128xf32, #tpu.memory_space<any>>
    tpu.enqueue_dma source(%dma_start3A_2599 : memref<5000x128xf32, #tpu.memory_space<any>>) target(%dma_start3A_2595 : memref<5000x128xf32, #tpu.memory_space<vmem>>) target_semaphore(%dma_start3A_2591 : memref<!tpu.dma_semaphore, #tpu.memory_space<semaphore_mem>>)
    %dma_wait3A_2600 = arith.constant 58 : i32
    %dma_wait3A_2601 = arith.constant 2 : i32
    %dma_wait3A_2602 = arith.constant 2 : i32
    %dma_wait3A_2603 = tpu.memref_slice %arg5[%dma_wait3A_2602] : memref<4x!tpu.dma_semaphore, #tpu.memory_space<semaphore_mem>> -> memref<1x!tpu.dma_semaphore, #tpu.memory_space<semaphore_mem>>
    %dma_wait3A_2604 = tpu.memref_squeeze %dma_wait3A_2603 : memref<1x!tpu.dma_semaphore, #tpu.memory_space<semaphore_mem>> -> memref<!tpu.dma_semaphore, #tpu.memory_space<semaphore_mem>>
    %dma_wait3A_2605 = arith.constant 0 : i32
    %dma_wait3A_2606 = arith.constant 0 : i32
    %dma_wait3A_2607 = tpu.memref_slice %arg4[%dma_wait3A_2601, %dma_wait3A_2605, %dma_wait3A_2606] : memref<4x5000x128xf32, #tpu.memory_space<vmem>> -> memref<1x5000x128xf32, #tpu.memory_space<vmem>>
    %dma_wait3A_2608 = tpu.memref_squeeze %dma_wait3A_2607 : memref<1x5000x128xf32, #tpu.memory_space<vmem>> -> memref<5000x128xf32, #tpu.memory_space<vmem>>
    %dma_wait3A_2609 = arith.constant 0 : i32
    %dma_wait3A_2610 = arith.constant 0 : i32
    %dma_wait3A_2611 = tpu.memref_slice %arg2[%dma_wait3A_2600, %dma_wait3A_2609, %dma_wait3A_2610] : memref<64x5000x128xf32, #tpu.memory_space<any>> -> memref<1x5000x128xf32, #tpu.memory_space<any>>
    %dma_wait3A_2612 = tpu.memref_squeeze %dma_wait3A_2611 : memref<1x5000x128xf32, #tpu.memory_space<any>> -> memref<5000x128xf32, #tpu.memory_space<any>>
    tpu.wait_dma2 semaphore(%dma_wait3A_2604 : memref<!tpu.dma_semaphore, #tpu.memory_space<semaphore_mem>>) src(%dma_wait3A_2612 : memref<5000x128xf32, #tpu.memory_space<any>>) dst(%dma_wait3A_2608 : memref<5000x128xf32, #tpu.memory_space<vmem>>)
    %get3A_2613 = arith.constant 0 : index
    %get3A_2614 = arith.constant 0 : index
    %get3A_2615 = vector.load %arg0[%get3A_2613, %get3A_2614] : memref<1x128xf32, #tpu.memory_space<vmem>>, vector<1x128xf32>
    %get3A_2616 = arith.constant 2 : index
    %get3A_2617 = arith.constant 0 : index
    %get3A_2618 = arith.constant 0 : index
    %get3A_2619 = vector.load %arg4[%get3A_2616, %get3A_2617, %get3A_2618] : memref<4x5000x128xf32, #tpu.memory_space<vmem>>, vector<1x5000x128xf32>
    %get3A_2620 = vector.shape_cast %get3A_2619 : vector<1x5000x128xf32> to vector<5000x128xf32>
    %dot_general3A_2621 = arith.constant dense<0.000000e+00> : vector<1x5000xf32>
    %dot_general3A_2622 = tpu.matmul %get3A_2615, %get3A_2620, %dot_general3A_2621 {dimension_numbers = #tpu.dot_dimension_numbers<[1], [1], [0], [0], [0, 0, 1, 0], [], []>, transpose_lhs_hint = false} : vector<1x128xf32>, vector<5000x128xf32>, vector<1x5000xf32> -> vector<1x5000xf32>
    %squeeze3A_2623 = vector.shape_cast %dot_general3A_2622 : vector<1x5000xf32> to vector<5000xf32>
    %add3A_2624 = vector.broadcast %get3A_1 : f32 to vector<5000xf32>
    %add3A_2625 = arith.addf %squeeze3A_2623, %add3A_2624 : vector<5000xf32>
    %swap3A_2626 = arith.constant 58 : index
    %swap3A_2627 = arith.constant 0 : index
    %swap3A_2628 = vector.load %arg3[%swap3A_2626, %swap3A_2627] : memref<64x5000xf32, #tpu.memory_space<vmem>>, vector<1x5000xf32>
    %swap3A_2629 = vector.shape_cast %swap3A_2628 : vector<1x5000xf32> to vector<5000xf32>
    %swap3A_2630 = vector.shape_cast %add3A_2625 : vector<5000xf32> to vector<1x5000xf32>
    tpu.vector_store %arg3[%swap3A_2626, %swap3A_2627], %swap3A_2630 {strides = array<i32>} : memref<64x5000xf32, #tpu.memory_space<vmem>>, vector<1x5000xf32>,
    %dma_start3A_2631 = arith.constant 62 : i32
    %dma_start3A_2632 = arith.constant 2 : i32
    %dma_start3A_2633 = arith.constant 2 : i32
    %dma_start3A_2634 = tpu.memref_slice %arg5[%dma_start3A_2633] : memref<4x!tpu.dma_semaphore, #tpu.memory_space<semaphore_mem>> -> memref<1x!tpu.dma_semaphore, #tpu.memory_space<semaphore_mem>>
    %dma_start3A_2635 = tpu.memref_squeeze %dma_start3A_2634 : memref<1x!tpu.dma_semaphore, #tpu.memory_space<semaphore_mem>> -> memref<!tpu.dma_semaphore, #tpu.memory_space<semaphore_mem>>
    %dma_start3A_2636 = arith.constant 0 : i32
    %dma_start3A_2637 = arith.constant 0 : i32
    %dma_start3A_2638 = tpu.memref_slice %arg4[%dma_start3A_2632, %dma_start3A_2636, %dma_start3A_2637] : memref<4x5000x128xf32, #tpu.memory_space<vmem>> -> memref<1x5000x128xf32, #tpu.memory_space<vmem>>
    %dma_start3A_2639 = tpu.memref_squeeze %dma_start3A_2638 : memref<1x5000x128xf32, #tpu.memory_space<vmem>> -> memref<5000x128xf32, #tpu.memory_space<vmem>>
    %dma_start3A_2640 = arith.constant 0 : i32
    %dma_start3A_2641 = arith.constant 0 : i32
    %dma_start3A_2642 = tpu.memref_slice %arg2[%dma_start3A_2631, %dma_start3A_2640, %dma_start3A_2641] : memref<64x5000x128xf32, #tpu.memory_space<any>> -> memref<1x5000x128xf32, #tpu.memory_space<any>>
    %dma_start3A_2643 = tpu.memref_squeeze %dma_start3A_2642 : memref<1x5000x128xf32, #tpu.memory_space<any>> -> memref<5000x128xf32, #tpu.memory_space<any>>
    tpu.enqueue_dma source(%dma_start3A_2643 : memref<5000x128xf32, #tpu.memory_space<any>>) target(%dma_start3A_2639 : memref<5000x128xf32, #tpu.memory_space<vmem>>) target_semaphore(%dma_start3A_2635 : memref<!tpu.dma_semaphore, #tpu.memory_space<semaphore_mem>>)
    %dma_wait3A_2644 = arith.constant 59 : i32
    %dma_wait3A_2645 = arith.constant 3 : i32
    %dma_wait3A_2646 = arith.constant 3 : i32
    %dma_wait3A_2647 = tpu.memref_slice %arg5[%dma_wait3A_2646] : memref<4x!tpu.dma_semaphore, #tpu.memory_space<semaphore_mem>> -> memref<1x!tpu.dma_semaphore, #tpu.memory_space<semaphore_mem>>
    %dma_wait3A_2648 = tpu.memref_squeeze %dma_wait3A_2647 : memref<1x!tpu.dma_semaphore, #tpu.memory_space<semaphore_mem>> -> memref<!tpu.dma_semaphore, #tpu.memory_space<semaphore_mem>>
    %dma_wait3A_2649 = arith.constant 0 : i32
    %dma_wait3A_2650 = arith.constant 0 : i32
    %dma_wait3A_2651 = tpu.memref_slice %arg4[%dma_wait3A_2645, %dma_wait3A_2649, %dma_wait3A_2650] : memref<4x5000x128xf32, #tpu.memory_space<vmem>> -> memref<1x5000x128xf32, #tpu.memory_space<vmem>>
    %dma_wait3A_2652 = tpu.memref_squeeze %dma_wait3A_2651 : memref<1x5000x128xf32, #tpu.memory_space<vmem>> -> memref<5000x128xf32, #tpu.memory_space<vmem>>
    %dma_wait3A_2653 = arith.constant 0 : i32
    %dma_wait3A_2654 = arith.constant 0 : i32
    %dma_wait3A_2655 = tpu.memref_slice %arg2[%dma_wait3A_2644, %dma_wait3A_2653, %dma_wait3A_2654] : memref<64x5000x128xf32, #tpu.memory_space<any>> -> memref<1x5000x128xf32, #tpu.memory_space<any>>
    %dma_wait3A_2656 = tpu.memref_squeeze %dma_wait3A_2655 : memref<1x5000x128xf32, #tpu.memory_space<any>> -> memref<5000x128xf32, #tpu.memory_space<any>>
    tpu.wait_dma2 semaphore(%dma_wait3A_2648 : memref<!tpu.dma_semaphore, #tpu.memory_space<semaphore_mem>>) src(%dma_wait3A_2656 : memref<5000x128xf32, #tpu.memory_space<any>>) dst(%dma_wait3A_2652 : memref<5000x128xf32, #tpu.memory_space<vmem>>)
    %get3A_2657 = arith.constant 0 : index
    %get3A_2658 = arith.constant 0 : index
    %get3A_2659 = vector.load %arg0[%get3A_2657, %get3A_2658] : memref<1x128xf32, #tpu.memory_space<vmem>>, vector<1x128xf32>
    %get3A_2660 = arith.constant 3 : index
    %get3A_2661 = arith.constant 0 : index
    %get3A_2662 = arith.constant 0 : index
    %get3A_2663 = vector.load %arg4[%get3A_2660, %get3A_2661, %get3A_2662] : memref<4x5000x128xf32, #tpu.memory_space<vmem>>, vector<1x5000x128xf32>
    %get3A_2664 = vector.shape_cast %get3A_2663 : vector<1x5000x128xf32> to vector<5000x128xf32>
    %dot_general3A_2665 = arith.constant dense<0.000000e+00> : vector<1x5000xf32>
    %dot_general3A_2666 = tpu.matmul %get3A_2659, %get3A_2664, %dot_general3A_2665 {dimension_numbers = #tpu.dot_dimension_numbers<[1], [1], [0], [0], [0, 0, 1, 0], [], []>, transpose_lhs_hint = false} : vector<1x128xf32>, vector<5000x128xf32>, vector<1x5000xf32> -> vector<1x5000xf32>
    %squeeze3A_2667 = vector.shape_cast %dot_general3A_2666 : vector<1x5000xf32> to vector<5000xf32>
    %add3A_2668 = vector.broadcast %get3A_1 : f32 to vector<5000xf32>
    %add3A_2669 = arith.addf %squeeze3A_2667, %add3A_2668 : vector<5000xf32>
    %swap3A_2670 = arith.constant 59 : index
    %swap3A_2671 = arith.constant 0 : index
    %swap3A_2672 = vector.load %arg3[%swap3A_2670, %swap3A_2671] : memref<64x5000xf32, #tpu.memory_space<vmem>>, vector<1x5000xf32>
    %swap3A_2673 = vector.shape_cast %swap3A_2672 : vector<1x5000xf32> to vector<5000xf32>
    %swap3A_2674 = vector.shape_cast %add3A_2669 : vector<5000xf32> to vector<1x5000xf32>
    tpu.vector_store %arg3[%swap3A_2670, %swap3A_2671], %swap3A_2674 {strides = array<i32>} : memref<64x5000xf32, #tpu.memory_space<vmem>>, vector<1x5000xf32>,
    %dma_start3A_2675 = arith.constant 63 : i32
    %dma_start3A_2676 = arith.constant 3 : i32
    %dma_start3A_2677 = arith.constant 3 : i32
    %dma_start3A_2678 = tpu.memref_slice %arg5[%dma_start3A_2677] : memref<4x!tpu.dma_semaphore, #tpu.memory_space<semaphore_mem>> -> memref<1x!tpu.dma_semaphore, #tpu.memory_space<semaphore_mem>>
    %dma_start3A_2679 = tpu.memref_squeeze %dma_start3A_2678 : memref<1x!tpu.dma_semaphore, #tpu.memory_space<semaphore_mem>> -> memref<!tpu.dma_semaphore, #tpu.memory_space<semaphore_mem>>
    %dma_start3A_2680 = arith.constant 0 : i32
    %dma_start3A_2681 = arith.constant 0 : i32
    %dma_start3A_2682 = tpu.memref_slice %arg4[%dma_start3A_2676, %dma_start3A_2680, %dma_start3A_2681] : memref<4x5000x128xf32, #tpu.memory_space<vmem>> -> memref<1x5000x128xf32, #tpu.memory_space<vmem>>
    %dma_start3A_2683 = tpu.memref_squeeze %dma_start3A_2682 : memref<1x5000x128xf32, #tpu.memory_space<vmem>> -> memref<5000x128xf32, #tpu.memory_space<vmem>>
    %dma_start3A_2684 = arith.constant 0 : i32
    %dma_start3A_2685 = arith.constant 0 : i32
    %dma_start3A_2686 = tpu.memref_slice %arg2[%dma_start3A_2675, %dma_start3A_2684, %dma_start3A_2685] : memref<64x5000x128xf32, #tpu.memory_space<any>> -> memref<1x5000x128xf32, #tpu.memory_space<any>>
    %dma_start3A_2687 = tpu.memref_squeeze %dma_start3A_2686 : memref<1x5000x128xf32, #tpu.memory_space<any>> -> memref<5000x128xf32, #tpu.memory_space<any>>
    tpu.enqueue_dma source(%dma_start3A_2687 : memref<5000x128xf32, #tpu.memory_space<any>>) target(%dma_start3A_2683 : memref<5000x128xf32, #tpu.memory_space<vmem>>) target_semaphore(%dma_start3A_2679 : memref<!tpu.dma_semaphore, #tpu.memory_space<semaphore_mem>>)
    %dma_wait3A_2688 = arith.constant 60 : i32
    %dma_wait3A_2689 = arith.constant 0 : i32
    %dma_wait3A_2690 = arith.constant 0 : i32
    %dma_wait3A_2691 = tpu.memref_slice %arg5[%dma_wait3A_2690] : memref<4x!tpu.dma_semaphore, #tpu.memory_space<semaphore_mem>> -> memref<1x!tpu.dma_semaphore, #tpu.memory_space<semaphore_mem>>
    %dma_wait3A_2692 = tpu.memref_squeeze %dma_wait3A_2691 : memref<1x!tpu.dma_semaphore, #tpu.memory_space<semaphore_mem>> -> memref<!tpu.dma_semaphore, #tpu.memory_space<semaphore_mem>>
    %dma_wait3A_2693 = arith.constant 0 : i32
    %dma_wait3A_2694 = arith.constant 0 : i32
    %dma_wait3A_2695 = tpu.memref_slice %arg4[%dma_wait3A_2689, %dma_wait3A_2693, %dma_wait3A_2694] : memref<4x5000x128xf32, #tpu.memory_space<vmem>> -> memref<1x5000x128xf32, #tpu.memory_space<vmem>>
    %dma_wait3A_2696 = tpu.memref_squeeze %dma_wait3A_2695 : memref<1x5000x128xf32, #tpu.memory_space<vmem>> -> memref<5000x128xf32, #tpu.memory_space<vmem>>
    %dma_wait3A_2697 = arith.constant 0 : i32
    %dma_wait3A_2698 = arith.constant 0 : i32
    %dma_wait3A_2699 = tpu.memref_slice %arg2[%dma_wait3A_2688, %dma_wait3A_2697, %dma_wait3A_2698] : memref<64x5000x128xf32, #tpu.memory_space<any>> -> memref<1x5000x128xf32, #tpu.memory_space<any>>
    %dma_wait3A_2700 = tpu.memref_squeeze %dma_wait3A_2699 : memref<1x5000x128xf32, #tpu.memory_space<any>> -> memref<5000x128xf32, #tpu.memory_space<any>>
    tpu.wait_dma2 semaphore(%dma_wait3A_2692 : memref<!tpu.dma_semaphore, #tpu.memory_space<semaphore_mem>>) src(%dma_wait3A_2700 : memref<5000x128xf32, #tpu.memory_space<any>>) dst(%dma_wait3A_2696 : memref<5000x128xf32, #tpu.memory_space<vmem>>)
    %get3A_2701 = arith.constant 0 : index
    %get3A_2702 = arith.constant 0 : index
    %get3A_2703 = vector.load %arg0[%get3A_2701, %get3A_2702] : memref<1x128xf32, #tpu.memory_space<vmem>>, vector<1x128xf32>
    %get3A_2704 = arith.constant 0 : index
    %get3A_2705 = arith.constant 0 : index
    %get3A_2706 = arith.constant 0 : index
    %get3A_2707 = vector.load %arg4[%get3A_2704, %get3A_2705, %get3A_2706] : memref<4x5000x128xf32, #tpu.memory_space<vmem>>, vector<1x5000x128xf32>
    %get3A_2708 = vector.shape_cast %get3A_2707 : vector<1x5000x128xf32> to vector<5000x128xf32>
    %dot_general3A_2709 = arith.constant dense<0.000000e+00> : vector<1x5000xf32>
    %dot_general3A_2710 = tpu.matmul %get3A_2703, %get3A_2708, %dot_general3A_2709 {dimension_numbers = #tpu.dot_dimension_numbers<[1], [1], [0], [0], [0, 0, 1, 0], [], []>, transpose_lhs_hint = false} : vector<1x128xf32>, vector<5000x128xf32>, vector<1x5000xf32> -> vector<1x5000xf32>
    %squeeze3A_2711 = vector.shape_cast %dot_general3A_2710 : vector<1x5000xf32> to vector<5000xf32>
    %add3A_2712 = vector.broadcast %get3A_1 : f32 to vector<5000xf32>
    %add3A_2713 = arith.addf %squeeze3A_2711, %add3A_2712 : vector<5000xf32>
    %swap3A_2714 = arith.constant 60 : index
    %swap3A_2715 = arith.constant 0 : index
    %swap3A_2716 = vector.load %arg3[%swap3A_2714, %swap3A_2715] : memref<64x5000xf32, #tpu.memory_space<vmem>>, vector<1x5000xf32>
    %swap3A_2717 = vector.shape_cast %swap3A_2716 : vector<1x5000xf32> to vector<5000xf32>
    %swap3A_2718 = vector.shape_cast %add3A_2713 : vector<5000xf32> to vector<1x5000xf32>
    tpu.vector_store %arg3[%swap3A_2714, %swap3A_2715], %swap3A_2718 {strides = array<i32>} : memref<64x5000xf32, #tpu.memory_space<vmem>>, vector<1x5000xf32>,
    %dma_wait3A_2719 = arith.constant 61 : i32
    %dma_wait3A_2720 = arith.constant 1 : i32
    %dma_wait3A_2721 = arith.constant 1 : i32
    %dma_wait3A_2722 = tpu.memref_slice %arg5[%dma_wait3A_2721] : memref<4x!tpu.dma_semaphore, #tpu.memory_space<semaphore_mem>> -> memref<1x!tpu.dma_semaphore, #tpu.memory_space<semaphore_mem>>
    %dma_wait3A_2723 = tpu.memref_squeeze %dma_wait3A_2722 : memref<1x!tpu.dma_semaphore, #tpu.memory_space<semaphore_mem>> -> memref<!tpu.dma_semaphore, #tpu.memory_space<semaphore_mem>>
    %dma_wait3A_2724 = arith.constant 0 : i32
    %dma_wait3A_2725 = arith.constant 0 : i32
    %dma_wait3A_2726 = tpu.memref_slice %arg4[%dma_wait3A_2720, %dma_wait3A_2724, %dma_wait3A_2725] : memref<4x5000x128xf32, #tpu.memory_space<vmem>> -> memref<1x5000x128xf32, #tpu.memory_space<vmem>>
    %dma_wait3A_2727 = tpu.memref_squeeze %dma_wait3A_2726 : memref<1x5000x128xf32, #tpu.memory_space<vmem>> -> memref<5000x128xf32, #tpu.memory_space<vmem>>
    %dma_wait3A_2728 = arith.constant 0 : i32
    %dma_wait3A_2729 = arith.constant 0 : i32
    %dma_wait3A_2730 = tpu.memref_slice %arg2[%dma_wait3A_2719, %dma_wait3A_2728, %dma_wait3A_2729] : memref<64x5000x128xf32, #tpu.memory_space<any>> -> memref<1x5000x128xf32, #tpu.memory_space<any>>
    %dma_wait3A_2731 = tpu.memref_squeeze %dma_wait3A_2730 : memref<1x5000x128xf32, #tpu.memory_space<any>> -> memref<5000x128xf32, #tpu.memory_space<any>>
    tpu.wait_dma2 semaphore(%dma_wait3A_2723 : memref<!tpu.dma_semaphore, #tpu.memory_space<semaphore_mem>>) src(%dma_wait3A_2731 : memref<5000x128xf32, #tpu.memory_space<any>>) dst(%dma_wait3A_2727 : memref<5000x128xf32, #tpu.memory_space<vmem>>)
    %get3A_2732 = arith.constant 0 : index
    %get3A_2733 = arith.constant 0 : index
    %get3A_2734 = vector.load %arg0[%get3A_2732, %get3A_2733] : memref<1x128xf32, #tpu.memory_space<vmem>>, vector<1x128xf32>
    %get3A_2735 = arith.constant 1 : index
    %get3A_2736 = arith.constant 0 : index
    %get3A_2737 = arith.constant 0 : index
    %get3A_2738 = vector.load %arg4[%get3A_2735, %get3A_2736, %get3A_2737] : memref<4x5000x128xf32, #tpu.memory_space<vmem>>, vector<1x5000x128xf32>
    %get3A_2739 = vector.shape_cast %get3A_2738 : vector<1x5000x128xf32> to vector<5000x128xf32>
    %dot_general3A_2740 = arith.constant dense<0.000000e+00> : vector<1x5000xf32>
    %dot_general3A_2741 = tpu.matmul %get3A_2734, %get3A_2739, %dot_general3A_2740 {dimension_numbers = #tpu.dot_dimension_numbers<[1], [1], [0], [0], [0, 0, 1, 0], [], []>, transpose_lhs_hint = false} : vector<1x128xf32>, vector<5000x128xf32>, vector<1x5000xf32> -> vector<1x5000xf32>
    %squeeze3A_2742 = vector.shape_cast %dot_general3A_2741 : vector<1x5000xf32> to vector<5000xf32>
    %add3A_2743 = vector.broadcast %get3A_1 : f32 to vector<5000xf32>
    %add3A_2744 = arith.addf %squeeze3A_2742, %add3A_2743 : vector<5000xf32>
    %swap3A_2745 = arith.constant 61 : index
    %swap3A_2746 = arith.constant 0 : index
    %swap3A_2747 = vector.load %arg3[%swap3A_2745, %swap3A_2746] : memref<64x5000xf32, #tpu.memory_space<vmem>>, vector<1x5000xf32>
    %swap3A_2748 = vector.shape_cast %swap3A_2747 : vector<1x5000xf32> to vector<5000xf32>
    %swap3A_2749 = vector.shape_cast %add3A_2744 : vector<5000xf32> to vector<1x5000xf32>
    tpu.vector_store %arg3[%swap3A_2745, %swap3A_2746], %swap3A_2749 {strides = array<i32>} : memref<64x5000xf32, #tpu.memory_space<vmem>>, vector<1x5000xf32>,
    %dma_wait3A_2750 = arith.constant 62 : i32
    %dma_wait3A_2751 = arith.constant 2 : i32
    %dma_wait3A_2752 = arith.constant 2 : i32
    %dma_wait3A_2753 = tpu.memref_slice %arg5[%dma_wait3A_2752] : memref<4x!tpu.dma_semaphore, #tpu.memory_space<semaphore_mem>> -> memref<1x!tpu.dma_semaphore, #tpu.memory_space<semaphore_mem>>
    %dma_wait3A_2754 = tpu.memref_squeeze %dma_wait3A_2753 : memref<1x!tpu.dma_semaphore, #tpu.memory_space<semaphore_mem>> -> memref<!tpu.dma_semaphore, #tpu.memory_space<semaphore_mem>>
    %dma_wait3A_2755 = arith.constant 0 : i32
    %dma_wait3A_2756 = arith.constant 0 : i32
    %dma_wait3A_2757 = tpu.memref_slice %arg4[%dma_wait3A_2751, %dma_wait3A_2755, %dma_wait3A_2756] : memref<4x5000x128xf32, #tpu.memory_space<vmem>> -> memref<1x5000x128xf32, #tpu.memory_space<vmem>>
    %dma_wait3A_2758 = tpu.memref_squeeze %dma_wait3A_2757 : memref<1x5000x128xf32, #tpu.memory_space<vmem>> -> memref<5000x128xf32, #tpu.memory_space<vmem>>
    %dma_wait3A_2759 = arith.constant 0 : i32
    %dma_wait3A_2760 = arith.constant 0 : i32
    %dma_wait3A_2761 = tpu.memref_slice %arg2[%dma_wait3A_2750, %dma_wait3A_2759, %dma_wait3A_2760] : memref<64x5000x128xf32, #tpu.memory_space<any>> -> memref<1x5000x128xf32, #tpu.memory_space<any>>
    %dma_wait3A_2762 = tpu.memref_squeeze %dma_wait3A_2761 : memref<1x5000x128xf32, #tpu.memory_space<any>> -> memref<5000x128xf32, #tpu.memory_space<any>>
    tpu.wait_dma2 semaphore(%dma_wait3A_2754 : memref<!tpu.dma_semaphore, #tpu.memory_space<semaphore_mem>>) src(%dma_wait3A_2762 : memref<5000x128xf32, #tpu.memory_space<any>>) dst(%dma_wait3A_2758 : memref<5000x128xf32, #tpu.memory_space<vmem>>)
    %get3A_2763 = arith.constant 0 : index
    %get3A_2764 = arith.constant 0 : index
    %get3A_2765 = vector.load %arg0[%get3A_2763, %get3A_2764] : memref<1x128xf32, #tpu.memory_space<vmem>>, vector<1x128xf32>
    %get3A_2766 = arith.constant 2 : index
    %get3A_2767 = arith.constant 0 : index
    %get3A_2768 = arith.constant 0 : index
    %get3A_2769 = vector.load %arg4[%get3A_2766, %get3A_2767, %get3A_2768] : memref<4x5000x128xf32, #tpu.memory_space<vmem>>, vector<1x5000x128xf32>
    %get3A_2770 = vector.shape_cast %get3A_2769 : vector<1x5000x128xf32> to vector<5000x128xf32>
    %dot_general3A_2771 = arith.constant dense<0.000000e+00> : vector<1x5000xf32>
    %dot_general3A_2772 = tpu.matmul %get3A_2765, %get3A_2770, %dot_general3A_2771 {dimension_numbers = #tpu.dot_dimension_numbers<[1], [1], [0], [0], [0, 0, 1, 0], [], []>, transpose_lhs_hint = false} : vector<1x128xf32>, vector<5000x128xf32>, vector<1x5000xf32> -> vector<1x5000xf32>
    %squeeze3A_2773 = vector.shape_cast %dot_general3A_2772 : vector<1x5000xf32> to vector<5000xf32>
    %add3A_2774 = vector.broadcast %get3A_1 : f32 to vector<5000xf32>
    %add3A_2775 = arith.addf %squeeze3A_2773, %add3A_2774 : vector<5000xf32>
    %swap3A_2776 = arith.constant 62 : index
    %swap3A_2777 = arith.constant 0 : index
    %swap3A_2778 = vector.load %arg3[%swap3A_2776, %swap3A_2777] : memref<64x5000xf32, #tpu.memory_space<vmem>>, vector<1x5000xf32>
    %swap3A_2779 = vector.shape_cast %swap3A_2778 : vector<1x5000xf32> to vector<5000xf32>
    %swap3A_2780 = vector.shape_cast %add3A_2775 : vector<5000xf32> to vector<1x5000xf32>
    tpu.vector_store %arg3[%swap3A_2776, %swap3A_2777], %swap3A_2780 {strides = array<i32>} : memref<64x5000xf32, #tpu.memory_space<vmem>>, vector<1x5000xf32>,
    %dma_wait3A_2781 = arith.constant 63 : i32
    %dma_wait3A_2782 = arith.constant 3 : i32
    %dma_wait3A_2783 = arith.constant 3 : i32
    %dma_wait3A_2784 = tpu.memref_slice %arg5[%dma_wait3A_2783] : memref<4x!tpu.dma_semaphore, #tpu.memory_space<semaphore_mem>> -> memref<1x!tpu.dma_semaphore, #tpu.memory_space<semaphore_mem>>
    %dma_wait3A_2785 = tpu.memref_squeeze %dma_wait3A_2784 : memref<1x!tpu.dma_semaphore, #tpu.memory_space<semaphore_mem>> -> memref<!tpu.dma_semaphore, #tpu.memory_space<semaphore_mem>>
    %dma_wait3A_2786 = arith.constant 0 : i32
    %dma_wait3A_2787 = arith.constant 0 : i32
    %dma_wait3A_2788 = tpu.memref_slice %arg4[%dma_wait3A_2782, %dma_wait3A_2786, %dma_wait3A_2787] : memref<4x5000x128xf32, #tpu.memory_space<vmem>> -> memref<1x5000x128xf32, #tpu.memory_space<vmem>>
    %dma_wait3A_2789 = tpu.memref_squeeze %dma_wait3A_2788 : memref<1x5000x128xf32, #tpu.memory_space<vmem>> -> memref<5000x128xf32, #tpu.memory_space<vmem>>
    %dma_wait3A_2790 = arith.constant 0 : i32
    %dma_wait3A_2791 = arith.constant 0 : i32
    %dma_wait3A_2792 = tpu.memref_slice %arg2[%dma_wait3A_2781, %dma_wait3A_2790, %dma_wait3A_2791] : memref<64x5000x128xf32, #tpu.memory_space<any>> -> memref<1x5000x128xf32, #tpu.memory_space<any>>
    %dma_wait3A_2793 = tpu.memref_squeeze %dma_wait3A_2792 : memref<1x5000x128xf32, #tpu.memory_space<any>> -> memref<5000x128xf32, #tpu.memory_space<any>>
    tpu.wait_dma2 semaphore(%dma_wait3A_2785 : memref<!tpu.dma_semaphore, #tpu.memory_space<semaphore_mem>>) src(%dma_wait3A_2793 : memref<5000x128xf32, #tpu.memory_space<any>>) dst(%dma_wait3A_2789 : memref<5000x128xf32, #tpu.memory_space<vmem>>)
    %get3A_2794 = arith.constant 0 : index
    %get3A_2795 = arith.constant 0 : index
    %get3A_2796 = vector.load %arg0[%get3A_2794, %get3A_2795] : memref<1x128xf32, #tpu.memory_space<vmem>>, vector<1x128xf32>
    %get3A_2797 = arith.constant 3 : index
    %get3A_2798 = arith.constant 0 : index
    %get3A_2799 = arith.constant 0 : index
    %get3A_2800 = vector.load %arg4[%get3A_2797, %get3A_2798, %get3A_2799] : memref<4x5000x128xf32, #tpu.memory_space<vmem>>, vector<1x5000x128xf32>
    %get3A_2801 = vector.shape_cast %get3A_2800 : vector<1x5000x128xf32> to vector<5000x128xf32>
    %dot_general3A_2802 = arith.constant dense<0.000000e+00> : vector<1x5000xf32>
    %dot_general3A_2803 = tpu.matmul %get3A_2796, %get3A_2801, %dot_general3A_2802 {dimension_numbers = #tpu.dot_dimension_numbers<[1], [1], [0], [0], [0, 0, 1, 0], [], []>, transpose_lhs_hint = false} : vector<1x128xf32>, vector<5000x128xf32>, vector<1x5000xf32> -> vector<1x5000xf32>
    %squeeze3A_2804 = vector.shape_cast %dot_general3A_2803 : vector<1x5000xf32> to vector<5000xf32>
    %add3A_2805 = vector.broadcast %get3A_1 : f32 to vector<5000xf32>
    %add3A_2806 = arith.addf %squeeze3A_2804, %add3A_2805 : vector<5000xf32>
    %swap3A_2807 = arith.constant 63 : index
    %swap3A_2808 = arith.constant 0 : index
    %swap3A_2809 = vector.load %arg3[%swap3A_2807, %swap3A_2808] : memref<64x5000xf32, #tpu.memory_space<vmem>>, vector<1x5000xf32>
    %swap3A_2810 = vector.shape_cast %swap3A_2809 : vector<1x5000xf32> to vector<5000xf32>
    %swap3A_2811 = vector.shape_cast %add3A_2806 : vector<5000xf32> to vector<1x5000xf32>
    tpu.vector_store %arg3[%swap3A_2807, %swap3A_2808], %swap3A_2811 {strides = array<i32>} : memref<64x5000xf32, #tpu.memory_space<vmem>>, vector<1x5000xf32>,
    return
  }
}

</mosaic_0001>

<sc_bundles>
// kernel: kernel.5.cloned.1.call-start
scs
__scs_entry_jumppad:
0x0: {  	(pc) =	sbr.rel $0x88, $3  }
0x1: {  	(tag) =	ssettag $0x0;
	lr =	simm.s32 $0x1  }
0x2: {  	[smem:$0x3F9D] =	sst lr;
	_ =	strace $0xD0000000  }
0x3: {  	_ = 	snop  }
0x4: {  	_ = 	snop  }
0x5: {  	_ = 	snop  }
0x6: {  	_ = 	snop  }
0x7: {  	_ = 	snop  }
__scs_overlays_trampoline_lowered:
0x8: {  	[smem:$0x3FAC] =	sst s0  }
0x9: {  	[smem:$0x3FAD] =	sst s1  }
0xa: {  	[smem:$0x3FAE] =	sst s2  }
0xb: {  	[smem:$0x3FAF] =	sst s3  }
0xc: {  	[smem:$0x3FB0] =	sst s4  }
0xd: {  	[smem:$0x3FB1] =	sst s5  }
0xe: {  	[smem:$0x3FB2] =	sst s6  }
0xf: {  	[smem:$0x3FB3] =	sst s7  }
0x10: {  	[smem:$0x3FB4] =	sst s8  }
0x11: {  	[smem:$0x3FB5] =	sst s9;
	s0 =	simm.s32 @!p0 $0x0  }
0x12: {  	s1 =	sld [smem:$0x3F9B];
	s0 =	simm.s32 @p0 $0x1  }
0x13: {  	[smem:$0x3FB6] =	sst s0;
	s0 =	simm.s32 @!p1 $0x0  }
0x14: {  	s2 =	sld [smem:$0x3F9A];
	s0 =	simm.s32 @p1 $0x1  }
0x15: {  	[smem:$0x3FB7] =	sst s0;
	s0 =	simm.s32 @!p2 $0x0  }
0x16: {  	s3 =	sld [smem:$0x3FDB];
	s0 =	simm.s32 @p2 $0x1  }
0x17: {  	s4 =	simm.s32 $0x1BF5;
	[smem:$0x3FB9] =	sst s0  }
0x18: {  	s0 =	sld [smem:$0x3F9C];
	_ =	swait.ge [sflag:s4], $0x0  }
0x19: {  	s7 =	sld [smem:$0x3F9D]  }
0x1a: {  	s8 =	sadd.s32 $0xFFFFE003, lr  }
0x1b: {  	s9 =	sadd.s32 $0xFFFFFEF7, lr;
	s5 =	simm.s32 $0xFFFFFFFF;
	p2 =	slt.u32 s8, $0xFFFFF086  }
0x1c: {  	p1 =	slt.u32 s9, $0xF7A;
	s5 =	simm.s32 @!p2 $0x0  }
0x1d: {  	s5 =	simm.s32 @p1 $0x1;
	p0 =	seq.s32 s7, s2  }
0x1e: {  	s7 =	smul.u32 @!p0 $0xF7A, s2;
	p2 =	seq.s32 @!p0 s5, $0x0  }
0x1f: {  	s9 =	smul.u32 $0xF7A, s1;
	s8 =	simm.s32 @!p0 $0x1BF5;
	p2 =	por !p2, p0  }
0x20: {  	[sflag:s8] =	ssyncset.s32 @!p0 $0xFFFFF086;
	s6 =	sadd.s32 @!p0 s3, s7;
	s7 =	simm.s32 @!p0 $0x108  }
0x21: {  	s3 =	sadd.s32 s3, s9;
	s6 =	sadd.s32 @!p0 $0x88, s6;
	s7 =	simm.s32 @p2 $0x1082  }
0x22: {  	[simem:s7], [sflag:s8] =	dma.local @!p0 [hbm:s6], $0xF7A  }
0x23: {  	s9 =	sor.u32 $0xD0000000, s2;
	s6 =	simm.s32 $0x108;
	_ =	swait.ge @!p0 [sflag:s8], $0x0  }
0x24: {  	s3 =	sadd.s32 $0x88, s3;
	s6 =	simm.s32 @!p1 $0x1082;
	[sflag:s4] =	ssyncset.s32 $0xFFFFF086  }
0x25: {  	[simem:s6], [sflag:s4] =	dma.local [hbm:s3], $0xF7A  }
0x26: {  	[smem:$0x3F9D] =	sst s1;
	(tag) =	ssettag s2;
	_ =	strace s9  }
0x27: {  	s1 =	sld [smem:$0x3FAD]  }
0x28: {  	s2 =	sld [smem:$0x3FAE]  }
0x29: {  	s4 =	sld [smem:$0x3FB0]  }
0x2a: {  	p0 =	seq.s32 s5, $0x0;
	s5 =	sld [smem:$0x3FB1]  }
0x2b: {  	s6 =	sld [smem:$0x3FB2]  }
0x2c: {  	s7 =	sld [smem:$0x3FB3]  }
0x2d: {  	s3 =	simm.s32 $0x108;
	s8 =	sld [smem:$0x3FB4]  }
0x2e: {  	s3 =	simm.s32 @!p0 $0x1082;
	s9 =	sld [smem:$0x3FB5]  }
0x2f: {  	lr =	sadd.s32 s0, s3;
	s0 =	sld [smem:$0x3FAC]  }
0x30: {  	s3 =	sld [smem:$0x3FAF]  }
0x31: {  	[smem:$0x3FB8] =	sst s10  }
0x32: {  	s10 =	sld [smem:$0x3FB6];
	_ =	sdelay $0x3  }
0x33: {  	p0 =	seq.s32 s10, $0x1;
	s10 =	sld [smem:$0x3FB8];
	_ =	sdelay $0x3  }
0x34: {  	[smem:$0x3FB8] =	sst s10  }
0x35: {  	s10 =	sld [smem:$0x3FB7];
	_ =	sdelay $0x3  }
0x36: {  	p1 =	seq.s32 s10, $0x1;
	s10 =	sld [smem:$0x3FB8];
	_ =	sdelay $0x3  }
0x37: {  	[smem:$0x3FB8] =	sst s10  }
0x38: {  	s10 =	sld [smem:$0x3FB9]  }
0x39: {  	_ = 	snop;
	(pc) =	sbr.ind lr, $3  }
0x3a: {  	_ = 	snop  }
0x3b: {  	_ = 	snop  }
0x3c: {  	p2 =	seq.s32 s10, $0x1;
	s10 =	sld [smem:$0x3FB8]  }
0x3d: {  	_ =	shalt  }
0x3e: {  	_ =	shalt  }
0x3f: {  	_ =	shalt  }
0x40: {  	_ =	shalt  }
0x41: {  	_ =	shalt  }
0x42: {  	_ =	shalt  }
0x43: {  	_ =	shalt  }
0x44: {  	_ =	shalt  }
0x45: {  	_ =	shalt  }
0x46: {  	_ =	shalt  }
0x47: {  	_ =	shalt  }
0x48: {  	_ =	shalt  }
0x49: {  	_ =	shalt  }
0x4a: {  	_ =	shalt  }
0x4b: {  	_ =	shalt  }
0x4c: {  	_ =	shalt  }
0x4d: {  	_ =	shalt  }
0x4e: {  	_ =	shalt  }
0x4f: {  	_ =	shalt  }
0x50: {  	_ =	shalt  }
0x51: {  	_ =	shalt  }
0x52: {  	_ =	shalt  }
0x53: {  	_ =	shalt  }
0x54: {  	_ =	shalt  }
0x55: {  	_ =	shalt  }
0x56: {  	_ =	shalt  }
0x57: {  	_ =	shalt  }
0x58: {  	_ =	shalt  }
0x59: {  	_ =	shalt  }
0x5a: {  	_ =	shalt  }
0x5b: {  	_ =	shalt  }
0x5c: {  	_ =	shalt  }
0x5d: {  	_ =	shalt  }
0x5e: {  	_ =	shalt  }
0x5f: {  	_ =	shalt  }
0x60: {  	_ =	shalt  }
0x61: {  	_ =	shalt  }
0x62: {  	_ =	shalt  }
0x63: {  	_ =	shalt  }
0x64: {  	_ =	shalt  }
0x65: {  	_ =	shalt  }
0x66: {  	_ =	shalt  }
0x67: {  	_ =	shalt  }
0x68: {  	_ =	shalt  }
0x69: {  	_ =	shalt  }
0x6a: {  	_ =	shalt  }
0x6b: {  	_ =	shalt  }
0x6c: {  	_ =	shalt  }
0x6d: {  	_ =	shalt  }
0x6e: {  	_ =	shalt  }
0x6f: {  	_ =	shalt  }
0x70: {  	_ =	shalt  }
0x71: {  	_ =	shalt  }
0x72: {  	_ =	shalt  }
0x73: {  	_ =	shalt  }
0x74: {  	_ =	shalt  }
0x75: {  	_ =	shalt  }
0x76: {  	_ =	shalt  }
0x77: {  	_ =	shalt  }
0x78: {  	_ =	shalt  }
0x79: {  	_ =	shalt  }
0x7a: {  	_ =	shalt  }
0x7b: {  	_ =	shalt  }
0x7c: {  	_ =	shalt  }
0x7d: {  	_ =	shalt  }
0x7e: {  	_ =	shalt  }
0x7f: {  	_ =	shalt  }
0x80: {  	_ =	shalt  }
0x81: {  	_ =	shalt  }
0x82: {  	_ =	shalt  }
0x83: {  	_ =	shalt  }
0x84: {  	_ =	shalt  }
0x85: {  	_ =	shalt  }
0x86: {  	_ =	shalt  }
0x87: {  	_ =	shalt  }
.Lfunc_end0:
.L_simem_size_0:
called_computation_lowered:
.L_overlay_start_0:
0x88: {  	s2 =	sld [smem:$0x3FD9]  }
0x89: {  	s3 =	sld [smem:$0x3FFE];
	_ =	sdelay $0x1  }
0x8a: {  	s1 =	srdreg.scid  }
0x8b: {  	s0 =	sand.u32 $0x1, s1  }
0x8c: {  	s17 =	sshll.u32 s0, $0xA;
	s2 =	sadd.s32 s3, s2  }
0x8d: {  	s2 =	sadd.s32 s2, s17  }
0x8e: {  	[smem:$0x3FC4] =	sst s2  }
0x8f: {  	_ = 	snop  }
0x90: {  	s2 =	sld [smem:$0x3FC8];
	(tm) =	ssettm $0x1  }
0x91: {  	s18 =	sld [smem:$0x3FFB];
	_ =	sdelay $0x3  }
0x92: {  	_ =	strace s18  }
0x93: {  	s3 =	sld [smem:$0x3FFC];
	_ =	sdelay $0x3  }
0x94: {  	_ =	strace s3  }
0x95: {  	s3 =	sld [smem:$0x3FFD];
	_ =	sdelay $0x3  }
0x96: {  	_ =	strace s3  }
0x97: {  	_ =	strace $0x8FFFFFFF  }
0x98: {  	s19 =	sld [smem:$0x3FDB];
	_ =	sdelay $0x1  }
0x99: {  	s4 =	simm.s32 $_scs_section_size  }
0x9a: {  	s5 =	simm.s32 $_size__tile_overlayer_lowered;
	s6 =	simm.s32 $_tile_overlayer_lowered  }
0x9b: {  	s22 =	simm.s32 $0x1BFF;
	s21 =	sshll.u32 s6, $0x1;
	s3 =	sadd.s32 s4, s19  }
0x9c: {  	s7 =	simm.s32 $0x0;
	s20 =	sshll.u32 s5, $0x1;
	s5 =	sadd.s32 s21, s3  }
0x9d: {  	[timem:s7], [sflag:s22] =	dma.local [hbm:s5], s20  }
0x9e: {  	_ =	swait.ge [sflag:s22], s20  }
0x9f: {  	s4 =	ssub.s32 $0x0, s20;
	[sflag:s22] =	ssyncset.done $0x0  }
0xa0: {  	[sflag:s22] =	ssyncadd.s32 s4;
	_ =	sdelay $0x1  }
0xa1: {  	s23 =	simm.s32 $0x1B8B  }
0xa2: {  	_ =	swait.ge [sflag:s23], $0x1  }
0xa3: {  	[sflag:s23] =	ssyncset.done $0x0  }
0xa4: {  	s25 =	simm.s32 $0x1B8E;
	s24 =	sld [smem:$0x3FFE];
	[sflag:s23] =	ssyncadd.s32 $0xFFFFFFFF  }
0xa5: {  	s26 =	simm.s32 $execute0_lowered;
	[smem:$0x3FD2] =	sst s25  }
0xa6: {  	s5 =	sshll.u32 s26, $0x1;
	_ =	strace $0x80000046;
	[dreg:$0x1] =	wrdreg $0xFFFFFFFF  }
0xa7: {  	s28 =	simm.s32 $_size_execute0_lowered;
	s3 =	sadd.s32 s3, s5;
	[dreg:$0x0] =	wrdreg $0x0  }
0xa8: {  	s5 =	sshll.u32 s28, $0x1;
	[dreg:$0x2] =	wrdreg s3  }
0xa9: {  	[dreg:$0x3] =	wrdreg s5  }
0xaa: {  	[dreg:$0x4] =	wrdreg $0xC0  }
0xab: {  	_ =	task [dreg:s7], $0x5FFFF  }
0xac: {  	[dreg:$0x1] =	wrdreg $0xFFFFFFFF  }
0xad: {  	[dreg:$0x0] =	wrdreg $0x60  }
0xae: {  	[dreg:$0x2] =	wrdreg s24  }
0xaf: {  	[dreg:$0x3] =	wrdreg s2  }
0xb0: {  	[dreg:$0x4] =	wrdreg $0x51000  }
0xb1: {  	[dreg:$0x5] =	wrdreg $0x9  }
0xb2: {  	_ =	task.clear_ibuf [dreg:s7], $0x6FFFF;
	_ =	strace $0x90000046  }
0xb3: {  	s29 =	simm.s32 $0x9;
	_ =	strace $0x80000048  }
0xb4: {  	_ =	swait.ge [sflag:s29], $0x1  }
0xb5: {  	[sflag:s29] =	ssyncadd.s32 $0xFFFFFFFF  }
0xb6: {  	_ =	strace $0x90000048  }
0xb7: {  	_ =	sfence  }
0xb8: {  	s30 =	sld [smem:$0x0];
	_ =	sdelay $0x2  }
0xb9: {  	s31 =	sshll.u32 s1, $0xD;
	s1 =	sshrl.u32 s1, $0x2  }
0xba: {  	s3 =	sand.u32 $0x4000, s31;
	s1 =	sadd.s32 s1, s30  }
0xbb: {  	s0 =	sor.u32 s3, s0;
	s1 =	sshll.u32 s1, $0x11  }
0xbc: {  	s0 =	sor.u32 s1, s0  }
0xbd: {  	s0 =	sadd.s32 $0x8F2B, s0  }
0xbe: {  	[sflag:s0] =	ssyncadd.remote.s32 $0x1  }
0xbf: {  	_ =	sfence.sel $0xFFFF  }
0xc0: {  	[dreg:$0x0] =	wrdreg $0xFFFFFFFF;
	(pc) =	sbr.abs _section_cstart, $3  }
0xc1: {  	[dreg:$0x1] =	wrdreg $0xFFFFFFFF  }
0xc2: {  	_ =	task.clear_ibuf [dreg:s7], $0x2FFFF;
	_ =	strace $0x9FFFFFFF  }
0xc3: {  	(tm) =	ssettm $0x7FFFFFFF  }
tec
execute0_lowered:
.L_overlay_start_1:
0x0: {  	(tag) =	ssettag $0x1  }
0x1: {  	s0 =	rddreg [dreg:$0x0]  }
0x2: {  	s2 =	rddreg [dreg:$0x1]  }
0x3: {  	s1 =	rddreg [dreg:$0x2]  }
0x4: {  	s3 =	simm.s32 $0x0;
	s24 =	srdreg.scid;
	s10 =	stileid.u32  }
0x5: {  	s21 =	simm.s32 $0x3;
	s22 =	simm.s32 $0x2;
	s23 =	simm.s32 $0x80  }
0x6: {  	s30 =	simm.s32 $0x900;
	s31 =	simm.s32 $0x3100;
	[smem:$0x7FF] =	sst s3  }
0x7: {  	s3 =	sand.u32 $0x1, s24;
	s19 =	sadd.s32 $0x800, s0;
	s25 =	sshll.u32 s10, $0x8  }
0x8: {  	s24 =	simm.s32 $0x10;
	_ =	strace $0x80000047;
	s4 =	sshll.u32 s3, $0x4  }
0x9: {  	s3 =	ssub.s32 $0x2, s3;
	s7 =	sadd.s32 s25, s1;
	s8 =	sadd.s32 s4, s0  }
0xa: {  	s5 =	sor.u32 s10, s4;
	s6 =	sshrl.u32 s3, $0x1;
	s4 =	simm.s32 $0x14  }
0xb: {  	p0 =	seq.s32 s5, $0x1F;
	s3 =	ssub.s32 s3, s6;
	s9 =	smul.u32 $0x2800, s5  }
0xc: {  	s5 =	sadd.s32 $0x9B00, s2;
	s6 =	sadd.s32 $0xA300, s0;
	s26 =	sadd.s32 $0xA600, s8  }
0xd: {  	s8 =	sshll.u32 s10, $0x6;
	s0 =	simm.s32 $0x980;
	s4 =	simm.s32 @!p0 $0x50  }
0xe: {  	s25 =	sadd.s32 s8, s26;
	s26 =	simm.s32 $0x0;
	s16 =	sshrl.u32 s9, $0x3  }
0xf: {  	s9 =	smax.u32 s3, $0x1;
	s3 =	simm.s32 $0x3180;
	s10 =	sadd.s32 s2, s16  }
0x10: {  	s11 =	sadd.s32 s19, s16;
	s28 =	sadd.s32 $0x100, s16;
	s15 =	sadd.s32 $0x200, s16  }
0x11: {  	s29 =	sadd.s32 $0x300, s16;
	s20 =	sadd.s32 $0x400, s16;
	s12 =	sadd.s32 s2, s28  }
0x12: {  	s13 =	sadd.s32 s19, s28;
	s14 =	sadd.s32 s2, s15;
	s15 =	sadd.s32 s19, s15  }
0x13: {  	s16 =	sadd.s32 s2, s29;
	s17 =	sadd.s32 s19, s29;
	s18 =	sadd.s32 s2, s20  }
0x14: {  	v0 =	vimm.f32 $0.0e+00;
	s19 =	sadd.s32 s19, s20;
	s2 =	simm.s32 $0x1;
	s20 =	simm.s32 $0x20  }
.LBB2_1:
0x15: {  	s28 =	simm.s32 @p0 $0x0  }
0x16: {  	[tilespmem:s28], [sflag:$0x2] =	stream.linear.gather @p0 [hbm4b:s5+s28], $0xA00, $0x38;
	[tilespmem:$0x5200] =	vst v63  }
0x17: {  	s29 =	simm.s32 @p0 $0x2800  }
0x18: {  	[tilespmem:s29], [sflag:$0x2] =	stream.linear.gather @p0 [hbm4b:s6+s28], $0xA00, $0x38;
	[tilespmem:$0x5200] =	vst v63  }
0x19: {  	s28 =	simm.s32 @!p0 $0x0  }
0x1a: {  	[tilespmem:s28], [sflag:$0x2] =	stream.linear.gather @!p0 [hbm4b:s10+s28], $0x800, $0x38;
	[tilespmem:$0x5200] =	vst v63  }
0x1b: {  	s29 =	simm.s32 @!p0 $0x2800  }
0x1c: {  	[tilespmem:s29], [sflag:$0x2] =	stream.linear.gather @!p0 [hbm4b:s11+s28], $0x800, $0x38;
	[tilespmem:$0x5200] =	vst v63  }
0x1d: {  	s29 =	simm.s32 @!p0 $0x800  }
0x1e: {  	[tilespmem:s29], [sflag:$0x2] =	stream.linear.gather @!p0 [hbm4b:s12+s28], $0x800, $0x38;
	[tilespmem:$0x5200] =	vst v63  }
0x1f: {  	s29 =	simm.s32 @!p0 $0x3000  }
0x20: {  	[tilespmem:s29], [sflag:$0x2] =	stream.linear.gather @!p0 [hbm4b:s13+s28], $0x800, $0x38;
	[tilespmem:$0x5200] =	vst v63  }
0x21: {  	s29 =	simm.s32 @!p0 $0x1000  }
0x22: {  	[tilespmem:s29], [sflag:$0x2] =	stream.linear.gather @!p0 [hbm4b:s14+s28], $0x800, $0x38;
	[tilespmem:$0x5200] =	vst v63  }
0x23: {  	s29 =	simm.s32 @!p0 $0x3800  }
0x24: {  	[tilespmem:s29], [sflag:$0x2] =	stream.linear.gather @!p0 [hbm4b:s15+s28], $0x800, $0x38;
	[tilespmem:$0x5200] =	vst v63  }
0x25: {  	s29 =	simm.s32 @!p0 $0x1800  }
0x26: {  	[tilespmem:s29], [sflag:$0x2] =	stream.linear.gather @!p0 [hbm4b:s16+s28], $0x800, $0x38;
	[tilespmem:$0x5200] =	vst v63  }
0x27: {  	s29 =	simm.s32 @!p0 $0x4000  }
0x28: {  	[tilespmem:s29], [sflag:$0x2] =	stream.linear.gather @!p0 [hbm4b:s17+s28], $0x800, $0x38;
	[tilespmem:$0x5200] =	vst v63  }
0x29: {  	s29 =	simm.s32 @!p0 $0x2000  }
0x2a: {  	[tilespmem:s29], [sflag:$0x2] =	stream.linear.gather @!p0 [hbm4b:s18+s28], $0x800, $0x38;
	[tilespmem:$0x5200] =	vst v63  }
0x2b: {  	s29 =	simm.s32 @!p0 $0x4800  }
0x2c: {  	[tilespmem:s29], [sflag:$0x2] =	stream.linear.gather @!p0 [hbm4b:s19+s28], $0x800, $0x38;
	[tilespmem:$0x5200] =	vst v63  }
0x2d: {  	[tilespmem:$0x5000] =	vst v0  }
0x2e: {  	[tilespmem:$0x5010] =	vst v0  }
0x2f: {  	[tilespmem:$0x5020] =	vst v0  }
0x30: {  	[tilespmem:$0x5030] =	vst v0  }
0x31: {  	[tilespmem:$0x5040] =	vst v0  }
0x32: {  	[tilespmem:$0x5050] =	vst v0  }
0x33: {  	[tilespmem:$0x5060] =	vst v0  }
0x34: {  	[tilespmem:$0x5070] =	vst v0  }
0x35: {  	[tilespmem:$0x5080] =	vst v0  }
0x36: {  	[tilespmem:$0x5090] =	vst v0  }
0x37: {  	[tilespmem:$0x50A0] =	vst v0  }
0x38: {  	[tilespmem:$0x50B0] =	vst v0  }
0x39: {  	[tilespmem:$0x50C0] =	vst v0  }
0x3a: {  	[tilespmem:$0x50D0] =	vst v0  }
0x3b: {  	[tilespmem:$0x50E0] =	vst v0  }
0x3c: {  	s29 =	simm.s32 $0x5000;
	[tilespmem:$0x50F0] =	vst v0  }
0x3d: {  	[spmem:s7] =	stream.linear.scatter [tilespmem:s29], [sflag:$0x3], $0x100, $0x38;
	[tilespmem:$0x5200] =	vst v63  }
.Ltmp0:
0x3e: {  	_ =	swait.ge [sflag:s21], $0x100;
	(pc) =	sbr.rel @!p0 .LBB2_2-.Ltmp0, $3  }
0x3f: {  	[sflag:s21] =	ssyncset.done $0x0  }
0x40: {  	[sflag:s21] =	ssyncadd.s32 $0xFFFFFF00  }
0x41: {  	[bflag:$0x0] =	sbarrier.arrive $0xFFFF;
	_ =	sdelay $0x1  }
0x42: {  	_ =	swait.ge [sflag:s22], $0xA00  }
0x43: {  	[sflag:s22] =	ssyncset.done $0x0  }
0x44: {  	[sflag:s22] =	ssyncadd.s32 $0xFFFFF600  }
0x45: {  	_ =	swait.ge [sflag:s22], $0xA00  }
0x46: {  	[sflag:s22] =	ssyncset.done $0x0  }
0x47: {  	s28 =	simm.s32 $0x0;
	s29 =	simm.s32 $0x2800;
	[sflag:s22] =	ssyncadd.s32 $0xFFFFF600  }
0x48: {  	[spmem:s1] =	stream.indirect.scatter.add.f32 [tilespmem:s29], [sflag:$0x1], $0x1, s28, s23, $0xb8;
	[tilespmem:$0x5200] =	vst v63  }
0x49: {  	s29 =	simm.s32 $0x2880  }
0x4a: {  	[spmem:s1] =	stream.indirect.scatter.add.f32 [tilespmem:s29], [sflag:$0x1], $0x1, s23, s23, $0xb8;
	[tilespmem:$0x5200] =	vst v63  }
0x4b: {  	s28 =	simm.s32 $0x100;
	s29 =	simm.s32 $0x2900  }
0x4c: {  	[spmem:s1] =	stream.indirect.scatter.add.f32 [tilespmem:s29], [sflag:$0x1], $0x1, s28, s23, $0xb8;
	[tilespmem:$0x5200] =	vst v63  }
0x4d: {  	s28 =	simm.s32 $0x180;
	s29 =	simm.s32 $0x2980  }
0x4e: {  	[spmem:s1] =	stream.indirect.scatter.add.f32 [tilespmem:s29], [sflag:$0x1], $0x1, s28, s23, $0xb8;
	[tilespmem:$0x5200] =	vst v63  }
0x4f: {  	s28 =	simm.s32 $0x200;
	s29 =	simm.s32 $0x2A00  }
0x50: {  	[spmem:s1] =	stream.indirect.scatter.add.f32 [tilespmem:s29], [sflag:$0x1], $0x1, s28, s23, $0xb8;
	[tilespmem:$0x5200] =	vst v63  }
0x51: {  	s28 =	simm.s32 $0x280;
	s29 =	simm.s32 $0x2A80  }
0x52: {  	[spmem:s1] =	stream.indirect.scatter.add.f32 [tilespmem:s29], [sflag:$0x1], $0x1, s28, s23, $0xb8;
	[tilespmem:$0x5200] =	vst v63  }
0x53: {  	s28 =	simm.s32 $0x300;
	s29 =	simm.s32 $0x2B00  }
0x54: {  	[spmem:s1] =	stream.indirect.scatter.add.f32 [tilespmem:s29], [sflag:$0x1], $0x1, s28, s23, $0xb8;
	[tilespmem:$0x5200] =	vst v63  }
0x55: {  	s28 =	simm.s32 $0x380;
	s29 =	simm.s32 $0x2B80  }
0x56: {  	[spmem:s1] =	stream.indirect.scatter.add.f32 [tilespmem:s29], [sflag:$0x1], $0x1, s28, s23, $0xb8;
	[tilespmem:$0x5200] =	vst v63  }
0x57: {  	s28 =	simm.s32 $0x400;
	s29 =	simm.s32 $0x2C00  }
0x58: {  	[spmem:s1] =	stream.indirect.scatter.add.f32 [tilespmem:s29], [sflag:$0x1], $0x1, s28, s23, $0xb8;
	[tilespmem:$0x5200] =	vst v63  }
0x59: {  	s28 =	simm.s32 $0x480;
	s29 =	simm.s32 $0x2C80  }
0x5a: {  	[spmem:s1] =	stream.indirect.scatter.add.f32 [tilespmem:s29], [sflag:$0x1], $0x1, s28, s23, $0xb8;
	[tilespmem:$0x5200] =	vst v63  }
0x5b: {  	s28 =	simm.s32 $0x500;
	s29 =	simm.s32 $0x2D00  }
0x5c: {  	[spmem:s1] =	stream.indirect.scatter.add.f32 [tilespmem:s29], [sflag:$0x1], $0x1, s28, s23, $0xb8;
	[tilespmem:$0x5200] =	vst v63  }
0x5d: {  	s28 =	simm.s32 $0x580;
	s29 =	simm.s32 $0x2D80  }
0x5e: {  	[spmem:s1] =	stream.indirect.scatter.add.f32 [tilespmem:s29], [sflag:$0x1], $0x1, s28, s23, $0xb8;
	[tilespmem:$0x5200] =	vst v63  }
0x5f: {  	s28 =	simm.s32 $0x600;
	s29 =	simm.s32 $0x2E00  }
0x60: {  	[spmem:s1] =	stream.indirect.scatter.add.f32 [tilespmem:s29], [sflag:$0x1], $0x1, s28, s23, $0xb8;
	[tilespmem:$0x5200] =	vst v63  }
0x61: {  	s28 =	simm.s32 $0x680;
	s29 =	simm.s32 $0x2E80  }
0x62: {  	[spmem:s1] =	stream.indirect.scatter.add.f32 [tilespmem:s29], [sflag:$0x1], $0x1, s28, s23, $0xb8;
	[tilespmem:$0x5200] =	vst v63  }
0x63: {  	s28 =	simm.s32 $0x700;
	s29 =	simm.s32 $0x2F00  }
0x64: {  	[spmem:s1] =	stream.indirect.scatter.add.f32 [tilespmem:s29], [sflag:$0x1], $0x1, s28, s23, $0xb8;
	[tilespmem:$0x5200] =	vst v63  }
0x65: {  	s28 =	simm.s32 $0x780;
	s29 =	simm.s32 $0x2F80  }
0x66: {  	[spmem:s1] =	stream.indirect.scatter.add.f32 [tilespmem:s29], [sflag:$0x1], $0x1, s28, s23, $0xb8;
	[tilespmem:$0x5200] =	vst v63  }
0x67: {  	s28 =	simm.s32 $0x800;
	s29 =	simm.s32 $0x3000  }
0x68: {  	[spmem:s1] =	stream.indirect.scatter.add.f32 [tilespmem:s29], [sflag:$0x1], $0x1, s28, s23, $0xb8;
	[tilespmem:$0x5200] =	vst v63  }
0x69: {  	s28 =	simm.s32 $0x880;
	s29 =	simm.s32 $0x3080  }
0x6a: {  	[spmem:s1] =	stream.indirect.scatter.add.f32 [tilespmem:s29], [sflag:$0x1], $0x1, s28, s23, $0xb8;
	[tilespmem:$0x5200] =	vst v63  }
.Ltmp1:
0x6b: {  	_ = 	snop;
	(pc) =	sbr.rel .LBB2_4-.Ltmp1, $4  }
0x6c: {  	_ = 	snop  }
0x6d: {  	[spmem:s1] =	stream.indirect.scatter.add.f32 [tilespmem:s31], [sflag:$0x1], $0x1, s30, s23, $0xb8;
	[tilespmem:$0x5200] =	vst v63  }
0x6e: {  	_ = 	snop  }
0x6f: {  	[spmem:s1] =	stream.indirect.scatter.add.f32 [tilespmem:s3], [sflag:$0x1], $0x1, s0, s23, $0xb8;
	[tilespmem:$0x5200] =	vst v63  }
.LBB2_2:
0x70: {  	_ =	swait.ge [sflag:s22], $0x800  }
0x71: {  	[sflag:s22] =	ssyncset.done $0x0  }
0x72: {  	[sflag:s22] =	ssyncadd.s32 $0xFFFFF800  }
0x73: {  	_ =	swait.ge [sflag:s22], $0x800  }
0x74: {  	[sflag:s22] =	ssyncset.done $0x0  }
0x75: {  	s28 =	simm.s32 $0x0;
	s29 =	simm.s32 $0x2800;
	[sflag:s22] =	ssyncadd.s32 $0xFFFFF800  }
0x76: {  	[spmem:s1] =	stream.indirect.scatter.add.f32 [tilespmem:s29], [sflag:$0x1], $0x1, s28, s23, $0xb8;
	[tilespmem:$0x5200] =	vst v63  }
0x77: {  	s29 =	simm.s32 $0x2880  }
0x78: {  	[spmem:s1] =	stream.indirect.scatter.add.f32 [tilespmem:s29], [sflag:$0x1], $0x1, s23, s23, $0xb8;
	[tilespmem:$0x5200] =	vst v63  }
0x79: {  	s28 =	simm.s32 $0x100;
	s29 =	simm.s32 $0x2900  }
0x7a: {  	[spmem:s1] =	stream.indirect.scatter.add.f32 [tilespmem:s29], [sflag:$0x1], $0x1, s28, s23, $0xb8;
	[tilespmem:$0x5200] =	vst v63  }
0x7b: {  	s28 =	simm.s32 $0x180;
	s29 =	simm.s32 $0x2980  }
0x7c: {  	[spmem:s1] =	stream.indirect.scatter.add.f32 [tilespmem:s29], [sflag:$0x1], $0x1, s28, s23, $0xb8;
	[tilespmem:$0x5200] =	vst v63  }
0x7d: {  	s28 =	simm.s32 $0x200;
	s29 =	simm.s32 $0x2A00  }
0x7e: {  	[spmem:s1] =	stream.indirect.scatter.add.f32 [tilespmem:s29], [sflag:$0x1], $0x1, s28, s23, $0xb8;
	[tilespmem:$0x5200] =	vst v63  }
0x7f: {  	s28 =	simm.s32 $0x280;
	s29 =	simm.s32 $0x2A80  }
0x80: {  	[spmem:s1] =	stream.indirect.scatter.add.f32 [tilespmem:s29], [sflag:$0x1], $0x1, s28, s23, $0xb8;
	[tilespmem:$0x5200] =	vst v63  }
0x81: {  	s28 =	simm.s32 $0x300;
	s29 =	simm.s32 $0x2B00  }
0x82: {  	[spmem:s1] =	stream.indirect.scatter.add.f32 [tilespmem:s29], [sflag:$0x1], $0x1, s28, s23, $0xb8;
	[tilespmem:$0x5200] =	vst v63  }
0x83: {  	s28 =	simm.s32 $0x380;
	s29 =	simm.s32 $0x2B80  }
0x84: {  	[spmem:s1] =	stream.indirect.scatter.add.f32 [tilespmem:s29], [sflag:$0x1], $0x1, s28, s23, $0xb8;
	[tilespmem:$0x5200] =	vst v63  }
0x85: {  	s28 =	simm.s32 $0x400;
	s29 =	simm.s32 $0x2C00  }
0x86: {  	[spmem:s1] =	stream.indirect.scatter.add.f32 [tilespmem:s29], [sflag:$0x1], $0x1, s28, s23, $0xb8;
	[tilespmem:$0x5200] =	vst v63  }
0x87: {  	s28 =	simm.s32 $0x480;
	s29 =	simm.s32 $0x2C80  }
0x88: {  	[spmem:s1] =	stream.indirect.scatter.add.f32 [tilespmem:s29], [sflag:$0x1], $0x1, s28, s23, $0xb8;
	[tilespmem:$0x5200] =	vst v63  }
0x89: {  	s28 =	simm.s32 $0x500;
	s29 =	simm.s32 $0x2D00  }
0x8a: {  	[spmem:s1] =	stream.indirect.scatter.add.f32 [tilespmem:s29], [sflag:$0x1], $0x1, s28, s23, $0xb8;
	[tilespmem:$0x5200] =	vst v63  }
0x8b: {  	s28 =	simm.s32 $0x580;
	s29 =	simm.s32 $0x2D80  }
0x8c: {  	[spmem:s1] =	stream.indirect.scatter.add.f32 [tilespmem:s29], [sflag:$0x1], $0x1, s28, s23, $0xb8;
	[tilespmem:$0x5200] =	vst v63  }
0x8d: {  	s28 =	simm.s32 $0x600;
	s29 =	simm.s32 $0x2E00  }
0x8e: {  	[spmem:s1] =	stream.indirect.scatter.add.f32 [tilespmem:s29], [sflag:$0x1], $0x1, s28, s23, $0xb8;
	[tilespmem:$0x5200] =	vst v63  }
0x8f: {  	s28 =	simm.s32 $0x680;
	s29 =	simm.s32 $0x2E80  }
0x90: {  	[spmem:s1] =	stream.indirect.scatter.add.f32 [tilespmem:s29], [sflag:$0x1], $0x1, s28, s23, $0xb8;
	[tilespmem:$0x5200] =	vst v63  }
0x91: {  	s28 =	simm.s32 $0x700;
	s29 =	simm.s32 $0x2F00  }
0x92: {  	[spmem:s1] =	stream.indirect.scatter.add.f32 [tilespmem:s29], [sflag:$0x1], $0x1, s28, s23, $0xb8;
	[tilespmem:$0x5200] =	vst v63  }
0x93: {  	s28 =	simm.s32 $0x780;
	s29 =	simm.s32 $0x2F80  }
0x94: {  	[spmem:s1] =	stream.indirect.scatter.add.f32 [tilespmem:s29], [sflag:$0x1], $0x1, s28, s23, $0xb8;
	[tilespmem:$0x5200] =	vst v63  }
0x95: {  	_ =	swait.ge [sflag:s22], $0x800  }
0x96: {  	[sflag:s22] =	ssyncset.done $0x0  }
0x97: {  	[sflag:s22] =	ssyncadd.s32 $0xFFFFF800  }
0x98: {  	_ =	swait.ge [sflag:s22], $0x800  }
0x99: {  	[sflag:s22] =	ssyncset.done $0x0  }
0x9a: {  	s28 =	simm.s32 $0x800;
	s29 =	simm.s32 $0x3000;
	[sflag:s22] =	ssyncadd.s32 $0xFFFFF800  }
0x9b: {  	[spmem:s1] =	stream.indirect.scatter.add.f32 [tilespmem:s29], [sflag:$0x1], $0x1, s28, s23, $0xb8;
	[tilespmem:$0x5200] =	vst v63  }
0x9c: {  	s28 =	simm.s32 $0x880;
	s29 =	simm.s32 $0x3080  }
0x9d: {  	[spmem:s1] =	stream.indirect.scatter.add.f32 [tilespmem:s29], [sflag:$0x1], $0x1, s28, s23, $0xb8;
	[tilespmem:$0x5200] =	vst v63  }
0x9e: {  	_ = 	snop  }
0x9f: {  	[spmem:s1] =	stream.indirect.scatter.add.f32 [tilespmem:s31], [sflag:$0x1], $0x1, s30, s23, $0xb8;
	[tilespmem:$0x5200] =	vst v63  }
0xa0: {  	_ = 	snop  }
0xa1: {  	[spmem:s1] =	stream.indirect.scatter.add.f32 [tilespmem:s3], [sflag:$0x1], $0x1, s0, s23, $0xb8;
	[tilespmem:$0x5200] =	vst v63  }
0xa2: {  	s28 =	simm.s32 $0xA00;
	s29 =	simm.s32 $0x3200  }
0xa3: {  	[spmem:s1] =	stream.indirect.scatter.add.f32 [tilespmem:s29], [sflag:$0x1], $0x1, s28, s23, $0xb8;
	[tilespmem:$0x5200] =	vst v63  }
0xa4: {  	s28 =	simm.s32 $0xA80;
	s29 =	simm.s32 $0x3280  }
0xa5: {  	[spmem:s1] =	stream.indirect.scatter.add.f32 [tilespmem:s29], [sflag:$0x1], $0x1, s28, s23, $0xb8;
	[tilespmem:$0x5200] =	vst v63  }
0xa6: {  	s28 =	simm.s32 $0xB00;
	s29 =	simm.s32 $0x3300  }
0xa7: {  	[spmem:s1] =	stream.indirect.scatter.add.f32 [tilespmem:s29], [sflag:$0x1], $0x1, s28, s23, $0xb8;
	[tilespmem:$0x5200] =	vst v63  }
0xa8: {  	s28 =	simm.s32 $0xB80;
	s29 =	simm.s32 $0x3380  }
0xa9: {  	[spmem:s1] =	stream.indirect.scatter.add.f32 [tilespmem:s29], [sflag:$0x1], $0x1, s28, s23, $0xb8;
	[tilespmem:$0x5200] =	vst v63  }
0xaa: {  	s28 =	simm.s32 $0xC00;
	s29 =	simm.s32 $0x3400  }
0xab: {  	[spmem:s1] =	stream.indirect.scatter.add.f32 [tilespmem:s29], [sflag:$0x1], $0x1, s28, s23, $0xb8;
	[tilespmem:$0x5200] =	vst v63  }
0xac: {  	s28 =	simm.s32 $0xC80;
	s29 =	simm.s32 $0x3480  }
0xad: {  	[spmem:s1] =	stream.indirect.scatter.add.f32 [tilespmem:s29], [sflag:$0x1], $0x1, s28, s23, $0xb8;
	[tilespmem:$0x5200] =	vst v63  }
0xae: {  	s28 =	simm.s32 $0xD00;
	s29 =	simm.s32 $0x3500  }
0xaf: {  	[spmem:s1] =	stream.indirect.scatter.add.f32 [tilespmem:s29], [sflag:$0x1], $0x1, s28, s23, $0xb8;
	[tilespmem:$0x5200] =	vst v63  }
0xb0: {  	s28 =	simm.s32 $0xD80;
	s29 =	simm.s32 $0x3580  }
0xb1: {  	[spmem:s1] =	stream.indirect.scatter.add.f32 [tilespmem:s29], [sflag:$0x1], $0x1, s28, s23, $0xb8;
	[tilespmem:$0x5200] =	vst v63  }
0xb2: {  	s28 =	simm.s32 $0xE00;
	s29 =	simm.s32 $0x3600  }
0xb3: {  	[spmem:s1] =	stream.indirect.scatter.add.f32 [tilespmem:s29], [sflag:$0x1], $0x1, s28, s23, $0xb8;
	[tilespmem:$0x5200] =	vst v63  }
0xb4: {  	s28 =	simm.s32 $0xE80;
	s29 =	simm.s32 $0x3680  }
0xb5: {  	[spmem:s1] =	stream.indirect.scatter.add.f32 [tilespmem:s29], [sflag:$0x1], $0x1, s28, s23, $0xb8;
	[tilespmem:$0x5200] =	vst v63  }
0xb6: {  	s28 =	simm.s32 $0xF00;
	s29 =	simm.s32 $0x3700  }
0xb7: {  	[spmem:s1] =	stream.indirect.scatter.add.f32 [tilespmem:s29], [sflag:$0x1], $0x1, s28, s23, $0xb8;
	[tilespmem:$0x5200] =	vst v63  }
0xb8: {  	s28 =	simm.s32 $0xF80;
	s29 =	simm.s32 $0x3780  }
0xb9: {  	[spmem:s1] =	stream.indirect.scatter.add.f32 [tilespmem:s29], [sflag:$0x1], $0x1, s28, s23, $0xb8;
	[tilespmem:$0x5200] =	vst v63  }
0xba: {  	_ =	swait.ge [sflag:s22], $0x800  }
0xbb: {  	[sflag:s22] =	ssyncset.done $0x0  }
0xbc: {  	[sflag:s22] =	ssyncadd.s32 $0xFFFFF800  }
0xbd: {  	_ =	swait.ge [sflag:s22], $0x800  }
0xbe: {  	[sflag:s22] =	ssyncset.done $0x0  }
0xbf: {  	s28 =	simm.s32 $0x1000;
	s29 =	simm.s32 $0x3800;
	[sflag:s22] =	ssyncadd.s32 $0xFFFFF800  }
0xc0: {  	[spmem:s1] =	stream.indirect.scatter.add.f32 [tilespmem:s29], [sflag:$0x1], $0x1, s28, s23, $0xb8;
	[tilespmem:$0x5200] =	vst v63  }
0xc1: {  	s28 =	simm.s32 $0x1080;
	s29 =	simm.s32 $0x3880  }
0xc2: {  	[spmem:s1] =	stream.indirect.scatter.add.f32 [tilespmem:s29], [sflag:$0x1], $0x1, s28, s23, $0xb8;
	[tilespmem:$0x5200] =	vst v63  }
0xc3: {  	s28 =	simm.s32 $0x1100;
	s29 =	simm.s32 $0x3900  }
0xc4: {  	[spmem:s1] =	stream.indirect.scatter.add.f32 [tilespmem:s29], [sflag:$0x1], $0x1, s28, s23, $0xb8;
	[tilespmem:$0x5200] =	vst v63  }
0xc5: {  	s28 =	simm.s32 $0x1180;
	s29 =	simm.s32 $0x3980  }
0xc6: {  	[spmem:s1] =	stream.indirect.scatter.add.f32 [tilespmem:s29], [sflag:$0x1], $0x1, s28, s23, $0xb8;
	[tilespmem:$0x5200] =	vst v63  }
0xc7: {  	s28 =	simm.s32 $0x1200;
	s29 =	simm.s32 $0x3A00  }
0xc8: {  	[spmem:s1] =	stream.indirect.scatter.add.f32 [tilespmem:s29], [sflag:$0x1], $0x1, s28, s23, $0xb8;
	[tilespmem:$0x5200] =	vst v63  }
0xc9: {  	s28 =	simm.s32 $0x1280;
	s29 =	simm.s32 $0x3A80  }
0xca: {  	[spmem:s1] =	stream.indirect.scatter.add.f32 [tilespmem:s29], [sflag:$0x1], $0x1, s28, s23, $0xb8;
	[tilespmem:$0x5200] =	vst v63  }
0xcb: {  	s28 =	simm.s32 $0x1300;
	s29 =	simm.s32 $0x3B00  }
0xcc: {  	[spmem:s1] =	stream.indirect.scatter.add.f32 [tilespmem:s29], [sflag:$0x1], $0x1, s28, s23, $0xb8;
	[tilespmem:$0x5200] =	vst v63  }
0xcd: {  	s28 =	simm.s32 $0x1380;
	s29 =	simm.s32 $0x3B80  }
0xce: {  	[spmem:s1] =	stream.indirect.scatter.add.f32 [tilespmem:s29], [sflag:$0x1], $0x1, s28, s23, $0xb8;
	[tilespmem:$0x5200] =	vst v63  }
0xcf: {  	s28 =	simm.s32 $0x1400;
	s29 =	simm.s32 $0x3C00  }
0xd0: {  	[spmem:s1] =	stream.indirect.scatter.add.f32 [tilespmem:s29], [sflag:$0x1], $0x1, s28, s23, $0xb8;
	[tilespmem:$0x5200] =	vst v63  }
0xd1: {  	s28 =	simm.s32 $0x1480;
	s29 =	simm.s32 $0x3C80  }
0xd2: {  	[spmem:s1] =	stream.indirect.scatter.add.f32 [tilespmem:s29], [sflag:$0x1], $0x1, s28, s23, $0xb8;
	[tilespmem:$0x5200] =	vst v63  }
0xd3: {  	s28 =	simm.s32 $0x1500;
	s29 =	simm.s32 $0x3D00  }
0xd4: {  	[spmem:s1] =	stream.indirect.scatter.add.f32 [tilespmem:s29], [sflag:$0x1], $0x1, s28, s23, $0xb8;
	[tilespmem:$0x5200] =	vst v63  }
0xd5: {  	s28 =	simm.s32 $0x1580;
	s29 =	simm.s32 $0x3D80  }
0xd6: {  	[spmem:s1] =	stream.indirect.scatter.add.f32 [tilespmem:s29], [sflag:$0x1], $0x1, s28, s23, $0xb8;
	[tilespmem:$0x5200] =	vst v63  }
0xd7: {  	s28 =	simm.s32 $0x1600;
	s29 =	simm.s32 $0x3E00  }
0xd8: {  	[spmem:s1] =	stream.indirect.scatter.add.f32 [tilespmem:s29], [sflag:$0x1], $0x1, s28, s23, $0xb8;
	[tilespmem:$0x5200] =	vst v63  }
0xd9: {  	s28 =	simm.s32 $0x1680;
	s29 =	simm.s32 $0x3E80  }
0xda: {  	[spmem:s1] =	stream.indirect.scatter.add.f32 [tilespmem:s29], [sflag:$0x1], $0x1, s28, s23, $0xb8;
	[tilespmem:$0x5200] =	vst v63  }
0xdb: {  	s28 =	simm.s32 $0x1700;
	s29 =	simm.s32 $0x3F00  }
0xdc: {  	[spmem:s1] =	stream.indirect.scatter.add.f32 [tilespmem:s29], [sflag:$0x1], $0x1, s28, s23, $0xb8;
	[tilespmem:$0x5200] =	vst v63  }
0xdd: {  	s28 =	simm.s32 $0x1780;
	s29 =	simm.s32 $0x3F80  }
0xde: {  	[spmem:s1] =	stream.indirect.scatter.add.f32 [tilespmem:s29], [sflag:$0x1], $0x1, s28, s23, $0xb8;
	[tilespmem:$0x5200] =	vst v63  }
0xdf: {  	_ =	swait.ge [sflag:s22], $0x800  }
0xe0: {  	[sflag:s22] =	ssyncset.done $0x0  }
0xe1: {  	[sflag:s22] =	ssyncadd.s32 $0xFFFFF800  }
0xe2: {  	_ =	swait.ge [sflag:s22], $0x800  }
0xe3: {  	[sflag:s22] =	ssyncset.done $0x0  }
0xe4: {  	s28 =	simm.s32 $0x1800;
	s29 =	simm.s32 $0x4000;
	[sflag:s22] =	ssyncadd.s32 $0xFFFFF800  }
0xe5: {  	[spmem:s1] =	stream.indirect.scatter.add.f32 [tilespmem:s29], [sflag:$0x1], $0x1, s28, s23, $0xb8;
	[tilespmem:$0x5200] =	vst v63  }
0xe6: {  	s28 =	simm.s32 $0x1880;
	s29 =	simm.s32 $0x4080  }
0xe7: {  	[spmem:s1] =	stream.indirect.scatter.add.f32 [tilespmem:s29], [sflag:$0x1], $0x1, s28, s23, $0xb8;
	[tilespmem:$0x5200] =	vst v63  }
0xe8: {  	s28 =	simm.s32 $0x1900;
	s29 =	simm.s32 $0x4100  }
0xe9: {  	[spmem:s1] =	stream.indirect.scatter.add.f32 [tilespmem:s29], [sflag:$0x1], $0x1, s28, s23, $0xb8;
	[tilespmem:$0x5200] =	vst v63  }
0xea: {  	s28 =	simm.s32 $0x1980;
	s29 =	simm.s32 $0x4180  }
0xeb: {  	[spmem:s1] =	stream.indirect.scatter.add.f32 [tilespmem:s29], [sflag:$0x1], $0x1, s28, s23, $0xb8;
	[tilespmem:$0x5200] =	vst v63  }
0xec: {  	s28 =	simm.s32 $0x1A00;
	s29 =	simm.s32 $0x4200  }
0xed: {  	[spmem:s1] =	stream.indirect.scatter.add.f32 [tilespmem:s29], [sflag:$0x1], $0x1, s28, s23, $0xb8;
	[tilespmem:$0x5200] =	vst v63  }
0xee: {  	s28 =	simm.s32 $0x1A80;
	s29 =	simm.s32 $0x4280  }
0xef: {  	[spmem:s1] =	stream.indirect.scatter.add.f32 [tilespmem:s29], [sflag:$0x1], $0x1, s28, s23, $0xb8;
	[tilespmem:$0x5200] =	vst v63  }
0xf0: {  	s28 =	simm.s32 $0x1B00;
	s29 =	simm.s32 $0x4300  }
0xf1: {  	[spmem:s1] =	stream.indirect.scatter.add.f32 [tilespmem:s29], [sflag:$0x1], $0x1, s28, s23, $0xb8;
	[tilespmem:$0x5200] =	vst v63  }
0xf2: {  	s28 =	simm.s32 $0x1B80;
	s29 =	simm.s32 $0x4380  }
0xf3: {  	[spmem:s1] =	stream.indirect.scatter.add.f32 [tilespmem:s29], [sflag:$0x1], $0x1, s28, s23, $0xb8;
	[tilespmem:$0x5200] =	vst v63  }
0xf4: {  	s28 =	simm.s32 $0x1C00;
	s29 =	simm.s32 $0x4400  }
0xf5: {  	[spmem:s1] =	stream.indirect.scatter.add.f32 [tilespmem:s29], [sflag:$0x1], $0x1, s28, s23, $0xb8;
	[tilespmem:$0x5200] =	vst v63  }
0xf6: {  	s28 =	simm.s32 $0x1C80;
	s29 =	simm.s32 $0x4480  }
0xf7: {  	[spmem:s1] =	stream.indirect.scatter.add.f32 [tilespmem:s29], [sflag:$0x1], $0x1, s28, s23, $0xb8;
	[tilespmem:$0x5200] =	vst v63  }
0xf8: {  	s28 =	simm.s32 $0x1D00;
	s29 =	simm.s32 $0x4500  }
0xf9: {  	[spmem:s1] =	stream.indirect.scatter.add.f32 [tilespmem:s29], [sflag:$0x1], $0x1, s28, s23, $0xb8;
	[tilespmem:$0x5200] =	vst v63  }
0xfa: {  	s28 =	simm.s32 $0x1D80;
	s29 =	simm.s32 $0x4580  }
0xfb: {  	[spmem:s1] =	stream.indirect.scatter.add.f32 [tilespmem:s29], [sflag:$0x1], $0x1, s28, s23, $0xb8;
	[tilespmem:$0x5200] =	vst v63  }
0xfc: {  	s28 =	simm.s32 $0x1E00;
	s29 =	simm.s32 $0x4600  }
0xfd: {  	[spmem:s1] =	stream.indirect.scatter.add.f32 [tilespmem:s29], [sflag:$0x1], $0x1, s28, s23, $0xb8;
	[tilespmem:$0x5200] =	vst v63  }
0xfe: {  	s28 =	simm.s32 $0x1E80;
	s29 =	simm.s32 $0x4680  }
0xff: {  	[spmem:s1] =	stream.indirect.scatter.add.f32 [tilespmem:s29], [sflag:$0x1], $0x1, s28, s23, $0xb8;
	[tilespmem:$0x5200] =	vst v63  }
0x100: {  	s28 =	simm.s32 $0x1F00;
	s29 =	simm.s32 $0x4700  }
0x101: {  	[spmem:s1] =	stream.indirect.scatter.add.f32 [tilespmem:s29], [sflag:$0x1], $0x1, s28, s23, $0xb8;
	[tilespmem:$0x5200] =	vst v63  }
0x102: {  	s28 =	simm.s32 $0x1F80;
	s29 =	simm.s32 $0x4780  }
0x103: {  	[spmem:s1] =	stream.indirect.scatter.add.f32 [tilespmem:s29], [sflag:$0x1], $0x1, s28, s23, $0xb8;
	[tilespmem:$0x5200] =	vst v63  }
0x104: {  	_ =	swait.ge [sflag:s22], $0x800  }
0x105: {  	[sflag:s22] =	ssyncset.done $0x0  }
0x106: {  	[sflag:s22] =	ssyncadd.s32 $0xFFFFF800  }
0x107: {  	_ =	swait.ge [sflag:s22], $0x800  }
0x108: {  	[sflag:s22] =	ssyncset.done $0x0  }
0x109: {  	s28 =	simm.s32 $0x2000;
	s29 =	simm.s32 $0x4800;
	[sflag:s22] =	ssyncadd.s32 $0xFFFFF800  }
0x10a: {  	[spmem:s1] =	stream.indirect.scatter.add.f32 [tilespmem:s29], [sflag:$0x1], $0x1, s28, s23, $0xb8;
	[tilespmem:$0x5200] =	vst v63  }
0x10b: {  	s28 =	simm.s32 $0x2080;
	s29 =	simm.s32 $0x4880  }
0x10c: {  	[spmem:s1] =	stream.indirect.scatter.add.f32 [tilespmem:s29], [sflag:$0x1], $0x1, s28, s23, $0xb8;
	[tilespmem:$0x5200] =	vst v63  }
0x10d: {  	s28 =	simm.s32 $0x2100;
	s29 =	simm.s32 $0x4900  }
0x10e: {  	[spmem:s1] =	stream.indirect.scatter.add.f32 [tilespmem:s29], [sflag:$0x1], $0x1, s28, s23, $0xb8;
	[tilespmem:$0x5200] =	vst v63  }
0x10f: {  	s28 =	simm.s32 $0x2180;
	s29 =	simm.s32 $0x4980  }
0x110: {  	[spmem:s1] =	stream.indirect.scatter.add.f32 [tilespmem:s29], [sflag:$0x1], $0x1, s28, s23, $0xb8;
	[tilespmem:$0x5200] =	vst v63  }
0x111: {  	s28 =	simm.s32 $0x2200;
	s29 =	simm.s32 $0x4A00  }
0x112: {  	[spmem:s1] =	stream.indirect.scatter.add.f32 [tilespmem:s29], [sflag:$0x1], $0x1, s28, s23, $0xb8;
	[tilespmem:$0x5200] =	vst v63  }
0x113: {  	s28 =	simm.s32 $0x2280;
	s29 =	simm.s32 $0x4A80  }
0x114: {  	[spmem:s1] =	stream.indirect.scatter.add.f32 [tilespmem:s29], [sflag:$0x1], $0x1, s28, s23, $0xb8;
	[tilespmem:$0x5200] =	vst v63  }
0x115: {  	s28 =	simm.s32 $0x2300;
	s29 =	simm.s32 $0x4B00  }
0x116: {  	[spmem:s1] =	stream.indirect.scatter.add.f32 [tilespmem:s29], [sflag:$0x1], $0x1, s28, s23, $0xb8;
	[tilespmem:$0x5200] =	vst v63  }
0x117: {  	s28 =	simm.s32 $0x2380;
	s29 =	simm.s32 $0x4B80  }
0x118: {  	[spmem:s1] =	stream.indirect.scatter.add.f32 [tilespmem:s29], [sflag:$0x1], $0x1, s28, s23, $0xb8;
	[tilespmem:$0x5200] =	vst v63  }
0x119: {  	s28 =	simm.s32 $0x2400;
	s29 =	simm.s32 $0x4C00  }
0x11a: {  	[spmem:s1] =	stream.indirect.scatter.add.f32 [tilespmem:s29], [sflag:$0x1], $0x1, s28, s23, $0xb8;
	[tilespmem:$0x5200] =	vst v63  }
0x11b: {  	s28 =	simm.s32 $0x2480;
	s29 =	simm.s32 $0x4C80  }
0x11c: {  	[spmem:s1] =	stream.indirect.scatter.add.f32 [tilespmem:s29], [sflag:$0x1], $0x1, s28, s23, $0xb8;
	[tilespmem:$0x5200] =	vst v63  }
0x11d: {  	s28 =	simm.s32 $0x2500;
	s29 =	simm.s32 $0x4D00  }
0x11e: {  	[spmem:s1] =	stream.indirect.scatter.add.f32 [tilespmem:s29], [sflag:$0x1], $0x1, s28, s23, $0xb8;
	[tilespmem:$0x5200] =	vst v63  }
0x11f: {  	s28 =	simm.s32 $0x2580;
	s29 =	simm.s32 $0x4D80  }
0x120: {  	[spmem:s1] =	stream.indirect.scatter.add.f32 [tilespmem:s29], [sflag:$0x1], $0x1, s28, s23, $0xb8;
	[tilespmem:$0x5200] =	vst v63  }
0x121: {  	s28 =	simm.s32 $0x2600;
	s29 =	simm.s32 $0x4E00  }
0x122: {  	[spmem:s1] =	stream.indirect.scatter.add.f32 [tilespmem:s29], [sflag:$0x1], $0x1, s28, s23, $0xb8;
	[tilespmem:$0x5200] =	vst v63  }
0x123: {  	s28 =	simm.s32 $0x2680;
	s29 =	simm.s32 $0x4E80  }
0x124: {  	[spmem:s1] =	stream.indirect.scatter.add.f32 [tilespmem:s29], [sflag:$0x1], $0x1, s28, s23, $0xb8;
	[tilespmem:$0x5200] =	vst v63  }
0x125: {  	s28 =	simm.s32 $0x2700;
	s29 =	simm.s32 $0x4F00  }
0x126: {  	[spmem:s1] =	stream.indirect.scatter.add.f32 [tilespmem:s29], [sflag:$0x1], $0x1, s28, s23, $0xb8;
	[tilespmem:$0x5200] =	vst v63  }
0x127: {  	s28 =	simm.s32 $0x2780;
	s29 =	simm.s32 $0x4F80  }
0x128: {  	[spmem:s1] =	stream.indirect.scatter.add.f32 [tilespmem:s29], [sflag:$0x1], $0x1, s28, s23, $0xb8;
	[tilespmem:$0x5200] =	vst v63  }
.LBB2_4:
0x129: {  	p1 =	sne.s32 s4, $0x1  }
.Ltmp2:
0x12a: {  	_ = 	snop;
	(pc) =	sbr.rel @!p1 .LBB2_6-.Ltmp2, $3  }
0x12b: {  	_ =	sdelay $0x1  }
0x12c: {  	_ =	swait.ge [sflag:s2], $0x80  }
0x12d: {  	s28 =	sadd.s32 $0xFFFFFFFF, s4;
	[sflag:s2] =	ssyncset.done $0x0  }
.LBB2_5:
0x12e: {  	p1 =	sne.s32 s28, $0x1;
	s28 =	sadd.s32 $0xFFFFFFFF, s28;
	[sflag:s2] =	ssyncadd.s32 $0xFFFFFF80  }
.Ltmp3:
0x12f: {  	(pc) =	sbr.rel @p1 .LBB2_5-.Ltmp3, $3  }
0x130: {  	_ =	sdelay $0x1  }
0x131: {  	_ =	swait.ge [sflag:s2], $0x80  }
0x132: {  	[sflag:s2] =	ssyncset.done $0x0  }
.LBB2_6:
0x133: {  	s26 =	sadd.s32 $0x1, s26  }
0x134: {  	[sflag:s2] =	ssyncadd.s32 $0xFFFFFF80;
	s28 =	sor.u32 $0x1C03, s8;
	p1 =	sne.s32 s26, s9  }
.Ltmp4:
0x135: {  	s29 =	sshrl.u32 s7, $0x3;
	[bflag:$0x0] =	sbarrier.arrive $0xFFFF;
	(pc) =	sbr.rel @p1 .LBB2_1-.Ltmp4, $4  }
0x136: {  	[hbm:s25@s20], [sflag:s28] =	dma.strided [spmem:s29@s24], $0x20, s2, $0x10   }
0x137: {  	_ =	swait.ge [sflag:s21], $0x20  }
0x138: {  	[sflag:s21] =	ssyncset.done $0x0  }
0x139: {  	[sflag:s21] =	ssyncadd.s32 $0xFFFFFFE0  }
0x13a: {  	_ =	sfence.sel $0x180000  }
0x13b: {  	[bflag:$0x0] =	sbarrier.arrive $0xFFFF  }
0x13c: {  	_ =	strace $0x90000047  }
0x13d: {  	s0 =	stileid.u32;
	[bflag:$0x2] =	sbarrier.arrive $0xFFFF  }
0x13e: {  	p0 =	sne.s32 s0, $0x0;
	s0 =	rddreg [dreg:$0x3]  }
0x13f: {  	s0 =	sadd.s32 @!p0 $0x100000, s0  }
0x140: {  	[sflag:s0] =	ssyncadd.tile.s32 @!p0 $0x1;
	_ =	shalt  }
.Lfunc_end2:
_tile_overlayer_lowered:
.L_overlay_start_2:
0x141: {  	(tag) =	ssettag $0x2  }
0x142: {  	s0 =	rddreg [dreg:$0x0];
	s2 =	stileid.u32  }
0x143: {  	s1 =	rddreg [dreg:$0x1];
	p0 =	sne.s32 s2, $0x0  }
0x144: {  	s3 =	rddreg [dreg:$0x2];
	[bflag:$0x3] =	sbarrier.arrive $0xFFFF;
	s2 =	simm.s32 @!p0 $0x1C03  }
0x145: {  	[timem:s3], [sflag:s2] =	dma.local @!p0 [hbm:s0], s1  }
0x146: {  	s0 =	simm.s32 @!p0 $0x3  }
0x147: {  	_ =	swait.ge @!p0 [sflag:s0], s1  }
0x148: {  	s1 =	ssub.s32 @!p0 $0x0, s1;
	[sflag:s0] =	ssyncset.done @!p0 $0x0  }
0x149: {  	[sflag:s0] =	ssyncadd.s32 @!p0 s1  }
0x14a: {  	[bflag:$0x3] =	sbarrier.arrive $0xFFFF  }
0x14b: {  	_ =	shalt  }

</sc_bundles>
